<compile_context>
chip_gen: v7x
topology: tpu7x:2x2x1
jax: 0.10.2.dev20260603
libtpu: 0.0.44.dev20260713+nightly
codegen_flags: <defaults>
</compile_context>

<pallas_src>
import functools

import jax
import jax.numpy as jnp
from jax import lax
from jax.experimental import pallas as pl
from jax.experimental.pallas import tpu as pltpu
from jax.experimental.pallas import tpu_sc as plsc

NC = 2
NS = 16
K = 128


def _mesh():
    return plsc.VectorSubcoreMesh(
        core_axis_name="c", subcore_axis_name="s", num_cores=NC,
        num_subcores=NS)


def _make_sc_segsum_wide(NP, PE):
    RPT = NP // NS
    RC = RPT // K
    CPT = PE // (NS * K)

    @functools.partial(
        pl.kernel,
        mesh=_mesh(),
        compiler_params=pltpu.CompilerParams(
            use_tc_tiling_on_sc=False, needs_layout_passes=False),
        out_type=[
            jax.ShapeDtypeStruct((NP, 128), jnp.float32),
            jax.ShapeDtypeStruct((NP, 128), jnp.float32),
            jax.ShapeDtypeStruct((NP, 16), jnp.float32),
            jax.ShapeDtypeStruct((NP, 128), jnp.float32),
            jax.ShapeDtypeStruct((NP, 128), jnp.float32),
            jax.ShapeDtypeStruct((NP, 16), jnp.float32),
        ],
        scratch_types=[
            pltpu.VMEM((K,), jnp.int32),
            pltpu.VMEM((K,), jnp.int32),
            pltpu.VMEM((K, 128), jnp.float32),
            pltpu.VMEM((K, 16), jnp.float32),
            pltpu.VMEM_SHARED((NP, 128), jnp.float32),
            pltpu.VMEM_SHARED((NP, 16), jnp.float32),
            pltpu.SemaphoreType.DMA,
        ],
    )
    def sc_segsum_wide(xa_lo, xa_hi, esa, eda, xb_lo, xb_hi, esb, edb,
                       z128, z16, ones16,
                       agg_a_lo, agg_a_hi, deg_a, agg_b_lo, agg_b_hi, deg_b,
                       idxs_v, idxd_v, rows_v, ones_v,
                       acc_sh, deg_sh, sem):
        c = lax.axis_index("c")
        s = lax.axis_index("s")
        rbase = s * RPT

        def zero_acc():
            pltpu.sync_copy(z128, rows_v)
            for j in range(RC):
                pltpu.sync_copy(rows_v, acc_sh.at[pl.ds(rbase + j * K, K)])

            @pl.when(c == 0)
            def _():
                pltpu.sync_copy(z16, ones_v)
                for j in range(RC):
                    pltpu.sync_copy(
                        ones_v, deg_sh.at[pl.ds(rbase + j * K, K)])
                pltpu.sync_copy(ones16, ones_v)

        def do_edges(x_lo, x_hi, es, ed):
            def loop(src_hbm, do_deg):
                def body(i, carry):
                    cb = (s * CPT + i) * K
                    pltpu.sync_copy(es.at[pl.ds(cb, K)], idxs_v)
                    pltpu.sync_copy(ed.at[pl.ds(cb, K)], idxd_v)
                    pltpu.async_copy(src_hbm.at[idxs_v], rows_v, sem).wait()
                    pltpu.sync_copy(rows_v, acc_sh.at[idxd_v], add=True)
                    if do_deg:
                        pltpu.sync_copy(ones_v, deg_sh.at[idxd_v], add=True)
                    return carry
                lax.fori_loop(0, CPT, body, 0)

            @pl.when(c == 0)
            def _():
                loop(x_lo, True)

            @pl.when(c == 1)
            def _():
                loop(x_hi, False)

        def writeback(agg_lo, agg_hi, deg16):
            def wb_rows(agg_out):
                for j in range(RC):
                    pltpu.sync_copy(acc_sh.at[pl.ds(rbase + j * K, K)],
                                    rows_v)
                    pltpu.sync_copy(rows_v, agg_out.at[pl.ds(rbase + j * K,
                                                             K)])

            @pl.when(c == 0)
            def _():
                wb_rows(agg_lo)
                for j in range(RC):
                    pltpu.sync_copy(deg_sh.at[pl.ds(rbase + j * K, K)],
                                    ones_v)
                    pltpu.sync_copy(ones_v, deg16.at[pl.ds(rbase + j * K,
                                                           K)])

            @pl.when(c == 1)
            def _():
                wb_rows(agg_hi)

        zero_acc()
        plsc.subcore_barrier()
        do_edges(xa_lo, xa_hi, esa, eda)
        plsc.subcore_barrier()
        writeback(agg_a_lo, agg_a_hi, deg_a)
        zero_acc()
        plsc.subcore_barrier()
        do_edges(xb_lo, xb_hi, esb, edb)
        plsc.subcore_barrier()
        writeback(agg_b_lo, agg_b_hi, deg_b)

    return sc_segsum_wide


def _make_sc_segsum_narrow(NP, PE):
    RPT = NP // NS
    RC = RPT // K
    CPT = PE // (NS * K)

    @functools.partial(
        pl.kernel,
        mesh=_mesh(),
        compiler_params=pltpu.CompilerParams(
            use_tc_tiling_on_sc=False, needs_layout_passes=False),
        out_type=[
            jax.ShapeDtypeStruct((NP, 16), jnp.float32),
            jax.ShapeDtypeStruct((NP, 16), jnp.float32),
        ],
        scratch_types=[
            pltpu.VMEM((K,), jnp.int32),
            pltpu.VMEM((K,), jnp.int32),
            pltpu.VMEM((K, 16), jnp.float32),
            pltpu.VMEM((K, 16), jnp.float32),
            pltpu.VMEM_SHARED((NP, 16), jnp.float32),
            pltpu.SemaphoreType.DMA,
        ],
    )
    def sc_segsum_narrow(c16u, c16i, ec0, ec1, eb0, eb1, z16,
                         acc_item, acc_user,
                         idxs_v, idxd_v, rows_v, stag_v, acc_sh, sem):
        c = lax.axis_index("c")
        s = lax.axis_index("s")
        rbase = s * RPT

        pltpu.sync_copy(z16, stag_v)
        for j in range(RC):
            pltpu.sync_copy(stag_v, acc_sh.at[pl.ds(rbase + j * K, K)])
        plsc.subcore_barrier()

        def do_edges(src_hbm, e0, e1):
            def body(i, carry):
                cb = (s * CPT + i) * K
                pltpu.sync_copy(e0.at[pl.ds(cb, K)], idxs_v)
                pltpu.sync_copy(e1.at[pl.ds(cb, K)], idxd_v)
                pltpu.async_copy(src_hbm.at[idxs_v], rows_v, sem).wait()
                pltpu.sync_copy(rows_v, acc_sh.at[idxd_v], add=True)
                return carry
            lax.fori_loop(0, CPT, body, 0)

        @pl.when(c == 0)
        def _():
            do_edges(c16u, ec0, ec1)

        @pl.when(c == 1)
        def _():
            do_edges(c16i, eb0, eb1)

        plsc.subcore_barrier()

        def wb(out):
            for j in range(RC):
                pltpu.sync_copy(acc_sh.at[pl.ds(rbase + j * K, K)], stag_v)
                pltpu.sync_copy(stag_v, out.at[pl.ds(rbase + j * K, K)])

        @pl.when(c == 0)
        def _():
            wb(acc_item)

        @pl.when(c == 1)
        def _():
            wb(acc_user)

    return sc_segsum_narrow


def _make_sc_score(NP, PE):
    EPT = PE // (NC * NS)

    @functools.partial(
        pl.kernel,
        mesh=_mesh(),
        compiler_params=pltpu.CompilerParams(
            use_tc_tiling_on_sc=False, needs_layout_passes=False),
        out_type=[jax.ShapeDtypeStruct((PE,), jnp.float32)
                  for _ in range(4)],
        scratch_types=[
            pltpu.VMEM((NP,), jnp.float32),
            pltpu.VMEM((NP,), jnp.float32),
            pltpu.VMEM((NP,), jnp.float32),
            pltpu.VMEM((NP,), jnp.float32),
            pltpu.VMEM((EPT,), jnp.int32),
            pltpu.VMEM((EPT,), jnp.int32),
            pltpu.VMEM((EPT,), jnp.float32),
        ],
    )
    def sc_score(au, bu, ai, bi, pc0, pc1, pb0, pb1, nn0, nn1, nb0, nb1,
                 o_pc, o_pb, o_nc, o_nb,
                 au_v, bu_v, ai_v, bi_v, e0_v, e1_v, out_v):
        c = lax.axis_index("c")
        s = lax.axis_index("s")
        wid = s * NC + c
        base = wid * EPT
        pltpu.sync_copy(au, au_v)
        pltpu.sync_copy(bu, bu_v)
        pltpu.sync_copy(ai, ai_v)
        pltpu.sync_copy(bi, bi_v)
        lists = ((pc0, pc1, o_pc, True), (pb0, pb1, o_pb, False),
                 (nn0, nn1, o_nc, True), (nb0, nb1, o_nb, False))
        for e0, e1, out, clicks in lists:
            pltpu.sync_copy(e0.at[pl.ds(base, EPT)], e0_v)
            pltpu.sync_copy(e1.at[pl.ds(base, EPT)], e1_v)
            ref_a, ref_b = (au_v, bi_v) if clicks else (ai_v, bu_v)

            def body(j, carry, ref_a=ref_a, ref_b=ref_b):
                i0 = e0_v[pl.ds(j * 16, 16)]
                i1 = e1_v[pl.ds(j * 16, 16)]
                a = plsc.load_gather(ref_a, [i0])
                b = plsc.load_gather(ref_b, [i1])
                out_v[pl.ds(j * 16, 16)] = a + b
                return carry
            lax.fori_loop(0, EPT // 16, body, 0)
            pltpu.sync_copy(out_v, out.at[pl.ds(base, EPT)])

    return sc_score


def _make_tc_project(NP, RB):
    grid = NP // RB

    def body(agg_lo, agg_hi, deg, w1, b1, w2, wpc, out):
        d = jnp.maximum(deg[:, 0:1], 1.0)
        lo = agg_lo[...] / d
        hi = agg_hi[...] / d
        h = jnp.dot(lo, w1[0:128, :], preferred_element_type=jnp.float32,
                    precision=lax.Precision.HIGHEST)
        h = h + jnp.dot(hi, w1[128:256, :],
                        preferred_element_type=jnp.float32,
                    precision=lax.Precision.HIGHEST)
        h = jnp.maximum(h + b1[...], 0.0)
        u = jnp.dot(w2[...], wpc[...], preferred_element_type=jnp.float32,
                    precision=lax.Precision.HIGHEST)
        c2 = jnp.dot(h, u, preferred_element_type=jnp.float32,
                    precision=lax.Precision.HIGHEST)
        out[:, 0:2] = c2
        out[:, 2:3] = jnp.ones_like(d)
        out[:, 3:16] = jnp.zeros((RB, 13), jnp.float32)

    return pl.pallas_call(
        body,
        grid=(grid,),
        in_specs=[
            pl.BlockSpec((RB, 128), lambda i: (i, 0)),
            pl.BlockSpec((RB, 128), lambda i: (i, 0)),
            pl.BlockSpec((RB, 16), lambda i: (i, 0)),
            pl.BlockSpec((256, 256), lambda i: (0, 0)),
            pl.BlockSpec((1, 256), lambda i: (0, 0)),
            pl.BlockSpec((256, 128), lambda i: (0, 0)),
            pl.BlockSpec((128, 2), lambda i: (0, 0)),
        ],
        out_specs=pl.BlockSpec((RB, 16), lambda i: (i, 0)),
        out_shape=jax.ShapeDtypeStruct((NP, 16), jnp.float32),
    )


def _make_tc_finalize(NP, RB):
    grid = NP // RB

    def body(accu, acci, b2, wpc, bp, outu, outi):
        cc = jnp.dot(b2[...], wpc[...], preferred_element_type=jnp.float32,
                    precision=lax.Precision.HIGHEST)
        for acc, out in ((accu, outu), (acci, outi)):
            a = acc[:, 0:1]
            b = acc[:, 1:2]
            d = jnp.maximum(acc[:, 2:3], 1.0)
            out[:, 0:1] = a / d + cc[0:1, 0:1] + bp[...]
            out[:, 1:2] = b / d + cc[0:1, 1:2]

    return pl.pallas_call(
        body,
        grid=(grid,),
        in_specs=[
            pl.BlockSpec((RB, 16), lambda i: (i, 0)),
            pl.BlockSpec((RB, 16), lambda i: (i, 0)),
            pl.BlockSpec((1, 128), lambda i: (0, 0)),
            pl.BlockSpec((128, 2), lambda i: (0, 0)),
            pl.BlockSpec((1, 1), lambda i: (0, 0)),
        ],
        out_specs=[
            pl.BlockSpec((RB, 2), lambda i: (i, 0)),
            pl.BlockSpec((RB, 2), lambda i: (i, 0)),
        ],
        out_shape=[
            jax.ShapeDtypeStruct((NP, 2), jnp.float32),
            jax.ShapeDtypeStruct((NP, 2), jnp.float32),
        ],
    )


def kernel(x_user, x_item,
           block0_clicks, block0_clicked_by,
           block1_clicks, block1_clicked_by,
           pos_clicks, pos_clicked_by,
           neg_clicks, neg_clicked_by,
           W1_clicks, W1_cb, b1,
           W2_clicks, W2_cb, b2,
           Wp, bp):
    N = x_user.shape[0]
    E = block0_clicks.shape[1]
    CH = NS * K
    NP = -(-(N + 1) // CH) * CH
    PE = -(-E // CH) * CH
    RB = NP // 4

    def pad_edges(e):
        e = e.astype(jnp.int32)
        fill = jnp.full((PE - E,), N, jnp.int32)
        return (jnp.concatenate([e[0], fill]),
                jnp.concatenate([e[1], fill]))

    xu = jnp.pad(x_user, ((0, NP - N), (0, 0)))
    xi = jnp.pad(x_item, ((0, NP - N), (0, 0)))
    z128 = jnp.zeros((K, 128), jnp.float32)
    z16 = jnp.zeros((K, 16), jnp.float32)
    ones16 = jnp.ones((K, 16), jnp.float32)

    b1r = b1.reshape(1, 256)
    b2r = b2.reshape(1, 128)
    bpr = bp.reshape(1, 1)
    wpc = jnp.concatenate([Wp[:128, 0:1], Wp[128:, 0:1]], axis=1)

    segsum1 = _make_sc_segsum_wide(NP, PE)
    segsum2 = _make_sc_segsum_narrow(NP, PE)
    score = _make_sc_score(NP, PE)
    project = _make_tc_project(NP, RB)
    finalize = _make_tc_finalize(NP, RB)

    e0a, e1a = pad_edges(block0_clicks)
    e0b, e1b = pad_edges(block0_clicked_by)
    (agg_i_lo, agg_i_hi, deg_i, agg_u_lo, agg_u_hi, deg_u) = segsum1(
        xu[:, :128], xu[:, 128:], e0a, e1a,
        xi[:, :128], xi[:, 128:], e0b, e1b, z128, z16, ones16)

    c16_item = project(agg_i_lo, agg_i_hi, deg_i, W1_clicks, b1r, W2_cb, wpc)
    c16_user = project(agg_u_lo, agg_u_hi, deg_u, W1_cb, b1r, W2_clicks, wpc)

    ec0, ec1 = pad_edges(block1_clicks)
    eb0, eb1 = pad_edges(block1_clicked_by)
    acc_item, acc_user = segsum2(c16_user, c16_item, ec0, ec1, eb0, eb1, z16)

    user2, item2 = finalize(acc_user, acc_item, b2r, wpc, bpr)

    pc0, pc1 = pad_edges(pos_clicks)
    pb0, pb1 = pad_edges(pos_clicked_by)
    nn0, nn1 = pad_edges(neg_clicks)
    nb0, nb1 = pad_edges(neg_clicked_by)
    s_pc, s_pb, s_nc, s_nb = score(
        user2[:, 0], user2[:, 1], item2[:, 0], item2[:, 1],
        pc0, pc1, pb0, pb1, nn0, nn1, nb0, nb1)

    pos_score = jnp.concatenate([s_pc[:E], s_pb[:E]])
    neg_score = jnp.concatenate([s_nc[:E], s_nb[:E]])
    return (pos_score, neg_score)

# --- scband reference (transcript-rebuilt; emitter-appended) ---
"""Pipeline reference for scband-model-38302518346208 (READ-ONLY COPY).

The authoritative reference and input builder live on the scoring server;
editing this copy changes nothing except your own understanding.
"""

import jax, jax.numpy as jnp
import numpy as np

N_USER = 10000
N_ITEM = 10000
E = 160000
D_IN = 256
D_H = 256
D_E = 128


def setup_inputs(seed: int = 0) -> dict:
    key = jax.random.key(seed)
    ks = jax.random.split(key, 24)
    inp = {}
    inp["x_user"] = jax.random.normal(ks[0], (N_USER, D_IN), dtype=jnp.float32)
    inp["x_item"] = jax.random.normal(ks[1], (N_ITEM, D_IN), dtype=jnp.float32)
    # DGL blocks / subgraphs represented as per-relation edge index tensors [2, E]
    # row 0 = src node ids, row 1 = dst node ids
    inp["block0_clicks"] = jax.random.randint(ks[2], (2, E), 0, N_USER, dtype=jnp.int64)
    inp["block0_clicked_by"] = jax.random.randint(ks[3], (2, E), 0, N_ITEM, dtype=jnp.int64)
    inp["block1_clicks"] = jax.random.randint(ks[4], (2, E), 0, N_USER, dtype=jnp.int64)
    inp["block1_clicked_by"] = jax.random.randint(ks[5], (2, E), 0, N_ITEM, dtype=jnp.int64)
    inp["pos_clicks"] = jax.random.randint(ks[6], (2, E), 0, N_USER, dtype=jnp.int64)
    inp["pos_clicked_by"] = jax.random.randint(ks[7], (2, E), 0, N_ITEM, dtype=jnp.int64)
    inp["neg_clicks"] = jax.random.randint(ks[8], (2, E), 0, N_USER, dtype=jnp.int64)
    inp["neg_clicked_by"] = jax.random.randint(ks[9], (2, E), 0, N_ITEM, dtype=jnp.int64)
    # Learned parameters: per-relation weights for two RelGraphConv layers + predictor MLP
    s1 = 1.0 / np.sqrt(D_IN)
    s2 = 1.0 / np.sqrt(D_H)
    sp = 1.0 / np.sqrt(2 * D_E)
    inp["W1_clicks"] = jax.random.normal(ks[10], (D_IN, D_H), jnp.float32) * s1
    inp["W1_cb"] = jax.random.normal(ks[11], (D_IN, D_H), jnp.float32) * s1
    inp["b1"] = jnp.zeros((D_H,), jnp.float32)
    inp["W2_clicks"] = jax.random.normal(ks[12], (D_H, D_E), jnp.float32) * s2
    inp["W2_cb"] = jax.random.normal(ks[13], (D_H, D_E), jnp.float32) * s2
    inp["b2"] = jnp.zeros((D_E,), jnp.float32)
    inp["Wp"] = jax.random.normal(ks[14], (2 * D_E, 1), jnp.float32) * sp
    inp["bp"] = jnp.zeros((1,), jnp.float32)
    return inp


def _gconv(x_src, W, edges, n_dst):
    # DGL GraphConv(norm='right', weight=W): project, gather by src, scatter-add to dst, mean by in-degree
    m = (x_src @ W)[edges[0]]
    agg = jax.ops.segment_sum(m, edges[1], num_segments=n_dst)
    deg = jax.ops.segment_sum(jnp.ones((edges.shape[1],), x_src.dtype), edges[1], num_segments=n_dst)
    return agg / jnp.clip(deg, 1.0)[:, None]


def reference(x_user, x_item,
              block0_clicks, block0_clicked_by,
              block1_clicks, block1_clicked_by,
              pos_clicks, pos_clicked_by,
              neg_clicks, neg_clicked_by,
              W1_clicks, W1_cb, b1,
              W2_clicks, W2_cb, b2,
              Wp, bp):
    # Layer 1 (RelGraphConvLayer, ReLU)
    h_item = jax.nn.relu(_gconv(x_user, W1_clicks, block0_clicks, N_ITEM) + b1)
    h_user = jax.nn.relu(_gconv(x_item, W1_cb, block0_clicked_by, N_USER) + b1)
    # Layer 2 (RelGraphConvLayer, no activation)
    z_item = _gconv(h_user, W2_clicks, block1_clicks, N_ITEM) + b2
    z_user = _gconv(h_item, W2_cb, block1_clicked_by, N_USER) + b2
    # HeteroMLPPredictor: score each edge via MLP on concat(src, dst)
    def score(e_clicks, e_cb):
        s1 = jnp.concatenate([z_user[e_clicks[0]], z_item[e_clicks[1]]], axis=1) @ Wp + bp
        s2 = jnp.concatenate([z_item[e_cb[0]], z_user[e_cb[1]]], axis=1) @ Wp + bp
        return jnp.concatenate([s1[:, 0], s2[:, 0]])
    pos_score = score(pos_clicks, pos_clicked_by)
    neg_score = score(neg_clicks, neg_clicked_by)
    return (pos_score, neg_score)

if __name__ == "__main__":
    import jax
    _d = setup_inputs()
    print(jax.jit(kernel)(*tuple(_d.values())))

</pallas_src>

<mosaic_0001>
#map = affine_map<(d0, d1) -> (0, 0)>
#map1 = affine_map<(d0, d1) -> (0)>
module attributes {stable_mosaic.version = 14 : i64} {
  func.func @sc_segsum_wide(%arg0: i32, %arg1: i32, %arg2: memref<10240x128xf32, #tpu.memory_space<hbm>>, %arg3: memref<10240x128xf32, #tpu.memory_space<hbm>>, %arg4: memref<161792xi32, #tpu.memory_space<hbm>>, %arg5: memref<161792xi32, #tpu.memory_space<hbm>>, %arg6: memref<10240x128xf32, #tpu.memory_space<hbm>>, %arg7: memref<10240x128xf32, #tpu.memory_space<hbm>>, %arg8: memref<161792xi32, #tpu.memory_space<hbm>>, %arg9: memref<161792xi32, #tpu.memory_space<hbm>>, %arg10: memref<128x128xf32, #tpu.memory_space<hbm>>, %arg11: memref<128x16xf32, #tpu.memory_space<hbm>>, %arg12: memref<128x16xf32, #tpu.memory_space<hbm>>, %arg13: memref<10240x128xf32, #tpu.memory_space<hbm>>, %arg14: memref<10240x128xf32, #tpu.memory_space<hbm>>, %arg15: memref<10240x16xf32, #tpu.memory_space<hbm>>, %arg16: memref<10240x128xf32, #tpu.memory_space<hbm>>, %arg17: memref<10240x128xf32, #tpu.memory_space<hbm>>, %arg18: memref<10240x16xf32, #tpu.memory_space<hbm>>, %arg19: memref<128xi32, #tpu.memory_space<vmem>>, %arg20: memref<128xi32, #tpu.memory_space<vmem>>, %arg21: memref<128x128xf32, #tpu.memory_space<vmem>>, %arg22: memref<128x16xf32, #tpu.memory_space<vmem>>, %arg23: memref<10240x128xf32, #tpu.memory_space<vmem_shared>>, %arg24: memref<10240x16xf32, #tpu.memory_space<vmem_shared>>, %arg25: memref<!tpu.dma_semaphore, #tpu.memory_space<semaphore_mem>>) attributes {dimension_semantics = [#tpu.dimension_semantics<core_parallel>, #tpu.dimension_semantics<subcore_parallel>], iteration_bounds = array<i64: 2, 16>, scalar_prefetch = 0 : i64, scratch_operands = 7 : i64, tpu.core_type = #tpu.core_type<sc_vector_subcore>, window_params = [{transform_indices = #map}, {transform_indices = #map}, {transform_indices = #map1}, {transform_indices = #map1}, {transform_indices = #map}, {transform_indices = #map}, {transform_indices = #map1}, {transform_indices = #map1}, {transform_indices = #map}, {transform_indices = #map}, {transform_indices = #map}, {transform_indices = #map}, {transform_indices = #map}, {transform_indices = #map}, {transform_indices = #map}, {transform_indices = #map}, {transform_indices = #map}]} {
    %mul3A = arith.constant 640 : i32
    %mul3A_0 = arith.muli %arg1, %mul3A : i32
    "tpu.region"() ({
      %run_scoped3A = tpu.sem_alloc : memref<!tpu.dma_semaphore, #tpu.memory_space<semaphore_mem>>
      tpu.enqueue_dma source(%arg10 : memref<128x128xf32, #tpu.memory_space<hbm>>) target(%arg21 : memref<128x128xf32, #tpu.memory_space<vmem>>) target_semaphore(%run_scoped3A : memref<!tpu.dma_semaphore, #tpu.memory_space<semaphore_mem>>)
      tpu.wait_dma2 semaphore(%run_scoped3A : memref<!tpu.dma_semaphore, #tpu.memory_space<semaphore_mem>>) src(%arg10 : memref<128x128xf32, #tpu.memory_space<hbm>>) dst(%arg21 : memref<128x128xf32, #tpu.memory_space<vmem>>)
      tpu.yield
    }) : () -> ()
    %add3A = arith.constant 0 : i32
    %add3A_1 = arith.addi %mul3A_0, %add3A : i32
    "tpu.region"() ({
      %run_scoped3A = tpu.sem_alloc : memref<!tpu.dma_semaphore, #tpu.memory_space<semaphore_mem>>
      %dma_start3A = arith.constant 0 : i32
      %dma_start3A_70 = tpu.memref_slice %arg23[%add3A_1, %dma_start3A] : memref<10240x128xf32, #tpu.memory_space<vmem_shared>> -> memref<128x128xf32, #tpu.memory_space<vmem_shared>>
      %dma_start3A_71 = arith.constant 0 : i32
      %dma_start3A_72 = tpu.memref_slice %arg23[%add3A_1, %dma_start3A_71] : memref<10240x128xf32, #tpu.memory_space<vmem_shared>> -> memref<128x128xf32, #tpu.memory_space<vmem_shared>>
      tpu.enqueue_dma source(%arg21 : memref<128x128xf32, #tpu.memory_space<vmem>>) target(%dma_start3A_72 : memref<128x128xf32, #tpu.memory_space<vmem_shared>>) target_semaphore(%run_scoped3A : memref<!tpu.dma_semaphore, #tpu.memory_space<semaphore_mem>>)
      %dma_wait3A = arith.constant 0 : i32
      %dma_wait3A_73 = tpu.memref_slice %arg23[%add3A_1, %dma_wait3A] : memref<10240x128xf32, #tpu.memory_space<vmem_shared>> -> memref<128x128xf32, #tpu.memory_space<vmem_shared>>
      %dma_wait3A_74 = arith.constant 0 : i32
      %dma_wait3A_75 = tpu.memref_slice %arg23[%add3A_1, %dma_wait3A_74] : memref<10240x128xf32, #tpu.memory_space<vmem_shared>> -> memref<128x128xf32, #tpu.memory_space<vmem_shared>>
      tpu.wait_dma2 semaphore(%run_scoped3A : memref<!tpu.dma_semaphore, #tpu.memory_space<semaphore_mem>>) src(%arg21 : memref<128x128xf32, #tpu.memory_space<vmem>>) dst(%dma_wait3A_75 : memref<128x128xf32, #tpu.memory_space<vmem_shared>>)
      tpu.yield
    }) : () -> ()
    %add3A_2 = arith.constant 128 : i32
    %add3A_3 = arith.addi %mul3A_0, %add3A_2 : i32
    "tpu.region"() ({
      %run_scoped3A = tpu.sem_alloc : memref<!tpu.dma_semaphore, #tpu.memory_space<semaphore_mem>>
      %dma_start3A = arith.constant 0 : i32
      %dma_start3A_70 = tpu.memref_slice %arg23[%add3A_3, %dma_start3A] : memref<10240x128xf32, #tpu.memory_space<vmem_shared>> -> memref<128x128xf32, #tpu.memory_space<vmem_shared>>
      %dma_start3A_71 = arith.constant 0 : i32
      %dma_start3A_72 = tpu.memref_slice %arg23[%add3A_3, %dma_start3A_71] : memref<10240x128xf32, #tpu.memory_space<vmem_shared>> -> memref<128x128xf32, #tpu.memory_space<vmem_shared>>
      tpu.enqueue_dma source(%arg21 : memref<128x128xf32, #tpu.memory_space<vmem>>) target(%dma_start3A_72 : memref<128x128xf32, #tpu.memory_space<vmem_shared>>) target_semaphore(%run_scoped3A : memref<!tpu.dma_semaphore, #tpu.memory_space<semaphore_mem>>)
      %dma_wait3A = arith.constant 0 : i32
      %dma_wait3A_73 = tpu.memref_slice %arg23[%add3A_3, %dma_wait3A] : memref<10240x128xf32, #tpu.memory_space<vmem_shared>> -> memref<128x128xf32, #tpu.memory_space<vmem_shared>>
      %dma_wait3A_74 = arith.constant 0 : i32
      %dma_wait3A_75 = tpu.memref_slice %arg23[%add3A_3, %dma_wait3A_74] : memref<10240x128xf32, #tpu.memory_space<vmem_shared>> -> memref<128x128xf32, #tpu.memory_space<vmem_shared>>
      tpu.wait_dma2 semaphore(%run_scoped3A : memref<!tpu.dma_semaphore, #tpu.memory_space<semaphore_mem>>) src(%arg21 : memref<128x128xf32, #tpu.memory_space<vmem>>) dst(%dma_wait3A_75 : memref<128x128xf32, #tpu.memory_space<vmem_shared>>)
      tpu.yield
    }) : () -> ()
    %add3A_4 = arith.constant 256 : i32
    %add3A_5 = arith.addi %mul3A_0, %add3A_4 : i32
    "tpu.region"() ({
      %run_scoped3A = tpu.sem_alloc : memref<!tpu.dma_semaphore, #tpu.memory_space<semaphore_mem>>
      %dma_start3A = arith.constant 0 : i32
      %dma_start3A_70 = tpu.memref_slice %arg23[%add3A_5, %dma_start3A] : memref<10240x128xf32, #tpu.memory_space<vmem_shared>> -> memref<128x128xf32, #tpu.memory_space<vmem_shared>>
      %dma_start3A_71 = arith.constant 0 : i32
      %dma_start3A_72 = tpu.memref_slice %arg23[%add3A_5, %dma_start3A_71] : memref<10240x128xf32, #tpu.memory_space<vmem_shared>> -> memref<128x128xf32, #tpu.memory_space<vmem_shared>>
      tpu.enqueue_dma source(%arg21 : memref<128x128xf32, #tpu.memory_space<vmem>>) target(%dma_start3A_72 : memref<128x128xf32, #tpu.memory_space<vmem_shared>>) target_semaphore(%run_scoped3A : memref<!tpu.dma_semaphore, #tpu.memory_space<semaphore_mem>>)
      %dma_wait3A = arith.constant 0 : i32
      %dma_wait3A_73 = tpu.memref_slice %arg23[%add3A_5, %dma_wait3A] : memref<10240x128xf32, #tpu.memory_space<vmem_shared>> -> memref<128x128xf32, #tpu.memory_space<vmem_shared>>
      %dma_wait3A_74 = arith.constant 0 : i32
      %dma_wait3A_75 = tpu.memref_slice %arg23[%add3A_5, %dma_wait3A_74] : memref<10240x128xf32, #tpu.memory_space<vmem_shared>> -> memref<128x128xf32, #tpu.memory_space<vmem_shared>>
      tpu.wait_dma2 semaphore(%run_scoped3A : memref<!tpu.dma_semaphore, #tpu.memory_space<semaphore_mem>>) src(%arg21 : memref<128x128xf32, #tpu.memory_space<vmem>>) dst(%dma_wait3A_75 : memref<128x128xf32, #tpu.memory_space<vmem_shared>>)
      tpu.yield
    }) : () -> ()
    %add3A_6 = arith.constant 384 : i32
    %add3A_7 = arith.addi %mul3A_0, %add3A_6 : i32
    "tpu.region"() ({
      %run_scoped3A = tpu.sem_alloc : memref<!tpu.dma_semaphore, #tpu.memory_space<semaphore_mem>>
      %dma_start3A = arith.constant 0 : i32
      %dma_start3A_70 = tpu.memref_slice %arg23[%add3A_7, %dma_start3A] : memref<10240x128xf32, #tpu.memory_space<vmem_shared>> -> memref<128x128xf32, #tpu.memory_space<vmem_shared>>
      %dma_start3A_71 = arith.constant 0 : i32
      %dma_start3A_72 = tpu.memref_slice %arg23[%add3A_7, %dma_start3A_71] : memref<10240x128xf32, #tpu.memory_space<vmem_shared>> -> memref<128x128xf32, #tpu.memory_space<vmem_shared>>
      tpu.enqueue_dma source(%arg21 : memref<128x128xf32, #tpu.memory_space<vmem>>) target(%dma_start3A_72 : memref<128x128xf32, #tpu.memory_space<vmem_shared>>) target_semaphore(%run_scoped3A : memref<!tpu.dma_semaphore, #tpu.memory_space<semaphore_mem>>)
      %dma_wait3A = arith.constant 0 : i32
      %dma_wait3A_73 = tpu.memref_slice %arg23[%add3A_7, %dma_wait3A] : memref<10240x128xf32, #tpu.memory_space<vmem_shared>> -> memref<128x128xf32, #tpu.memory_space<vmem_shared>>
      %dma_wait3A_74 = arith.constant 0 : i32
      %dma_wait3A_75 = tpu.memref_slice %arg23[%add3A_7, %dma_wait3A_74] : memref<10240x128xf32, #tpu.memory_space<vmem_shared>> -> memref<128x128xf32, #tpu.memory_space<vmem_shared>>
      tpu.wait_dma2 semaphore(%run_scoped3A : memref<!tpu.dma_semaphore, #tpu.memory_space<semaphore_mem>>) src(%arg21 : memref<128x128xf32, #tpu.memory_space<vmem>>) dst(%dma_wait3A_75 : memref<128x128xf32, #tpu.memory_space<vmem_shared>>)
      tpu.yield
    }) : () -> ()
    %add3A_8 = arith.constant 512 : i32
    %add3A_9 = arith.addi %mul3A_0, %add3A_8 : i32
    "tpu.region"() ({
      %run_scoped3A = tpu.sem_alloc : memref<!tpu.dma_semaphore, #tpu.memory_space<semaphore_mem>>
      %dma_start3A = arith.constant 0 : i32
      %dma_start3A_70 = tpu.memref_slice %arg23[%add3A_9, %dma_start3A] : memref<10240x128xf32, #tpu.memory_space<vmem_shared>> -> memref<128x128xf32, #tpu.memory_space<vmem_shared>>
      %dma_start3A_71 = arith.constant 0 : i32
      %dma_start3A_72 = tpu.memref_slice %arg23[%add3A_9, %dma_start3A_71] : memref<10240x128xf32, #tpu.memory_space<vmem_shared>> -> memref<128x128xf32, #tpu.memory_space<vmem_shared>>
      tpu.enqueue_dma source(%arg21 : memref<128x128xf32, #tpu.memory_space<vmem>>) target(%dma_start3A_72 : memref<128x128xf32, #tpu.memory_space<vmem_shared>>) target_semaphore(%run_scoped3A : memref<!tpu.dma_semaphore, #tpu.memory_space<semaphore_mem>>)
      %dma_wait3A = arith.constant 0 : i32
      %dma_wait3A_73 = tpu.memref_slice %arg23[%add3A_9, %dma_wait3A] : memref<10240x128xf32, #tpu.memory_space<vmem_shared>> -> memref<128x128xf32, #tpu.memory_space<vmem_shared>>
      %dma_wait3A_74 = arith.constant 0 : i32
      %dma_wait3A_75 = tpu.memref_slice %arg23[%add3A_9, %dma_wait3A_74] : memref<10240x128xf32, #tpu.memory_space<vmem_shared>> -> memref<128x128xf32, #tpu.memory_space<vmem_shared>>
      tpu.wait_dma2 semaphore(%run_scoped3A : memref<!tpu.dma_semaphore, #tpu.memory_space<semaphore_mem>>) src(%arg21 : memref<128x128xf32, #tpu.memory_space<vmem>>) dst(%dma_wait3A_75 : memref<128x128xf32, #tpu.memory_space<vmem_shared>>)
      tpu.yield
    }) : () -> ()
    %eq3A = arith.constant 0 : i32
    %eq3A_10 = arith.cmpi eq, %arg0, %eq3A : i32
    %convert_element_type3A = arith.extui %eq3A_10 : i1 to i32
    %cond3A = arith.constant 0 : i32
    %cond3A_11 = arith.cmpi ne, %convert_element_type3A, %cond3A : i32
    scf.if %cond3A_11 {
      "tpu.region"() ({
        %run_scoped3A = tpu.sem_alloc : memref<!tpu.dma_semaphore, #tpu.memory_space<semaphore_mem>>
        tpu.enqueue_dma source(%arg11 : memref<128x16xf32, #tpu.memory_space<hbm>>) target(%arg22 : memref<128x16xf32, #tpu.memory_space<vmem>>) target_semaphore(%run_scoped3A : memref<!tpu.dma_semaphore, #tpu.memory_space<semaphore_mem>>)
        tpu.wait_dma2 semaphore(%run_scoped3A : memref<!tpu.dma_semaphore, #tpu.memory_space<semaphore_mem>>) src(%arg11 : memref<128x16xf32, #tpu.memory_space<hbm>>) dst(%arg22 : memref<128x16xf32, #tpu.memory_space<vmem>>)
        tpu.yield
      }) : () -> ()
      %add3A_70 = arith.constant 0 : i32
      %add3A_71 = arith.addi %mul3A_0, %add3A_70 : i32
      "tpu.region"() ({
        %run_scoped3A = tpu.sem_alloc : memref<!tpu.dma_semaphore, #tpu.memory_space<semaphore_mem>>
        %dma_start3A = arith.constant 0 : i32
        %dma_start3A_80 = tpu.memref_slice %arg24[%add3A_71, %dma_start3A] : memref<10240x16xf32, #tpu.memory_space<vmem_shared>> -> memref<128x16xf32, #tpu.memory_space<vmem_shared>>
        %dma_start3A_81 = arith.constant 0 : i32
        %dma_start3A_82 = tpu.memref_slice %arg24[%add3A_71, %dma_start3A_81] : memref<10240x16xf32, #tpu.memory_space<vmem_shared>> -> memref<128x16xf32, #tpu.memory_space<vmem_shared>>
        tpu.enqueue_dma source(%arg22 : memref<128x16xf32, #tpu.memory_space<vmem>>) target(%dma_start3A_82 : memref<128x16xf32, #tpu.memory_space<vmem_shared>>) target_semaphore(%run_scoped3A : memref<!tpu.dma_semaphore, #tpu.memory_space<semaphore_mem>>)
        %dma_wait3A = arith.constant 0 : i32
        %dma_wait3A_83 = tpu.memref_slice %arg24[%add3A_71, %dma_wait3A] : memref<10240x16xf32, #tpu.memory_space<vmem_shared>> -> memref<128x16xf32, #tpu.memory_space<vmem_shared>>
        %dma_wait3A_84 = arith.constant 0 : i32
        %dma_wait3A_85 = tpu.memref_slice %arg24[%add3A_71, %dma_wait3A_84] : memref<10240x16xf32, #tpu.memory_space<vmem_shared>> -> memref<128x16xf32, #tpu.memory_space<vmem_shared>>
        tpu.wait_dma2 semaphore(%run_scoped3A : memref<!tpu.dma_semaphore, #tpu.memory_space<semaphore_mem>>) src(%arg22 : memref<128x16xf32, #tpu.memory_space<vmem>>) dst(%dma_wait3A_85 : memref<128x16xf32, #tpu.memory_space<vmem_shared>>)
        tpu.yield
      }) : () -> ()
      %add3A_72 = arith.constant 128 : i32
      %add3A_73 = arith.addi %mul3A_0, %add3A_72 : i32
      "tpu.region"() ({
        %run_scoped3A = tpu.sem_alloc : memref<!tpu.dma_semaphore, #tpu.memory_space<semaphore_mem>>
        %dma_start3A = arith.constant 0 : i32
        %dma_start3A_80 = tpu.memref_slice %arg24[%add3A_73, %dma_start3A] : memref<10240x16xf32, #tpu.memory_space<vmem_shared>> -> memref<128x16xf32, #tpu.memory_space<vmem_shared>>
        %dma_start3A_81 = arith.constant 0 : i32
        %dma_start3A_82 = tpu.memref_slice %arg24[%add3A_73, %dma_start3A_81] : memref<10240x16xf32, #tpu.memory_space<vmem_shared>> -> memref<128x16xf32, #tpu.memory_space<vmem_shared>>
        tpu.enqueue_dma source(%arg22 : memref<128x16xf32, #tpu.memory_space<vmem>>) target(%dma_start3A_82 : memref<128x16xf32, #tpu.memory_space<vmem_shared>>) target_semaphore(%run_scoped3A : memref<!tpu.dma_semaphore, #tpu.memory_space<semaphore_mem>>)
        %dma_wait3A = arith.constant 0 : i32
        %dma_wait3A_83 = tpu.memref_slice %arg24[%add3A_73, %dma_wait3A] : memref<10240x16xf32, #tpu.memory_space<vmem_shared>> -> memref<128x16xf32, #tpu.memory_space<vmem_shared>>
        %dma_wait3A_84 = arith.constant 0 : i32
        %dma_wait3A_85 = tpu.memref_slice %arg24[%add3A_73, %dma_wait3A_84] : memref<10240x16xf32, #tpu.memory_space<vmem_shared>> -> memref<128x16xf32, #tpu.memory_space<vmem_shared>>
        tpu.wait_dma2 semaphore(%run_scoped3A : memref<!tpu.dma_semaphore, #tpu.memory_space<semaphore_mem>>) src(%arg22 : memref<128x16xf32, #tpu.memory_space<vmem>>) dst(%dma_wait3A_85 : memref<128x16xf32, #tpu.memory_space<vmem_shared>>)
        tpu.yield
      }) : () -> ()
      %add3A_74 = arith.constant 256 : i32
      %add3A_75 = arith.addi %mul3A_0, %add3A_74 : i32
      "tpu.region"() ({
        %run_scoped3A = tpu.sem_alloc : memref<!tpu.dma_semaphore, #tpu.memory_space<semaphore_mem>>
        %dma_start3A = arith.constant 0 : i32
        %dma_start3A_80 = tpu.memref_slice %arg24[%add3A_75, %dma_start3A] : memref<10240x16xf32, #tpu.memory_space<vmem_shared>> -> memref<128x16xf32, #tpu.memory_space<vmem_shared>>
        %dma_start3A_81 = arith.constant 0 : i32
        %dma_start3A_82 = tpu.memref_slice %arg24[%add3A_75, %dma_start3A_81] : memref<10240x16xf32, #tpu.memory_space<vmem_shared>> -> memref<128x16xf32, #tpu.memory_space<vmem_shared>>
        tpu.enqueue_dma source(%arg22 : memref<128x16xf32, #tpu.memory_space<vmem>>) target(%dma_start3A_82 : memref<128x16xf32, #tpu.memory_space<vmem_shared>>) target_semaphore(%run_scoped3A : memref<!tpu.dma_semaphore, #tpu.memory_space<semaphore_mem>>)
        %dma_wait3A = arith.constant 0 : i32
        %dma_wait3A_83 = tpu.memref_slice %arg24[%add3A_75, %dma_wait3A] : memref<10240x16xf32, #tpu.memory_space<vmem_shared>> -> memref<128x16xf32, #tpu.memory_space<vmem_shared>>
        %dma_wait3A_84 = arith.constant 0 : i32
        %dma_wait3A_85 = tpu.memref_slice %arg24[%add3A_75, %dma_wait3A_84] : memref<10240x16xf32, #tpu.memory_space<vmem_shared>> -> memref<128x16xf32, #tpu.memory_space<vmem_shared>>
        tpu.wait_dma2 semaphore(%run_scoped3A : memref<!tpu.dma_semaphore, #tpu.memory_space<semaphore_mem>>) src(%arg22 : memref<128x16xf32, #tpu.memory_space<vmem>>) dst(%dma_wait3A_85 : memref<128x16xf32, #tpu.memory_space<vmem_shared>>)
        tpu.yield
      }) : () -> ()
      %add3A_76 = arith.constant 384 : i32
      %add3A_77 = arith.addi %mul3A_0, %add3A_76 : i32
      "tpu.region"() ({
        %run_scoped3A = tpu.sem_alloc : memref<!tpu.dma_semaphore, #tpu.memory_space<semaphore_mem>>
        %dma_start3A = arith.constant 0 : i32
        %dma_start3A_80 = tpu.memref_slice %arg24[%add3A_77, %dma_start3A] : memref<10240x16xf32, #tpu.memory_space<vmem_shared>> -> memref<128x16xf32, #tpu.memory_space<vmem_shared>>
        %dma_start3A_81 = arith.constant 0 : i32
        %dma_start3A_82 = tpu.memref_slice %arg24[%add3A_77, %dma_start3A_81] : memref<10240x16xf32, #tpu.memory_space<vmem_shared>> -> memref<128x16xf32, #tpu.memory_space<vmem_shared>>
        tpu.enqueue_dma source(%arg22 : memref<128x16xf32, #tpu.memory_space<vmem>>) target(%dma_start3A_82 : memref<128x16xf32, #tpu.memory_space<vmem_shared>>) target_semaphore(%run_scoped3A : memref<!tpu.dma_semaphore, #tpu.memory_space<semaphore_mem>>)
        %dma_wait3A = arith.constant 0 : i32
        %dma_wait3A_83 = tpu.memref_slice %arg24[%add3A_77, %dma_wait3A] : memref<10240x16xf32, #tpu.memory_space<vmem_shared>> -> memref<128x16xf32, #tpu.memory_space<vmem_shared>>
        %dma_wait3A_84 = arith.constant 0 : i32
        %dma_wait3A_85 = tpu.memref_slice %arg24[%add3A_77, %dma_wait3A_84] : memref<10240x16xf32, #tpu.memory_space<vmem_shared>> -> memref<128x16xf32, #tpu.memory_space<vmem_shared>>
        tpu.wait_dma2 semaphore(%run_scoped3A : memref<!tpu.dma_semaphore, #tpu.memory_space<semaphore_mem>>) src(%arg22 : memref<128x16xf32, #tpu.memory_space<vmem>>) dst(%dma_wait3A_85 : memref<128x16xf32, #tpu.memory_space<vmem_shared>>)
        tpu.yield
      }) : () -> ()
      %add3A_78 = arith.constant 512 : i32
      %add3A_79 = arith.addi %mul3A_0, %add3A_78 : i32
      "tpu.region"() ({
        %run_scoped3A = tpu.sem_alloc : memref<!tpu.dma_semaphore, #tpu.memory_space<semaphore_mem>>
        %dma_start3A = arith.constant 0 : i32
        %dma_start3A_80 = tpu.memref_slice %arg24[%add3A_79, %dma_start3A] : memref<10240x16xf32, #tpu.memory_space<vmem_shared>> -> memref<128x16xf32, #tpu.memory_space<vmem_shared>>
        %dma_start3A_81 = arith.constant 0 : i32
        %dma_start3A_82 = tpu.memref_slice %arg24[%add3A_79, %dma_start3A_81] : memref<10240x16xf32, #tpu.memory_space<vmem_shared>> -> memref<128x16xf32, #tpu.memory_space<vmem_shared>>
        tpu.enqueue_dma source(%arg22 : memref<128x16xf32, #tpu.memory_space<vmem>>) target(%dma_start3A_82 : memref<128x16xf32, #tpu.memory_space<vmem_shared>>) target_semaphore(%run_scoped3A : memref<!tpu.dma_semaphore, #tpu.memory_space<semaphore_mem>>)
        %dma_wait3A = arith.constant 0 : i32
        %dma_wait3A_83 = tpu.memref_slice %arg24[%add3A_79, %dma_wait3A] : memref<10240x16xf32, #tpu.memory_space<vmem_shared>> -> memref<128x16xf32, #tpu.memory_space<vmem_shared>>
        %dma_wait3A_84 = arith.constant 0 : i32
        %dma_wait3A_85 = tpu.memref_slice %arg24[%add3A_79, %dma_wait3A_84] : memref<10240x16xf32, #tpu.memory_space<vmem_shared>> -> memref<128x16xf32, #tpu.memory_space<vmem_shared>>
        tpu.wait_dma2 semaphore(%run_scoped3A : memref<!tpu.dma_semaphore, #tpu.memory_space<semaphore_mem>>) src(%arg22 : memref<128x16xf32, #tpu.memory_space<vmem>>) dst(%dma_wait3A_85 : memref<128x16xf32, #tpu.memory_space<vmem_shared>>)
        tpu.yield
      }) : () -> ()
      "tpu.region"() ({
        %run_scoped3A = tpu.sem_alloc : memref<!tpu.dma_semaphore, #tpu.memory_space<semaphore_mem>>
        tpu.enqueue_dma source(%arg12 : memref<128x16xf32, #tpu.memory_space<hbm>>) target(%arg22 : memref<128x16xf32, #tpu.memory_space<vmem>>) target_semaphore(%run_scoped3A : memref<!tpu.dma_semaphore, #tpu.memory_space<semaphore_mem>>)
        tpu.wait_dma2 semaphore(%run_scoped3A : memref<!tpu.dma_semaphore, #tpu.memory_space<semaphore_mem>>) src(%arg12 : memref<128x16xf32, #tpu.memory_space<hbm>>) dst(%arg22 : memref<128x16xf32, #tpu.memory_space<vmem>>)
        tpu.yield
      }) : () -> ()
    } else {
    }
    %barrier3A = arith.constant 0 : index
    tpu.barrier barrier_id(%barrier3A)
    %eq3A_12 = arith.constant 0 : i32
    %eq3A_13 = arith.cmpi eq, %arg0, %eq3A_12 : i32
    %convert_element_type3A_14 = arith.extui %eq3A_13 : i1 to i32
    %cond3A_15 = arith.constant 0 : i32
    %cond3A_16 = arith.cmpi ne, %convert_element_type3A_14, %cond3A_15 : i32
    scf.if %cond3A_16 {
      %scan3A = arith.constant 0 : i32
      %scan3A_70 = arith.constant 0 : i32
      %scan3A_71 = arith.constant 79 : i32
      %scan3A_72 = arith.addi %scan3A_70, %scan3A_71 : i32
      %scan3A_73 = arith.constant 1 : i32
      scf.for %scan3A_75 = %scan3A_70 to %scan3A_72 step %scan3A_73  : i32 {
        %mul3A_76 = arith.constant 79 : i32
        %mul3A_77 = arith.muli %arg1, %mul3A_76 : i32
        %add3A_78 = arith.addi %mul3A_77, %scan3A_75 : i32
        %mul3A_79 = arith.constant 128 : i32
        %mul3A_80 = arith.muli %add3A_78, %mul3A_79 : i32
        "tpu.region"() ({
          %run_scoped3A = tpu.sem_alloc : memref<!tpu.dma_semaphore, #tpu.memory_space<semaphore_mem>>
          %dma_start3A_85 = tpu.memref_slice %arg4[%mul3A_80] : memref<161792xi32, #tpu.memory_space<hbm>> -> memref<128xi32, #tpu.memory_space<hbm>>
          %dma_start3A_86 = tpu.memref_slice %arg4[%mul3A_80] : memref<161792xi32, #tpu.memory_space<hbm>> -> memref<128xi32, #tpu.memory_space<hbm>>
          tpu.enqueue_dma source(%dma_start3A_86 : memref<128xi32, #tpu.memory_space<hbm>>) target(%arg19 : memref<128xi32, #tpu.memory_space<vmem>>) target_semaphore(%run_scoped3A : memref<!tpu.dma_semaphore, #tpu.memory_space<semaphore_mem>>)
          %dma_wait3A_87 = tpu.memref_slice %arg4[%mul3A_80] : memref<161792xi32, #tpu.memory_space<hbm>> -> memref<128xi32, #tpu.memory_space<hbm>>
          %dma_wait3A_88 = tpu.memref_slice %arg4[%mul3A_80] : memref<161792xi32, #tpu.memory_space<hbm>> -> memref<128xi32, #tpu.memory_space<hbm>>
          tpu.wait_dma2 semaphore(%run_scoped3A : memref<!tpu.dma_semaphore, #tpu.memory_space<semaphore_mem>>) src(%dma_wait3A_88 : memref<128xi32, #tpu.memory_space<hbm>>) dst(%arg19 : memref<128xi32, #tpu.memory_space<vmem>>)
          tpu.yield
        }) : () -> ()
        "tpu.region"() ({
          %run_scoped3A = tpu.sem_alloc : memref<!tpu.dma_semaphore, #tpu.memory_space<semaphore_mem>>
          %dma_start3A_85 = tpu.memref_slice %arg5[%mul3A_80] : memref<161792xi32, #tpu.memory_space<hbm>> -> memref<128xi32, #tpu.memory_space<hbm>>
          %dma_start3A_86 = tpu.memref_slice %arg5[%mul3A_80] : memref<161792xi32, #tpu.memory_space<hbm>> -> memref<128xi32, #tpu.memory_space<hbm>>
          tpu.enqueue_dma source(%dma_start3A_86 : memref<128xi32, #tpu.memory_space<hbm>>) target(%arg20 : memref<128xi32, #tpu.memory_space<vmem>>) target_semaphore(%run_scoped3A : memref<!tpu.dma_semaphore, #tpu.memory_space<semaphore_mem>>)
          %dma_wait3A_87 = tpu.memref_slice %arg5[%mul3A_80] : memref<161792xi32, #tpu.memory_space<hbm>> -> memref<128xi32, #tpu.memory_space<hbm>>
          %dma_wait3A_88 = tpu.memref_slice %arg5[%mul3A_80] : memref<161792xi32, #tpu.memory_space<hbm>> -> memref<128xi32, #tpu.memory_space<hbm>>
          tpu.wait_dma2 semaphore(%run_scoped3A : memref<!tpu.dma_semaphore, #tpu.memory_space<semaphore_mem>>) src(%dma_wait3A_88 : memref<128xi32, #tpu.memory_space<hbm>>) dst(%arg20 : memref<128xi32, #tpu.memory_space<vmem>>)
          tpu.yield
        }) : () -> ()
        %dma_start3A = arith.constant 0 : i32
        %dma_start3A_81 = arith.constant 0 : i32
        %dma_start3A_82 = tpu.memref_slice %arg2[%dma_start3A, %dma_start3A_81] : memref<10240x128xf32, #tpu.memory_space<hbm>> -> memref<10240x128xf32, #tpu.memory_space<hbm>>
        tpu.enqueue_indirect_dma source(%dma_start3A_82 : memref<10240x128xf32, #tpu.memory_space<hbm>>) target(%arg21 : memref<128x128xf32, #tpu.memory_space<vmem>>) offsets(%arg19 : memref<128xi32, #tpu.memory_space<vmem>>) semaphore(%arg25 : memref<!tpu.dma_semaphore, #tpu.memory_space<semaphore_mem>>)
        %dma_wait3A = arith.constant 0 : i32
        %dma_wait3A_83 = arith.constant 0 : i32
        %dma_wait3A_84 = tpu.memref_slice %arg2[%dma_wait3A, %dma_wait3A_83] : memref<10240x128xf32, #tpu.memory_space<hbm>> -> memref<10240x128xf32, #tpu.memory_space<hbm>>
        tpu.wait_indirect_dma semaphore(%arg25 : memref<!tpu.dma_semaphore, #tpu.memory_space<semaphore_mem>>) src(%dma_wait3A_84 : memref<10240x128xf32, #tpu.memory_space<hbm>>) dst(%arg21 : memref<128x128xf32, #tpu.memory_space<vmem>>)
        "tpu.region"() ({
          %run_scoped3A = tpu.sem_alloc : memref<!tpu.dma_semaphore, #tpu.memory_space<semaphore_mem>>
          %dma_start3A_85 = arith.constant 0 : i32
          %dma_start3A_86 = arith.constant 0 : i32
          %dma_start3A_87 = tpu.memref_slice %arg23[%dma_start3A_85, %dma_start3A_86] : memref<10240x128xf32, #tpu.memory_space<vmem_shared>> -> memref<10240x128xf32, #tpu.memory_space<vmem_shared>>
          tpu.enqueue_indirect_dma source(%arg21 : memref<128x128xf32, #tpu.memory_space<vmem>>) target(%dma_start3A_87 : memref<10240x128xf32, #tpu.memory_space<vmem_shared>>) offsets(%arg20 : memref<128xi32, #tpu.memory_space<vmem>>) semaphore(%run_scoped3A : memref<!tpu.dma_semaphore, #tpu.memory_space<semaphore_mem>>) {add = true}
          %dma_wait3A_88 = arith.constant 0 : i32
          %dma_wait3A_89 = arith.constant 0 : i32
          %dma_wait3A_90 = tpu.memref_slice %arg23[%dma_wait3A_88, %dma_wait3A_89] : memref<10240x128xf32, #tpu.memory_space<vmem_shared>> -> memref<10240x128xf32, #tpu.memory_space<vmem_shared>>
          tpu.wait_indirect_dma semaphore(%run_scoped3A : memref<!tpu.dma_semaphore, #tpu.memory_space<semaphore_mem>>) src(%arg21 : memref<128x128xf32, #tpu.memory_space<vmem>>) dst(%dma_wait3A_90 : memref<10240x128xf32, #tpu.memory_space<vmem_shared>>)
          tpu.yield
        }) : () -> ()
        "tpu.region"() ({
          %run_scoped3A = tpu.sem_alloc : memref<!tpu.dma_semaphore, #tpu.memory_space<semaphore_mem>>
          %dma_start3A_85 = arith.constant 0 : i32
          %dma_start3A_86 = arith.constant 0 : i32
          %dma_start3A_87 = tpu.memref_slice %arg24[%dma_start3A_85, %dma_start3A_86] : memref<10240x16xf32, #tpu.memory_space<vmem_shared>> -> memref<10240x16xf32, #tpu.memory_space<vmem_shared>>
          tpu.enqueue_indirect_dma source(%arg22 : memref<128x16xf32, #tpu.memory_space<vmem>>) target(%dma_start3A_87 : memref<10240x16xf32, #tpu.memory_space<vmem_shared>>) offsets(%arg20 : memref<128xi32, #tpu.memory_space<vmem>>) semaphore(%run_scoped3A : memref<!tpu.dma_semaphore, #tpu.memory_space<semaphore_mem>>) {add = true}
          %dma_wait3A_88 = arith.constant 0 : i32
          %dma_wait3A_89 = arith.constant 0 : i32
          %dma_wait3A_90 = tpu.memref_slice %arg24[%dma_wait3A_88, %dma_wait3A_89] : memref<10240x16xf32, #tpu.memory_space<vmem_shared>> -> memref<10240x16xf32, #tpu.memory_space<vmem_shared>>
          tpu.wait_indirect_dma semaphore(%run_scoped3A : memref<!tpu.dma_semaphore, #tpu.memory_space<semaphore_mem>>) src(%arg22 : memref<128x16xf32, #tpu.memory_space<vmem>>) dst(%dma_wait3A_90 : memref<10240x16xf32, #tpu.memory_space<vmem_shared>>)
          tpu.yield
        }) : () -> ()
      }
      %scan3A_74 = arith.constant 79 : i32
    } else {
    }
    %eq3A_17 = arith.constant 1 : i32
    %eq3A_18 = arith.cmpi eq, %arg0, %eq3A_17 : i32
    %convert_element_type3A_19 = arith.extui %eq3A_18 : i1 to i32
    %cond3A_20 = arith.constant 0 : i32
    %cond3A_21 = arith.cmpi ne, %convert_element_type3A_19, %cond3A_20 : i32
    scf.if %cond3A_21 {
      %scan3A = arith.constant 0 : i32
      %scan3A_70 = arith.constant 0 : i32
      %scan3A_71 = arith.constant 79 : i32
      %scan3A_72 = arith.addi %scan3A_70, %scan3A_71 : i32
      %scan3A_73 = arith.constant 1 : i32
      scf.for %scan3A_75 = %scan3A_70 to %scan3A_72 step %scan3A_73  : i32 {
        %mul3A_76 = arith.constant 79 : i32
        %mul3A_77 = arith.muli %arg1, %mul3A_76 : i32
        %add3A_78 = arith.addi %mul3A_77, %scan3A_75 : i32
        %mul3A_79 = arith.constant 128 : i32
        %mul3A_80 = arith.muli %add3A_78, %mul3A_79 : i32
        "tpu.region"() ({
          %run_scoped3A = tpu.sem_alloc : memref<!tpu.dma_semaphore, #tpu.memory_space<semaphore_mem>>
          %dma_start3A_85 = tpu.memref_slice %arg4[%mul3A_80] : memref<161792xi32, #tpu.memory_space<hbm>> -> memref<128xi32, #tpu.memory_space<hbm>>
          %dma_start3A_86 = tpu.memref_slice %arg4[%mul3A_80] : memref<161792xi32, #tpu.memory_space<hbm>> -> memref<128xi32, #tpu.memory_space<hbm>>
          tpu.enqueue_dma source(%dma_start3A_86 : memref<128xi32, #tpu.memory_space<hbm>>) target(%arg19 : memref<128xi32, #tpu.memory_space<vmem>>) target_semaphore(%run_scoped3A : memref<!tpu.dma_semaphore, #tpu.memory_space<semaphore_mem>>)
          %dma_wait3A_87 = tpu.memref_slice %arg4[%mul3A_80] : memref<161792xi32, #tpu.memory_space<hbm>> -> memref<128xi32, #tpu.memory_space<hbm>>
          %dma_wait3A_88 = tpu.memref_slice %arg4[%mul3A_80] : memref<161792xi32, #tpu.memory_space<hbm>> -> memref<128xi32, #tpu.memory_space<hbm>>
          tpu.wait_dma2 semaphore(%run_scoped3A : memref<!tpu.dma_semaphore, #tpu.memory_space<semaphore_mem>>) src(%dma_wait3A_88 : memref<128xi32, #tpu.memory_space<hbm>>) dst(%arg19 : memref<128xi32, #tpu.memory_space<vmem>>)
          tpu.yield
        }) : () -> ()
        "tpu.region"() ({
          %run_scoped3A = tpu.sem_alloc : memref<!tpu.dma_semaphore, #tpu.memory_space<semaphore_mem>>
          %dma_start3A_85 = tpu.memref_slice %arg5[%mul3A_80] : memref<161792xi32, #tpu.memory_space<hbm>> -> memref<128xi32, #tpu.memory_space<hbm>>
          %dma_start3A_86 = tpu.memref_slice %arg5[%mul3A_80] : memref<161792xi32, #tpu.memory_space<hbm>> -> memref<128xi32, #tpu.memory_space<hbm>>
          tpu.enqueue_dma source(%dma_start3A_86 : memref<128xi32, #tpu.memory_space<hbm>>) target(%arg20 : memref<128xi32, #tpu.memory_space<vmem>>) target_semaphore(%run_scoped3A : memref<!tpu.dma_semaphore, #tpu.memory_space<semaphore_mem>>)
          %dma_wait3A_87 = tpu.memref_slice %arg5[%mul3A_80] : memref<161792xi32, #tpu.memory_space<hbm>> -> memref<128xi32, #tpu.memory_space<hbm>>
          %dma_wait3A_88 = tpu.memref_slice %arg5[%mul3A_80] : memref<161792xi32, #tpu.memory_space<hbm>> -> memref<128xi32, #tpu.memory_space<hbm>>
          tpu.wait_dma2 semaphore(%run_scoped3A : memref<!tpu.dma_semaphore, #tpu.memory_space<semaphore_mem>>) src(%dma_wait3A_88 : memref<128xi32, #tpu.memory_space<hbm>>) dst(%arg20 : memref<128xi32, #tpu.memory_space<vmem>>)
          tpu.yield
        }) : () -> ()
        %dma_start3A = arith.constant 0 : i32
        %dma_start3A_81 = arith.constant 0 : i32
        %dma_start3A_82 = tpu.memref_slice %arg3[%dma_start3A, %dma_start3A_81] : memref<10240x128xf32, #tpu.memory_space<hbm>> -> memref<10240x128xf32, #tpu.memory_space<hbm>>
        tpu.enqueue_indirect_dma source(%dma_start3A_82 : memref<10240x128xf32, #tpu.memory_space<hbm>>) target(%arg21 : memref<128x128xf32, #tpu.memory_space<vmem>>) offsets(%arg19 : memref<128xi32, #tpu.memory_space<vmem>>) semaphore(%arg25 : memref<!tpu.dma_semaphore, #tpu.memory_space<semaphore_mem>>)
        %dma_wait3A = arith.constant 0 : i32
        %dma_wait3A_83 = arith.constant 0 : i32
        %dma_wait3A_84 = tpu.memref_slice %arg3[%dma_wait3A, %dma_wait3A_83] : memref<10240x128xf32, #tpu.memory_space<hbm>> -> memref<10240x128xf32, #tpu.memory_space<hbm>>
        tpu.wait_indirect_dma semaphore(%arg25 : memref<!tpu.dma_semaphore, #tpu.memory_space<semaphore_mem>>) src(%dma_wait3A_84 : memref<10240x128xf32, #tpu.memory_space<hbm>>) dst(%arg21 : memref<128x128xf32, #tpu.memory_space<vmem>>)
        "tpu.region"() ({
          %run_scoped3A = tpu.sem_alloc : memref<!tpu.dma_semaphore, #tpu.memory_space<semaphore_mem>>
          %dma_start3A_85 = arith.constant 0 : i32
          %dma_start3A_86 = arith.constant 0 : i32
          %dma_start3A_87 = tpu.memref_slice %arg23[%dma_start3A_85, %dma_start3A_86] : memref<10240x128xf32, #tpu.memory_space<vmem_shared>> -> memref<10240x128xf32, #tpu.memory_space<vmem_shared>>
          tpu.enqueue_indirect_dma source(%arg21 : memref<128x128xf32, #tpu.memory_space<vmem>>) target(%dma_start3A_87 : memref<10240x128xf32, #tpu.memory_space<vmem_shared>>) offsets(%arg20 : memref<128xi32, #tpu.memory_space<vmem>>) semaphore(%run_scoped3A : memref<!tpu.dma_semaphore, #tpu.memory_space<semaphore_mem>>) {add = true}
          %dma_wait3A_88 = arith.constant 0 : i32
          %dma_wait3A_89 = arith.constant 0 : i32
          %dma_wait3A_90 = tpu.memref_slice %arg23[%dma_wait3A_88, %dma_wait3A_89] : memref<10240x128xf32, #tpu.memory_space<vmem_shared>> -> memref<10240x128xf32, #tpu.memory_space<vmem_shared>>
          tpu.wait_indirect_dma semaphore(%run_scoped3A : memref<!tpu.dma_semaphore, #tpu.memory_space<semaphore_mem>>) src(%arg21 : memref<128x128xf32, #tpu.memory_space<vmem>>) dst(%dma_wait3A_90 : memref<10240x128xf32, #tpu.memory_space<vmem_shared>>)
          tpu.yield
        }) : () -> ()
      }
      %scan3A_74 = arith.constant 79 : i32
    } else {
    }
    %barrier3A_22 = arith.constant 0 : index
    tpu.barrier barrier_id(%barrier3A_22)
    %eq3A_23 = arith.constant 0 : i32
    %eq3A_24 = arith.cmpi eq, %arg0, %eq3A_23 : i32
    %convert_element_type3A_25 = arith.extui %eq3A_24 : i1 to i32
    %cond3A_26 = arith.constant 0 : i32
    %cond3A_27 = arith.cmpi ne, %convert_element_type3A_25, %cond3A_26 : i32
    scf.if %cond3A_27 {
      %add3A_70 = arith.constant 0 : i32
      %add3A_71 = arith.addi %mul3A_0, %add3A_70 : i32
      "tpu.region"() ({
        %run_scoped3A = tpu.sem_alloc : memref<!tpu.dma_semaphore, #tpu.memory_space<semaphore_mem>>
        %dma_start3A = arith.constant 0 : i32
        %dma_start3A_110 = tpu.memref_slice %arg23[%add3A_71, %dma_start3A] : memref<10240x128xf32, #tpu.memory_space<vmem_shared>> -> memref<128x128xf32, #tpu.memory_space<vmem_shared>>
        %dma_start3A_111 = arith.constant 0 : i32
        %dma_start3A_112 = tpu.memref_slice %arg23[%add3A_71, %dma_start3A_111] : memref<10240x128xf32, #tpu.memory_space<vmem_shared>> -> memref<128x128xf32, #tpu.memory_space<vmem_shared>>
        tpu.enqueue_dma source(%dma_start3A_112 : memref<128x128xf32, #tpu.memory_space<vmem_shared>>) target(%arg21 : memref<128x128xf32, #tpu.memory_space<vmem>>) target_semaphore(%run_scoped3A : memref<!tpu.dma_semaphore, #tpu.memory_space<semaphore_mem>>)
        %dma_wait3A = arith.constant 0 : i32
        %dma_wait3A_113 = tpu.memref_slice %arg23[%add3A_71, %dma_wait3A] : memref<10240x128xf32, #tpu.memory_space<vmem_shared>> -> memref<128x128xf32, #tpu.memory_space<vmem_shared>>
        %dma_wait3A_114 = arith.constant 0 : i32
        %dma_wait3A_115 = tpu.memref_slice %arg23[%add3A_71, %dma_wait3A_114] : memref<10240x128xf32, #tpu.memory_space<vmem_shared>> -> memref<128x128xf32, #tpu.memory_space<vmem_shared>>
        tpu.wait_dma2 semaphore(%run_scoped3A : memref<!tpu.dma_semaphore, #tpu.memory_space<semaphore_mem>>) src(%dma_wait3A_115 : memref<128x128xf32, #tpu.memory_space<vmem_shared>>) dst(%arg21 : memref<128x128xf32, #tpu.memory_space<vmem>>)
        tpu.yield
      }) : () -> ()
      %add3A_72 = arith.constant 0 : i32
      %add3A_73 = arith.addi %mul3A_0, %add3A_72 : i32
      "tpu.region"() ({
        %run_scoped3A = tpu.sem_alloc : memref<!tpu.dma_semaphore, #tpu.memory_space<semaphore_mem>>
        %dma_start3A = arith.constant 0 : i32
        %dma_start3A_110 = tpu.memref_slice %arg13[%add3A_73, %dma_start3A] : memref<10240x128xf32, #tpu.memory_space<hbm>> -> memref<128x128xf32, #tpu.memory_space<hbm>>
        %dma_start3A_111 = arith.constant 0 : i32
        %dma_start3A_112 = tpu.memref_slice %arg13[%add3A_73, %dma_start3A_111] : memref<10240x128xf32, #tpu.memory_space<hbm>> -> memref<128x128xf32, #tpu.memory_space<hbm>>
        tpu.enqueue_dma source(%arg21 : memref<128x128xf32, #tpu.memory_space<vmem>>) target(%dma_start3A_112 : memref<128x128xf32, #tpu.memory_space<hbm>>) target_semaphore(%run_scoped3A : memref<!tpu.dma_semaphore, #tpu.memory_space<semaphore_mem>>)
        %dma_wait3A = arith.constant 0 : i32
        %dma_wait3A_113 = tpu.memref_slice %arg13[%add3A_73, %dma_wait3A] : memref<10240x128xf32, #tpu.memory_space<hbm>> -> memref<128x128xf32, #tpu.memory_space<hbm>>
        %dma_wait3A_114 = arith.constant 0 : i32
        %dma_wait3A_115 = tpu.memref_slice %arg13[%add3A_73, %dma_wait3A_114] : memref<10240x128xf32, #tpu.memory_space<hbm>> -> memref<128x128xf32, #tpu.memory_space<hbm>>
        tpu.wait_dma2 semaphore(%run_scoped3A : memref<!tpu.dma_semaphore, #tpu.memory_space<semaphore_mem>>) src(%arg21 : memref<128x128xf32, #tpu.memory_space<vmem>>) dst(%dma_wait3A_115 : memref<128x128xf32, #tpu.memory_space<hbm>>)
        tpu.yield
      }) : () -> ()
      %add3A_74 = arith.constant 128 : i32
      %add3A_75 = arith.addi %mul3A_0, %add3A_74 : i32
      "tpu.region"() ({
        %run_scoped3A = tpu.sem_alloc : memref<!tpu.dma_semaphore, #tpu.memory_space<semaphore_mem>>
        %dma_start3A = arith.constant 0 : i32
        %dma_start3A_110 = tpu.memref_slice %arg23[%add3A_75, %dma_start3A] : memref<10240x128xf32, #tpu.memory_space<vmem_shared>> -> memref<128x128xf32, #tpu.memory_space<vmem_shared>>
        %dma_start3A_111 = arith.constant 0 : i32
        %dma_start3A_112 = tpu.memref_slice %arg23[%add3A_75, %dma_start3A_111] : memref<10240x128xf32, #tpu.memory_space<vmem_shared>> -> memref<128x128xf32, #tpu.memory_space<vmem_shared>>
        tpu.enqueue_dma source(%dma_start3A_112 : memref<128x128xf32, #tpu.memory_space<vmem_shared>>) target(%arg21 : memref<128x128xf32, #tpu.memory_space<vmem>>) target_semaphore(%run_scoped3A : memref<!tpu.dma_semaphore, #tpu.memory_space<semaphore_mem>>)
        %dma_wait3A = arith.constant 0 : i32
        %dma_wait3A_113 = tpu.memref_slice %arg23[%add3A_75, %dma_wait3A] : memref<10240x128xf32, #tpu.memory_space<vmem_shared>> -> memref<128x128xf32, #tpu.memory_space<vmem_shared>>
        %dma_wait3A_114 = arith.constant 0 : i32
        %dma_wait3A_115 = tpu.memref_slice %arg23[%add3A_75, %dma_wait3A_114] : memref<10240x128xf32, #tpu.memory_space<vmem_shared>> -> memref<128x128xf32, #tpu.memory_space<vmem_shared>>
        tpu.wait_dma2 semaphore(%run_scoped3A : memref<!tpu.dma_semaphore, #tpu.memory_space<semaphore_mem>>) src(%dma_wait3A_115 : memref<128x128xf32, #tpu.memory_space<vmem_shared>>) dst(%arg21 : memref<128x128xf32, #tpu.memory_space<vmem>>)
        tpu.yield
      }) : () -> ()
      %add3A_76 = arith.constant 128 : i32
      %add3A_77 = arith.addi %mul3A_0, %add3A_76 : i32
      "tpu.region"() ({
        %run_scoped3A = tpu.sem_alloc : memref<!tpu.dma_semaphore, #tpu.memory_space<semaphore_mem>>
        %dma_start3A = arith.constant 0 : i32
        %dma_start3A_110 = tpu.memref_slice %arg13[%add3A_77, %dma_start3A] : memref<10240x128xf32, #tpu.memory_space<hbm>> -> memref<128x128xf32, #tpu.memory_space<hbm>>
        %dma_start3A_111 = arith.constant 0 : i32
        %dma_start3A_112 = tpu.memref_slice %arg13[%add3A_77, %dma_start3A_111] : memref<10240x128xf32, #tpu.memory_space<hbm>> -> memref<128x128xf32, #tpu.memory_space<hbm>>
        tpu.enqueue_dma source(%arg21 : memref<128x128xf32, #tpu.memory_space<vmem>>) target(%dma_start3A_112 : memref<128x128xf32, #tpu.memory_space<hbm>>) target_semaphore(%run_scoped3A : memref<!tpu.dma_semaphore, #tpu.memory_space<semaphore_mem>>)
        %dma_wait3A = arith.constant 0 : i32
        %dma_wait3A_113 = tpu.memref_slice %arg13[%add3A_77, %dma_wait3A] : memref<10240x128xf32, #tpu.memory_space<hbm>> -> memref<128x128xf32, #tpu.memory_space<hbm>>
        %dma_wait3A_114 = arith.constant 0 : i32
        %dma_wait3A_115 = tpu.memref_slice %arg13[%add3A_77, %dma_wait3A_114] : memref<10240x128xf32, #tpu.memory_space<hbm>> -> memref<128x128xf32, #tpu.memory_space<hbm>>
        tpu.wait_dma2 semaphore(%run_scoped3A : memref<!tpu.dma_semaphore, #tpu.memory_space<semaphore_mem>>) src(%arg21 : memref<128x128xf32, #tpu.memory_space<vmem>>) dst(%dma_wait3A_115 : memref<128x128xf32, #tpu.memory_space<hbm>>)
        tpu.yield
      }) : () -> ()
      %add3A_78 = arith.constant 256 : i32
      %add3A_79 = arith.addi %mul3A_0, %add3A_78 : i32
      "tpu.region"() ({
        %run_scoped3A = tpu.sem_alloc : memref<!tpu.dma_semaphore, #tpu.memory_space<semaphore_mem>>
        %dma_start3A = arith.constant 0 : i32
        %dma_start3A_110 = tpu.memref_slice %arg23[%add3A_79, %dma_start3A] : memref<10240x128xf32, #tpu.memory_space<vmem_shared>> -> memref<128x128xf32, #tpu.memory_space<vmem_shared>>
        %dma_start3A_111 = arith.constant 0 : i32
        %dma_start3A_112 = tpu.memref_slice %arg23[%add3A_79, %dma_start3A_111] : memref<10240x128xf32, #tpu.memory_space<vmem_shared>> -> memref<128x128xf32, #tpu.memory_space<vmem_shared>>
        tpu.enqueue_dma source(%dma_start3A_112 : memref<128x128xf32, #tpu.memory_space<vmem_shared>>) target(%arg21 : memref<128x128xf32, #tpu.memory_space<vmem>>) target_semaphore(%run_scoped3A : memref<!tpu.dma_semaphore, #tpu.memory_space<semaphore_mem>>)
        %dma_wait3A = arith.constant 0 : i32
        %dma_wait3A_113 = tpu.memref_slice %arg23[%add3A_79, %dma_wait3A] : memref<10240x128xf32, #tpu.memory_space<vmem_shared>> -> memref<128x128xf32, #tpu.memory_space<vmem_shared>>
        %dma_wait3A_114 = arith.constant 0 : i32
        %dma_wait3A_115 = tpu.memref_slice %arg23[%add3A_79, %dma_wait3A_114] : memref<10240x128xf32, #tpu.memory_space<vmem_shared>> -> memref<128x128xf32, #tpu.memory_space<vmem_shared>>
        tpu.wait_dma2 semaphore(%run_scoped3A : memref<!tpu.dma_semaphore, #tpu.memory_space<semaphore_mem>>) src(%dma_wait3A_115 : memref<128x128xf32, #tpu.memory_space<vmem_shared>>) dst(%arg21 : memref<128x128xf32, #tpu.memory_space<vmem>>)
        tpu.yield
      }) : () -> ()
      %add3A_80 = arith.constant 256 : i32
      %add3A_81 = arith.addi %mul3A_0, %add3A_80 : i32
      "tpu.region"() ({
        %run_scoped3A = tpu.sem_alloc : memref<!tpu.dma_semaphore, #tpu.memory_space<semaphore_mem>>
        %dma_start3A = arith.constant 0 : i32
        %dma_start3A_110 = tpu.memref_slice %arg13[%add3A_81, %dma_start3A] : memref<10240x128xf32, #tpu.memory_space<hbm>> -> memref<128x128xf32, #tpu.memory_space<hbm>>
        %dma_start3A_111 = arith.constant 0 : i32
        %dma_start3A_112 = tpu.memref_slice %arg13[%add3A_81, %dma_start3A_111] : memref<10240x128xf32, #tpu.memory_space<hbm>> -> memref<128x128xf32, #tpu.memory_space<hbm>>
        tpu.enqueue_dma source(%arg21 : memref<128x128xf32, #tpu.memory_space<vmem>>) target(%dma_start3A_112 : memref<128x128xf32, #tpu.memory_space<hbm>>) target_semaphore(%run_scoped3A : memref<!tpu.dma_semaphore, #tpu.memory_space<semaphore_mem>>)
        %dma_wait3A = arith.constant 0 : i32
        %dma_wait3A_113 = tpu.memref_slice %arg13[%add3A_81, %dma_wait3A] : memref<10240x128xf32, #tpu.memory_space<hbm>> -> memref<128x128xf32, #tpu.memory_space<hbm>>
        %dma_wait3A_114 = arith.constant 0 : i32
        %dma_wait3A_115 = tpu.memref_slice %arg13[%add3A_81, %dma_wait3A_114] : memref<10240x128xf32, #tpu.memory_space<hbm>> -> memref<128x128xf32, #tpu.memory_space<hbm>>
        tpu.wait_dma2 semaphore(%run_scoped3A : memref<!tpu.dma_semaphore, #tpu.memory_space<semaphore_mem>>) src(%arg21 : memref<128x128xf32, #tpu.memory_space<vmem>>) dst(%dma_wait3A_115 : memref<128x128xf32, #tpu.memory_space<hbm>>)
        tpu.yield
      }) : () -> ()
      %add3A_82 = arith.constant 384 : i32
      %add3A_83 = arith.addi %mul3A_0, %add3A_82 : i32
      "tpu.region"() ({
        %run_scoped3A = tpu.sem_alloc : memref<!tpu.dma_semaphore, #tpu.memory_space<semaphore_mem>>
        %dma_start3A = arith.constant 0 : i32
        %dma_start3A_110 = tpu.memref_slice %arg23[%add3A_83, %dma_start3A] : memref<10240x128xf32, #tpu.memory_space<vmem_shared>> -> memref<128x128xf32, #tpu.memory_space<vmem_shared>>
        %dma_start3A_111 = arith.constant 0 : i32
        %dma_start3A_112 = tpu.memref_slice %arg23[%add3A_83, %dma_start3A_111] : memref<10240x128xf32, #tpu.memory_space<vmem_shared>> -> memref<128x128xf32, #tpu.memory_space<vmem_shared>>
        tpu.enqueue_dma source(%dma_start3A_112 : memref<128x128xf32, #tpu.memory_space<vmem_shared>>) target(%arg21 : memref<128x128xf32, #tpu.memory_space<vmem>>) target_semaphore(%run_scoped3A : memref<!tpu.dma_semaphore, #tpu.memory_space<semaphore_mem>>)
        %dma_wait3A = arith.constant 0 : i32
        %dma_wait3A_113 = tpu.memref_slice %arg23[%add3A_83, %dma_wait3A] : memref<10240x128xf32, #tpu.memory_space<vmem_shared>> -> memref<128x128xf32, #tpu.memory_space<vmem_shared>>
        %dma_wait3A_114 = arith.constant 0 : i32
        %dma_wait3A_115 = tpu.memref_slice %arg23[%add3A_83, %dma_wait3A_114] : memref<10240x128xf32, #tpu.memory_space<vmem_shared>> -> memref<128x128xf32, #tpu.memory_space<vmem_shared>>
        tpu.wait_dma2 semaphore(%run_scoped3A : memref<!tpu.dma_semaphore, #tpu.memory_space<semaphore_mem>>) src(%dma_wait3A_115 : memref<128x128xf32, #tpu.memory_space<vmem_shared>>) dst(%arg21 : memref<128x128xf32, #tpu.memory_space<vmem>>)
        tpu.yield
      }) : () -> ()
      %add3A_84 = arith.constant 384 : i32
      %add3A_85 = arith.addi %mul3A_0, %add3A_84 : i32
      "tpu.region"() ({
        %run_scoped3A = tpu.sem_alloc : memref<!tpu.dma_semaphore, #tpu.memory_space<semaphore_mem>>
        %dma_start3A = arith.constant 0 : i32
        %dma_start3A_110 = tpu.memref_slice %arg13[%add3A_85, %dma_start3A] : memref<10240x128xf32, #tpu.memory_space<hbm>> -> memref<128x128xf32, #tpu.memory_space<hbm>>
        %dma_start3A_111 = arith.constant 0 : i32
        %dma_start3A_112 = tpu.memref_slice %arg13[%add3A_85, %dma_start3A_111] : memref<10240x128xf32, #tpu.memory_space<hbm>> -> memref<128x128xf32, #tpu.memory_space<hbm>>
        tpu.enqueue_dma source(%arg21 : memref<128x128xf32, #tpu.memory_space<vmem>>) target(%dma_start3A_112 : memref<128x128xf32, #tpu.memory_space<hbm>>) target_semaphore(%run_scoped3A : memref<!tpu.dma_semaphore, #tpu.memory_space<semaphore_mem>>)
        %dma_wait3A = arith.constant 0 : i32
        %dma_wait3A_113 = tpu.memref_slice %arg13[%add3A_85, %dma_wait3A] : memref<10240x128xf32, #tpu.memory_space<hbm>> -> memref<128x128xf32, #tpu.memory_space<hbm>>
        %dma_wait3A_114 = arith.constant 0 : i32
        %dma_wait3A_115 = tpu.memref_slice %arg13[%add3A_85, %dma_wait3A_114] : memref<10240x128xf32, #tpu.memory_space<hbm>> -> memref<128x128xf32, #tpu.memory_space<hbm>>
        tpu.wait_dma2 semaphore(%run_scoped3A : memref<!tpu.dma_semaphore, #tpu.memory_space<semaphore_mem>>) src(%arg21 : memref<128x128xf32, #tpu.memory_space<vmem>>) dst(%dma_wait3A_115 : memref<128x128xf32, #tpu.memory_space<hbm>>)
        tpu.yield
      }) : () -> ()
      %add3A_86 = arith.constant 512 : i32
      %add3A_87 = arith.addi %mul3A_0, %add3A_86 : i32
      "tpu.region"() ({
        %run_scoped3A = tpu.sem_alloc : memref<!tpu.dma_semaphore, #tpu.memory_space<semaphore_mem>>
        %dma_start3A = arith.constant 0 : i32
        %dma_start3A_110 = tpu.memref_slice %arg23[%add3A_87, %dma_start3A] : memref<10240x128xf32, #tpu.memory_space<vmem_shared>> -> memref<128x128xf32, #tpu.memory_space<vmem_shared>>
        %dma_start3A_111 = arith.constant 0 : i32
        %dma_start3A_112 = tpu.memref_slice %arg23[%add3A_87, %dma_start3A_111] : memref<10240x128xf32, #tpu.memory_space<vmem_shared>> -> memref<128x128xf32, #tpu.memory_space<vmem_shared>>
        tpu.enqueue_dma source(%dma_start3A_112 : memref<128x128xf32, #tpu.memory_space<vmem_shared>>) target(%arg21 : memref<128x128xf32, #tpu.memory_space<vmem>>) target_semaphore(%run_scoped3A : memref<!tpu.dma_semaphore, #tpu.memory_space<semaphore_mem>>)
        %dma_wait3A = arith.constant 0 : i32
        %dma_wait3A_113 = tpu.memref_slice %arg23[%add3A_87, %dma_wait3A] : memref<10240x128xf32, #tpu.memory_space<vmem_shared>> -> memref<128x128xf32, #tpu.memory_space<vmem_shared>>
        %dma_wait3A_114 = arith.constant 0 : i32
        %dma_wait3A_115 = tpu.memref_slice %arg23[%add3A_87, %dma_wait3A_114] : memref<10240x128xf32, #tpu.memory_space<vmem_shared>> -> memref<128x128xf32, #tpu.memory_space<vmem_shared>>
        tpu.wait_dma2 semaphore(%run_scoped3A : memref<!tpu.dma_semaphore, #tpu.memory_space<semaphore_mem>>) src(%dma_wait3A_115 : memref<128x128xf32, #tpu.memory_space<vmem_shared>>) dst(%arg21 : memref<128x128xf32, #tpu.memory_space<vmem>>)
        tpu.yield
      }) : () -> ()
      %add3A_88 = arith.constant 512 : i32
      %add3A_89 = arith.addi %mul3A_0, %add3A_88 : i32
      "tpu.region"() ({
        %run_scoped3A = tpu.sem_alloc : memref<!tpu.dma_semaphore, #tpu.memory_space<semaphore_mem>>
        %dma_start3A = arith.constant 0 : i32
        %dma_start3A_110 = tpu.memref_slice %arg13[%add3A_89, %dma_start3A] : memref<10240x128xf32, #tpu.memory_space<hbm>> -> memref<128x128xf32, #tpu.memory_space<hbm>>
        %dma_start3A_111 = arith.constant 0 : i32
        %dma_start3A_112 = tpu.memref_slice %arg13[%add3A_89, %dma_start3A_111] : memref<10240x128xf32, #tpu.memory_space<hbm>> -> memref<128x128xf32, #tpu.memory_space<hbm>>
        tpu.enqueue_dma source(%arg21 : memref<128x128xf32, #tpu.memory_space<vmem>>) target(%dma_start3A_112 : memref<128x128xf32, #tpu.memory_space<hbm>>) target_semaphore(%run_scoped3A : memref<!tpu.dma_semaphore, #tpu.memory_space<semaphore_mem>>)
        %dma_wait3A = arith.constant 0 : i32
        %dma_wait3A_113 = tpu.memref_slice %arg13[%add3A_89, %dma_wait3A] : memref<10240x128xf32, #tpu.memory_space<hbm>> -> memref<128x128xf32, #tpu.memory_space<hbm>>
        %dma_wait3A_114 = arith.constant 0 : i32
        %dma_wait3A_115 = tpu.memref_slice %arg13[%add3A_89, %dma_wait3A_114] : memref<10240x128xf32, #tpu.memory_space<hbm>> -> memref<128x128xf32, #tpu.memory_space<hbm>>
        tpu.wait_dma2 semaphore(%run_scoped3A : memref<!tpu.dma_semaphore, #tpu.memory_space<semaphore_mem>>) src(%arg21 : memref<128x128xf32, #tpu.memory_space<vmem>>) dst(%dma_wait3A_115 : memref<128x128xf32, #tpu.memory_space<hbm>>)
        tpu.yield
      }) : () -> ()
      %add3A_90 = arith.constant 0 : i32
      %add3A_91 = arith.addi %mul3A_0, %add3A_90 : i32
      "tpu.region"() ({
        %run_scoped3A = tpu.sem_alloc : memref<!tpu.dma_semaphore, #tpu.memory_space<semaphore_mem>>
        %dma_start3A = arith.constant 0 : i32
        %dma_start3A_110 = tpu.memref_slice %arg24[%add3A_91, %dma_start3A] : memref<10240x16xf32, #tpu.memory_space<vmem_shared>> -> memref<128x16xf32, #tpu.memory_space<vmem_shared>>
        %dma_start3A_111 = arith.constant 0 : i32
        %dma_start3A_112 = tpu.memref_slice %arg24[%add3A_91, %dma_start3A_111] : memref<10240x16xf32, #tpu.memory_space<vmem_shared>> -> memref<128x16xf32, #tpu.memory_space<vmem_shared>>
        tpu.enqueue_dma source(%dma_start3A_112 : memref<128x16xf32, #tpu.memory_space<vmem_shared>>) target(%arg22 : memref<128x16xf32, #tpu.memory_space<vmem>>) target_semaphore(%run_scoped3A : memref<!tpu.dma_semaphore, #tpu.memory_space<semaphore_mem>>)
        %dma_wait3A = arith.constant 0 : i32
        %dma_wait3A_113 = tpu.memref_slice %arg24[%add3A_91, %dma_wait3A] : memref<10240x16xf32, #tpu.memory_space<vmem_shared>> -> memref<128x16xf32, #tpu.memory_space<vmem_shared>>
        %dma_wait3A_114 = arith.constant 0 : i32
        %dma_wait3A_115 = tpu.memref_slice %arg24[%add3A_91, %dma_wait3A_114] : memref<10240x16xf32, #tpu.memory_space<vmem_shared>> -> memref<128x16xf32, #tpu.memory_space<vmem_shared>>
        tpu.wait_dma2 semaphore(%run_scoped3A : memref<!tpu.dma_semaphore, #tpu.memory_space<semaphore_mem>>) src(%dma_wait3A_115 : memref<128x16xf32, #tpu.memory_space<vmem_shared>>) dst(%arg22 : memref<128x16xf32, #tpu.memory_space<vmem>>)
        tpu.yield
      }) : () -> ()
      %add3A_92 = arith.constant 0 : i32
      %add3A_93 = arith.addi %mul3A_0, %add3A_92 : i32
      "tpu.region"() ({
        %run_scoped3A = tpu.sem_alloc : memref<!tpu.dma_semaphore, #tpu.memory_space<semaphore_mem>>
        %dma_start3A = arith.constant 0 : i32
        %dma_start3A_110 = tpu.memref_slice %arg15[%add3A_93, %dma_start3A] : memref<10240x16xf32, #tpu.memory_space<hbm>> -> memref<128x16xf32, #tpu.memory_space<hbm>>
        %dma_start3A_111 = arith.constant 0 : i32
        %dma_start3A_112 = tpu.memref_slice %arg15[%add3A_93, %dma_start3A_111] : memref<10240x16xf32, #tpu.memory_space<hbm>> -> memref<128x16xf32, #tpu.memory_space<hbm>>
        tpu.enqueue_dma source(%arg22 : memref<128x16xf32, #tpu.memory_space<vmem>>) target(%dma_start3A_112 : memref<128x16xf32, #tpu.memory_space<hbm>>) target_semaphore(%run_scoped3A : memref<!tpu.dma_semaphore, #tpu.memory_space<semaphore_mem>>)
        %dma_wait3A = arith.constant 0 : i32
        %dma_wait3A_113 = tpu.memref_slice %arg15[%add3A_93, %dma_wait3A] : memref<10240x16xf32, #tpu.memory_space<hbm>> -> memref<128x16xf32, #tpu.memory_space<hbm>>
        %dma_wait3A_114 = arith.constant 0 : i32
        %dma_wait3A_115 = tpu.memref_slice %arg15[%add3A_93, %dma_wait3A_114] : memref<10240x16xf32, #tpu.memory_space<hbm>> -> memref<128x16xf32, #tpu.memory_space<hbm>>
        tpu.wait_dma2 semaphore(%run_scoped3A : memref<!tpu.dma_semaphore, #tpu.memory_space<semaphore_mem>>) src(%arg22 : memref<128x16xf32, #tpu.memory_space<vmem>>) dst(%dma_wait3A_115 : memref<128x16xf32, #tpu.memory_space<hbm>>)
        tpu.yield
      }) : () -> ()
      %add3A_94 = arith.constant 128 : i32
      %add3A_95 = arith.addi %mul3A_0, %add3A_94 : i32
      "tpu.region"() ({
        %run_scoped3A = tpu.sem_alloc : memref<!tpu.dma_semaphore, #tpu.memory_space<semaphore_mem>>
        %dma_start3A = arith.constant 0 : i32
        %dma_start3A_110 = tpu.memref_slice %arg24[%add3A_95, %dma_start3A] : memref<10240x16xf32, #tpu.memory_space<vmem_shared>> -> memref<128x16xf32, #tpu.memory_space<vmem_shared>>
        %dma_start3A_111 = arith.constant 0 : i32
        %dma_start3A_112 = tpu.memref_slice %arg24[%add3A_95, %dma_start3A_111] : memref<10240x16xf32, #tpu.memory_space<vmem_shared>> -> memref<128x16xf32, #tpu.memory_space<vmem_shared>>
        tpu.enqueue_dma source(%dma_start3A_112 : memref<128x16xf32, #tpu.memory_space<vmem_shared>>) target(%arg22 : memref<128x16xf32, #tpu.memory_space<vmem>>) target_semaphore(%run_scoped3A : memref<!tpu.dma_semaphore, #tpu.memory_space<semaphore_mem>>)
        %dma_wait3A = arith.constant 0 : i32
        %dma_wait3A_113 = tpu.memref_slice %arg24[%add3A_95, %dma_wait3A] : memref<10240x16xf32, #tpu.memory_space<vmem_shared>> -> memref<128x16xf32, #tpu.memory_space<vmem_shared>>
        %dma_wait3A_114 = arith.constant 0 : i32
        %dma_wait3A_115 = tpu.memref_slice %arg24[%add3A_95, %dma_wait3A_114] : memref<10240x16xf32, #tpu.memory_space<vmem_shared>> -> memref<128x16xf32, #tpu.memory_space<vmem_shared>>
        tpu.wait_dma2 semaphore(%run_scoped3A : memref<!tpu.dma_semaphore, #tpu.memory_space<semaphore_mem>>) src(%dma_wait3A_115 : memref<128x16xf32, #tpu.memory_space<vmem_shared>>) dst(%arg22 : memref<128x16xf32, #tpu.memory_space<vmem>>)
        tpu.yield
      }) : () -> ()
      %add3A_96 = arith.constant 128 : i32
      %add3A_97 = arith.addi %mul3A_0, %add3A_96 : i32
      "tpu.region"() ({
        %run_scoped3A = tpu.sem_alloc : memref<!tpu.dma_semaphore, #tpu.memory_space<semaphore_mem>>
        %dma_start3A = arith.constant 0 : i32
        %dma_start3A_110 = tpu.memref_slice %arg15[%add3A_97, %dma_start3A] : memref<10240x16xf32, #tpu.memory_space<hbm>> -> memref<128x16xf32, #tpu.memory_space<hbm>>
        %dma_start3A_111 = arith.constant 0 : i32
        %dma_start3A_112 = tpu.memref_slice %arg15[%add3A_97, %dma_start3A_111] : memref<10240x16xf32, #tpu.memory_space<hbm>> -> memref<128x16xf32, #tpu.memory_space<hbm>>
        tpu.enqueue_dma source(%arg22 : memref<128x16xf32, #tpu.memory_space<vmem>>) target(%dma_start3A_112 : memref<128x16xf32, #tpu.memory_space<hbm>>) target_semaphore(%run_scoped3A : memref<!tpu.dma_semaphore, #tpu.memory_space<semaphore_mem>>)
        %dma_wait3A = arith.constant 0 : i32
        %dma_wait3A_113 = tpu.memref_slice %arg15[%add3A_97, %dma_wait3A] : memref<10240x16xf32, #tpu.memory_space<hbm>> -> memref<128x16xf32, #tpu.memory_space<hbm>>
        %dma_wait3A_114 = arith.constant 0 : i32
        %dma_wait3A_115 = tpu.memref_slice %arg15[%add3A_97, %dma_wait3A_114] : memref<10240x16xf32, #tpu.memory_space<hbm>> -> memref<128x16xf32, #tpu.memory_space<hbm>>
        tpu.wait_dma2 semaphore(%run_scoped3A : memref<!tpu.dma_semaphore, #tpu.memory_space<semaphore_mem>>) src(%arg22 : memref<128x16xf32, #tpu.memory_space<vmem>>) dst(%dma_wait3A_115 : memref<128x16xf32, #tpu.memory_space<hbm>>)
        tpu.yield
      }) : () -> ()
      %add3A_98 = arith.constant 256 : i32
      %add3A_99 = arith.addi %mul3A_0, %add3A_98 : i32
      "tpu.region"() ({
        %run_scoped3A = tpu.sem_alloc : memref<!tpu.dma_semaphore, #tpu.memory_space<semaphore_mem>>
        %dma_start3A = arith.constant 0 : i32
        %dma_start3A_110 = tpu.memref_slice %arg24[%add3A_99, %dma_start3A] : memref<10240x16xf32, #tpu.memory_space<vmem_shared>> -> memref<128x16xf32, #tpu.memory_space<vmem_shared>>
        %dma_start3A_111 = arith.constant 0 : i32
        %dma_start3A_112 = tpu.memref_slice %arg24[%add3A_99, %dma_start3A_111] : memref<10240x16xf32, #tpu.memory_space<vmem_shared>> -> memref<128x16xf32, #tpu.memory_space<vmem_shared>>
        tpu.enqueue_dma source(%dma_start3A_112 : memref<128x16xf32, #tpu.memory_space<vmem_shared>>) target(%arg22 : memref<128x16xf32, #tpu.memory_space<vmem>>) target_semaphore(%run_scoped3A : memref<!tpu.dma_semaphore, #tpu.memory_space<semaphore_mem>>)
        %dma_wait3A = arith.constant 0 : i32
        %dma_wait3A_113 = tpu.memref_slice %arg24[%add3A_99, %dma_wait3A] : memref<10240x16xf32, #tpu.memory_space<vmem_shared>> -> memref<128x16xf32, #tpu.memory_space<vmem_shared>>
        %dma_wait3A_114 = arith.constant 0 : i32
        %dma_wait3A_115 = tpu.memref_slice %arg24[%add3A_99, %dma_wait3A_114] : memref<10240x16xf32, #tpu.memory_space<vmem_shared>> -> memref<128x16xf32, #tpu.memory_space<vmem_shared>>
        tpu.wait_dma2 semaphore(%run_scoped3A : memref<!tpu.dma_semaphore, #tpu.memory_space<semaphore_mem>>) src(%dma_wait3A_115 : memref<128x16xf32, #tpu.memory_space<vmem_shared>>) dst(%arg22 : memref<128x16xf32, #tpu.memory_space<vmem>>)
        tpu.yield
      }) : () -> ()
      %add3A_100 = arith.constant 256 : i32
      %add3A_101 = arith.addi %mul3A_0, %add3A_100 : i32
      "tpu.region"() ({
        %run_scoped3A = tpu.sem_alloc : memref<!tpu.dma_semaphore, #tpu.memory_space<semaphore_mem>>
        %dma_start3A = arith.constant 0 : i32
        %dma_start3A_110 = tpu.memref_slice %arg15[%add3A_101, %dma_start3A] : memref<10240x16xf32, #tpu.memory_space<hbm>> -> memref<128x16xf32, #tpu.memory_space<hbm>>
        %dma_start3A_111 = arith.constant 0 : i32
        %dma_start3A_112 = tpu.memref_slice %arg15[%add3A_101, %dma_start3A_111] : memref<10240x16xf32, #tpu.memory_space<hbm>> -> memref<128x16xf32, #tpu.memory_space<hbm>>
        tpu.enqueue_dma source(%arg22 : memref<128x16xf32, #tpu.memory_space<vmem>>) target(%dma_start3A_112 : memref<128x16xf32, #tpu.memory_space<hbm>>) target_semaphore(%run_scoped3A : memref<!tpu.dma_semaphore, #tpu.memory_space<semaphore_mem>>)
        %dma_wait3A = arith.constant 0 : i32
        %dma_wait3A_113 = tpu.memref_slice %arg15[%add3A_101, %dma_wait3A] : memref<10240x16xf32, #tpu.memory_space<hbm>> -> memref<128x16xf32, #tpu.memory_space<hbm>>
        %dma_wait3A_114 = arith.constant 0 : i32
        %dma_wait3A_115 = tpu.memref_slice %arg15[%add3A_101, %dma_wait3A_114] : memref<10240x16xf32, #tpu.memory_space<hbm>> -> memref<128x16xf32, #tpu.memory_space<hbm>>
        tpu.wait_dma2 semaphore(%run_scoped3A : memref<!tpu.dma_semaphore, #tpu.memory_space<semaphore_mem>>) src(%arg22 : memref<128x16xf32, #tpu.memory_space<vmem>>) dst(%dma_wait3A_115 : memref<128x16xf32, #tpu.memory_space<hbm>>)
        tpu.yield
      }) : () -> ()
      %add3A_102 = arith.constant 384 : i32
      %add3A_103 = arith.addi %mul3A_0, %add3A_102 : i32
      "tpu.region"() ({
        %run_scoped3A = tpu.sem_alloc : memref<!tpu.dma_semaphore, #tpu.memory_space<semaphore_mem>>
        %dma_start3A = arith.constant 0 : i32
        %dma_start3A_110 = tpu.memref_slice %arg24[%add3A_103, %dma_start3A] : memref<10240x16xf32, #tpu.memory_space<vmem_shared>> -> memref<128x16xf32, #tpu.memory_space<vmem_shared>>
        %dma_start3A_111 = arith.constant 0 : i32
        %dma_start3A_112 = tpu.memref_slice %arg24[%add3A_103, %dma_start3A_111] : memref<10240x16xf32, #tpu.memory_space<vmem_shared>> -> memref<128x16xf32, #tpu.memory_space<vmem_shared>>
        tpu.enqueue_dma source(%dma_start3A_112 : memref<128x16xf32, #tpu.memory_space<vmem_shared>>) target(%arg22 : memref<128x16xf32, #tpu.memory_space<vmem>>) target_semaphore(%run_scoped3A : memref<!tpu.dma_semaphore, #tpu.memory_space<semaphore_mem>>)
        %dma_wait3A = arith.constant 0 : i32
        %dma_wait3A_113 = tpu.memref_slice %arg24[%add3A_103, %dma_wait3A] : memref<10240x16xf32, #tpu.memory_space<vmem_shared>> -> memref<128x16xf32, #tpu.memory_space<vmem_shared>>
        %dma_wait3A_114 = arith.constant 0 : i32
        %dma_wait3A_115 = tpu.memref_slice %arg24[%add3A_103, %dma_wait3A_114] : memref<10240x16xf32, #tpu.memory_space<vmem_shared>> -> memref<128x16xf32, #tpu.memory_space<vmem_shared>>
        tpu.wait_dma2 semaphore(%run_scoped3A : memref<!tpu.dma_semaphore, #tpu.memory_space<semaphore_mem>>) src(%dma_wait3A_115 : memref<128x16xf32, #tpu.memory_space<vmem_shared>>) dst(%arg22 : memref<128x16xf32, #tpu.memory_space<vmem>>)
        tpu.yield
      }) : () -> ()
      %add3A_104 = arith.constant 384 : i32
      %add3A_105 = arith.addi %mul3A_0, %add3A_104 : i32
      "tpu.region"() ({
        %run_scoped3A = tpu.sem_alloc : memref<!tpu.dma_semaphore, #tpu.memory_space<semaphore_mem>>
        %dma_start3A = arith.constant 0 : i32
        %dma_start3A_110 = tpu.memref_slice %arg15[%add3A_105, %dma_start3A] : memref<10240x16xf32, #tpu.memory_space<hbm>> -> memref<128x16xf32, #tpu.memory_space<hbm>>
        %dma_start3A_111 = arith.constant 0 : i32
        %dma_start3A_112 = tpu.memref_slice %arg15[%add3A_105, %dma_start3A_111] : memref<10240x16xf32, #tpu.memory_space<hbm>> -> memref<128x16xf32, #tpu.memory_space<hbm>>
        tpu.enqueue_dma source(%arg22 : memref<128x16xf32, #tpu.memory_space<vmem>>) target(%dma_start3A_112 : memref<128x16xf32, #tpu.memory_space<hbm>>) target_semaphore(%run_scoped3A : memref<!tpu.dma_semaphore, #tpu.memory_space<semaphore_mem>>)
        %dma_wait3A = arith.constant 0 : i32
        %dma_wait3A_113 = tpu.memref_slice %arg15[%add3A_105, %dma_wait3A] : memref<10240x16xf32, #tpu.memory_space<hbm>> -> memref<128x16xf32, #tpu.memory_space<hbm>>
        %dma_wait3A_114 = arith.constant 0 : i32
        %dma_wait3A_115 = tpu.memref_slice %arg15[%add3A_105, %dma_wait3A_114] : memref<10240x16xf32, #tpu.memory_space<hbm>> -> memref<128x16xf32, #tpu.memory_space<hbm>>
        tpu.wait_dma2 semaphore(%run_scoped3A : memref<!tpu.dma_semaphore, #tpu.memory_space<semaphore_mem>>) src(%arg22 : memref<128x16xf32, #tpu.memory_space<vmem>>) dst(%dma_wait3A_115 : memref<128x16xf32, #tpu.memory_space<hbm>>)
        tpu.yield
      }) : () -> ()
      %add3A_106 = arith.constant 512 : i32
      %add3A_107 = arith.addi %mul3A_0, %add3A_106 : i32
      "tpu.region"() ({
        %run_scoped3A = tpu.sem_alloc : memref<!tpu.dma_semaphore, #tpu.memory_space<semaphore_mem>>
        %dma_start3A = arith.constant 0 : i32
        %dma_start3A_110 = tpu.memref_slice %arg24[%add3A_107, %dma_start3A] : memref<10240x16xf32, #tpu.memory_space<vmem_shared>> -> memref<128x16xf32, #tpu.memory_space<vmem_shared>>
        %dma_start3A_111 = arith.constant 0 : i32
        %dma_start3A_112 = tpu.memref_slice %arg24[%add3A_107, %dma_start3A_111] : memref<10240x16xf32, #tpu.memory_space<vmem_shared>> -> memref<128x16xf32, #tpu.memory_space<vmem_shared>>
        tpu.enqueue_dma source(%dma_start3A_112 : memref<128x16xf32, #tpu.memory_space<vmem_shared>>) target(%arg22 : memref<128x16xf32, #tpu.memory_space<vmem>>) target_semaphore(%run_scoped3A : memref<!tpu.dma_semaphore, #tpu.memory_space<semaphore_mem>>)
        %dma_wait3A = arith.constant 0 : i32
        %dma_wait3A_113 = tpu.memref_slice %arg24[%add3A_107, %dma_wait3A] : memref<10240x16xf32, #tpu.memory_space<vmem_shared>> -> memref<128x16xf32, #tpu.memory_space<vmem_shared>>
        %dma_wait3A_114 = arith.constant 0 : i32
        %dma_wait3A_115 = tpu.memref_slice %arg24[%add3A_107, %dma_wait3A_114] : memref<10240x16xf32, #tpu.memory_space<vmem_shared>> -> memref<128x16xf32, #tpu.memory_space<vmem_shared>>
        tpu.wait_dma2 semaphore(%run_scoped3A : memref<!tpu.dma_semaphore, #tpu.memory_space<semaphore_mem>>) src(%dma_wait3A_115 : memref<128x16xf32, #tpu.memory_space<vmem_shared>>) dst(%arg22 : memref<128x16xf32, #tpu.memory_space<vmem>>)
        tpu.yield
      }) : () -> ()
      %add3A_108 = arith.constant 512 : i32
      %add3A_109 = arith.addi %mul3A_0, %add3A_108 : i32
      "tpu.region"() ({
        %run_scoped3A = tpu.sem_alloc : memref<!tpu.dma_semaphore, #tpu.memory_space<semaphore_mem>>
        %dma_start3A = arith.constant 0 : i32
        %dma_start3A_110 = tpu.memref_slice %arg15[%add3A_109, %dma_start3A] : memref<10240x16xf32, #tpu.memory_space<hbm>> -> memref<128x16xf32, #tpu.memory_space<hbm>>
        %dma_start3A_111 = arith.constant 0 : i32
        %dma_start3A_112 = tpu.memref_slice %arg15[%add3A_109, %dma_start3A_111] : memref<10240x16xf32, #tpu.memory_space<hbm>> -> memref<128x16xf32, #tpu.memory_space<hbm>>
        tpu.enqueue_dma source(%arg22 : memref<128x16xf32, #tpu.memory_space<vmem>>) target(%dma_start3A_112 : memref<128x16xf32, #tpu.memory_space<hbm>>) target_semaphore(%run_scoped3A : memref<!tpu.dma_semaphore, #tpu.memory_space<semaphore_mem>>)
        %dma_wait3A = arith.constant 0 : i32
        %dma_wait3A_113 = tpu.memref_slice %arg15[%add3A_109, %dma_wait3A] : memref<10240x16xf32, #tpu.memory_space<hbm>> -> memref<128x16xf32, #tpu.memory_space<hbm>>
        %dma_wait3A_114 = arith.constant 0 : i32
        %dma_wait3A_115 = tpu.memref_slice %arg15[%add3A_109, %dma_wait3A_114] : memref<10240x16xf32, #tpu.memory_space<hbm>> -> memref<128x16xf32, #tpu.memory_space<hbm>>
        tpu.wait_dma2 semaphore(%run_scoped3A : memref<!tpu.dma_semaphore, #tpu.memory_space<semaphore_mem>>) src(%arg22 : memref<128x16xf32, #tpu.memory_space<vmem>>) dst(%dma_wait3A_115 : memref<128x16xf32, #tpu.memory_space<hbm>>)
        tpu.yield
      }) : () -> ()
    } else {
    }
    %eq3A_28 = arith.constant 1 : i32
    %eq3A_29 = arith.cmpi eq, %arg0, %eq3A_28 : i32
    %convert_element_type3A_30 = arith.extui %eq3A_29 : i1 to i32
    %cond3A_31 = arith.constant 0 : i32
    %cond3A_32 = arith.cmpi ne, %convert_element_type3A_30, %cond3A_31 : i32
    scf.if %cond3A_32 {
      %add3A_70 = arith.constant 0 : i32
      %add3A_71 = arith.addi %mul3A_0, %add3A_70 : i32
      "tpu.region"() ({
        %run_scoped3A = tpu.sem_alloc : memref<!tpu.dma_semaphore, #tpu.memory_space<semaphore_mem>>
        %dma_start3A = arith.constant 0 : i32
        %dma_start3A_90 = tpu.memref_slice %arg23[%add3A_71, %dma_start3A] : memref<10240x128xf32, #tpu.memory_space<vmem_shared>> -> memref<128x128xf32, #tpu.memory_space<vmem_shared>>
        %dma_start3A_91 = arith.constant 0 : i32
        %dma_start3A_92 = tpu.memref_slice %arg23[%add3A_71, %dma_start3A_91] : memref<10240x128xf32, #tpu.memory_space<vmem_shared>> -> memref<128x128xf32, #tpu.memory_space<vmem_shared>>
        tpu.enqueue_dma source(%dma_start3A_92 : memref<128x128xf32, #tpu.memory_space<vmem_shared>>) target(%arg21 : memref<128x128xf32, #tpu.memory_space<vmem>>) target_semaphore(%run_scoped3A : memref<!tpu.dma_semaphore, #tpu.memory_space<semaphore_mem>>)
        %dma_wait3A = arith.constant 0 : i32
        %dma_wait3A_93 = tpu.memref_slice %arg23[%add3A_71, %dma_wait3A] : memref<10240x128xf32, #tpu.memory_space<vmem_shared>> -> memref<128x128xf32, #tpu.memory_space<vmem_shared>>
        %dma_wait3A_94 = arith.constant 0 : i32
        %dma_wait3A_95 = tpu.memref_slice %arg23[%add3A_71, %dma_wait3A_94] : memref<10240x128xf32, #tpu.memory_space<vmem_shared>> -> memref<128x128xf32, #tpu.memory_space<vmem_shared>>
        tpu.wait_dma2 semaphore(%run_scoped3A : memref<!tpu.dma_semaphore, #tpu.memory_space<semaphore_mem>>) src(%dma_wait3A_95 : memref<128x128xf32, #tpu.memory_space<vmem_shared>>) dst(%arg21 : memref<128x128xf32, #tpu.memory_space<vmem>>)
        tpu.yield
      }) : () -> ()
      %add3A_72 = arith.constant 0 : i32
      %add3A_73 = arith.addi %mul3A_0, %add3A_72 : i32
      "tpu.region"() ({
        %run_scoped3A = tpu.sem_alloc : memref<!tpu.dma_semaphore, #tpu.memory_space<semaphore_mem>>
        %dma_start3A = arith.constant 0 : i32
        %dma_start3A_90 = tpu.memref_slice %arg14[%add3A_73, %dma_start3A] : memref<10240x128xf32, #tpu.memory_space<hbm>> -> memref<128x128xf32, #tpu.memory_space<hbm>>
        %dma_start3A_91 = arith.constant 0 : i32
        %dma_start3A_92 = tpu.memref_slice %arg14[%add3A_73, %dma_start3A_91] : memref<10240x128xf32, #tpu.memory_space<hbm>> -> memref<128x128xf32, #tpu.memory_space<hbm>>
        tpu.enqueue_dma source(%arg21 : memref<128x128xf32, #tpu.memory_space<vmem>>) target(%dma_start3A_92 : memref<128x128xf32, #tpu.memory_space<hbm>>) target_semaphore(%run_scoped3A : memref<!tpu.dma_semaphore, #tpu.memory_space<semaphore_mem>>)
        %dma_wait3A = arith.constant 0 : i32
        %dma_wait3A_93 = tpu.memref_slice %arg14[%add3A_73, %dma_wait3A] : memref<10240x128xf32, #tpu.memory_space<hbm>> -> memref<128x128xf32, #tpu.memory_space<hbm>>
        %dma_wait3A_94 = arith.constant 0 : i32
        %dma_wait3A_95 = tpu.memref_slice %arg14[%add3A_73, %dma_wait3A_94] : memref<10240x128xf32, #tpu.memory_space<hbm>> -> memref<128x128xf32, #tpu.memory_space<hbm>>
        tpu.wait_dma2 semaphore(%run_scoped3A : memref<!tpu.dma_semaphore, #tpu.memory_space<semaphore_mem>>) src(%arg21 : memref<128x128xf32, #tpu.memory_space<vmem>>) dst(%dma_wait3A_95 : memref<128x128xf32, #tpu.memory_space<hbm>>)
        tpu.yield
      }) : () -> ()
      %add3A_74 = arith.constant 128 : i32
      %add3A_75 = arith.addi %mul3A_0, %add3A_74 : i32
      "tpu.region"() ({
        %run_scoped3A = tpu.sem_alloc : memref<!tpu.dma_semaphore, #tpu.memory_space<semaphore_mem>>
        %dma_start3A = arith.constant 0 : i32
        %dma_start3A_90 = tpu.memref_slice %arg23[%add3A_75, %dma_start3A] : memref<10240x128xf32, #tpu.memory_space<vmem_shared>> -> memref<128x128xf32, #tpu.memory_space<vmem_shared>>
        %dma_start3A_91 = arith.constant 0 : i32
        %dma_start3A_92 = tpu.memref_slice %arg23[%add3A_75, %dma_start3A_91] : memref<10240x128xf32, #tpu.memory_space<vmem_shared>> -> memref<128x128xf32, #tpu.memory_space<vmem_shared>>
        tpu.enqueue_dma source(%dma_start3A_92 : memref<128x128xf32, #tpu.memory_space<vmem_shared>>) target(%arg21 : memref<128x128xf32, #tpu.memory_space<vmem>>) target_semaphore(%run_scoped3A : memref<!tpu.dma_semaphore, #tpu.memory_space<semaphore_mem>>)
        %dma_wait3A = arith.constant 0 : i32
        %dma_wait3A_93 = tpu.memref_slice %arg23[%add3A_75, %dma_wait3A] : memref<10240x128xf32, #tpu.memory_space<vmem_shared>> -> memref<128x128xf32, #tpu.memory_space<vmem_shared>>
        %dma_wait3A_94 = arith.constant 0 : i32
        %dma_wait3A_95 = tpu.memref_slice %arg23[%add3A_75, %dma_wait3A_94] : memref<10240x128xf32, #tpu.memory_space<vmem_shared>> -> memref<128x128xf32, #tpu.memory_space<vmem_shared>>
        tpu.wait_dma2 semaphore(%run_scoped3A : memref<!tpu.dma_semaphore, #tpu.memory_space<semaphore_mem>>) src(%dma_wait3A_95 : memref<128x128xf32, #tpu.memory_space<vmem_shared>>) dst(%arg21 : memref<128x128xf32, #tpu.memory_space<vmem>>)
        tpu.yield
      }) : () -> ()
      %add3A_76 = arith.constant 128 : i32
      %add3A_77 = arith.addi %mul3A_0, %add3A_76 : i32
      "tpu.region"() ({
        %run_scoped3A = tpu.sem_alloc : memref<!tpu.dma_semaphore, #tpu.memory_space<semaphore_mem>>
        %dma_start3A = arith.constant 0 : i32
        %dma_start3A_90 = tpu.memref_slice %arg14[%add3A_77, %dma_start3A] : memref<10240x128xf32, #tpu.memory_space<hbm>> -> memref<128x128xf32, #tpu.memory_space<hbm>>
        %dma_start3A_91 = arith.constant 0 : i32
        %dma_start3A_92 = tpu.memref_slice %arg14[%add3A_77, %dma_start3A_91] : memref<10240x128xf32, #tpu.memory_space<hbm>> -> memref<128x128xf32, #tpu.memory_space<hbm>>
        tpu.enqueue_dma source(%arg21 : memref<128x128xf32, #tpu.memory_space<vmem>>) target(%dma_start3A_92 : memref<128x128xf32, #tpu.memory_space<hbm>>) target_semaphore(%run_scoped3A : memref<!tpu.dma_semaphore, #tpu.memory_space<semaphore_mem>>)
        %dma_wait3A = arith.constant 0 : i32
        %dma_wait3A_93 = tpu.memref_slice %arg14[%add3A_77, %dma_wait3A] : memref<10240x128xf32, #tpu.memory_space<hbm>> -> memref<128x128xf32, #tpu.memory_space<hbm>>
        %dma_wait3A_94 = arith.constant 0 : i32
        %dma_wait3A_95 = tpu.memref_slice %arg14[%add3A_77, %dma_wait3A_94] : memref<10240x128xf32, #tpu.memory_space<hbm>> -> memref<128x128xf32, #tpu.memory_space<hbm>>
        tpu.wait_dma2 semaphore(%run_scoped3A : memref<!tpu.dma_semaphore, #tpu.memory_space<semaphore_mem>>) src(%arg21 : memref<128x128xf32, #tpu.memory_space<vmem>>) dst(%dma_wait3A_95 : memref<128x128xf32, #tpu.memory_space<hbm>>)
        tpu.yield
      }) : () -> ()
      %add3A_78 = arith.constant 256 : i32
      %add3A_79 = arith.addi %mul3A_0, %add3A_78 : i32
      "tpu.region"() ({
        %run_scoped3A = tpu.sem_alloc : memref<!tpu.dma_semaphore, #tpu.memory_space<semaphore_mem>>
        %dma_start3A = arith.constant 0 : i32
        %dma_start3A_90 = tpu.memref_slice %arg23[%add3A_79, %dma_start3A] : memref<10240x128xf32, #tpu.memory_space<vmem_shared>> -> memref<128x128xf32, #tpu.memory_space<vmem_shared>>
        %dma_start3A_91 = arith.constant 0 : i32
        %dma_start3A_92 = tpu.memref_slice %arg23[%add3A_79, %dma_start3A_91] : memref<10240x128xf32, #tpu.memory_space<vmem_shared>> -> memref<128x128xf32, #tpu.memory_space<vmem_shared>>
        tpu.enqueue_dma source(%dma_start3A_92 : memref<128x128xf32, #tpu.memory_space<vmem_shared>>) target(%arg21 : memref<128x128xf32, #tpu.memory_space<vmem>>) target_semaphore(%run_scoped3A : memref<!tpu.dma_semaphore, #tpu.memory_space<semaphore_mem>>)
        %dma_wait3A = arith.constant 0 : i32
        %dma_wait3A_93 = tpu.memref_slice %arg23[%add3A_79, %dma_wait3A] : memref<10240x128xf32, #tpu.memory_space<vmem_shared>> -> memref<128x128xf32, #tpu.memory_space<vmem_shared>>
        %dma_wait3A_94 = arith.constant 0 : i32
        %dma_wait3A_95 = tpu.memref_slice %arg23[%add3A_79, %dma_wait3A_94] : memref<10240x128xf32, #tpu.memory_space<vmem_shared>> -> memref<128x128xf32, #tpu.memory_space<vmem_shared>>
        tpu.wait_dma2 semaphore(%run_scoped3A : memref<!tpu.dma_semaphore, #tpu.memory_space<semaphore_mem>>) src(%dma_wait3A_95 : memref<128x128xf32, #tpu.memory_space<vmem_shared>>) dst(%arg21 : memref<128x128xf32, #tpu.memory_space<vmem>>)
        tpu.yield
      }) : () -> ()
      %add3A_80 = arith.constant 256 : i32
      %add3A_81 = arith.addi %mul3A_0, %add3A_80 : i32
      "tpu.region"() ({
        %run_scoped3A = tpu.sem_alloc : memref<!tpu.dma_semaphore, #tpu.memory_space<semaphore_mem>>
        %dma_start3A = arith.constant 0 : i32
        %dma_start3A_90 = tpu.memref_slice %arg14[%add3A_81, %dma_start3A] : memref<10240x128xf32, #tpu.memory_space<hbm>> -> memref<128x128xf32, #tpu.memory_space<hbm>>
        %dma_start3A_91 = arith.constant 0 : i32
        %dma_start3A_92 = tpu.memref_slice %arg14[%add3A_81, %dma_start3A_91] : memref<10240x128xf32, #tpu.memory_space<hbm>> -> memref<128x128xf32, #tpu.memory_space<hbm>>
        tpu.enqueue_dma source(%arg21 : memref<128x128xf32, #tpu.memory_space<vmem>>) target(%dma_start3A_92 : memref<128x128xf32, #tpu.memory_space<hbm>>) target_semaphore(%run_scoped3A : memref<!tpu.dma_semaphore, #tpu.memory_space<semaphore_mem>>)
        %dma_wait3A = arith.constant 0 : i32
        %dma_wait3A_93 = tpu.memref_slice %arg14[%add3A_81, %dma_wait3A] : memref<10240x128xf32, #tpu.memory_space<hbm>> -> memref<128x128xf32, #tpu.memory_space<hbm>>
        %dma_wait3A_94 = arith.constant 0 : i32
        %dma_wait3A_95 = tpu.memref_slice %arg14[%add3A_81, %dma_wait3A_94] : memref<10240x128xf32, #tpu.memory_space<hbm>> -> memref<128x128xf32, #tpu.memory_space<hbm>>
        tpu.wait_dma2 semaphore(%run_scoped3A : memref<!tpu.dma_semaphore, #tpu.memory_space<semaphore_mem>>) src(%arg21 : memref<128x128xf32, #tpu.memory_space<vmem>>) dst(%dma_wait3A_95 : memref<128x128xf32, #tpu.memory_space<hbm>>)
        tpu.yield
      }) : () -> ()
      %add3A_82 = arith.constant 384 : i32
      %add3A_83 = arith.addi %mul3A_0, %add3A_82 : i32
      "tpu.region"() ({
        %run_scoped3A = tpu.sem_alloc : memref<!tpu.dma_semaphore, #tpu.memory_space<semaphore_mem>>
        %dma_start3A = arith.constant 0 : i32
        %dma_start3A_90 = tpu.memref_slice %arg23[%add3A_83, %dma_start3A] : memref<10240x128xf32, #tpu.memory_space<vmem_shared>> -> memref<128x128xf32, #tpu.memory_space<vmem_shared>>
        %dma_start3A_91 = arith.constant 0 : i32
        %dma_start3A_92 = tpu.memref_slice %arg23[%add3A_83, %dma_start3A_91] : memref<10240x128xf32, #tpu.memory_space<vmem_shared>> -> memref<128x128xf32, #tpu.memory_space<vmem_shared>>
        tpu.enqueue_dma source(%dma_start3A_92 : memref<128x128xf32, #tpu.memory_space<vmem_shared>>) target(%arg21 : memref<128x128xf32, #tpu.memory_space<vmem>>) target_semaphore(%run_scoped3A : memref<!tpu.dma_semaphore, #tpu.memory_space<semaphore_mem>>)
        %dma_wait3A = arith.constant 0 : i32
        %dma_wait3A_93 = tpu.memref_slice %arg23[%add3A_83, %dma_wait3A] : memref<10240x128xf32, #tpu.memory_space<vmem_shared>> -> memref<128x128xf32, #tpu.memory_space<vmem_shared>>
        %dma_wait3A_94 = arith.constant 0 : i32
        %dma_wait3A_95 = tpu.memref_slice %arg23[%add3A_83, %dma_wait3A_94] : memref<10240x128xf32, #tpu.memory_space<vmem_shared>> -> memref<128x128xf32, #tpu.memory_space<vmem_shared>>
        tpu.wait_dma2 semaphore(%run_scoped3A : memref<!tpu.dma_semaphore, #tpu.memory_space<semaphore_mem>>) src(%dma_wait3A_95 : memref<128x128xf32, #tpu.memory_space<vmem_shared>>) dst(%arg21 : memref<128x128xf32, #tpu.memory_space<vmem>>)
        tpu.yield
      }) : () -> ()
      %add3A_84 = arith.constant 384 : i32
      %add3A_85 = arith.addi %mul3A_0, %add3A_84 : i32
      "tpu.region"() ({
        %run_scoped3A = tpu.sem_alloc : memref<!tpu.dma_semaphore, #tpu.memory_space<semaphore_mem>>
        %dma_start3A = arith.constant 0 : i32
        %dma_start3A_90 = tpu.memref_slice %arg14[%add3A_85, %dma_start3A] : memref<10240x128xf32, #tpu.memory_space<hbm>> -> memref<128x128xf32, #tpu.memory_space<hbm>>
        %dma_start3A_91 = arith.constant 0 : i32
        %dma_start3A_92 = tpu.memref_slice %arg14[%add3A_85, %dma_start3A_91] : memref<10240x128xf32, #tpu.memory_space<hbm>> -> memref<128x128xf32, #tpu.memory_space<hbm>>
        tpu.enqueue_dma source(%arg21 : memref<128x128xf32, #tpu.memory_space<vmem>>) target(%dma_start3A_92 : memref<128x128xf32, #tpu.memory_space<hbm>>) target_semaphore(%run_scoped3A : memref<!tpu.dma_semaphore, #tpu.memory_space<semaphore_mem>>)
        %dma_wait3A = arith.constant 0 : i32
        %dma_wait3A_93 = tpu.memref_slice %arg14[%add3A_85, %dma_wait3A] : memref<10240x128xf32, #tpu.memory_space<hbm>> -> memref<128x128xf32, #tpu.memory_space<hbm>>
        %dma_wait3A_94 = arith.constant 0 : i32
        %dma_wait3A_95 = tpu.memref_slice %arg14[%add3A_85, %dma_wait3A_94] : memref<10240x128xf32, #tpu.memory_space<hbm>> -> memref<128x128xf32, #tpu.memory_space<hbm>>
        tpu.wait_dma2 semaphore(%run_scoped3A : memref<!tpu.dma_semaphore, #tpu.memory_space<semaphore_mem>>) src(%arg21 : memref<128x128xf32, #tpu.memory_space<vmem>>) dst(%dma_wait3A_95 : memref<128x128xf32, #tpu.memory_space<hbm>>)
        tpu.yield
      }) : () -> ()
      %add3A_86 = arith.constant 512 : i32
      %add3A_87 = arith.addi %mul3A_0, %add3A_86 : i32
      "tpu.region"() ({
        %run_scoped3A = tpu.sem_alloc : memref<!tpu.dma_semaphore, #tpu.memory_space<semaphore_mem>>
        %dma_start3A = arith.constant 0 : i32
        %dma_start3A_90 = tpu.memref_slice %arg23[%add3A_87, %dma_start3A] : memref<10240x128xf32, #tpu.memory_space<vmem_shared>> -> memref<128x128xf32, #tpu.memory_space<vmem_shared>>
        %dma_start3A_91 = arith.constant 0 : i32
        %dma_start3A_92 = tpu.memref_slice %arg23[%add3A_87, %dma_start3A_91] : memref<10240x128xf32, #tpu.memory_space<vmem_shared>> -> memref<128x128xf32, #tpu.memory_space<vmem_shared>>
        tpu.enqueue_dma source(%dma_start3A_92 : memref<128x128xf32, #tpu.memory_space<vmem_shared>>) target(%arg21 : memref<128x128xf32, #tpu.memory_space<vmem>>) target_semaphore(%run_scoped3A : memref<!tpu.dma_semaphore, #tpu.memory_space<semaphore_mem>>)
        %dma_wait3A = arith.constant 0 : i32
        %dma_wait3A_93 = tpu.memref_slice %arg23[%add3A_87, %dma_wait3A] : memref<10240x128xf32, #tpu.memory_space<vmem_shared>> -> memref<128x128xf32, #tpu.memory_space<vmem_shared>>
        %dma_wait3A_94 = arith.constant 0 : i32
        %dma_wait3A_95 = tpu.memref_slice %arg23[%add3A_87, %dma_wait3A_94] : memref<10240x128xf32, #tpu.memory_space<vmem_shared>> -> memref<128x128xf32, #tpu.memory_space<vmem_shared>>
        tpu.wait_dma2 semaphore(%run_scoped3A : memref<!tpu.dma_semaphore, #tpu.memory_space<semaphore_mem>>) src(%dma_wait3A_95 : memref<128x128xf32, #tpu.memory_space<vmem_shared>>) dst(%arg21 : memref<128x128xf32, #tpu.memory_space<vmem>>)
        tpu.yield
      }) : () -> ()
      %add3A_88 = arith.constant 512 : i32
      %add3A_89 = arith.addi %mul3A_0, %add3A_88 : i32
      "tpu.region"() ({
        %run_scoped3A = tpu.sem_alloc : memref<!tpu.dma_semaphore, #tpu.memory_space<semaphore_mem>>
        %dma_start3A = arith.constant 0 : i32
        %dma_start3A_90 = tpu.memref_slice %arg14[%add3A_89, %dma_start3A] : memref<10240x128xf32, #tpu.memory_space<hbm>> -> memref<128x128xf32, #tpu.memory_space<hbm>>
        %dma_start3A_91 = arith.constant 0 : i32
        %dma_start3A_92 = tpu.memref_slice %arg14[%add3A_89, %dma_start3A_91] : memref<10240x128xf32, #tpu.memory_space<hbm>> -> memref<128x128xf32, #tpu.memory_space<hbm>>
        tpu.enqueue_dma source(%arg21 : memref<128x128xf32, #tpu.memory_space<vmem>>) target(%dma_start3A_92 : memref<128x128xf32, #tpu.memory_space<hbm>>) target_semaphore(%run_scoped3A : memref<!tpu.dma_semaphore, #tpu.memory_space<semaphore_mem>>)
        %dma_wait3A = arith.constant 0 : i32
        %dma_wait3A_93 = tpu.memref_slice %arg14[%add3A_89, %dma_wait3A] : memref<10240x128xf32, #tpu.memory_space<hbm>> -> memref<128x128xf32, #tpu.memory_space<hbm>>
        %dma_wait3A_94 = arith.constant 0 : i32
        %dma_wait3A_95 = tpu.memref_slice %arg14[%add3A_89, %dma_wait3A_94] : memref<10240x128xf32, #tpu.memory_space<hbm>> -> memref<128x128xf32, #tpu.memory_space<hbm>>
        tpu.wait_dma2 semaphore(%run_scoped3A : memref<!tpu.dma_semaphore, #tpu.memory_space<semaphore_mem>>) src(%arg21 : memref<128x128xf32, #tpu.memory_space<vmem>>) dst(%dma_wait3A_95 : memref<128x128xf32, #tpu.memory_space<hbm>>)
        tpu.yield
      }) : () -> ()
    } else {
    }
    "tpu.region"() ({
      %run_scoped3A = tpu.sem_alloc : memref<!tpu.dma_semaphore, #tpu.memory_space<semaphore_mem>>
      tpu.enqueue_dma source(%arg10 : memref<128x128xf32, #tpu.memory_space<hbm>>) target(%arg21 : memref<128x128xf32, #tpu.memory_space<vmem>>) target_semaphore(%run_scoped3A : memref<!tpu.dma_semaphore, #tpu.memory_space<semaphore_mem>>)
      tpu.wait_dma2 semaphore(%run_scoped3A : memref<!tpu.dma_semaphore, #tpu.memory_space<semaphore_mem>>) src(%arg10 : memref<128x128xf32, #tpu.memory_space<hbm>>) dst(%arg21 : memref<128x128xf32, #tpu.memory_space<vmem>>)
      tpu.yield
    }) : () -> ()
    %add3A_33 = arith.constant 0 : i32
    %add3A_34 = arith.addi %mul3A_0, %add3A_33 : i32
    "tpu.region"() ({
      %run_scoped3A = tpu.sem_alloc : memref<!tpu.dma_semaphore, #tpu.memory_space<semaphore_mem>>
      %dma_start3A = arith.constant 0 : i32
      %dma_start3A_70 = tpu.memref_slice %arg23[%add3A_34, %dma_start3A] : memref<10240x128xf32, #tpu.memory_space<vmem_shared>> -> memref<128x128xf32, #tpu.memory_space<vmem_shared>>
      %dma_start3A_71 = arith.constant 0 : i32
      %dma_start3A_72 = tpu.memref_slice %arg23[%add3A_34, %dma_start3A_71] : memref<10240x128xf32, #tpu.memory_space<vmem_shared>> -> memref<128x128xf32, #tpu.memory_space<vmem_shared>>
      tpu.enqueue_dma source(%arg21 : memref<128x128xf32, #tpu.memory_space<vmem>>) target(%dma_start3A_72 : memref<128x128xf32, #tpu.memory_space<vmem_shared>>) target_semaphore(%run_scoped3A : memref<!tpu.dma_semaphore, #tpu.memory_space<semaphore_mem>>)
      %dma_wait3A = arith.constant 0 : i32
      %dma_wait3A_73 = tpu.memref_slice %arg23[%add3A_34, %dma_wait3A] : memref<10240x128xf32, #tpu.memory_space<vmem_shared>> -> memref<128x128xf32, #tpu.memory_space<vmem_shared>>
      %dma_wait3A_74 = arith.constant 0 : i32
      %dma_wait3A_75 = tpu.memref_slice %arg23[%add3A_34, %dma_wait3A_74] : memref<10240x128xf32, #tpu.memory_space<vmem_shared>> -> memref<128x128xf32, #tpu.memory_space<vmem_shared>>
      tpu.wait_dma2 semaphore(%run_scoped3A : memref<!tpu.dma_semaphore, #tpu.memory_space<semaphore_mem>>) src(%arg21 : memref<128x128xf32, #tpu.memory_space<vmem>>) dst(%dma_wait3A_75 : memref<128x128xf32, #tpu.memory_space<vmem_shared>>)
      tpu.yield
    }) : () -> ()
    %add3A_35 = arith.constant 128 : i32
    %add3A_36 = arith.addi %mul3A_0, %add3A_35 : i32
    "tpu.region"() ({
      %run_scoped3A = tpu.sem_alloc : memref<!tpu.dma_semaphore, #tpu.memory_space<semaphore_mem>>
      %dma_start3A = arith.constant 0 : i32
      %dma_start3A_70 = tpu.memref_slice %arg23[%add3A_36, %dma_start3A] : memref<10240x128xf32, #tpu.memory_space<vmem_shared>> -> memref<128x128xf32, #tpu.memory_space<vmem_shared>>
      %dma_start3A_71 = arith.constant 0 : i32
      %dma_start3A_72 = tpu.memref_slice %arg23[%add3A_36, %dma_start3A_71] : memref<10240x128xf32, #tpu.memory_space<vmem_shared>> -> memref<128x128xf32, #tpu.memory_space<vmem_shared>>
      tpu.enqueue_dma source(%arg21 : memref<128x128xf32, #tpu.memory_space<vmem>>) target(%dma_start3A_72 : memref<128x128xf32, #tpu.memory_space<vmem_shared>>) target_semaphore(%run_scoped3A : memref<!tpu.dma_semaphore, #tpu.memory_space<semaphore_mem>>)
      %dma_wait3A = arith.constant 0 : i32
      %dma_wait3A_73 = tpu.memref_slice %arg23[%add3A_36, %dma_wait3A] : memref<10240x128xf32, #tpu.memory_space<vmem_shared>> -> memref<128x128xf32, #tpu.memory_space<vmem_shared>>
      %dma_wait3A_74 = arith.constant 0 : i32
      %dma_wait3A_75 = tpu.memref_slice %arg23[%add3A_36, %dma_wait3A_74] : memref<10240x128xf32, #tpu.memory_space<vmem_shared>> -> memref<128x128xf32, #tpu.memory_space<vmem_shared>>
      tpu.wait_dma2 semaphore(%run_scoped3A : memref<!tpu.dma_semaphore, #tpu.memory_space<semaphore_mem>>) src(%arg21 : memref<128x128xf32, #tpu.memory_space<vmem>>) dst(%dma_wait3A_75 : memref<128x128xf32, #tpu.memory_space<vmem_shared>>)
      tpu.yield
    }) : () -> ()
    %add3A_37 = arith.constant 256 : i32
    %add3A_38 = arith.addi %mul3A_0, %add3A_37 : i32
    "tpu.region"() ({
      %run_scoped3A = tpu.sem_alloc : memref<!tpu.dma_semaphore, #tpu.memory_space<semaphore_mem>>
      %dma_start3A = arith.constant 0 : i32
      %dma_start3A_70 = tpu.memref_slice %arg23[%add3A_38, %dma_start3A] : memref<10240x128xf32, #tpu.memory_space<vmem_shared>> -> memref<128x128xf32, #tpu.memory_space<vmem_shared>>
      %dma_start3A_71 = arith.constant 0 : i32
      %dma_start3A_72 = tpu.memref_slice %arg23[%add3A_38, %dma_start3A_71] : memref<10240x128xf32, #tpu.memory_space<vmem_shared>> -> memref<128x128xf32, #tpu.memory_space<vmem_shared>>
      tpu.enqueue_dma source(%arg21 : memref<128x128xf32, #tpu.memory_space<vmem>>) target(%dma_start3A_72 : memref<128x128xf32, #tpu.memory_space<vmem_shared>>) target_semaphore(%run_scoped3A : memref<!tpu.dma_semaphore, #tpu.memory_space<semaphore_mem>>)
      %dma_wait3A = arith.constant 0 : i32
      %dma_wait3A_73 = tpu.memref_slice %arg23[%add3A_38, %dma_wait3A] : memref<10240x128xf32, #tpu.memory_space<vmem_shared>> -> memref<128x128xf32, #tpu.memory_space<vmem_shared>>
      %dma_wait3A_74 = arith.constant 0 : i32
      %dma_wait3A_75 = tpu.memref_slice %arg23[%add3A_38, %dma_wait3A_74] : memref<10240x128xf32, #tpu.memory_space<vmem_shared>> -> memref<128x128xf32, #tpu.memory_space<vmem_shared>>
      tpu.wait_dma2 semaphore(%run_scoped3A : memref<!tpu.dma_semaphore, #tpu.memory_space<semaphore_mem>>) src(%arg21 : memref<128x128xf32, #tpu.memory_space<vmem>>) dst(%dma_wait3A_75 : memref<128x128xf32, #tpu.memory_space<vmem_shared>>)
      tpu.yield
    }) : () -> ()
    %add3A_39 = arith.constant 384 : i32
    %add3A_40 = arith.addi %mul3A_0, %add3A_39 : i32
    "tpu.region"() ({
      %run_scoped3A = tpu.sem_alloc : memref<!tpu.dma_semaphore, #tpu.memory_space<semaphore_mem>>
      %dma_start3A = arith.constant 0 : i32
      %dma_start3A_70 = tpu.memref_slice %arg23[%add3A_40, %dma_start3A] : memref<10240x128xf32, #tpu.memory_space<vmem_shared>> -> memref<128x128xf32, #tpu.memory_space<vmem_shared>>
      %dma_start3A_71 = arith.constant 0 : i32
      %dma_start3A_72 = tpu.memref_slice %arg23[%add3A_40, %dma_start3A_71] : memref<10240x128xf32, #tpu.memory_space<vmem_shared>> -> memref<128x128xf32, #tpu.memory_space<vmem_shared>>
      tpu.enqueue_dma source(%arg21 : memref<128x128xf32, #tpu.memory_space<vmem>>) target(%dma_start3A_72 : memref<128x128xf32, #tpu.memory_space<vmem_shared>>) target_semaphore(%run_scoped3A : memref<!tpu.dma_semaphore, #tpu.memory_space<semaphore_mem>>)
      %dma_wait3A = arith.constant 0 : i32
      %dma_wait3A_73 = tpu.memref_slice %arg23[%add3A_40, %dma_wait3A] : memref<10240x128xf32, #tpu.memory_space<vmem_shared>> -> memref<128x128xf32, #tpu.memory_space<vmem_shared>>
      %dma_wait3A_74 = arith.constant 0 : i32
      %dma_wait3A_75 = tpu.memref_slice %arg23[%add3A_40, %dma_wait3A_74] : memref<10240x128xf32, #tpu.memory_space<vmem_shared>> -> memref<128x128xf32, #tpu.memory_space<vmem_shared>>
      tpu.wait_dma2 semaphore(%run_scoped3A : memref<!tpu.dma_semaphore, #tpu.memory_space<semaphore_mem>>) src(%arg21 : memref<128x128xf32, #tpu.memory_space<vmem>>) dst(%dma_wait3A_75 : memref<128x128xf32, #tpu.memory_space<vmem_shared>>)
      tpu.yield
    }) : () -> ()
    %add3A_41 = arith.constant 512 : i32
    %add3A_42 = arith.addi %mul3A_0, %add3A_41 : i32
    "tpu.region"() ({
      %run_scoped3A = tpu.sem_alloc : memref<!tpu.dma_semaphore, #tpu.memory_space<semaphore_mem>>
      %dma_start3A = arith.constant 0 : i32
      %dma_start3A_70 = tpu.memref_slice %arg23[%add3A_42, %dma_start3A] : memref<10240x128xf32, #tpu.memory_space<vmem_shared>> -> memref<128x128xf32, #tpu.memory_space<vmem_shared>>
      %dma_start3A_71 = arith.constant 0 : i32
      %dma_start3A_72 = tpu.memref_slice %arg23[%add3A_42, %dma_start3A_71] : memref<10240x128xf32, #tpu.memory_space<vmem_shared>> -> memref<128x128xf32, #tpu.memory_space<vmem_shared>>
      tpu.enqueue_dma source(%arg21 : memref<128x128xf32, #tpu.memory_space<vmem>>) target(%dma_start3A_72 : memref<128x128xf32, #tpu.memory_space<vmem_shared>>) target_semaphore(%run_scoped3A : memref<!tpu.dma_semaphore, #tpu.memory_space<semaphore_mem>>)
      %dma_wait3A = arith.constant 0 : i32
      %dma_wait3A_73 = tpu.memref_slice %arg23[%add3A_42, %dma_wait3A] : memref<10240x128xf32, #tpu.memory_space<vmem_shared>> -> memref<128x128xf32, #tpu.memory_space<vmem_shared>>
      %dma_wait3A_74 = arith.constant 0 : i32
      %dma_wait3A_75 = tpu.memref_slice %arg23[%add3A_42, %dma_wait3A_74] : memref<10240x128xf32, #tpu.memory_space<vmem_shared>> -> memref<128x128xf32, #tpu.memory_space<vmem_shared>>
      tpu.wait_dma2 semaphore(%run_scoped3A : memref<!tpu.dma_semaphore, #tpu.memory_space<semaphore_mem>>) src(%arg21 : memref<128x128xf32, #tpu.memory_space<vmem>>) dst(%dma_wait3A_75 : memref<128x128xf32, #tpu.memory_space<vmem_shared>>)
      tpu.yield
    }) : () -> ()
    %eq3A_43 = arith.constant 0 : i32
    %eq3A_44 = arith.cmpi eq, %arg0, %eq3A_43 : i32
    %convert_element_type3A_45 = arith.extui %eq3A_44 : i1 to i32
    %cond3A_46 = arith.constant 0 : i32
    %cond3A_47 = arith.cmpi ne, %convert_element_type3A_45, %cond3A_46 : i32
    scf.if %cond3A_47 {
      "tpu.region"() ({
        %run_scoped3A = tpu.sem_alloc : memref<!tpu.dma_semaphore, #tpu.memory_space<semaphore_mem>>
        tpu.enqueue_dma source(%arg11 : memref<128x16xf32, #tpu.memory_space<hbm>>) target(%arg22 : memref<128x16xf32, #tpu.memory_space<vmem>>) target_semaphore(%run_scoped3A : memref<!tpu.dma_semaphore, #tpu.memory_space<semaphore_mem>>)
        tpu.wait_dma2 semaphore(%run_scoped3A : memref<!tpu.dma_semaphore, #tpu.memory_space<semaphore_mem>>) src(%arg11 : memref<128x16xf32, #tpu.memory_space<hbm>>) dst(%arg22 : memref<128x16xf32, #tpu.memory_space<vmem>>)
        tpu.yield
      }) : () -> ()
      %add3A_70 = arith.constant 0 : i32
      %add3A_71 = arith.addi %mul3A_0, %add3A_70 : i32
      "tpu.region"() ({
        %run_scoped3A = tpu.sem_alloc : memref<!tpu.dma_semaphore, #tpu.memory_space<semaphore_mem>>
        %dma_start3A = arith.constant 0 : i32
        %dma_start3A_80 = tpu.memref_slice %arg24[%add3A_71, %dma_start3A] : memref<10240x16xf32, #tpu.memory_space<vmem_shared>> -> memref<128x16xf32, #tpu.memory_space<vmem_shared>>
        %dma_start3A_81 = arith.constant 0 : i32
        %dma_start3A_82 = tpu.memref_slice %arg24[%add3A_71, %dma_start3A_81] : memref<10240x16xf32, #tpu.memory_space<vmem_shared>> -> memref<128x16xf32, #tpu.memory_space<vmem_shared>>
        tpu.enqueue_dma source(%arg22 : memref<128x16xf32, #tpu.memory_space<vmem>>) target(%dma_start3A_82 : memref<128x16xf32, #tpu.memory_space<vmem_shared>>) target_semaphore(%run_scoped3A : memref<!tpu.dma_semaphore, #tpu.memory_space<semaphore_mem>>)
        %dma_wait3A = arith.constant 0 : i32
        %dma_wait3A_83 = tpu.memref_slice %arg24[%add3A_71, %dma_wait3A] : memref<10240x16xf32, #tpu.memory_space<vmem_shared>> -> memref<128x16xf32, #tpu.memory_space<vmem_shared>>
        %dma_wait3A_84 = arith.constant 0 : i32
        %dma_wait3A_85 = tpu.memref_slice %arg24[%add3A_71, %dma_wait3A_84] : memref<10240x16xf32, #tpu.memory_space<vmem_shared>> -> memref<128x16xf32, #tpu.memory_space<vmem_shared>>
        tpu.wait_dma2 semaphore(%run_scoped3A : memref<!tpu.dma_semaphore, #tpu.memory_space<semaphore_mem>>) src(%arg22 : memref<128x16xf32, #tpu.memory_space<vmem>>) dst(%dma_wait3A_85 : memref<128x16xf32, #tpu.memory_space<vmem_shared>>)
        tpu.yield
      }) : () -> ()
      %add3A_72 = arith.constant 128 : i32
      %add3A_73 = arith.addi %mul3A_0, %add3A_72 : i32
      "tpu.region"() ({
        %run_scoped3A = tpu.sem_alloc : memref<!tpu.dma_semaphore, #tpu.memory_space<semaphore_mem>>
        %dma_start3A = arith.constant 0 : i32
        %dma_start3A_80 = tpu.memref_slice %arg24[%add3A_73, %dma_start3A] : memref<10240x16xf32, #tpu.memory_space<vmem_shared>> -> memref<128x16xf32, #tpu.memory_space<vmem_shared>>
        %dma_start3A_81 = arith.constant 0 : i32
        %dma_start3A_82 = tpu.memref_slice %arg24[%add3A_73, %dma_start3A_81] : memref<10240x16xf32, #tpu.memory_space<vmem_shared>> -> memref<128x16xf32, #tpu.memory_space<vmem_shared>>
        tpu.enqueue_dma source(%arg22 : memref<128x16xf32, #tpu.memory_space<vmem>>) target(%dma_start3A_82 : memref<128x16xf32, #tpu.memory_space<vmem_shared>>) target_semaphore(%run_scoped3A : memref<!tpu.dma_semaphore, #tpu.memory_space<semaphore_mem>>)
        %dma_wait3A = arith.constant 0 : i32
        %dma_wait3A_83 = tpu.memref_slice %arg24[%add3A_73, %dma_wait3A] : memref<10240x16xf32, #tpu.memory_space<vmem_shared>> -> memref<128x16xf32, #tpu.memory_space<vmem_shared>>
        %dma_wait3A_84 = arith.constant 0 : i32
        %dma_wait3A_85 = tpu.memref_slice %arg24[%add3A_73, %dma_wait3A_84] : memref<10240x16xf32, #tpu.memory_space<vmem_shared>> -> memref<128x16xf32, #tpu.memory_space<vmem_shared>>
        tpu.wait_dma2 semaphore(%run_scoped3A : memref<!tpu.dma_semaphore, #tpu.memory_space<semaphore_mem>>) src(%arg22 : memref<128x16xf32, #tpu.memory_space<vmem>>) dst(%dma_wait3A_85 : memref<128x16xf32, #tpu.memory_space<vmem_shared>>)
        tpu.yield
      }) : () -> ()
      %add3A_74 = arith.constant 256 : i32
      %add3A_75 = arith.addi %mul3A_0, %add3A_74 : i32
      "tpu.region"() ({
        %run_scoped3A = tpu.sem_alloc : memref<!tpu.dma_semaphore, #tpu.memory_space<semaphore_mem>>
        %dma_start3A = arith.constant 0 : i32
        %dma_start3A_80 = tpu.memref_slice %arg24[%add3A_75, %dma_start3A] : memref<10240x16xf32, #tpu.memory_space<vmem_shared>> -> memref<128x16xf32, #tpu.memory_space<vmem_shared>>
        %dma_start3A_81 = arith.constant 0 : i32
        %dma_start3A_82 = tpu.memref_slice %arg24[%add3A_75, %dma_start3A_81] : memref<10240x16xf32, #tpu.memory_space<vmem_shared>> -> memref<128x16xf32, #tpu.memory_space<vmem_shared>>
        tpu.enqueue_dma source(%arg22 : memref<128x16xf32, #tpu.memory_space<vmem>>) target(%dma_start3A_82 : memref<128x16xf32, #tpu.memory_space<vmem_shared>>) target_semaphore(%run_scoped3A : memref<!tpu.dma_semaphore, #tpu.memory_space<semaphore_mem>>)
        %dma_wait3A = arith.constant 0 : i32
        %dma_wait3A_83 = tpu.memref_slice %arg24[%add3A_75, %dma_wait3A] : memref<10240x16xf32, #tpu.memory_space<vmem_shared>> -> memref<128x16xf32, #tpu.memory_space<vmem_shared>>
        %dma_wait3A_84 = arith.constant 0 : i32
        %dma_wait3A_85 = tpu.memref_slice %arg24[%add3A_75, %dma_wait3A_84] : memref<10240x16xf32, #tpu.memory_space<vmem_shared>> -> memref<128x16xf32, #tpu.memory_space<vmem_shared>>
        tpu.wait_dma2 semaphore(%run_scoped3A : memref<!tpu.dma_semaphore, #tpu.memory_space<semaphore_mem>>) src(%arg22 : memref<128x16xf32, #tpu.memory_space<vmem>>) dst(%dma_wait3A_85 : memref<128x16xf32, #tpu.memory_space<vmem_shared>>)
        tpu.yield
      }) : () -> ()
      %add3A_76 = arith.constant 384 : i32
      %add3A_77 = arith.addi %mul3A_0, %add3A_76 : i32
      "tpu.region"() ({
        %run_scoped3A = tpu.sem_alloc : memref<!tpu.dma_semaphore, #tpu.memory_space<semaphore_mem>>
        %dma_start3A = arith.constant 0 : i32
        %dma_start3A_80 = tpu.memref_slice %arg24[%add3A_77, %dma_start3A] : memref<10240x16xf32, #tpu.memory_space<vmem_shared>> -> memref<128x16xf32, #tpu.memory_space<vmem_shared>>
        %dma_start3A_81 = arith.constant 0 : i32
        %dma_start3A_82 = tpu.memref_slice %arg24[%add3A_77, %dma_start3A_81] : memref<10240x16xf32, #tpu.memory_space<vmem_shared>> -> memref<128x16xf32, #tpu.memory_space<vmem_shared>>
        tpu.enqueue_dma source(%arg22 : memref<128x16xf32, #tpu.memory_space<vmem>>) target(%dma_start3A_82 : memref<128x16xf32, #tpu.memory_space<vmem_shared>>) target_semaphore(%run_scoped3A : memref<!tpu.dma_semaphore, #tpu.memory_space<semaphore_mem>>)
        %dma_wait3A = arith.constant 0 : i32
        %dma_wait3A_83 = tpu.memref_slice %arg24[%add3A_77, %dma_wait3A] : memref<10240x16xf32, #tpu.memory_space<vmem_shared>> -> memref<128x16xf32, #tpu.memory_space<vmem_shared>>
        %dma_wait3A_84 = arith.constant 0 : i32
        %dma_wait3A_85 = tpu.memref_slice %arg24[%add3A_77, %dma_wait3A_84] : memref<10240x16xf32, #tpu.memory_space<vmem_shared>> -> memref<128x16xf32, #tpu.memory_space<vmem_shared>>
        tpu.wait_dma2 semaphore(%run_scoped3A : memref<!tpu.dma_semaphore, #tpu.memory_space<semaphore_mem>>) src(%arg22 : memref<128x16xf32, #tpu.memory_space<vmem>>) dst(%dma_wait3A_85 : memref<128x16xf32, #tpu.memory_space<vmem_shared>>)
        tpu.yield
      }) : () -> ()
      %add3A_78 = arith.constant 512 : i32
      %add3A_79 = arith.addi %mul3A_0, %add3A_78 : i32
      "tpu.region"() ({
        %run_scoped3A = tpu.sem_alloc : memref<!tpu.dma_semaphore, #tpu.memory_space<semaphore_mem>>
        %dma_start3A = arith.constant 0 : i32
        %dma_start3A_80 = tpu.memref_slice %arg24[%add3A_79, %dma_start3A] : memref<10240x16xf32, #tpu.memory_space<vmem_shared>> -> memref<128x16xf32, #tpu.memory_space<vmem_shared>>
        %dma_start3A_81 = arith.constant 0 : i32
        %dma_start3A_82 = tpu.memref_slice %arg24[%add3A_79, %dma_start3A_81] : memref<10240x16xf32, #tpu.memory_space<vmem_shared>> -> memref<128x16xf32, #tpu.memory_space<vmem_shared>>
        tpu.enqueue_dma source(%arg22 : memref<128x16xf32, #tpu.memory_space<vmem>>) target(%dma_start3A_82 : memref<128x16xf32, #tpu.memory_space<vmem_shared>>) target_semaphore(%run_scoped3A : memref<!tpu.dma_semaphore, #tpu.memory_space<semaphore_mem>>)
        %dma_wait3A = arith.constant 0 : i32
        %dma_wait3A_83 = tpu.memref_slice %arg24[%add3A_79, %dma_wait3A] : memref<10240x16xf32, #tpu.memory_space<vmem_shared>> -> memref<128x16xf32, #tpu.memory_space<vmem_shared>>
        %dma_wait3A_84 = arith.constant 0 : i32
        %dma_wait3A_85 = tpu.memref_slice %arg24[%add3A_79, %dma_wait3A_84] : memref<10240x16xf32, #tpu.memory_space<vmem_shared>> -> memref<128x16xf32, #tpu.memory_space<vmem_shared>>
        tpu.wait_dma2 semaphore(%run_scoped3A : memref<!tpu.dma_semaphore, #tpu.memory_space<semaphore_mem>>) src(%arg22 : memref<128x16xf32, #tpu.memory_space<vmem>>) dst(%dma_wait3A_85 : memref<128x16xf32, #tpu.memory_space<vmem_shared>>)
        tpu.yield
      }) : () -> ()
      "tpu.region"() ({
        %run_scoped3A = tpu.sem_alloc : memref<!tpu.dma_semaphore, #tpu.memory_space<semaphore_mem>>
        tpu.enqueue_dma source(%arg12 : memref<128x16xf32, #tpu.memory_space<hbm>>) target(%arg22 : memref<128x16xf32, #tpu.memory_space<vmem>>) target_semaphore(%run_scoped3A : memref<!tpu.dma_semaphore, #tpu.memory_space<semaphore_mem>>)
        tpu.wait_dma2 semaphore(%run_scoped3A : memref<!tpu.dma_semaphore, #tpu.memory_space<semaphore_mem>>) src(%arg12 : memref<128x16xf32, #tpu.memory_space<hbm>>) dst(%arg22 : memref<128x16xf32, #tpu.memory_space<vmem>>)
        tpu.yield
      }) : () -> ()
    } else {
    }
    %barrier3A_48 = arith.constant 0 : index
    tpu.barrier barrier_id(%barrier3A_48)
    %eq3A_49 = arith.constant 0 : i32
    %eq3A_50 = arith.cmpi eq, %arg0, %eq3A_49 : i32
    %convert_element_type3A_51 = arith.extui %eq3A_50 : i1 to i32
    %cond3A_52 = arith.constant 0 : i32
    %cond3A_53 = arith.cmpi ne, %convert_element_type3A_51, %cond3A_52 : i32
    scf.if %cond3A_53 {
      %scan3A = arith.constant 0 : i32
      %scan3A_70 = arith.constant 0 : i32
      %scan3A_71 = arith.constant 79 : i32
      %scan3A_72 = arith.addi %scan3A_70, %scan3A_71 : i32
      %scan3A_73 = arith.constant 1 : i32
      scf.for %scan3A_75 = %scan3A_70 to %scan3A_72 step %scan3A_73  : i32 {
        %mul3A_76 = arith.constant 79 : i32
        %mul3A_77 = arith.muli %arg1, %mul3A_76 : i32
        %add3A_78 = arith.addi %mul3A_77, %scan3A_75 : i32
        %mul3A_79 = arith.constant 128 : i32
        %mul3A_80 = arith.muli %add3A_78, %mul3A_79 : i32
        "tpu.region"() ({
          %run_scoped3A = tpu.sem_alloc : memref<!tpu.dma_semaphore, #tpu.memory_space<semaphore_mem>>
          %dma_start3A_85 = tpu.memref_slice %arg8[%mul3A_80] : memref<161792xi32, #tpu.memory_space<hbm>> -> memref<128xi32, #tpu.memory_space<hbm>>
          %dma_start3A_86 = tpu.memref_slice %arg8[%mul3A_80] : memref<161792xi32, #tpu.memory_space<hbm>> -> memref<128xi32, #tpu.memory_space<hbm>>
          tpu.enqueue_dma source(%dma_start3A_86 : memref<128xi32, #tpu.memory_space<hbm>>) target(%arg19 : memref<128xi32, #tpu.memory_space<vmem>>) target_semaphore(%run_scoped3A : memref<!tpu.dma_semaphore, #tpu.memory_space<semaphore_mem>>)
          %dma_wait3A_87 = tpu.memref_slice %arg8[%mul3A_80] : memref<161792xi32, #tpu.memory_space<hbm>> -> memref<128xi32, #tpu.memory_space<hbm>>
          %dma_wait3A_88 = tpu.memref_slice %arg8[%mul3A_80] : memref<161792xi32, #tpu.memory_space<hbm>> -> memref<128xi32, #tpu.memory_space<hbm>>
          tpu.wait_dma2 semaphore(%run_scoped3A : memref<!tpu.dma_semaphore, #tpu.memory_space<semaphore_mem>>) src(%dma_wait3A_88 : memref<128xi32, #tpu.memory_space<hbm>>) dst(%arg19 : memref<128xi32, #tpu.memory_space<vmem>>)
          tpu.yield
        }) : () -> ()
        "tpu.region"() ({
          %run_scoped3A = tpu.sem_alloc : memref<!tpu.dma_semaphore, #tpu.memory_space<semaphore_mem>>
          %dma_start3A_85 = tpu.memref_slice %arg9[%mul3A_80] : memref<161792xi32, #tpu.memory_space<hbm>> -> memref<128xi32, #tpu.memory_space<hbm>>
          %dma_start3A_86 = tpu.memref_slice %arg9[%mul3A_80] : memref<161792xi32, #tpu.memory_space<hbm>> -> memref<128xi32, #tpu.memory_space<hbm>>
          tpu.enqueue_dma source(%dma_start3A_86 : memref<128xi32, #tpu.memory_space<hbm>>) target(%arg20 : memref<128xi32, #tpu.memory_space<vmem>>) target_semaphore(%run_scoped3A : memref<!tpu.dma_semaphore, #tpu.memory_space<semaphore_mem>>)
          %dma_wait3A_87 = tpu.memref_slice %arg9[%mul3A_80] : memref<161792xi32, #tpu.memory_space<hbm>> -> memref<128xi32, #tpu.memory_space<hbm>>
          %dma_wait3A_88 = tpu.memref_slice %arg9[%mul3A_80] : memref<161792xi32, #tpu.memory_space<hbm>> -> memref<128xi32, #tpu.memory_space<hbm>>
          tpu.wait_dma2 semaphore(%run_scoped3A : memref<!tpu.dma_semaphore, #tpu.memory_space<semaphore_mem>>) src(%dma_wait3A_88 : memref<128xi32, #tpu.memory_space<hbm>>) dst(%arg20 : memref<128xi32, #tpu.memory_space<vmem>>)
          tpu.yield
        }) : () -> ()
        %dma_start3A = arith.constant 0 : i32
        %dma_start3A_81 = arith.constant 0 : i32
        %dma_start3A_82 = tpu.memref_slice %arg6[%dma_start3A, %dma_start3A_81] : memref<10240x128xf32, #tpu.memory_space<hbm>> -> memref<10240x128xf32, #tpu.memory_space<hbm>>
        tpu.enqueue_indirect_dma source(%dma_start3A_82 : memref<10240x128xf32, #tpu.memory_space<hbm>>) target(%arg21 : memref<128x128xf32, #tpu.memory_space<vmem>>) offsets(%arg19 : memref<128xi32, #tpu.memory_space<vmem>>) semaphore(%arg25 : memref<!tpu.dma_semaphore, #tpu.memory_space<semaphore_mem>>)
        %dma_wait3A = arith.constant 0 : i32
        %dma_wait3A_83 = arith.constant 0 : i32
        %dma_wait3A_84 = tpu.memref_slice %arg6[%dma_wait3A, %dma_wait3A_83] : memref<10240x128xf32, #tpu.memory_space<hbm>> -> memref<10240x128xf32, #tpu.memory_space<hbm>>
        tpu.wait_indirect_dma semaphore(%arg25 : memref<!tpu.dma_semaphore, #tpu.memory_space<semaphore_mem>>) src(%dma_wait3A_84 : memref<10240x128xf32, #tpu.memory_space<hbm>>) dst(%arg21 : memref<128x128xf32, #tpu.memory_space<vmem>>)
        "tpu.region"() ({
          %run_scoped3A = tpu.sem_alloc : memref<!tpu.dma_semaphore, #tpu.memory_space<semaphore_mem>>
          %dma_start3A_85 = arith.constant 0 : i32
          %dma_start3A_86 = arith.constant 0 : i32
          %dma_start3A_87 = tpu.memref_slice %arg23[%dma_start3A_85, %dma_start3A_86] : memref<10240x128xf32, #tpu.memory_space<vmem_shared>> -> memref<10240x128xf32, #tpu.memory_space<vmem_shared>>
          tpu.enqueue_indirect_dma source(%arg21 : memref<128x128xf32, #tpu.memory_space<vmem>>) target(%dma_start3A_87 : memref<10240x128xf32, #tpu.memory_space<vmem_shared>>) offsets(%arg20 : memref<128xi32, #tpu.memory_space<vmem>>) semaphore(%run_scoped3A : memref<!tpu.dma_semaphore, #tpu.memory_space<semaphore_mem>>) {add = true}
          %dma_wait3A_88 = arith.constant 0 : i32
          %dma_wait3A_89 = arith.constant 0 : i32
          %dma_wait3A_90 = tpu.memref_slice %arg23[%dma_wait3A_88, %dma_wait3A_89] : memref<10240x128xf32, #tpu.memory_space<vmem_shared>> -> memref<10240x128xf32, #tpu.memory_space<vmem_shared>>
          tpu.wait_indirect_dma semaphore(%run_scoped3A : memref<!tpu.dma_semaphore, #tpu.memory_space<semaphore_mem>>) src(%arg21 : memref<128x128xf32, #tpu.memory_space<vmem>>) dst(%dma_wait3A_90 : memref<10240x128xf32, #tpu.memory_space<vmem_shared>>)
          tpu.yield
        }) : () -> ()
        "tpu.region"() ({
          %run_scoped3A = tpu.sem_alloc : memref<!tpu.dma_semaphore, #tpu.memory_space<semaphore_mem>>
          %dma_start3A_85 = arith.constant 0 : i32
          %dma_start3A_86 = arith.constant 0 : i32
          %dma_start3A_87 = tpu.memref_slice %arg24[%dma_start3A_85, %dma_start3A_86] : memref<10240x16xf32, #tpu.memory_space<vmem_shared>> -> memref<10240x16xf32, #tpu.memory_space<vmem_shared>>
          tpu.enqueue_indirect_dma source(%arg22 : memref<128x16xf32, #tpu.memory_space<vmem>>) target(%dma_start3A_87 : memref<10240x16xf32, #tpu.memory_space<vmem_shared>>) offsets(%arg20 : memref<128xi32, #tpu.memory_space<vmem>>) semaphore(%run_scoped3A : memref<!tpu.dma_semaphore, #tpu.memory_space<semaphore_mem>>) {add = true}
          %dma_wait3A_88 = arith.constant 0 : i32
          %dma_wait3A_89 = arith.constant 0 : i32
          %dma_wait3A_90 = tpu.memref_slice %arg24[%dma_wait3A_88, %dma_wait3A_89] : memref<10240x16xf32, #tpu.memory_space<vmem_shared>> -> memref<10240x16xf32, #tpu.memory_space<vmem_shared>>
          tpu.wait_indirect_dma semaphore(%run_scoped3A : memref<!tpu.dma_semaphore, #tpu.memory_space<semaphore_mem>>) src(%arg22 : memref<128x16xf32, #tpu.memory_space<vmem>>) dst(%dma_wait3A_90 : memref<10240x16xf32, #tpu.memory_space<vmem_shared>>)
          tpu.yield
        }) : () -> ()
      }
      %scan3A_74 = arith.constant 79 : i32
    } else {
    }
    %eq3A_54 = arith.constant 1 : i32
    %eq3A_55 = arith.cmpi eq, %arg0, %eq3A_54 : i32
    %convert_element_type3A_56 = arith.extui %eq3A_55 : i1 to i32
    %cond3A_57 = arith.constant 0 : i32
    %cond3A_58 = arith.cmpi ne, %convert_element_type3A_56, %cond3A_57 : i32
    scf.if %cond3A_58 {
      %scan3A = arith.constant 0 : i32
      %scan3A_70 = arith.constant 0 : i32
      %scan3A_71 = arith.constant 79 : i32
      %scan3A_72 = arith.addi %scan3A_70, %scan3A_71 : i32
      %scan3A_73 = arith.constant 1 : i32
      scf.for %scan3A_75 = %scan3A_70 to %scan3A_72 step %scan3A_73  : i32 {
        %mul3A_76 = arith.constant 79 : i32
        %mul3A_77 = arith.muli %arg1, %mul3A_76 : i32
        %add3A_78 = arith.addi %mul3A_77, %scan3A_75 : i32
        %mul3A_79 = arith.constant 128 : i32
        %mul3A_80 = arith.muli %add3A_78, %mul3A_79 : i32
        "tpu.region"() ({
          %run_scoped3A = tpu.sem_alloc : memref<!tpu.dma_semaphore, #tpu.memory_space<semaphore_mem>>
          %dma_start3A_85 = tpu.memref_slice %arg8[%mul3A_80] : memref<161792xi32, #tpu.memory_space<hbm>> -> memref<128xi32, #tpu.memory_space<hbm>>
          %dma_start3A_86 = tpu.memref_slice %arg8[%mul3A_80] : memref<161792xi32, #tpu.memory_space<hbm>> -> memref<128xi32, #tpu.memory_space<hbm>>
          tpu.enqueue_dma source(%dma_start3A_86 : memref<128xi32, #tpu.memory_space<hbm>>) target(%arg19 : memref<128xi32, #tpu.memory_space<vmem>>) target_semaphore(%run_scoped3A : memref<!tpu.dma_semaphore, #tpu.memory_space<semaphore_mem>>)
          %dma_wait3A_87 = tpu.memref_slice %arg8[%mul3A_80] : memref<161792xi32, #tpu.memory_space<hbm>> -> memref<128xi32, #tpu.memory_space<hbm>>
          %dma_wait3A_88 = tpu.memref_slice %arg8[%mul3A_80] : memref<161792xi32, #tpu.memory_space<hbm>> -> memref<128xi32, #tpu.memory_space<hbm>>
          tpu.wait_dma2 semaphore(%run_scoped3A : memref<!tpu.dma_semaphore, #tpu.memory_space<semaphore_mem>>) src(%dma_wait3A_88 : memref<128xi32, #tpu.memory_space<hbm>>) dst(%arg19 : memref<128xi32, #tpu.memory_space<vmem>>)
          tpu.yield
        }) : () -> ()
        "tpu.region"() ({
          %run_scoped3A = tpu.sem_alloc : memref<!tpu.dma_semaphore, #tpu.memory_space<semaphore_mem>>
          %dma_start3A_85 = tpu.memref_slice %arg9[%mul3A_80] : memref<161792xi32, #tpu.memory_space<hbm>> -> memref<128xi32, #tpu.memory_space<hbm>>
          %dma_start3A_86 = tpu.memref_slice %arg9[%mul3A_80] : memref<161792xi32, #tpu.memory_space<hbm>> -> memref<128xi32, #tpu.memory_space<hbm>>
          tpu.enqueue_dma source(%dma_start3A_86 : memref<128xi32, #tpu.memory_space<hbm>>) target(%arg20 : memref<128xi32, #tpu.memory_space<vmem>>) target_semaphore(%run_scoped3A : memref<!tpu.dma_semaphore, #tpu.memory_space<semaphore_mem>>)
          %dma_wait3A_87 = tpu.memref_slice %arg9[%mul3A_80] : memref<161792xi32, #tpu.memory_space<hbm>> -> memref<128xi32, #tpu.memory_space<hbm>>
          %dma_wait3A_88 = tpu.memref_slice %arg9[%mul3A_80] : memref<161792xi32, #tpu.memory_space<hbm>> -> memref<128xi32, #tpu.memory_space<hbm>>
          tpu.wait_dma2 semaphore(%run_scoped3A : memref<!tpu.dma_semaphore, #tpu.memory_space<semaphore_mem>>) src(%dma_wait3A_88 : memref<128xi32, #tpu.memory_space<hbm>>) dst(%arg20 : memref<128xi32, #tpu.memory_space<vmem>>)
          tpu.yield
        }) : () -> ()
        %dma_start3A = arith.constant 0 : i32
        %dma_start3A_81 = arith.constant 0 : i32
        %dma_start3A_82 = tpu.memref_slice %arg7[%dma_start3A, %dma_start3A_81] : memref<10240x128xf32, #tpu.memory_space<hbm>> -> memref<10240x128xf32, #tpu.memory_space<hbm>>
        tpu.enqueue_indirect_dma source(%dma_start3A_82 : memref<10240x128xf32, #tpu.memory_space<hbm>>) target(%arg21 : memref<128x128xf32, #tpu.memory_space<vmem>>) offsets(%arg19 : memref<128xi32, #tpu.memory_space<vmem>>) semaphore(%arg25 : memref<!tpu.dma_semaphore, #tpu.memory_space<semaphore_mem>>)
        %dma_wait3A = arith.constant 0 : i32
        %dma_wait3A_83 = arith.constant 0 : i32
        %dma_wait3A_84 = tpu.memref_slice %arg7[%dma_wait3A, %dma_wait3A_83] : memref<10240x128xf32, #tpu.memory_space<hbm>> -> memref<10240x128xf32, #tpu.memory_space<hbm>>
        tpu.wait_indirect_dma semaphore(%arg25 : memref<!tpu.dma_semaphore, #tpu.memory_space<semaphore_mem>>) src(%dma_wait3A_84 : memref<10240x128xf32, #tpu.memory_space<hbm>>) dst(%arg21 : memref<128x128xf32, #tpu.memory_space<vmem>>)
        "tpu.region"() ({
          %run_scoped3A = tpu.sem_alloc : memref<!tpu.dma_semaphore, #tpu.memory_space<semaphore_mem>>
          %dma_start3A_85 = arith.constant 0 : i32
          %dma_start3A_86 = arith.constant 0 : i32
          %dma_start3A_87 = tpu.memref_slice %arg23[%dma_start3A_85, %dma_start3A_86] : memref<10240x128xf32, #tpu.memory_space<vmem_shared>> -> memref<10240x128xf32, #tpu.memory_space<vmem_shared>>
          tpu.enqueue_indirect_dma source(%arg21 : memref<128x128xf32, #tpu.memory_space<vmem>>) target(%dma_start3A_87 : memref<10240x128xf32, #tpu.memory_space<vmem_shared>>) offsets(%arg20 : memref<128xi32, #tpu.memory_space<vmem>>) semaphore(%run_scoped3A : memref<!tpu.dma_semaphore, #tpu.memory_space<semaphore_mem>>) {add = true}
          %dma_wait3A_88 = arith.constant 0 : i32
          %dma_wait3A_89 = arith.constant 0 : i32
          %dma_wait3A_90 = tpu.memref_slice %arg23[%dma_wait3A_88, %dma_wait3A_89] : memref<10240x128xf32, #tpu.memory_space<vmem_shared>> -> memref<10240x128xf32, #tpu.memory_space<vmem_shared>>
          tpu.wait_indirect_dma semaphore(%run_scoped3A : memref<!tpu.dma_semaphore, #tpu.memory_space<semaphore_mem>>) src(%arg21 : memref<128x128xf32, #tpu.memory_space<vmem>>) dst(%dma_wait3A_90 : memref<10240x128xf32, #tpu.memory_space<vmem_shared>>)
          tpu.yield
        }) : () -> ()
      }
      %scan3A_74 = arith.constant 79 : i32
    } else {
    }
    %barrier3A_59 = arith.constant 0 : index
    tpu.barrier barrier_id(%barrier3A_59)
    %eq3A_60 = arith.constant 0 : i32
    %eq3A_61 = arith.cmpi eq, %arg0, %eq3A_60 : i32
    %convert_element_type3A_62 = arith.extui %eq3A_61 : i1 to i32
    %cond3A_63 = arith.constant 0 : i32
    %cond3A_64 = arith.cmpi ne, %convert_element_type3A_62, %cond3A_63 : i32
    scf.if %cond3A_64 {
      %add3A_70 = arith.constant 0 : i32
      %add3A_71 = arith.addi %mul3A_0, %add3A_70 : i32
      "tpu.region"() ({
        %run_scoped3A = tpu.sem_alloc : memref<!tpu.dma_semaphore, #tpu.memory_space<semaphore_mem>>
        %dma_start3A = arith.constant 0 : i32
        %dma_start3A_110 = tpu.memref_slice %arg23[%add3A_71, %dma_start3A] : memref<10240x128xf32, #tpu.memory_space<vmem_shared>> -> memref<128x128xf32, #tpu.memory_space<vmem_shared>>
        %dma_start3A_111 = arith.constant 0 : i32
        %dma_start3A_112 = tpu.memref_slice %arg23[%add3A_71, %dma_start3A_111] : memref<10240x128xf32, #tpu.memory_space<vmem_shared>> -> memref<128x128xf32, #tpu.memory_space<vmem_shared>>
        tpu.enqueue_dma source(%dma_start3A_112 : memref<128x128xf32, #tpu.memory_space<vmem_shared>>) target(%arg21 : memref<128x128xf32, #tpu.memory_space<vmem>>) target_semaphore(%run_scoped3A : memref<!tpu.dma_semaphore, #tpu.memory_space<semaphore_mem>>)
        %dma_wait3A = arith.constant 0 : i32
        %dma_wait3A_113 = tpu.memref_slice %arg23[%add3A_71, %dma_wait3A] : memref<10240x128xf32, #tpu.memory_space<vmem_shared>> -> memref<128x128xf32, #tpu.memory_space<vmem_shared>>
        %dma_wait3A_114 = arith.constant 0 : i32
        %dma_wait3A_115 = tpu.memref_slice %arg23[%add3A_71, %dma_wait3A_114] : memref<10240x128xf32, #tpu.memory_space<vmem_shared>> -> memref<128x128xf32, #tpu.memory_space<vmem_shared>>
        tpu.wait_dma2 semaphore(%run_scoped3A : memref<!tpu.dma_semaphore, #tpu.memory_space<semaphore_mem>>) src(%dma_wait3A_115 : memref<128x128xf32, #tpu.memory_space<vmem_shared>>) dst(%arg21 : memref<128x128xf32, #tpu.memory_space<vmem>>)
        tpu.yield
      }) : () -> ()
      %add3A_72 = arith.constant 0 : i32
      %add3A_73 = arith.addi %mul3A_0, %add3A_72 : i32
      "tpu.region"() ({
        %run_scoped3A = tpu.sem_alloc : memref<!tpu.dma_semaphore, #tpu.memory_space<semaphore_mem>>
        %dma_start3A = arith.constant 0 : i32
        %dma_start3A_110 = tpu.memref_slice %arg16[%add3A_73, %dma_start3A] : memref<10240x128xf32, #tpu.memory_space<hbm>> -> memref<128x128xf32, #tpu.memory_space<hbm>>
        %dma_start3A_111 = arith.constant 0 : i32
        %dma_start3A_112 = tpu.memref_slice %arg16[%add3A_73, %dma_start3A_111] : memref<10240x128xf32, #tpu.memory_space<hbm>> -> memref<128x128xf32, #tpu.memory_space<hbm>>
        tpu.enqueue_dma source(%arg21 : memref<128x128xf32, #tpu.memory_space<vmem>>) target(%dma_start3A_112 : memref<128x128xf32, #tpu.memory_space<hbm>>) target_semaphore(%run_scoped3A : memref<!tpu.dma_semaphore, #tpu.memory_space<semaphore_mem>>)
        %dma_wait3A = arith.constant 0 : i32
        %dma_wait3A_113 = tpu.memref_slice %arg16[%add3A_73, %dma_wait3A] : memref<10240x128xf32, #tpu.memory_space<hbm>> -> memref<128x128xf32, #tpu.memory_space<hbm>>
        %dma_wait3A_114 = arith.constant 0 : i32
        %dma_wait3A_115 = tpu.memref_slice %arg16[%add3A_73, %dma_wait3A_114] : memref<10240x128xf32, #tpu.memory_space<hbm>> -> memref<128x128xf32, #tpu.memory_space<hbm>>
        tpu.wait_dma2 semaphore(%run_scoped3A : memref<!tpu.dma_semaphore, #tpu.memory_space<semaphore_mem>>) src(%arg21 : memref<128x128xf32, #tpu.memory_space<vmem>>) dst(%dma_wait3A_115 : memref<128x128xf32, #tpu.memory_space<hbm>>)
        tpu.yield
      }) : () -> ()
      %add3A_74 = arith.constant 128 : i32
      %add3A_75 = arith.addi %mul3A_0, %add3A_74 : i32
      "tpu.region"() ({
        %run_scoped3A = tpu.sem_alloc : memref<!tpu.dma_semaphore, #tpu.memory_space<semaphore_mem>>
        %dma_start3A = arith.constant 0 : i32
        %dma_start3A_110 = tpu.memref_slice %arg23[%add3A_75, %dma_start3A] : memref<10240x128xf32, #tpu.memory_space<vmem_shared>> -> memref<128x128xf32, #tpu.memory_space<vmem_shared>>
        %dma_start3A_111 = arith.constant 0 : i32
        %dma_start3A_112 = tpu.memref_slice %arg23[%add3A_75, %dma_start3A_111] : memref<10240x128xf32, #tpu.memory_space<vmem_shared>> -> memref<128x128xf32, #tpu.memory_space<vmem_shared>>
        tpu.enqueue_dma source(%dma_start3A_112 : memref<128x128xf32, #tpu.memory_space<vmem_shared>>) target(%arg21 : memref<128x128xf32, #tpu.memory_space<vmem>>) target_semaphore(%run_scoped3A : memref<!tpu.dma_semaphore, #tpu.memory_space<semaphore_mem>>)
        %dma_wait3A = arith.constant 0 : i32
        %dma_wait3A_113 = tpu.memref_slice %arg23[%add3A_75, %dma_wait3A] : memref<10240x128xf32, #tpu.memory_space<vmem_shared>> -> memref<128x128xf32, #tpu.memory_space<vmem_shared>>
        %dma_wait3A_114 = arith.constant 0 : i32
        %dma_wait3A_115 = tpu.memref_slice %arg23[%add3A_75, %dma_wait3A_114] : memref<10240x128xf32, #tpu.memory_space<vmem_shared>> -> memref<128x128xf32, #tpu.memory_space<vmem_shared>>
        tpu.wait_dma2 semaphore(%run_scoped3A : memref<!tpu.dma_semaphore, #tpu.memory_space<semaphore_mem>>) src(%dma_wait3A_115 : memref<128x128xf32, #tpu.memory_space<vmem_shared>>) dst(%arg21 : memref<128x128xf32, #tpu.memory_space<vmem>>)
        tpu.yield
      }) : () -> ()
      %add3A_76 = arith.constant 128 : i32
      %add3A_77 = arith.addi %mul3A_0, %add3A_76 : i32
      "tpu.region"() ({
        %run_scoped3A = tpu.sem_alloc : memref<!tpu.dma_semaphore, #tpu.memory_space<semaphore_mem>>
        %dma_start3A = arith.constant 0 : i32
        %dma_start3A_110 = tpu.memref_slice %arg16[%add3A_77, %dma_start3A] : memref<10240x128xf32, #tpu.memory_space<hbm>> -> memref<128x128xf32, #tpu.memory_space<hbm>>
        %dma_start3A_111 = arith.constant 0 : i32
        %dma_start3A_112 = tpu.memref_slice %arg16[%add3A_77, %dma_start3A_111] : memref<10240x128xf32, #tpu.memory_space<hbm>> -> memref<128x128xf32, #tpu.memory_space<hbm>>
        tpu.enqueue_dma source(%arg21 : memref<128x128xf32, #tpu.memory_space<vmem>>) target(%dma_start3A_112 : memref<128x128xf32, #tpu.memory_space<hbm>>) target_semaphore(%run_scoped3A : memref<!tpu.dma_semaphore, #tpu.memory_space<semaphore_mem>>)
        %dma_wait3A = arith.constant 0 : i32
        %dma_wait3A_113 = tpu.memref_slice %arg16[%add3A_77, %dma_wait3A] : memref<10240x128xf32, #tpu.memory_space<hbm>> -> memref<128x128xf32, #tpu.memory_space<hbm>>
        %dma_wait3A_114 = arith.constant 0 : i32
        %dma_wait3A_115 = tpu.memref_slice %arg16[%add3A_77, %dma_wait3A_114] : memref<10240x128xf32, #tpu.memory_space<hbm>> -> memref<128x128xf32, #tpu.memory_space<hbm>>
        tpu.wait_dma2 semaphore(%run_scoped3A : memref<!tpu.dma_semaphore, #tpu.memory_space<semaphore_mem>>) src(%arg21 : memref<128x128xf32, #tpu.memory_space<vmem>>) dst(%dma_wait3A_115 : memref<128x128xf32, #tpu.memory_space<hbm>>)
        tpu.yield
      }) : () -> ()
      %add3A_78 = arith.constant 256 : i32
      %add3A_79 = arith.addi %mul3A_0, %add3A_78 : i32
      "tpu.region"() ({
        %run_scoped3A = tpu.sem_alloc : memref<!tpu.dma_semaphore, #tpu.memory_space<semaphore_mem>>
        %dma_start3A = arith.constant 0 : i32
        %dma_start3A_110 = tpu.memref_slice %arg23[%add3A_79, %dma_start3A] : memref<10240x128xf32, #tpu.memory_space<vmem_shared>> -> memref<128x128xf32, #tpu.memory_space<vmem_shared>>
        %dma_start3A_111 = arith.constant 0 : i32
        %dma_start3A_112 = tpu.memref_slice %arg23[%add3A_79, %dma_start3A_111] : memref<10240x128xf32, #tpu.memory_space<vmem_shared>> -> memref<128x128xf32, #tpu.memory_space<vmem_shared>>
        tpu.enqueue_dma source(%dma_start3A_112 : memref<128x128xf32, #tpu.memory_space<vmem_shared>>) target(%arg21 : memref<128x128xf32, #tpu.memory_space<vmem>>) target_semaphore(%run_scoped3A : memref<!tpu.dma_semaphore, #tpu.memory_space<semaphore_mem>>)
        %dma_wait3A = arith.constant 0 : i32
        %dma_wait3A_113 = tpu.memref_slice %arg23[%add3A_79, %dma_wait3A] : memref<10240x128xf32, #tpu.memory_space<vmem_shared>> -> memref<128x128xf32, #tpu.memory_space<vmem_shared>>
        %dma_wait3A_114 = arith.constant 0 : i32
        %dma_wait3A_115 = tpu.memref_slice %arg23[%add3A_79, %dma_wait3A_114] : memref<10240x128xf32, #tpu.memory_space<vmem_shared>> -> memref<128x128xf32, #tpu.memory_space<vmem_shared>>
        tpu.wait_dma2 semaphore(%run_scoped3A : memref<!tpu.dma_semaphore, #tpu.memory_space<semaphore_mem>>) src(%dma_wait3A_115 : memref<128x128xf32, #tpu.memory_space<vmem_shared>>) dst(%arg21 : memref<128x128xf32, #tpu.memory_space<vmem>>)
        tpu.yield
      }) : () -> ()
      %add3A_80 = arith.constant 256 : i32
      %add3A_81 = arith.addi %mul3A_0, %add3A_80 : i32
      "tpu.region"() ({
        %run_scoped3A = tpu.sem_alloc : memref<!tpu.dma_semaphore, #tpu.memory_space<semaphore_mem>>
        %dma_start3A = arith.constant 0 : i32
        %dma_start3A_110 = tpu.memref_slice %arg16[%add3A_81, %dma_start3A] : memref<10240x128xf32, #tpu.memory_space<hbm>> -> memref<128x128xf32, #tpu.memory_space<hbm>>
        %dma_start3A_111 = arith.constant 0 : i32
        %dma_start3A_112 = tpu.memref_slice %arg16[%add3A_81, %dma_start3A_111] : memref<10240x128xf32, #tpu.memory_space<hbm>> -> memref<128x128xf32, #tpu.memory_space<hbm>>
        tpu.enqueue_dma source(%arg21 : memref<128x128xf32, #tpu.memory_space<vmem>>) target(%dma_start3A_112 : memref<128x128xf32, #tpu.memory_space<hbm>>) target_semaphore(%run_scoped3A : memref<!tpu.dma_semaphore, #tpu.memory_space<semaphore_mem>>)
        %dma_wait3A = arith.constant 0 : i32
        %dma_wait3A_113 = tpu.memref_slice %arg16[%add3A_81, %dma_wait3A] : memref<10240x128xf32, #tpu.memory_space<hbm>> -> memref<128x128xf32, #tpu.memory_space<hbm>>
        %dma_wait3A_114 = arith.constant 0 : i32
        %dma_wait3A_115 = tpu.memref_slice %arg16[%add3A_81, %dma_wait3A_114] : memref<10240x128xf32, #tpu.memory_space<hbm>> -> memref<128x128xf32, #tpu.memory_space<hbm>>
        tpu.wait_dma2 semaphore(%run_scoped3A : memref<!tpu.dma_semaphore, #tpu.memory_space<semaphore_mem>>) src(%arg21 : memref<128x128xf32, #tpu.memory_space<vmem>>) dst(%dma_wait3A_115 : memref<128x128xf32, #tpu.memory_space<hbm>>)
        tpu.yield
      }) : () -> ()
      %add3A_82 = arith.constant 384 : i32
      %add3A_83 = arith.addi %mul3A_0, %add3A_82 : i32
      "tpu.region"() ({
        %run_scoped3A = tpu.sem_alloc : memref<!tpu.dma_semaphore, #tpu.memory_space<semaphore_mem>>
        %dma_start3A = arith.constant 0 : i32
        %dma_start3A_110 = tpu.memref_slice %arg23[%add3A_83, %dma_start3A] : memref<10240x128xf32, #tpu.memory_space<vmem_shared>> -> memref<128x128xf32, #tpu.memory_space<vmem_shared>>
        %dma_start3A_111 = arith.constant 0 : i32
        %dma_start3A_112 = tpu.memref_slice %arg23[%add3A_83, %dma_start3A_111] : memref<10240x128xf32, #tpu.memory_space<vmem_shared>> -> memref<128x128xf32, #tpu.memory_space<vmem_shared>>
        tpu.enqueue_dma source(%dma_start3A_112 : memref<128x128xf32, #tpu.memory_space<vmem_shared>>) target(%arg21 : memref<128x128xf32, #tpu.memory_space<vmem>>) target_semaphore(%run_scoped3A : memref<!tpu.dma_semaphore, #tpu.memory_space<semaphore_mem>>)
        %dma_wait3A = arith.constant 0 : i32
        %dma_wait3A_113 = tpu.memref_slice %arg23[%add3A_83, %dma_wait3A] : memref<10240x128xf32, #tpu.memory_space<vmem_shared>> -> memref<128x128xf32, #tpu.memory_space<vmem_shared>>
        %dma_wait3A_114 = arith.constant 0 : i32
        %dma_wait3A_115 = tpu.memref_slice %arg23[%add3A_83, %dma_wait3A_114] : memref<10240x128xf32, #tpu.memory_space<vmem_shared>> -> memref<128x128xf32, #tpu.memory_space<vmem_shared>>
        tpu.wait_dma2 semaphore(%run_scoped3A : memref<!tpu.dma_semaphore, #tpu.memory_space<semaphore_mem>>) src(%dma_wait3A_115 : memref<128x128xf32, #tpu.memory_space<vmem_shared>>) dst(%arg21 : memref<128x128xf32, #tpu.memory_space<vmem>>)
        tpu.yield
      }) : () -> ()
      %add3A_84 = arith.constant 384 : i32
      %add3A_85 = arith.addi %mul3A_0, %add3A_84 : i32
      "tpu.region"() ({
        %run_scoped3A = tpu.sem_alloc : memref<!tpu.dma_semaphore, #tpu.memory_space<semaphore_mem>>
        %dma_start3A = arith.constant 0 : i32
        %dma_start3A_110 = tpu.memref_slice %arg16[%add3A_85, %dma_start3A] : memref<10240x128xf32, #tpu.memory_space<hbm>> -> memref<128x128xf32, #tpu.memory_space<hbm>>
        %dma_start3A_111 = arith.constant 0 : i32
        %dma_start3A_112 = tpu.memref_slice %arg16[%add3A_85, %dma_start3A_111] : memref<10240x128xf32, #tpu.memory_space<hbm>> -> memref<128x128xf32, #tpu.memory_space<hbm>>
        tpu.enqueue_dma source(%arg21 : memref<128x128xf32, #tpu.memory_space<vmem>>) target(%dma_start3A_112 : memref<128x128xf32, #tpu.memory_space<hbm>>) target_semaphore(%run_scoped3A : memref<!tpu.dma_semaphore, #tpu.memory_space<semaphore_mem>>)
        %dma_wait3A = arith.constant 0 : i32
        %dma_wait3A_113 = tpu.memref_slice %arg16[%add3A_85, %dma_wait3A] : memref<10240x128xf32, #tpu.memory_space<hbm>> -> memref<128x128xf32, #tpu.memory_space<hbm>>
        %dma_wait3A_114 = arith.constant 0 : i32
        %dma_wait3A_115 = tpu.memref_slice %arg16[%add3A_85, %dma_wait3A_114] : memref<10240x128xf32, #tpu.memory_space<hbm>> -> memref<128x128xf32, #tpu.memory_space<hbm>>
        tpu.wait_dma2 semaphore(%run_scoped3A : memref<!tpu.dma_semaphore, #tpu.memory_space<semaphore_mem>>) src(%arg21 : memref<128x128xf32, #tpu.memory_space<vmem>>) dst(%dma_wait3A_115 : memref<128x128xf32, #tpu.memory_space<hbm>>)
        tpu.yield
      }) : () -> ()
      %add3A_86 = arith.constant 512 : i32
      %add3A_87 = arith.addi %mul3A_0, %add3A_86 : i32
      "tpu.region"() ({
        %run_scoped3A = tpu.sem_alloc : memref<!tpu.dma_semaphore, #tpu.memory_space<semaphore_mem>>
        %dma_start3A = arith.constant 0 : i32
        %dma_start3A_110 = tpu.memref_slice %arg23[%add3A_87, %dma_start3A] : memref<10240x128xf32, #tpu.memory_space<vmem_shared>> -> memref<128x128xf32, #tpu.memory_space<vmem_shared>>
        %dma_start3A_111 = arith.constant 0 : i32
        %dma_start3A_112 = tpu.memref_slice %arg23[%add3A_87, %dma_start3A_111] : memref<10240x128xf32, #tpu.memory_space<vmem_shared>> -> memref<128x128xf32, #tpu.memory_space<vmem_shared>>
        tpu.enqueue_dma source(%dma_start3A_112 : memref<128x128xf32, #tpu.memory_space<vmem_shared>>) target(%arg21 : memref<128x128xf32, #tpu.memory_space<vmem>>) target_semaphore(%run_scoped3A : memref<!tpu.dma_semaphore, #tpu.memory_space<semaphore_mem>>)
        %dma_wait3A = arith.constant 0 : i32
        %dma_wait3A_113 = tpu.memref_slice %arg23[%add3A_87, %dma_wait3A] : memref<10240x128xf32, #tpu.memory_space<vmem_shared>> -> memref<128x128xf32, #tpu.memory_space<vmem_shared>>
        %dma_wait3A_114 = arith.constant 0 : i32
        %dma_wait3A_115 = tpu.memref_slice %arg23[%add3A_87, %dma_wait3A_114] : memref<10240x128xf32, #tpu.memory_space<vmem_shared>> -> memref<128x128xf32, #tpu.memory_space<vmem_shared>>
        tpu.wait_dma2 semaphore(%run_scoped3A : memref<!tpu.dma_semaphore, #tpu.memory_space<semaphore_mem>>) src(%dma_wait3A_115 : memref<128x128xf32, #tpu.memory_space<vmem_shared>>) dst(%arg21 : memref<128x128xf32, #tpu.memory_space<vmem>>)
        tpu.yield
      }) : () -> ()
      %add3A_88 = arith.constant 512 : i32
      %add3A_89 = arith.addi %mul3A_0, %add3A_88 : i32
      "tpu.region"() ({
        %run_scoped3A = tpu.sem_alloc : memref<!tpu.dma_semaphore, #tpu.memory_space<semaphore_mem>>
        %dma_start3A = arith.constant 0 : i32
        %dma_start3A_110 = tpu.memref_slice %arg16[%add3A_89, %dma_start3A] : memref<10240x128xf32, #tpu.memory_space<hbm>> -> memref<128x128xf32, #tpu.memory_space<hbm>>
        %dma_start3A_111 = arith.constant 0 : i32
        %dma_start3A_112 = tpu.memref_slice %arg16[%add3A_89, %dma_start3A_111] : memref<10240x128xf32, #tpu.memory_space<hbm>> -> memref<128x128xf32, #tpu.memory_space<hbm>>
        tpu.enqueue_dma source(%arg21 : memref<128x128xf32, #tpu.memory_space<vmem>>) target(%dma_start3A_112 : memref<128x128xf32, #tpu.memory_space<hbm>>) target_semaphore(%run_scoped3A : memref<!tpu.dma_semaphore, #tpu.memory_space<semaphore_mem>>)
        %dma_wait3A = arith.constant 0 : i32
        %dma_wait3A_113 = tpu.memref_slice %arg16[%add3A_89, %dma_wait3A] : memref<10240x128xf32, #tpu.memory_space<hbm>> -> memref<128x128xf32, #tpu.memory_space<hbm>>
        %dma_wait3A_114 = arith.constant 0 : i32
        %dma_wait3A_115 = tpu.memref_slice %arg16[%add3A_89, %dma_wait3A_114] : memref<10240x128xf32, #tpu.memory_space<hbm>> -> memref<128x128xf32, #tpu.memory_space<hbm>>
        tpu.wait_dma2 semaphore(%run_scoped3A : memref<!tpu.dma_semaphore, #tpu.memory_space<semaphore_mem>>) src(%arg21 : memref<128x128xf32, #tpu.memory_space<vmem>>) dst(%dma_wait3A_115 : memref<128x128xf32, #tpu.memory_space<hbm>>)
        tpu.yield
      }) : () -> ()
      %add3A_90 = arith.constant 0 : i32
      %add3A_91 = arith.addi %mul3A_0, %add3A_90 : i32
      "tpu.region"() ({
        %run_scoped3A = tpu.sem_alloc : memref<!tpu.dma_semaphore, #tpu.memory_space<semaphore_mem>>
        %dma_start3A = arith.constant 0 : i32
        %dma_start3A_110 = tpu.memref_slice %arg24[%add3A_91, %dma_start3A] : memref<10240x16xf32, #tpu.memory_space<vmem_shared>> -> memref<128x16xf32, #tpu.memory_space<vmem_shared>>
        %dma_start3A_111 = arith.constant 0 : i32
        %dma_start3A_112 = tpu.memref_slice %arg24[%add3A_91, %dma_start3A_111] : memref<10240x16xf32, #tpu.memory_space<vmem_shared>> -> memref<128x16xf32, #tpu.memory_space<vmem_shared>>
        tpu.enqueue_dma source(%dma_start3A_112 : memref<128x16xf32, #tpu.memory_space<vmem_shared>>) target(%arg22 : memref<128x16xf32, #tpu.memory_space<vmem>>) target_semaphore(%run_scoped3A : memref<!tpu.dma_semaphore, #tpu.memory_space<semaphore_mem>>)
        %dma_wait3A = arith.constant 0 : i32
        %dma_wait3A_113 = tpu.memref_slice %arg24[%add3A_91, %dma_wait3A] : memref<10240x16xf32, #tpu.memory_space<vmem_shared>> -> memref<128x16xf32, #tpu.memory_space<vmem_shared>>
        %dma_wait3A_114 = arith.constant 0 : i32
        %dma_wait3A_115 = tpu.memref_slice %arg24[%add3A_91, %dma_wait3A_114] : memref<10240x16xf32, #tpu.memory_space<vmem_shared>> -> memref<128x16xf32, #tpu.memory_space<vmem_shared>>
        tpu.wait_dma2 semaphore(%run_scoped3A : memref<!tpu.dma_semaphore, #tpu.memory_space<semaphore_mem>>) src(%dma_wait3A_115 : memref<128x16xf32, #tpu.memory_space<vmem_shared>>) dst(%arg22 : memref<128x16xf32, #tpu.memory_space<vmem>>)
        tpu.yield
      }) : () -> ()
      %add3A_92 = arith.constant 0 : i32
      %add3A_93 = arith.addi %mul3A_0, %add3A_92 : i32
      "tpu.region"() ({
        %run_scoped3A = tpu.sem_alloc : memref<!tpu.dma_semaphore, #tpu.memory_space<semaphore_mem>>
        %dma_start3A = arith.constant 0 : i32
        %dma_start3A_110 = tpu.memref_slice %arg18[%add3A_93, %dma_start3A] : memref<10240x16xf32, #tpu.memory_space<hbm>> -> memref<128x16xf32, #tpu.memory_space<hbm>>
        %dma_start3A_111 = arith.constant 0 : i32
        %dma_start3A_112 = tpu.memref_slice %arg18[%add3A_93, %dma_start3A_111] : memref<10240x16xf32, #tpu.memory_space<hbm>> -> memref<128x16xf32, #tpu.memory_space<hbm>>
        tpu.enqueue_dma source(%arg22 : memref<128x16xf32, #tpu.memory_space<vmem>>) target(%dma_start3A_112 : memref<128x16xf32, #tpu.memory_space<hbm>>) target_semaphore(%run_scoped3A : memref<!tpu.dma_semaphore, #tpu.memory_space<semaphore_mem>>)
        %dma_wait3A = arith.constant 0 : i32
        %dma_wait3A_113 = tpu.memref_slice %arg18[%add3A_93, %dma_wait3A] : memref<10240x16xf32, #tpu.memory_space<hbm>> -> memref<128x16xf32, #tpu.memory_space<hbm>>
        %dma_wait3A_114 = arith.constant 0 : i32
        %dma_wait3A_115 = tpu.memref_slice %arg18[%add3A_93, %dma_wait3A_114] : memref<10240x16xf32, #tpu.memory_space<hbm>> -> memref<128x16xf32, #tpu.memory_space<hbm>>
        tpu.wait_dma2 semaphore(%run_scoped3A : memref<!tpu.dma_semaphore, #tpu.memory_space<semaphore_mem>>) src(%arg22 : memref<128x16xf32, #tpu.memory_space<vmem>>) dst(%dma_wait3A_115 : memref<128x16xf32, #tpu.memory_space<hbm>>)
        tpu.yield
      }) : () -> ()
      %add3A_94 = arith.constant 128 : i32
      %add3A_95 = arith.addi %mul3A_0, %add3A_94 : i32
      "tpu.region"() ({
        %run_scoped3A = tpu.sem_alloc : memref<!tpu.dma_semaphore, #tpu.memory_space<semaphore_mem>>
        %dma_start3A = arith.constant 0 : i32
        %dma_start3A_110 = tpu.memref_slice %arg24[%add3A_95, %dma_start3A] : memref<10240x16xf32, #tpu.memory_space<vmem_shared>> -> memref<128x16xf32, #tpu.memory_space<vmem_shared>>
        %dma_start3A_111 = arith.constant 0 : i32
        %dma_start3A_112 = tpu.memref_slice %arg24[%add3A_95, %dma_start3A_111] : memref<10240x16xf32, #tpu.memory_space<vmem_shared>> -> memref<128x16xf32, #tpu.memory_space<vmem_shared>>
        tpu.enqueue_dma source(%dma_start3A_112 : memref<128x16xf32, #tpu.memory_space<vmem_shared>>) target(%arg22 : memref<128x16xf32, #tpu.memory_space<vmem>>) target_semaphore(%run_scoped3A : memref<!tpu.dma_semaphore, #tpu.memory_space<semaphore_mem>>)
        %dma_wait3A = arith.constant 0 : i32
        %dma_wait3A_113 = tpu.memref_slice %arg24[%add3A_95, %dma_wait3A] : memref<10240x16xf32, #tpu.memory_space<vmem_shared>> -> memref<128x16xf32, #tpu.memory_space<vmem_shared>>
        %dma_wait3A_114 = arith.constant 0 : i32
        %dma_wait3A_115 = tpu.memref_slice %arg24[%add3A_95, %dma_wait3A_114] : memref<10240x16xf32, #tpu.memory_space<vmem_shared>> -> memref<128x16xf32, #tpu.memory_space<vmem_shared>>
        tpu.wait_dma2 semaphore(%run_scoped3A : memref<!tpu.dma_semaphore, #tpu.memory_space<semaphore_mem>>) src(%dma_wait3A_115 : memref<128x16xf32, #tpu.memory_space<vmem_shared>>) dst(%arg22 : memref<128x16xf32, #tpu.memory_space<vmem>>)
        tpu.yield
      }) : () -> ()
      %add3A_96 = arith.constant 128 : i32
      %add3A_97 = arith.addi %mul3A_0, %add3A_96 : i32
      "tpu.region"() ({
        %run_scoped3A = tpu.sem_alloc : memref<!tpu.dma_semaphore, #tpu.memory_space<semaphore_mem>>
        %dma_start3A = arith.constant 0 : i32
        %dma_start3A_110 = tpu.memref_slice %arg18[%add3A_97, %dma_start3A] : memref<10240x16xf32, #tpu.memory_space<hbm>> -> memref<128x16xf32, #tpu.memory_space<hbm>>
        %dma_start3A_111 = arith.constant 0 : i32
        %dma_start3A_112 = tpu.memref_slice %arg18[%add3A_97, %dma_start3A_111] : memref<10240x16xf32, #tpu.memory_space<hbm>> -> memref<128x16xf32, #tpu.memory_space<hbm>>
        tpu.enqueue_dma source(%arg22 : memref<128x16xf32, #tpu.memory_space<vmem>>) target(%dma_start3A_112 : memref<128x16xf32, #tpu.memory_space<hbm>>) target_semaphore(%run_scoped3A : memref<!tpu.dma_semaphore, #tpu.memory_space<semaphore_mem>>)
        %dma_wait3A = arith.constant 0 : i32
        %dma_wait3A_113 = tpu.memref_slice %arg18[%add3A_97, %dma_wait3A] : memref<10240x16xf32, #tpu.memory_space<hbm>> -> memref<128x16xf32, #tpu.memory_space<hbm>>
        %dma_wait3A_114 = arith.constant 0 : i32
        %dma_wait3A_115 = tpu.memref_slice %arg18[%add3A_97, %dma_wait3A_114] : memref<10240x16xf32, #tpu.memory_space<hbm>> -> memref<128x16xf32, #tpu.memory_space<hbm>>
        tpu.wait_dma2 semaphore(%run_scoped3A : memref<!tpu.dma_semaphore, #tpu.memory_space<semaphore_mem>>) src(%arg22 : memref<128x16xf32, #tpu.memory_space<vmem>>) dst(%dma_wait3A_115 : memref<128x16xf32, #tpu.memory_space<hbm>>)
        tpu.yield
      }) : () -> ()
      %add3A_98 = arith.constant 256 : i32
      %add3A_99 = arith.addi %mul3A_0, %add3A_98 : i32
      "tpu.region"() ({
        %run_scoped3A = tpu.sem_alloc : memref<!tpu.dma_semaphore, #tpu.memory_space<semaphore_mem>>
        %dma_start3A = arith.constant 0 : i32
        %dma_start3A_110 = tpu.memref_slice %arg24[%add3A_99, %dma_start3A] : memref<10240x16xf32, #tpu.memory_space<vmem_shared>> -> memref<128x16xf32, #tpu.memory_space<vmem_shared>>
        %dma_start3A_111 = arith.constant 0 : i32
        %dma_start3A_112 = tpu.memref_slice %arg24[%add3A_99, %dma_start3A_111] : memref<10240x16xf32, #tpu.memory_space<vmem_shared>> -> memref<128x16xf32, #tpu.memory_space<vmem_shared>>
        tpu.enqueue_dma source(%dma_start3A_112 : memref<128x16xf32, #tpu.memory_space<vmem_shared>>) target(%arg22 : memref<128x16xf32, #tpu.memory_space<vmem>>) target_semaphore(%run_scoped3A : memref<!tpu.dma_semaphore, #tpu.memory_space<semaphore_mem>>)
        %dma_wait3A = arith.constant 0 : i32
        %dma_wait3A_113 = tpu.memref_slice %arg24[%add3A_99, %dma_wait3A] : memref<10240x16xf32, #tpu.memory_space<vmem_shared>> -> memref<128x16xf32, #tpu.memory_space<vmem_shared>>
        %dma_wait3A_114 = arith.constant 0 : i32
        %dma_wait3A_115 = tpu.memref_slice %arg24[%add3A_99, %dma_wait3A_114] : memref<10240x16xf32, #tpu.memory_space<vmem_shared>> -> memref<128x16xf32, #tpu.memory_space<vmem_shared>>
        tpu.wait_dma2 semaphore(%run_scoped3A : memref<!tpu.dma_semaphore, #tpu.memory_space<semaphore_mem>>) src(%dma_wait3A_115 : memref<128x16xf32, #tpu.memory_space<vmem_shared>>) dst(%arg22 : memref<128x16xf32, #tpu.memory_space<vmem>>)
        tpu.yield
      }) : () -> ()
      %add3A_100 = arith.constant 256 : i32
      %add3A_101 = arith.addi %mul3A_0, %add3A_100 : i32
      "tpu.region"() ({
        %run_scoped3A = tpu.sem_alloc : memref<!tpu.dma_semaphore, #tpu.memory_space<semaphore_mem>>
        %dma_start3A = arith.constant 0 : i32
        %dma_start3A_110 = tpu.memref_slice %arg18[%add3A_101, %dma_start3A] : memref<10240x16xf32, #tpu.memory_space<hbm>> -> memref<128x16xf32, #tpu.memory_space<hbm>>
        %dma_start3A_111 = arith.constant 0 : i32
        %dma_start3A_112 = tpu.memref_slice %arg18[%add3A_101, %dma_start3A_111] : memref<10240x16xf32, #tpu.memory_space<hbm>> -> memref<128x16xf32, #tpu.memory_space<hbm>>
        tpu.enqueue_dma source(%arg22 : memref<128x16xf32, #tpu.memory_space<vmem>>) target(%dma_start3A_112 : memref<128x16xf32, #tpu.memory_space<hbm>>) target_semaphore(%run_scoped3A : memref<!tpu.dma_semaphore, #tpu.memory_space<semaphore_mem>>)
        %dma_wait3A = arith.constant 0 : i32
        %dma_wait3A_113 = tpu.memref_slice %arg18[%add3A_101, %dma_wait3A] : memref<10240x16xf32, #tpu.memory_space<hbm>> -> memref<128x16xf32, #tpu.memory_space<hbm>>
        %dma_wait3A_114 = arith.constant 0 : i32
        %dma_wait3A_115 = tpu.memref_slice %arg18[%add3A_101, %dma_wait3A_114] : memref<10240x16xf32, #tpu.memory_space<hbm>> -> memref<128x16xf32, #tpu.memory_space<hbm>>
        tpu.wait_dma2 semaphore(%run_scoped3A : memref<!tpu.dma_semaphore, #tpu.memory_space<semaphore_mem>>) src(%arg22 : memref<128x16xf32, #tpu.memory_space<vmem>>) dst(%dma_wait3A_115 : memref<128x16xf32, #tpu.memory_space<hbm>>)
        tpu.yield
      }) : () -> ()
      %add3A_102 = arith.constant 384 : i32
      %add3A_103 = arith.addi %mul3A_0, %add3A_102 : i32
      "tpu.region"() ({
        %run_scoped3A = tpu.sem_alloc : memref<!tpu.dma_semaphore, #tpu.memory_space<semaphore_mem>>
        %dma_start3A = arith.constant 0 : i32
        %dma_start3A_110 = tpu.memref_slice %arg24[%add3A_103, %dma_start3A] : memref<10240x16xf32, #tpu.memory_space<vmem_shared>> -> memref<128x16xf32, #tpu.memory_space<vmem_shared>>
        %dma_start3A_111 = arith.constant 0 : i32
        %dma_start3A_112 = tpu.memref_slice %arg24[%add3A_103, %dma_start3A_111] : memref<10240x16xf32, #tpu.memory_space<vmem_shared>> -> memref<128x16xf32, #tpu.memory_space<vmem_shared>>
        tpu.enqueue_dma source(%dma_start3A_112 : memref<128x16xf32, #tpu.memory_space<vmem_shared>>) target(%arg22 : memref<128x16xf32, #tpu.memory_space<vmem>>) target_semaphore(%run_scoped3A : memref<!tpu.dma_semaphore, #tpu.memory_space<semaphore_mem>>)
        %dma_wait3A = arith.constant 0 : i32
        %dma_wait3A_113 = tpu.memref_slice %arg24[%add3A_103, %dma_wait3A] : memref<10240x16xf32, #tpu.memory_space<vmem_shared>> -> memref<128x16xf32, #tpu.memory_space<vmem_shared>>
        %dma_wait3A_114 = arith.constant 0 : i32
        %dma_wait3A_115 = tpu.memref_slice %arg24[%add3A_103, %dma_wait3A_114] : memref<10240x16xf32, #tpu.memory_space<vmem_shared>> -> memref<128x16xf32, #tpu.memory_space<vmem_shared>>
        tpu.wait_dma2 semaphore(%run_scoped3A : memref<!tpu.dma_semaphore, #tpu.memory_space<semaphore_mem>>) src(%dma_wait3A_115 : memref<128x16xf32, #tpu.memory_space<vmem_shared>>) dst(%arg22 : memref<128x16xf32, #tpu.memory_space<vmem>>)
        tpu.yield
      }) : () -> ()
      %add3A_104 = arith.constant 384 : i32
      %add3A_105 = arith.addi %mul3A_0, %add3A_104 : i32
      "tpu.region"() ({
        %run_scoped3A = tpu.sem_alloc : memref<!tpu.dma_semaphore, #tpu.memory_space<semaphore_mem>>
        %dma_start3A = arith.constant 0 : i32
        %dma_start3A_110 = tpu.memref_slice %arg18[%add3A_105, %dma_start3A] : memref<10240x16xf32, #tpu.memory_space<hbm>> -> memref<128x16xf32, #tpu.memory_space<hbm>>
        %dma_start3A_111 = arith.constant 0 : i32
        %dma_start3A_112 = tpu.memref_slice %arg18[%add3A_105, %dma_start3A_111] : memref<10240x16xf32, #tpu.memory_space<hbm>> -> memref<128x16xf32, #tpu.memory_space<hbm>>
        tpu.enqueue_dma source(%arg22 : memref<128x16xf32, #tpu.memory_space<vmem>>) target(%dma_start3A_112 : memref<128x16xf32, #tpu.memory_space<hbm>>) target_semaphore(%run_scoped3A : memref<!tpu.dma_semaphore, #tpu.memory_space<semaphore_mem>>)
        %dma_wait3A = arith.constant 0 : i32
        %dma_wait3A_113 = tpu.memref_slice %arg18[%add3A_105, %dma_wait3A] : memref<10240x16xf32, #tpu.memory_space<hbm>> -> memref<128x16xf32, #tpu.memory_space<hbm>>
        %dma_wait3A_114 = arith.constant 0 : i32
        %dma_wait3A_115 = tpu.memref_slice %arg18[%add3A_105, %dma_wait3A_114] : memref<10240x16xf32, #tpu.memory_space<hbm>> -> memref<128x16xf32, #tpu.memory_space<hbm>>
        tpu.wait_dma2 semaphore(%run_scoped3A : memref<!tpu.dma_semaphore, #tpu.memory_space<semaphore_mem>>) src(%arg22 : memref<128x16xf32, #tpu.memory_space<vmem>>) dst(%dma_wait3A_115 : memref<128x16xf32, #tpu.memory_space<hbm>>)
        tpu.yield
      }) : () -> ()
      %add3A_106 = arith.constant 512 : i32
      %add3A_107 = arith.addi %mul3A_0, %add3A_106 : i32
      "tpu.region"() ({
        %run_scoped3A = tpu.sem_alloc : memref<!tpu.dma_semaphore, #tpu.memory_space<semaphore_mem>>
        %dma_start3A = arith.constant 0 : i32
        %dma_start3A_110 = tpu.memref_slice %arg24[%add3A_107, %dma_start3A] : memref<10240x16xf32, #tpu.memory_space<vmem_shared>> -> memref<128x16xf32, #tpu.memory_space<vmem_shared>>
        %dma_start3A_111 = arith.constant 0 : i32
        %dma_start3A_112 = tpu.memref_slice %arg24[%add3A_107, %dma_start3A_111] : memref<10240x16xf32, #tpu.memory_space<vmem_shared>> -> memref<128x16xf32, #tpu.memory_space<vmem_shared>>
        tpu.enqueue_dma source(%dma_start3A_112 : memref<128x16xf32, #tpu.memory_space<vmem_shared>>) target(%arg22 : memref<128x16xf32, #tpu.memory_space<vmem>>) target_semaphore(%run_scoped3A : memref<!tpu.dma_semaphore, #tpu.memory_space<semaphore_mem>>)
        %dma_wait3A = arith.constant 0 : i32
        %dma_wait3A_113 = tpu.memref_slice %arg24[%add3A_107, %dma_wait3A] : memref<10240x16xf32, #tpu.memory_space<vmem_shared>> -> memref<128x16xf32, #tpu.memory_space<vmem_shared>>
        %dma_wait3A_114 = arith.constant 0 : i32
        %dma_wait3A_115 = tpu.memref_slice %arg24[%add3A_107, %dma_wait3A_114] : memref<10240x16xf32, #tpu.memory_space<vmem_shared>> -> memref<128x16xf32, #tpu.memory_space<vmem_shared>>
        tpu.wait_dma2 semaphore(%run_scoped3A : memref<!tpu.dma_semaphore, #tpu.memory_space<semaphore_mem>>) src(%dma_wait3A_115 : memref<128x16xf32, #tpu.memory_space<vmem_shared>>) dst(%arg22 : memref<128x16xf32, #tpu.memory_space<vmem>>)
        tpu.yield
      }) : () -> ()
      %add3A_108 = arith.constant 512 : i32
      %add3A_109 = arith.addi %mul3A_0, %add3A_108 : i32
      "tpu.region"() ({
        %run_scoped3A = tpu.sem_alloc : memref<!tpu.dma_semaphore, #tpu.memory_space<semaphore_mem>>
        %dma_start3A = arith.constant 0 : i32
        %dma_start3A_110 = tpu.memref_slice %arg18[%add3A_109, %dma_start3A] : memref<10240x16xf32, #tpu.memory_space<hbm>> -> memref<128x16xf32, #tpu.memory_space<hbm>>
        %dma_start3A_111 = arith.constant 0 : i32
        %dma_start3A_112 = tpu.memref_slice %arg18[%add3A_109, %dma_start3A_111] : memref<10240x16xf32, #tpu.memory_space<hbm>> -> memref<128x16xf32, #tpu.memory_space<hbm>>
        tpu.enqueue_dma source(%arg22 : memref<128x16xf32, #tpu.memory_space<vmem>>) target(%dma_start3A_112 : memref<128x16xf32, #tpu.memory_space<hbm>>) target_semaphore(%run_scoped3A : memref<!tpu.dma_semaphore, #tpu.memory_space<semaphore_mem>>)
        %dma_wait3A = arith.constant 0 : i32
        %dma_wait3A_113 = tpu.memref_slice %arg18[%add3A_109, %dma_wait3A] : memref<10240x16xf32, #tpu.memory_space<hbm>> -> memref<128x16xf32, #tpu.memory_space<hbm>>
        %dma_wait3A_114 = arith.constant 0 : i32
        %dma_wait3A_115 = tpu.memref_slice %arg18[%add3A_109, %dma_wait3A_114] : memref<10240x16xf32, #tpu.memory_space<hbm>> -> memref<128x16xf32, #tpu.memory_space<hbm>>
        tpu.wait_dma2 semaphore(%run_scoped3A : memref<!tpu.dma_semaphore, #tpu.memory_space<semaphore_mem>>) src(%arg22 : memref<128x16xf32, #tpu.memory_space<vmem>>) dst(%dma_wait3A_115 : memref<128x16xf32, #tpu.memory_space<hbm>>)
        tpu.yield
      }) : () -> ()
    } else {
    }
    %eq3A_65 = arith.constant 1 : i32
    %eq3A_66 = arith.cmpi eq, %arg0, %eq3A_65 : i32
    %convert_element_type3A_67 = arith.extui %eq3A_66 : i1 to i32
    %cond3A_68 = arith.constant 0 : i32
    %cond3A_69 = arith.cmpi ne, %convert_element_type3A_67, %cond3A_68 : i32
    scf.if %cond3A_69 {
      %add3A_70 = arith.constant 0 : i32
      %add3A_71 = arith.addi %mul3A_0, %add3A_70 : i32
      "tpu.region"() ({
        %run_scoped3A = tpu.sem_alloc : memref<!tpu.dma_semaphore, #tpu.memory_space<semaphore_mem>>
        %dma_start3A = arith.constant 0 : i32
        %dma_start3A_90 = tpu.memref_slice %arg23[%add3A_71, %dma_start3A] : memref<10240x128xf32, #tpu.memory_space<vmem_shared>> -> memref<128x128xf32, #tpu.memory_space<vmem_shared>>
        %dma_start3A_91 = arith.constant 0 : i32
        %dma_start3A_92 = tpu.memref_slice %arg23[%add3A_71, %dma_start3A_91] : memref<10240x128xf32, #tpu.memory_space<vmem_shared>> -> memref<128x128xf32, #tpu.memory_space<vmem_shared>>
        tpu.enqueue_dma source(%dma_start3A_92 : memref<128x128xf32, #tpu.memory_space<vmem_shared>>) target(%arg21 : memref<128x128xf32, #tpu.memory_space<vmem>>) target_semaphore(%run_scoped3A : memref<!tpu.dma_semaphore, #tpu.memory_space<semaphore_mem>>)
        %dma_wait3A = arith.constant 0 : i32
        %dma_wait3A_93 = tpu.memref_slice %arg23[%add3A_71, %dma_wait3A] : memref<10240x128xf32, #tpu.memory_space<vmem_shared>> -> memref<128x128xf32, #tpu.memory_space<vmem_shared>>
        %dma_wait3A_94 = arith.constant 0 : i32
        %dma_wait3A_95 = tpu.memref_slice %arg23[%add3A_71, %dma_wait3A_94] : memref<10240x128xf32, #tpu.memory_space<vmem_shared>> -> memref<128x128xf32, #tpu.memory_space<vmem_shared>>
        tpu.wait_dma2 semaphore(%run_scoped3A : memref<!tpu.dma_semaphore, #tpu.memory_space<semaphore_mem>>) src(%dma_wait3A_95 : memref<128x128xf32, #tpu.memory_space<vmem_shared>>) dst(%arg21 : memref<128x128xf32, #tpu.memory_space<vmem>>)
        tpu.yield
      }) : () -> ()
      %add3A_72 = arith.constant 0 : i32
      %add3A_73 = arith.addi %mul3A_0, %add3A_72 : i32
      "tpu.region"() ({
        %run_scoped3A = tpu.sem_alloc : memref<!tpu.dma_semaphore, #tpu.memory_space<semaphore_mem>>
        %dma_start3A = arith.constant 0 : i32
        %dma_start3A_90 = tpu.memref_slice %arg17[%add3A_73, %dma_start3A] : memref<10240x128xf32, #tpu.memory_space<hbm>> -> memref<128x128xf32, #tpu.memory_space<hbm>>
        %dma_start3A_91 = arith.constant 0 : i32
        %dma_start3A_92 = tpu.memref_slice %arg17[%add3A_73, %dma_start3A_91] : memref<10240x128xf32, #tpu.memory_space<hbm>> -> memref<128x128xf32, #tpu.memory_space<hbm>>
        tpu.enqueue_dma source(%arg21 : memref<128x128xf32, #tpu.memory_space<vmem>>) target(%dma_start3A_92 : memref<128x128xf32, #tpu.memory_space<hbm>>) target_semaphore(%run_scoped3A : memref<!tpu.dma_semaphore, #tpu.memory_space<semaphore_mem>>)
        %dma_wait3A = arith.constant 0 : i32
        %dma_wait3A_93 = tpu.memref_slice %arg17[%add3A_73, %dma_wait3A] : memref<10240x128xf32, #tpu.memory_space<hbm>> -> memref<128x128xf32, #tpu.memory_space<hbm>>
        %dma_wait3A_94 = arith.constant 0 : i32
        %dma_wait3A_95 = tpu.memref_slice %arg17[%add3A_73, %dma_wait3A_94] : memref<10240x128xf32, #tpu.memory_space<hbm>> -> memref<128x128xf32, #tpu.memory_space<hbm>>
        tpu.wait_dma2 semaphore(%run_scoped3A : memref<!tpu.dma_semaphore, #tpu.memory_space<semaphore_mem>>) src(%arg21 : memref<128x128xf32, #tpu.memory_space<vmem>>) dst(%dma_wait3A_95 : memref<128x128xf32, #tpu.memory_space<hbm>>)
        tpu.yield
      }) : () -> ()
      %add3A_74 = arith.constant 128 : i32
      %add3A_75 = arith.addi %mul3A_0, %add3A_74 : i32
      "tpu.region"() ({
        %run_scoped3A = tpu.sem_alloc : memref<!tpu.dma_semaphore, #tpu.memory_space<semaphore_mem>>
        %dma_start3A = arith.constant 0 : i32
        %dma_start3A_90 = tpu.memref_slice %arg23[%add3A_75, %dma_start3A] : memref<10240x128xf32, #tpu.memory_space<vmem_shared>> -> memref<128x128xf32, #tpu.memory_space<vmem_shared>>
        %dma_start3A_91 = arith.constant 0 : i32
        %dma_start3A_92 = tpu.memref_slice %arg23[%add3A_75, %dma_start3A_91] : memref<10240x128xf32, #tpu.memory_space<vmem_shared>> -> memref<128x128xf32, #tpu.memory_space<vmem_shared>>
        tpu.enqueue_dma source(%dma_start3A_92 : memref<128x128xf32, #tpu.memory_space<vmem_shared>>) target(%arg21 : memref<128x128xf32, #tpu.memory_space<vmem>>) target_semaphore(%run_scoped3A : memref<!tpu.dma_semaphore, #tpu.memory_space<semaphore_mem>>)
        %dma_wait3A = arith.constant 0 : i32
        %dma_wait3A_93 = tpu.memref_slice %arg23[%add3A_75, %dma_wait3A] : memref<10240x128xf32, #tpu.memory_space<vmem_shared>> -> memref<128x128xf32, #tpu.memory_space<vmem_shared>>
        %dma_wait3A_94 = arith.constant 0 : i32
        %dma_wait3A_95 = tpu.memref_slice %arg23[%add3A_75, %dma_wait3A_94] : memref<10240x128xf32, #tpu.memory_space<vmem_shared>> -> memref<128x128xf32, #tpu.memory_space<vmem_shared>>
        tpu.wait_dma2 semaphore(%run_scoped3A : memref<!tpu.dma_semaphore, #tpu.memory_space<semaphore_mem>>) src(%dma_wait3A_95 : memref<128x128xf32, #tpu.memory_space<vmem_shared>>) dst(%arg21 : memref<128x128xf32, #tpu.memory_space<vmem>>)
        tpu.yield
      }) : () -> ()
      %add3A_76 = arith.constant 128 : i32
      %add3A_77 = arith.addi %mul3A_0, %add3A_76 : i32
      "tpu.region"() ({
        %run_scoped3A = tpu.sem_alloc : memref<!tpu.dma_semaphore, #tpu.memory_space<semaphore_mem>>
        %dma_start3A = arith.constant 0 : i32
        %dma_start3A_90 = tpu.memref_slice %arg17[%add3A_77, %dma_start3A] : memref<10240x128xf32, #tpu.memory_space<hbm>> -> memref<128x128xf32, #tpu.memory_space<hbm>>
        %dma_start3A_91 = arith.constant 0 : i32
        %dma_start3A_92 = tpu.memref_slice %arg17[%add3A_77, %dma_start3A_91] : memref<10240x128xf32, #tpu.memory_space<hbm>> -> memref<128x128xf32, #tpu.memory_space<hbm>>
        tpu.enqueue_dma source(%arg21 : memref<128x128xf32, #tpu.memory_space<vmem>>) target(%dma_start3A_92 : memref<128x128xf32, #tpu.memory_space<hbm>>) target_semaphore(%run_scoped3A : memref<!tpu.dma_semaphore, #tpu.memory_space<semaphore_mem>>)
        %dma_wait3A = arith.constant 0 : i32
        %dma_wait3A_93 = tpu.memref_slice %arg17[%add3A_77, %dma_wait3A] : memref<10240x128xf32, #tpu.memory_space<hbm>> -> memref<128x128xf32, #tpu.memory_space<hbm>>
        %dma_wait3A_94 = arith.constant 0 : i32
        %dma_wait3A_95 = tpu.memref_slice %arg17[%add3A_77, %dma_wait3A_94] : memref<10240x128xf32, #tpu.memory_space<hbm>> -> memref<128x128xf32, #tpu.memory_space<hbm>>
        tpu.wait_dma2 semaphore(%run_scoped3A : memref<!tpu.dma_semaphore, #tpu.memory_space<semaphore_mem>>) src(%arg21 : memref<128x128xf32, #tpu.memory_space<vmem>>) dst(%dma_wait3A_95 : memref<128x128xf32, #tpu.memory_space<hbm>>)
        tpu.yield
      }) : () -> ()
      %add3A_78 = arith.constant 256 : i32
      %add3A_79 = arith.addi %mul3A_0, %add3A_78 : i32
      "tpu.region"() ({
        %run_scoped3A = tpu.sem_alloc : memref<!tpu.dma_semaphore, #tpu.memory_space<semaphore_mem>>
        %dma_start3A = arith.constant 0 : i32
        %dma_start3A_90 = tpu.memref_slice %arg23[%add3A_79, %dma_start3A] : memref<10240x128xf32, #tpu.memory_space<vmem_shared>> -> memref<128x128xf32, #tpu.memory_space<vmem_shared>>
        %dma_start3A_91 = arith.constant 0 : i32
        %dma_start3A_92 = tpu.memref_slice %arg23[%add3A_79, %dma_start3A_91] : memref<10240x128xf32, #tpu.memory_space<vmem_shared>> -> memref<128x128xf32, #tpu.memory_space<vmem_shared>>
        tpu.enqueue_dma source(%dma_start3A_92 : memref<128x128xf32, #tpu.memory_space<vmem_shared>>) target(%arg21 : memref<128x128xf32, #tpu.memory_space<vmem>>) target_semaphore(%run_scoped3A : memref<!tpu.dma_semaphore, #tpu.memory_space<semaphore_mem>>)
        %dma_wait3A = arith.constant 0 : i32
        %dma_wait3A_93 = tpu.memref_slice %arg23[%add3A_79, %dma_wait3A] : memref<10240x128xf32, #tpu.memory_space<vmem_shared>> -> memref<128x128xf32, #tpu.memory_space<vmem_shared>>
        %dma_wait3A_94 = arith.constant 0 : i32
        %dma_wait3A_95 = tpu.memref_slice %arg23[%add3A_79, %dma_wait3A_94] : memref<10240x128xf32, #tpu.memory_space<vmem_shared>> -> memref<128x128xf32, #tpu.memory_space<vmem_shared>>
        tpu.wait_dma2 semaphore(%run_scoped3A : memref<!tpu.dma_semaphore, #tpu.memory_space<semaphore_mem>>) src(%dma_wait3A_95 : memref<128x128xf32, #tpu.memory_space<vmem_shared>>) dst(%arg21 : memref<128x128xf32, #tpu.memory_space<vmem>>)
        tpu.yield
      }) : () -> ()
      %add3A_80 = arith.constant 256 : i32
      %add3A_81 = arith.addi %mul3A_0, %add3A_80 : i32
      "tpu.region"() ({
        %run_scoped3A = tpu.sem_alloc : memref<!tpu.dma_semaphore, #tpu.memory_space<semaphore_mem>>
        %dma_start3A = arith.constant 0 : i32
        %dma_start3A_90 = tpu.memref_slice %arg17[%add3A_81, %dma_start3A] : memref<10240x128xf32, #tpu.memory_space<hbm>> -> memref<128x128xf32, #tpu.memory_space<hbm>>
        %dma_start3A_91 = arith.constant 0 : i32
        %dma_start3A_92 = tpu.memref_slice %arg17[%add3A_81, %dma_start3A_91] : memref<10240x128xf32, #tpu.memory_space<hbm>> -> memref<128x128xf32, #tpu.memory_space<hbm>>
        tpu.enqueue_dma source(%arg21 : memref<128x128xf32, #tpu.memory_space<vmem>>) target(%dma_start3A_92 : memref<128x128xf32, #tpu.memory_space<hbm>>) target_semaphore(%run_scoped3A : memref<!tpu.dma_semaphore, #tpu.memory_space<semaphore_mem>>)
        %dma_wait3A = arith.constant 0 : i32
        %dma_wait3A_93 = tpu.memref_slice %arg17[%add3A_81, %dma_wait3A] : memref<10240x128xf32, #tpu.memory_space<hbm>> -> memref<128x128xf32, #tpu.memory_space<hbm>>
        %dma_wait3A_94 = arith.constant 0 : i32
        %dma_wait3A_95 = tpu.memref_slice %arg17[%add3A_81, %dma_wait3A_94] : memref<10240x128xf32, #tpu.memory_space<hbm>> -> memref<128x128xf32, #tpu.memory_space<hbm>>
        tpu.wait_dma2 semaphore(%run_scoped3A : memref<!tpu.dma_semaphore, #tpu.memory_space<semaphore_mem>>) src(%arg21 : memref<128x128xf32, #tpu.memory_space<vmem>>) dst(%dma_wait3A_95 : memref<128x128xf32, #tpu.memory_space<hbm>>)
        tpu.yield
      }) : () -> ()
      %add3A_82 = arith.constant 384 : i32
      %add3A_83 = arith.addi %mul3A_0, %add3A_82 : i32
      "tpu.region"() ({
        %run_scoped3A = tpu.sem_alloc : memref<!tpu.dma_semaphore, #tpu.memory_space<semaphore_mem>>
        %dma_start3A = arith.constant 0 : i32
        %dma_start3A_90 = tpu.memref_slice %arg23[%add3A_83, %dma_start3A] : memref<10240x128xf32, #tpu.memory_space<vmem_shared>> -> memref<128x128xf32, #tpu.memory_space<vmem_shared>>
        %dma_start3A_91 = arith.constant 0 : i32
        %dma_start3A_92 = tpu.memref_slice %arg23[%add3A_83, %dma_start3A_91] : memref<10240x128xf32, #tpu.memory_space<vmem_shared>> -> memref<128x128xf32, #tpu.memory_space<vmem_shared>>
        tpu.enqueue_dma source(%dma_start3A_92 : memref<128x128xf32, #tpu.memory_space<vmem_shared>>) target(%arg21 : memref<128x128xf32, #tpu.memory_space<vmem>>) target_semaphore(%run_scoped3A : memref<!tpu.dma_semaphore, #tpu.memory_space<semaphore_mem>>)
        %dma_wait3A = arith.constant 0 : i32
        %dma_wait3A_93 = tpu.memref_slice %arg23[%add3A_83, %dma_wait3A] : memref<10240x128xf32, #tpu.memory_space<vmem_shared>> -> memref<128x128xf32, #tpu.memory_space<vmem_shared>>
        %dma_wait3A_94 = arith.constant 0 : i32
        %dma_wait3A_95 = tpu.memref_slice %arg23[%add3A_83, %dma_wait3A_94] : memref<10240x128xf32, #tpu.memory_space<vmem_shared>> -> memref<128x128xf32, #tpu.memory_space<vmem_shared>>
        tpu.wait_dma2 semaphore(%run_scoped3A : memref<!tpu.dma_semaphore, #tpu.memory_space<semaphore_mem>>) src(%dma_wait3A_95 : memref<128x128xf32, #tpu.memory_space<vmem_shared>>) dst(%arg21 : memref<128x128xf32, #tpu.memory_space<vmem>>)
        tpu.yield
      }) : () -> ()
      %add3A_84 = arith.constant 384 : i32
      %add3A_85 = arith.addi %mul3A_0, %add3A_84 : i32
      "tpu.region"() ({
        %run_scoped3A = tpu.sem_alloc : memref<!tpu.dma_semaphore, #tpu.memory_space<semaphore_mem>>
        %dma_start3A = arith.constant 0 : i32
        %dma_start3A_90 = tpu.memref_slice %arg17[%add3A_85, %dma_start3A] : memref<10240x128xf32, #tpu.memory_space<hbm>> -> memref<128x128xf32, #tpu.memory_space<hbm>>
        %dma_start3A_91 = arith.constant 0 : i32
        %dma_start3A_92 = tpu.memref_slice %arg17[%add3A_85, %dma_start3A_91] : memref<10240x128xf32, #tpu.memory_space<hbm>> -> memref<128x128xf32, #tpu.memory_space<hbm>>
        tpu.enqueue_dma source(%arg21 : memref<128x128xf32, #tpu.memory_space<vmem>>) target(%dma_start3A_92 : memref<128x128xf32, #tpu.memory_space<hbm>>) target_semaphore(%run_scoped3A : memref<!tpu.dma_semaphore, #tpu.memory_space<semaphore_mem>>)
        %dma_wait3A = arith.constant 0 : i32
        %dma_wait3A_93 = tpu.memref_slice %arg17[%add3A_85, %dma_wait3A] : memref<10240x128xf32, #tpu.memory_space<hbm>> -> memref<128x128xf32, #tpu.memory_space<hbm>>
        %dma_wait3A_94 = arith.constant 0 : i32
        %dma_wait3A_95 = tpu.memref_slice %arg17[%add3A_85, %dma_wait3A_94] : memref<10240x128xf32, #tpu.memory_space<hbm>> -> memref<128x128xf32, #tpu.memory_space<hbm>>
        tpu.wait_dma2 semaphore(%run_scoped3A : memref<!tpu.dma_semaphore, #tpu.memory_space<semaphore_mem>>) src(%arg21 : memref<128x128xf32, #tpu.memory_space<vmem>>) dst(%dma_wait3A_95 : memref<128x128xf32, #tpu.memory_space<hbm>>)
        tpu.yield
      }) : () -> ()
      %add3A_86 = arith.constant 512 : i32
      %add3A_87 = arith.addi %mul3A_0, %add3A_86 : i32
      "tpu.region"() ({
        %run_scoped3A = tpu.sem_alloc : memref<!tpu.dma_semaphore, #tpu.memory_space<semaphore_mem>>
        %dma_start3A = arith.constant 0 : i32
        %dma_start3A_90 = tpu.memref_slice %arg23[%add3A_87, %dma_start3A] : memref<10240x128xf32, #tpu.memory_space<vmem_shared>> -> memref<128x128xf32, #tpu.memory_space<vmem_shared>>
        %dma_start3A_91 = arith.constant 0 : i32
        %dma_start3A_92 = tpu.memref_slice %arg23[%add3A_87, %dma_start3A_91] : memref<10240x128xf32, #tpu.memory_space<vmem_shared>> -> memref<128x128xf32, #tpu.memory_space<vmem_shared>>
        tpu.enqueue_dma source(%dma_start3A_92 : memref<128x128xf32, #tpu.memory_space<vmem_shared>>) target(%arg21 : memref<128x128xf32, #tpu.memory_space<vmem>>) target_semaphore(%run_scoped3A : memref<!tpu.dma_semaphore, #tpu.memory_space<semaphore_mem>>)
        %dma_wait3A = arith.constant 0 : i32
        %dma_wait3A_93 = tpu.memref_slice %arg23[%add3A_87, %dma_wait3A] : memref<10240x128xf32, #tpu.memory_space<vmem_shared>> -> memref<128x128xf32, #tpu.memory_space<vmem_shared>>
        %dma_wait3A_94 = arith.constant 0 : i32
        %dma_wait3A_95 = tpu.memref_slice %arg23[%add3A_87, %dma_wait3A_94] : memref<10240x128xf32, #tpu.memory_space<vmem_shared>> -> memref<128x128xf32, #tpu.memory_space<vmem_shared>>
        tpu.wait_dma2 semaphore(%run_scoped3A : memref<!tpu.dma_semaphore, #tpu.memory_space<semaphore_mem>>) src(%dma_wait3A_95 : memref<128x128xf32, #tpu.memory_space<vmem_shared>>) dst(%arg21 : memref<128x128xf32, #tpu.memory_space<vmem>>)
        tpu.yield
      }) : () -> ()
      %add3A_88 = arith.constant 512 : i32
      %add3A_89 = arith.addi %mul3A_0, %add3A_88 : i32
      "tpu.region"() ({
        %run_scoped3A = tpu.sem_alloc : memref<!tpu.dma_semaphore, #tpu.memory_space<semaphore_mem>>
        %dma_start3A = arith.constant 0 : i32
        %dma_start3A_90 = tpu.memref_slice %arg17[%add3A_89, %dma_start3A] : memref<10240x128xf32, #tpu.memory_space<hbm>> -> memref<128x128xf32, #tpu.memory_space<hbm>>
        %dma_start3A_91 = arith.constant 0 : i32
        %dma_start3A_92 = tpu.memref_slice %arg17[%add3A_89, %dma_start3A_91] : memref<10240x128xf32, #tpu.memory_space<hbm>> -> memref<128x128xf32, #tpu.memory_space<hbm>>
        tpu.enqueue_dma source(%arg21 : memref<128x128xf32, #tpu.memory_space<vmem>>) target(%dma_start3A_92 : memref<128x128xf32, #tpu.memory_space<hbm>>) target_semaphore(%run_scoped3A : memref<!tpu.dma_semaphore, #tpu.memory_space<semaphore_mem>>)
        %dma_wait3A = arith.constant 0 : i32
        %dma_wait3A_93 = tpu.memref_slice %arg17[%add3A_89, %dma_wait3A] : memref<10240x128xf32, #tpu.memory_space<hbm>> -> memref<128x128xf32, #tpu.memory_space<hbm>>
        %dma_wait3A_94 = arith.constant 0 : i32
        %dma_wait3A_95 = tpu.memref_slice %arg17[%add3A_89, %dma_wait3A_94] : memref<10240x128xf32, #tpu.memory_space<hbm>> -> memref<128x128xf32, #tpu.memory_space<hbm>>
        tpu.wait_dma2 semaphore(%run_scoped3A : memref<!tpu.dma_semaphore, #tpu.memory_space<semaphore_mem>>) src(%arg21 : memref<128x128xf32, #tpu.memory_space<vmem>>) dst(%dma_wait3A_95 : memref<128x128xf32, #tpu.memory_space<hbm>>)
        tpu.yield
      }) : () -> ()
    } else {
    }
    return
  }
}

#map = affine_map<(d0, d1) -> (0, 0)>
#map1 = affine_map<(d0, d1) -> (0)>
module attributes {stable_mosaic.version = 14 : i64} {
  func.func @sc_segsum_narrow(%arg0: i32, %arg1: i32, %arg2: memref<10240x16xf32, #tpu.memory_space<hbm>>, %arg3: memref<10240x16xf32, #tpu.memory_space<hbm>>, %arg4: memref<161792xi32, #tpu.memory_space<hbm>>, %arg5: memref<161792xi32, #tpu.memory_space<hbm>>, %arg6: memref<161792xi32, #tpu.memory_space<hbm>>, %arg7: memref<161792xi32, #tpu.memory_space<hbm>>, %arg8: memref<128x16xf32, #tpu.memory_space<hbm>>, %arg9: memref<10240x16xf32, #tpu.memory_space<hbm>>, %arg10: memref<10240x16xf32, #tpu.memory_space<hbm>>, %arg11: memref<128xi32, #tpu.memory_space<vmem>>, %arg12: memref<128xi32, #tpu.memory_space<vmem>>, %arg13: memref<128x16xf32, #tpu.memory_space<vmem>>, %arg14: memref<128x16xf32, #tpu.memory_space<vmem>>, %arg15: memref<10240x16xf32, #tpu.memory_space<vmem_shared>>, %arg16: memref<!tpu.dma_semaphore, #tpu.memory_space<semaphore_mem>>) attributes {dimension_semantics = [#tpu.dimension_semantics<core_parallel>, #tpu.dimension_semantics<subcore_parallel>], iteration_bounds = array<i64: 2, 16>, scalar_prefetch = 0 : i64, scratch_operands = 6 : i64, tpu.core_type = #tpu.core_type<sc_vector_subcore>, window_params = [{transform_indices = #map}, {transform_indices = #map}, {transform_indices = #map1}, {transform_indices = #map1}, {transform_indices = #map1}, {transform_indices = #map1}, {transform_indices = #map}, {transform_indices = #map}, {transform_indices = #map}]} {
    %mul3A = arith.constant 640 : i32
    %mul3A_0 = arith.muli %arg1, %mul3A : i32
    "tpu.region"() ({
      %run_scoped3A = tpu.sem_alloc : memref<!tpu.dma_semaphore, #tpu.memory_space<semaphore_mem>>
      tpu.enqueue_dma source(%arg8 : memref<128x16xf32, #tpu.memory_space<hbm>>) target(%arg14 : memref<128x16xf32, #tpu.memory_space<vmem>>) target_semaphore(%run_scoped3A : memref<!tpu.dma_semaphore, #tpu.memory_space<semaphore_mem>>)
      tpu.wait_dma2 semaphore(%run_scoped3A : memref<!tpu.dma_semaphore, #tpu.memory_space<semaphore_mem>>) src(%arg8 : memref<128x16xf32, #tpu.memory_space<hbm>>) dst(%arg14 : memref<128x16xf32, #tpu.memory_space<vmem>>)
      tpu.yield
    }) : () -> ()
    %add3A = arith.constant 0 : i32
    %add3A_1 = arith.addi %mul3A_0, %add3A : i32
    "tpu.region"() ({
      %run_scoped3A = tpu.sem_alloc : memref<!tpu.dma_semaphore, #tpu.memory_space<semaphore_mem>>
      %dma_start3A = arith.constant 0 : i32
      %dma_start3A_28 = tpu.memref_slice %arg15[%add3A_1, %dma_start3A] : memref<10240x16xf32, #tpu.memory_space<vmem_shared>> -> memref<128x16xf32, #tpu.memory_space<vmem_shared>>
      %dma_start3A_29 = arith.constant 0 : i32
      %dma_start3A_30 = tpu.memref_slice %arg15[%add3A_1, %dma_start3A_29] : memref<10240x16xf32, #tpu.memory_space<vmem_shared>> -> memref<128x16xf32, #tpu.memory_space<vmem_shared>>
      tpu.enqueue_dma source(%arg14 : memref<128x16xf32, #tpu.memory_space<vmem>>) target(%dma_start3A_30 : memref<128x16xf32, #tpu.memory_space<vmem_shared>>) target_semaphore(%run_scoped3A : memref<!tpu.dma_semaphore, #tpu.memory_space<semaphore_mem>>)
      %dma_wait3A = arith.constant 0 : i32
      %dma_wait3A_31 = tpu.memref_slice %arg15[%add3A_1, %dma_wait3A] : memref<10240x16xf32, #tpu.memory_space<vmem_shared>> -> memref<128x16xf32, #tpu.memory_space<vmem_shared>>
      %dma_wait3A_32 = arith.constant 0 : i32
      %dma_wait3A_33 = tpu.memref_slice %arg15[%add3A_1, %dma_wait3A_32] : memref<10240x16xf32, #tpu.memory_space<vmem_shared>> -> memref<128x16xf32, #tpu.memory_space<vmem_shared>>
      tpu.wait_dma2 semaphore(%run_scoped3A : memref<!tpu.dma_semaphore, #tpu.memory_space<semaphore_mem>>) src(%arg14 : memref<128x16xf32, #tpu.memory_space<vmem>>) dst(%dma_wait3A_33 : memref<128x16xf32, #tpu.memory_space<vmem_shared>>)
      tpu.yield
    }) : () -> ()
    %add3A_2 = arith.constant 128 : i32
    %add3A_3 = arith.addi %mul3A_0, %add3A_2 : i32
    "tpu.region"() ({
      %run_scoped3A = tpu.sem_alloc : memref<!tpu.dma_semaphore, #tpu.memory_space<semaphore_mem>>
      %dma_start3A = arith.constant 0 : i32
      %dma_start3A_28 = tpu.memref_slice %arg15[%add3A_3, %dma_start3A] : memref<10240x16xf32, #tpu.memory_space<vmem_shared>> -> memref<128x16xf32, #tpu.memory_space<vmem_shared>>
      %dma_start3A_29 = arith.constant 0 : i32
      %dma_start3A_30 = tpu.memref_slice %arg15[%add3A_3, %dma_start3A_29] : memref<10240x16xf32, #tpu.memory_space<vmem_shared>> -> memref<128x16xf32, #tpu.memory_space<vmem_shared>>
      tpu.enqueue_dma source(%arg14 : memref<128x16xf32, #tpu.memory_space<vmem>>) target(%dma_start3A_30 : memref<128x16xf32, #tpu.memory_space<vmem_shared>>) target_semaphore(%run_scoped3A : memref<!tpu.dma_semaphore, #tpu.memory_space<semaphore_mem>>)
      %dma_wait3A = arith.constant 0 : i32
      %dma_wait3A_31 = tpu.memref_slice %arg15[%add3A_3, %dma_wait3A] : memref<10240x16xf32, #tpu.memory_space<vmem_shared>> -> memref<128x16xf32, #tpu.memory_space<vmem_shared>>
      %dma_wait3A_32 = arith.constant 0 : i32
      %dma_wait3A_33 = tpu.memref_slice %arg15[%add3A_3, %dma_wait3A_32] : memref<10240x16xf32, #tpu.memory_space<vmem_shared>> -> memref<128x16xf32, #tpu.memory_space<vmem_shared>>
      tpu.wait_dma2 semaphore(%run_scoped3A : memref<!tpu.dma_semaphore, #tpu.memory_space<semaphore_mem>>) src(%arg14 : memref<128x16xf32, #tpu.memory_space<vmem>>) dst(%dma_wait3A_33 : memref<128x16xf32, #tpu.memory_space<vmem_shared>>)
      tpu.yield
    }) : () -> ()
    %add3A_4 = arith.constant 256 : i32
    %add3A_5 = arith.addi %mul3A_0, %add3A_4 : i32
    "tpu.region"() ({
      %run_scoped3A = tpu.sem_alloc : memref<!tpu.dma_semaphore, #tpu.memory_space<semaphore_mem>>
      %dma_start3A = arith.constant 0 : i32
      %dma_start3A_28 = tpu.memref_slice %arg15[%add3A_5, %dma_start3A] : memref<10240x16xf32, #tpu.memory_space<vmem_shared>> -> memref<128x16xf32, #tpu.memory_space<vmem_shared>>
      %dma_start3A_29 = arith.constant 0 : i32
      %dma_start3A_30 = tpu.memref_slice %arg15[%add3A_5, %dma_start3A_29] : memref<10240x16xf32, #tpu.memory_space<vmem_shared>> -> memref<128x16xf32, #tpu.memory_space<vmem_shared>>
      tpu.enqueue_dma source(%arg14 : memref<128x16xf32, #tpu.memory_space<vmem>>) target(%dma_start3A_30 : memref<128x16xf32, #tpu.memory_space<vmem_shared>>) target_semaphore(%run_scoped3A : memref<!tpu.dma_semaphore, #tpu.memory_space<semaphore_mem>>)
      %dma_wait3A = arith.constant 0 : i32
      %dma_wait3A_31 = tpu.memref_slice %arg15[%add3A_5, %dma_wait3A] : memref<10240x16xf32, #tpu.memory_space<vmem_shared>> -> memref<128x16xf32, #tpu.memory_space<vmem_shared>>
      %dma_wait3A_32 = arith.constant 0 : i32
      %dma_wait3A_33 = tpu.memref_slice %arg15[%add3A_5, %dma_wait3A_32] : memref<10240x16xf32, #tpu.memory_space<vmem_shared>> -> memref<128x16xf32, #tpu.memory_space<vmem_shared>>
      tpu.wait_dma2 semaphore(%run_scoped3A : memref<!tpu.dma_semaphore, #tpu.memory_space<semaphore_mem>>) src(%arg14 : memref<128x16xf32, #tpu.memory_space<vmem>>) dst(%dma_wait3A_33 : memref<128x16xf32, #tpu.memory_space<vmem_shared>>)
      tpu.yield
    }) : () -> ()
    %add3A_6 = arith.constant 384 : i32
    %add3A_7 = arith.addi %mul3A_0, %add3A_6 : i32
    "tpu.region"() ({
      %run_scoped3A = tpu.sem_alloc : memref<!tpu.dma_semaphore, #tpu.memory_space<semaphore_mem>>
      %dma_start3A = arith.constant 0 : i32
      %dma_start3A_28 = tpu.memref_slice %arg15[%add3A_7, %dma_start3A] : memref<10240x16xf32, #tpu.memory_space<vmem_shared>> -> memref<128x16xf32, #tpu.memory_space<vmem_shared>>
      %dma_start3A_29 = arith.constant 0 : i32
      %dma_start3A_30 = tpu.memref_slice %arg15[%add3A_7, %dma_start3A_29] : memref<10240x16xf32, #tpu.memory_space<vmem_shared>> -> memref<128x16xf32, #tpu.memory_space<vmem_shared>>
      tpu.enqueue_dma source(%arg14 : memref<128x16xf32, #tpu.memory_space<vmem>>) target(%dma_start3A_30 : memref<128x16xf32, #tpu.memory_space<vmem_shared>>) target_semaphore(%run_scoped3A : memref<!tpu.dma_semaphore, #tpu.memory_space<semaphore_mem>>)
      %dma_wait3A = arith.constant 0 : i32
      %dma_wait3A_31 = tpu.memref_slice %arg15[%add3A_7, %dma_wait3A] : memref<10240x16xf32, #tpu.memory_space<vmem_shared>> -> memref<128x16xf32, #tpu.memory_space<vmem_shared>>
      %dma_wait3A_32 = arith.constant 0 : i32
      %dma_wait3A_33 = tpu.memref_slice %arg15[%add3A_7, %dma_wait3A_32] : memref<10240x16xf32, #tpu.memory_space<vmem_shared>> -> memref<128x16xf32, #tpu.memory_space<vmem_shared>>
      tpu.wait_dma2 semaphore(%run_scoped3A : memref<!tpu.dma_semaphore, #tpu.memory_space<semaphore_mem>>) src(%arg14 : memref<128x16xf32, #tpu.memory_space<vmem>>) dst(%dma_wait3A_33 : memref<128x16xf32, #tpu.memory_space<vmem_shared>>)
      tpu.yield
    }) : () -> ()
    %add3A_8 = arith.constant 512 : i32
    %add3A_9 = arith.addi %mul3A_0, %add3A_8 : i32
    "tpu.region"() ({
      %run_scoped3A = tpu.sem_alloc : memref<!tpu.dma_semaphore, #tpu.memory_space<semaphore_mem>>
      %dma_start3A = arith.constant 0 : i32
      %dma_start3A_28 = tpu.memref_slice %arg15[%add3A_9, %dma_start3A] : memref<10240x16xf32, #tpu.memory_space<vmem_shared>> -> memref<128x16xf32, #tpu.memory_space<vmem_shared>>
      %dma_start3A_29 = arith.constant 0 : i32
      %dma_start3A_30 = tpu.memref_slice %arg15[%add3A_9, %dma_start3A_29] : memref<10240x16xf32, #tpu.memory_space<vmem_shared>> -> memref<128x16xf32, #tpu.memory_space<vmem_shared>>
      tpu.enqueue_dma source(%arg14 : memref<128x16xf32, #tpu.memory_space<vmem>>) target(%dma_start3A_30 : memref<128x16xf32, #tpu.memory_space<vmem_shared>>) target_semaphore(%run_scoped3A : memref<!tpu.dma_semaphore, #tpu.memory_space<semaphore_mem>>)
      %dma_wait3A = arith.constant 0 : i32
      %dma_wait3A_31 = tpu.memref_slice %arg15[%add3A_9, %dma_wait3A] : memref<10240x16xf32, #tpu.memory_space<vmem_shared>> -> memref<128x16xf32, #tpu.memory_space<vmem_shared>>
      %dma_wait3A_32 = arith.constant 0 : i32
      %dma_wait3A_33 = tpu.memref_slice %arg15[%add3A_9, %dma_wait3A_32] : memref<10240x16xf32, #tpu.memory_space<vmem_shared>> -> memref<128x16xf32, #tpu.memory_space<vmem_shared>>
      tpu.wait_dma2 semaphore(%run_scoped3A : memref<!tpu.dma_semaphore, #tpu.memory_space<semaphore_mem>>) src(%arg14 : memref<128x16xf32, #tpu.memory_space<vmem>>) dst(%dma_wait3A_33 : memref<128x16xf32, #tpu.memory_space<vmem_shared>>)
      tpu.yield
    }) : () -> ()
    %barrier3A = arith.constant 0 : index
    tpu.barrier barrier_id(%barrier3A)
    %eq3A = arith.constant 0 : i32
    %eq3A_10 = arith.cmpi eq, %arg0, %eq3A : i32
    %convert_element_type3A = arith.extui %eq3A_10 : i1 to i32
    %cond3A = arith.constant 0 : i32
    %cond3A_11 = arith.cmpi ne, %convert_element_type3A, %cond3A : i32
    scf.if %cond3A_11 {
      %scan3A = arith.constant 0 : i32
      %scan3A_28 = arith.constant 0 : i32
      %scan3A_29 = arith.constant 79 : i32
      %scan3A_30 = arith.addi %scan3A_28, %scan3A_29 : i32
      %scan3A_31 = arith.constant 1 : i32
      scf.for %scan3A_33 = %scan3A_28 to %scan3A_30 step %scan3A_31  : i32 {
        %mul3A_34 = arith.constant 79 : i32
        %mul3A_35 = arith.muli %arg1, %mul3A_34 : i32
        %add3A_36 = arith.addi %mul3A_35, %scan3A_33 : i32
        %mul3A_37 = arith.constant 128 : i32
        %mul3A_38 = arith.muli %add3A_36, %mul3A_37 : i32
        "tpu.region"() ({
          %run_scoped3A = tpu.sem_alloc : memref<!tpu.dma_semaphore, #tpu.memory_space<semaphore_mem>>
          %dma_start3A_43 = tpu.memref_slice %arg4[%mul3A_38] : memref<161792xi32, #tpu.memory_space<hbm>> -> memref<128xi32, #tpu.memory_space<hbm>>
          %dma_start3A_44 = tpu.memref_slice %arg4[%mul3A_38] : memref<161792xi32, #tpu.memory_space<hbm>> -> memref<128xi32, #tpu.memory_space<hbm>>
          tpu.enqueue_dma source(%dma_start3A_44 : memref<128xi32, #tpu.memory_space<hbm>>) target(%arg11 : memref<128xi32, #tpu.memory_space<vmem>>) target_semaphore(%run_scoped3A : memref<!tpu.dma_semaphore, #tpu.memory_space<semaphore_mem>>)
          %dma_wait3A_45 = tpu.memref_slice %arg4[%mul3A_38] : memref<161792xi32, #tpu.memory_space<hbm>> -> memref<128xi32, #tpu.memory_space<hbm>>
          %dma_wait3A_46 = tpu.memref_slice %arg4[%mul3A_38] : memref<161792xi32, #tpu.memory_space<hbm>> -> memref<128xi32, #tpu.memory_space<hbm>>
          tpu.wait_dma2 semaphore(%run_scoped3A : memref<!tpu.dma_semaphore, #tpu.memory_space<semaphore_mem>>) src(%dma_wait3A_46 : memref<128xi32, #tpu.memory_space<hbm>>) dst(%arg11 : memref<128xi32, #tpu.memory_space<vmem>>)
          tpu.yield
        }) : () -> ()
        "tpu.region"() ({
          %run_scoped3A = tpu.sem_alloc : memref<!tpu.dma_semaphore, #tpu.memory_space<semaphore_mem>>
          %dma_start3A_43 = tpu.memref_slice %arg5[%mul3A_38] : memref<161792xi32, #tpu.memory_space<hbm>> -> memref<128xi32, #tpu.memory_space<hbm>>
          %dma_start3A_44 = tpu.memref_slice %arg5[%mul3A_38] : memref<161792xi32, #tpu.memory_space<hbm>> -> memref<128xi32, #tpu.memory_space<hbm>>
          tpu.enqueue_dma source(%dma_start3A_44 : memref<128xi32, #tpu.memory_space<hbm>>) target(%arg12 : memref<128xi32, #tpu.memory_space<vmem>>) target_semaphore(%run_scoped3A : memref<!tpu.dma_semaphore, #tpu.memory_space<semaphore_mem>>)
          %dma_wait3A_45 = tpu.memref_slice %arg5[%mul3A_38] : memref<161792xi32, #tpu.memory_space<hbm>> -> memref<128xi32, #tpu.memory_space<hbm>>
          %dma_wait3A_46 = tpu.memref_slice %arg5[%mul3A_38] : memref<161792xi32, #tpu.memory_space<hbm>> -> memref<128xi32, #tpu.memory_space<hbm>>
          tpu.wait_dma2 semaphore(%run_scoped3A : memref<!tpu.dma_semaphore, #tpu.memory_space<semaphore_mem>>) src(%dma_wait3A_46 : memref<128xi32, #tpu.memory_space<hbm>>) dst(%arg12 : memref<128xi32, #tpu.memory_space<vmem>>)
          tpu.yield
        }) : () -> ()
        %dma_start3A = arith.constant 0 : i32
        %dma_start3A_39 = arith.constant 0 : i32
        %dma_start3A_40 = tpu.memref_slice %arg2[%dma_start3A, %dma_start3A_39] : memref<10240x16xf32, #tpu.memory_space<hbm>> -> memref<10240x16xf32, #tpu.memory_space<hbm>>
        tpu.enqueue_indirect_dma source(%dma_start3A_40 : memref<10240x16xf32, #tpu.memory_space<hbm>>) target(%arg13 : memref<128x16xf32, #tpu.memory_space<vmem>>) offsets(%arg11 : memref<128xi32, #tpu.memory_space<vmem>>) semaphore(%arg16 : memref<!tpu.dma_semaphore, #tpu.memory_space<semaphore_mem>>)
        %dma_wait3A = arith.constant 0 : i32
        %dma_wait3A_41 = arith.constant 0 : i32
        %dma_wait3A_42 = tpu.memref_slice %arg2[%dma_wait3A, %dma_wait3A_41] : memref<10240x16xf32, #tpu.memory_space<hbm>> -> memref<10240x16xf32, #tpu.memory_space<hbm>>
        tpu.wait_indirect_dma semaphore(%arg16 : memref<!tpu.dma_semaphore, #tpu.memory_space<semaphore_mem>>) src(%dma_wait3A_42 : memref<10240x16xf32, #tpu.memory_space<hbm>>) dst(%arg13 : memref<128x16xf32, #tpu.memory_space<vmem>>)
        "tpu.region"() ({
          %run_scoped3A = tpu.sem_alloc : memref<!tpu.dma_semaphore, #tpu.memory_space<semaphore_mem>>
          %dma_start3A_43 = arith.constant 0 : i32
          %dma_start3A_44 = arith.constant 0 : i32
          %dma_start3A_45 = tpu.memref_slice %arg15[%dma_start3A_43, %dma_start3A_44] : memref<10240x16xf32, #tpu.memory_space<vmem_shared>> -> memref<10240x16xf32, #tpu.memory_space<vmem_shared>>
          tpu.enqueue_indirect_dma source(%arg13 : memref<128x16xf32, #tpu.memory_space<vmem>>) target(%dma_start3A_45 : memref<10240x16xf32, #tpu.memory_space<vmem_shared>>) offsets(%arg12 : memref<128xi32, #tpu.memory_space<vmem>>) semaphore(%run_scoped3A : memref<!tpu.dma_semaphore, #tpu.memory_space<semaphore_mem>>) {add = true}
          %dma_wait3A_46 = arith.constant 0 : i32
          %dma_wait3A_47 = arith.constant 0 : i32
          %dma_wait3A_48 = tpu.memref_slice %arg15[%dma_wait3A_46, %dma_wait3A_47] : memref<10240x16xf32, #tpu.memory_space<vmem_shared>> -> memref<10240x16xf32, #tpu.memory_space<vmem_shared>>
          tpu.wait_indirect_dma semaphore(%run_scoped3A : memref<!tpu.dma_semaphore, #tpu.memory_space<semaphore_mem>>) src(%arg13 : memref<128x16xf32, #tpu.memory_space<vmem>>) dst(%dma_wait3A_48 : memref<10240x16xf32, #tpu.memory_space<vmem_shared>>)
          tpu.yield
        }) : () -> ()
      }
      %scan3A_32 = arith.constant 79 : i32
    } else {
    }
    %eq3A_12 = arith.constant 1 : i32
    %eq3A_13 = arith.cmpi eq, %arg0, %eq3A_12 : i32
    %convert_element_type3A_14 = arith.extui %eq3A_13 : i1 to i32
    %cond3A_15 = arith.constant 0 : i32
    %cond3A_16 = arith.cmpi ne, %convert_element_type3A_14, %cond3A_15 : i32
    scf.if %cond3A_16 {
      %scan3A = arith.constant 0 : i32
      %scan3A_28 = arith.constant 0 : i32
      %scan3A_29 = arith.constant 79 : i32
      %scan3A_30 = arith.addi %scan3A_28, %scan3A_29 : i32
      %scan3A_31 = arith.constant 1 : i32
      scf.for %scan3A_33 = %scan3A_28 to %scan3A_30 step %scan3A_31  : i32 {
        %mul3A_34 = arith.constant 79 : i32
        %mul3A_35 = arith.muli %arg1, %mul3A_34 : i32
        %add3A_36 = arith.addi %mul3A_35, %scan3A_33 : i32
        %mul3A_37 = arith.constant 128 : i32
        %mul3A_38 = arith.muli %add3A_36, %mul3A_37 : i32
        "tpu.region"() ({
          %run_scoped3A = tpu.sem_alloc : memref<!tpu.dma_semaphore, #tpu.memory_space<semaphore_mem>>
          %dma_start3A_43 = tpu.memref_slice %arg6[%mul3A_38] : memref<161792xi32, #tpu.memory_space<hbm>> -> memref<128xi32, #tpu.memory_space<hbm>>
          %dma_start3A_44 = tpu.memref_slice %arg6[%mul3A_38] : memref<161792xi32, #tpu.memory_space<hbm>> -> memref<128xi32, #tpu.memory_space<hbm>>
          tpu.enqueue_dma source(%dma_start3A_44 : memref<128xi32, #tpu.memory_space<hbm>>) target(%arg11 : memref<128xi32, #tpu.memory_space<vmem>>) target_semaphore(%run_scoped3A : memref<!tpu.dma_semaphore, #tpu.memory_space<semaphore_mem>>)
          %dma_wait3A_45 = tpu.memref_slice %arg6[%mul3A_38] : memref<161792xi32, #tpu.memory_space<hbm>> -> memref<128xi32, #tpu.memory_space<hbm>>
          %dma_wait3A_46 = tpu.memref_slice %arg6[%mul3A_38] : memref<161792xi32, #tpu.memory_space<hbm>> -> memref<128xi32, #tpu.memory_space<hbm>>
          tpu.wait_dma2 semaphore(%run_scoped3A : memref<!tpu.dma_semaphore, #tpu.memory_space<semaphore_mem>>) src(%dma_wait3A_46 : memref<128xi32, #tpu.memory_space<hbm>>) dst(%arg11 : memref<128xi32, #tpu.memory_space<vmem>>)
          tpu.yield
        }) : () -> ()
        "tpu.region"() ({
          %run_scoped3A = tpu.sem_alloc : memref<!tpu.dma_semaphore, #tpu.memory_space<semaphore_mem>>
          %dma_start3A_43 = tpu.memref_slice %arg7[%mul3A_38] : memref<161792xi32, #tpu.memory_space<hbm>> -> memref<128xi32, #tpu.memory_space<hbm>>
          %dma_start3A_44 = tpu.memref_slice %arg7[%mul3A_38] : memref<161792xi32, #tpu.memory_space<hbm>> -> memref<128xi32, #tpu.memory_space<hbm>>
          tpu.enqueue_dma source(%dma_start3A_44 : memref<128xi32, #tpu.memory_space<hbm>>) target(%arg12 : memref<128xi32, #tpu.memory_space<vmem>>) target_semaphore(%run_scoped3A : memref<!tpu.dma_semaphore, #tpu.memory_space<semaphore_mem>>)
          %dma_wait3A_45 = tpu.memref_slice %arg7[%mul3A_38] : memref<161792xi32, #tpu.memory_space<hbm>> -> memref<128xi32, #tpu.memory_space<hbm>>
          %dma_wait3A_46 = tpu.memref_slice %arg7[%mul3A_38] : memref<161792xi32, #tpu.memory_space<hbm>> -> memref<128xi32, #tpu.memory_space<hbm>>
          tpu.wait_dma2 semaphore(%run_scoped3A : memref<!tpu.dma_semaphore, #tpu.memory_space<semaphore_mem>>) src(%dma_wait3A_46 : memref<128xi32, #tpu.memory_space<hbm>>) dst(%arg12 : memref<128xi32, #tpu.memory_space<vmem>>)
          tpu.yield
        }) : () -> ()
        %dma_start3A = arith.constant 0 : i32
        %dma_start3A_39 = arith.constant 0 : i32
        %dma_start3A_40 = tpu.memref_slice %arg3[%dma_start3A, %dma_start3A_39] : memref<10240x16xf32, #tpu.memory_space<hbm>> -> memref<10240x16xf32, #tpu.memory_space<hbm>>
        tpu.enqueue_indirect_dma source(%dma_start3A_40 : memref<10240x16xf32, #tpu.memory_space<hbm>>) target(%arg13 : memref<128x16xf32, #tpu.memory_space<vmem>>) offsets(%arg11 : memref<128xi32, #tpu.memory_space<vmem>>) semaphore(%arg16 : memref<!tpu.dma_semaphore, #tpu.memory_space<semaphore_mem>>)
        %dma_wait3A = arith.constant 0 : i32
        %dma_wait3A_41 = arith.constant 0 : i32
        %dma_wait3A_42 = tpu.memref_slice %arg3[%dma_wait3A, %dma_wait3A_41] : memref<10240x16xf32, #tpu.memory_space<hbm>> -> memref<10240x16xf32, #tpu.memory_space<hbm>>
        tpu.wait_indirect_dma semaphore(%arg16 : memref<!tpu.dma_semaphore, #tpu.memory_space<semaphore_mem>>) src(%dma_wait3A_42 : memref<10240x16xf32, #tpu.memory_space<hbm>>) dst(%arg13 : memref<128x16xf32, #tpu.memory_space<vmem>>)
        "tpu.region"() ({
          %run_scoped3A = tpu.sem_alloc : memref<!tpu.dma_semaphore, #tpu.memory_space<semaphore_mem>>
          %dma_start3A_43 = arith.constant 0 : i32
          %dma_start3A_44 = arith.constant 0 : i32
          %dma_start3A_45 = tpu.memref_slice %arg15[%dma_start3A_43, %dma_start3A_44] : memref<10240x16xf32, #tpu.memory_space<vmem_shared>> -> memref<10240x16xf32, #tpu.memory_space<vmem_shared>>
          tpu.enqueue_indirect_dma source(%arg13 : memref<128x16xf32, #tpu.memory_space<vmem>>) target(%dma_start3A_45 : memref<10240x16xf32, #tpu.memory_space<vmem_shared>>) offsets(%arg12 : memref<128xi32, #tpu.memory_space<vmem>>) semaphore(%run_scoped3A : memref<!tpu.dma_semaphore, #tpu.memory_space<semaphore_mem>>) {add = true}
          %dma_wait3A_46 = arith.constant 0 : i32
          %dma_wait3A_47 = arith.constant 0 : i32
          %dma_wait3A_48 = tpu.memref_slice %arg15[%dma_wait3A_46, %dma_wait3A_47] : memref<10240x16xf32, #tpu.memory_space<vmem_shared>> -> memref<10240x16xf32, #tpu.memory_space<vmem_shared>>
          tpu.wait_indirect_dma semaphore(%run_scoped3A : memref<!tpu.dma_semaphore, #tpu.memory_space<semaphore_mem>>) src(%arg13 : memref<128x16xf32, #tpu.memory_space<vmem>>) dst(%dma_wait3A_48 : memref<10240x16xf32, #tpu.memory_space<vmem_shared>>)
          tpu.yield
        }) : () -> ()
      }
      %scan3A_32 = arith.constant 79 : i32
    } else {
    }
    %barrier3A_17 = arith.constant 0 : index
    tpu.barrier barrier_id(%barrier3A_17)
    %eq3A_18 = arith.constant 0 : i32
    %eq3A_19 = arith.cmpi eq, %arg0, %eq3A_18 : i32
    %convert_element_type3A_20 = arith.extui %eq3A_19 : i1 to i32
    %cond3A_21 = arith.constant 0 : i32
    %cond3A_22 = arith.cmpi ne, %convert_element_type3A_20, %cond3A_21 : i32
    scf.if %cond3A_22 {
      %add3A_28 = arith.constant 0 : i32
      %add3A_29 = arith.addi %mul3A_0, %add3A_28 : i32
      "tpu.region"() ({
        %run_scoped3A = tpu.sem_alloc : memref<!tpu.dma_semaphore, #tpu.memory_space<semaphore_mem>>
        %dma_start3A = arith.constant 0 : i32
        %dma_start3A_48 = tpu.memref_slice %arg15[%add3A_29, %dma_start3A] : memref<10240x16xf32, #tpu.memory_space<vmem_shared>> -> memref<128x16xf32, #tpu.memory_space<vmem_shared>>
        %dma_start3A_49 = arith.constant 0 : i32
        %dma_start3A_50 = tpu.memref_slice %arg15[%add3A_29, %dma_start3A_49] : memref<10240x16xf32, #tpu.memory_space<vmem_shared>> -> memref<128x16xf32, #tpu.memory_space<vmem_shared>>
        tpu.enqueue_dma source(%dma_start3A_50 : memref<128x16xf32, #tpu.memory_space<vmem_shared>>) target(%arg14 : memref<128x16xf32, #tpu.memory_space<vmem>>) target_semaphore(%run_scoped3A : memref<!tpu.dma_semaphore, #tpu.memory_space<semaphore_mem>>)
        %dma_wait3A = arith.constant 0 : i32
        %dma_wait3A_51 = tpu.memref_slice %arg15[%add3A_29, %dma_wait3A] : memref<10240x16xf32, #tpu.memory_space<vmem_shared>> -> memref<128x16xf32, #tpu.memory_space<vmem_shared>>
        %dma_wait3A_52 = arith.constant 0 : i32
        %dma_wait3A_53 = tpu.memref_slice %arg15[%add3A_29, %dma_wait3A_52] : memref<10240x16xf32, #tpu.memory_space<vmem_shared>> -> memref<128x16xf32, #tpu.memory_space<vmem_shared>>
        tpu.wait_dma2 semaphore(%run_scoped3A : memref<!tpu.dma_semaphore, #tpu.memory_space<semaphore_mem>>) src(%dma_wait3A_53 : memref<128x16xf32, #tpu.memory_space<vmem_shared>>) dst(%arg14 : memref<128x16xf32, #tpu.memory_space<vmem>>)
        tpu.yield
      }) : () -> ()
      %add3A_30 = arith.constant 0 : i32
      %add3A_31 = arith.addi %mul3A_0, %add3A_30 : i32
      "tpu.region"() ({
        %run_scoped3A = tpu.sem_alloc : memref<!tpu.dma_semaphore, #tpu.memory_space<semaphore_mem>>
        %dma_start3A = arith.constant 0 : i32
        %dma_start3A_48 = tpu.memref_slice %arg9[%add3A_31, %dma_start3A] : memref<10240x16xf32, #tpu.memory_space<hbm>> -> memref<128x16xf32, #tpu.memory_space<hbm>>
        %dma_start3A_49 = arith.constant 0 : i32
        %dma_start3A_50 = tpu.memref_slice %arg9[%add3A_31, %dma_start3A_49] : memref<10240x16xf32, #tpu.memory_space<hbm>> -> memref<128x16xf32, #tpu.memory_space<hbm>>
        tpu.enqueue_dma source(%arg14 : memref<128x16xf32, #tpu.memory_space<vmem>>) target(%dma_start3A_50 : memref<128x16xf32, #tpu.memory_space<hbm>>) target_semaphore(%run_scoped3A : memref<!tpu.dma_semaphore, #tpu.memory_space<semaphore_mem>>)
        %dma_wait3A = arith.constant 0 : i32
        %dma_wait3A_51 = tpu.memref_slice %arg9[%add3A_31, %dma_wait3A] : memref<10240x16xf32, #tpu.memory_space<hbm>> -> memref<128x16xf32, #tpu.memory_space<hbm>>
        %dma_wait3A_52 = arith.constant 0 : i32
        %dma_wait3A_53 = tpu.memref_slice %arg9[%add3A_31, %dma_wait3A_52] : memref<10240x16xf32, #tpu.memory_space<hbm>> -> memref<128x16xf32, #tpu.memory_space<hbm>>
        tpu.wait_dma2 semaphore(%run_scoped3A : memref<!tpu.dma_semaphore, #tpu.memory_space<semaphore_mem>>) src(%arg14 : memref<128x16xf32, #tpu.memory_space<vmem>>) dst(%dma_wait3A_53 : memref<128x16xf32, #tpu.memory_space<hbm>>)
        tpu.yield
      }) : () -> ()
      %add3A_32 = arith.constant 128 : i32
      %add3A_33 = arith.addi %mul3A_0, %add3A_32 : i32
      "tpu.region"() ({
        %run_scoped3A = tpu.sem_alloc : memref<!tpu.dma_semaphore, #tpu.memory_space<semaphore_mem>>
        %dma_start3A = arith.constant 0 : i32
        %dma_start3A_48 = tpu.memref_slice %arg15[%add3A_33, %dma_start3A] : memref<10240x16xf32, #tpu.memory_space<vmem_shared>> -> memref<128x16xf32, #tpu.memory_space<vmem_shared>>
        %dma_start3A_49 = arith.constant 0 : i32
        %dma_start3A_50 = tpu.memref_slice %arg15[%add3A_33, %dma_start3A_49] : memref<10240x16xf32, #tpu.memory_space<vmem_shared>> -> memref<128x16xf32, #tpu.memory_space<vmem_shared>>
        tpu.enqueue_dma source(%dma_start3A_50 : memref<128x16xf32, #tpu.memory_space<vmem_shared>>) target(%arg14 : memref<128x16xf32, #tpu.memory_space<vmem>>) target_semaphore(%run_scoped3A : memref<!tpu.dma_semaphore, #tpu.memory_space<semaphore_mem>>)
        %dma_wait3A = arith.constant 0 : i32
        %dma_wait3A_51 = tpu.memref_slice %arg15[%add3A_33, %dma_wait3A] : memref<10240x16xf32, #tpu.memory_space<vmem_shared>> -> memref<128x16xf32, #tpu.memory_space<vmem_shared>>
        %dma_wait3A_52 = arith.constant 0 : i32
        %dma_wait3A_53 = tpu.memref_slice %arg15[%add3A_33, %dma_wait3A_52] : memref<10240x16xf32, #tpu.memory_space<vmem_shared>> -> memref<128x16xf32, #tpu.memory_space<vmem_shared>>
        tpu.wait_dma2 semaphore(%run_scoped3A : memref<!tpu.dma_semaphore, #tpu.memory_space<semaphore_mem>>) src(%dma_wait3A_53 : memref<128x16xf32, #tpu.memory_space<vmem_shared>>) dst(%arg14 : memref<128x16xf32, #tpu.memory_space<vmem>>)
        tpu.yield
      }) : () -> ()
      %add3A_34 = arith.constant 128 : i32
      %add3A_35 = arith.addi %mul3A_0, %add3A_34 : i32
      "tpu.region"() ({
        %run_scoped3A = tpu.sem_alloc : memref<!tpu.dma_semaphore, #tpu.memory_space<semaphore_mem>>
        %dma_start3A = arith.constant 0 : i32
        %dma_start3A_48 = tpu.memref_slice %arg9[%add3A_35, %dma_start3A] : memref<10240x16xf32, #tpu.memory_space<hbm>> -> memref<128x16xf32, #tpu.memory_space<hbm>>
        %dma_start3A_49 = arith.constant 0 : i32
        %dma_start3A_50 = tpu.memref_slice %arg9[%add3A_35, %dma_start3A_49] : memref<10240x16xf32, #tpu.memory_space<hbm>> -> memref<128x16xf32, #tpu.memory_space<hbm>>
        tpu.enqueue_dma source(%arg14 : memref<128x16xf32, #tpu.memory_space<vmem>>) target(%dma_start3A_50 : memref<128x16xf32, #tpu.memory_space<hbm>>) target_semaphore(%run_scoped3A : memref<!tpu.dma_semaphore, #tpu.memory_space<semaphore_mem>>)
        %dma_wait3A = arith.constant 0 : i32
        %dma_wait3A_51 = tpu.memref_slice %arg9[%add3A_35, %dma_wait3A] : memref<10240x16xf32, #tpu.memory_space<hbm>> -> memref<128x16xf32, #tpu.memory_space<hbm>>
        %dma_wait3A_52 = arith.constant 0 : i32
        %dma_wait3A_53 = tpu.memref_slice %arg9[%add3A_35, %dma_wait3A_52] : memref<10240x16xf32, #tpu.memory_space<hbm>> -> memref<128x16xf32, #tpu.memory_space<hbm>>
        tpu.wait_dma2 semaphore(%run_scoped3A : memref<!tpu.dma_semaphore, #tpu.memory_space<semaphore_mem>>) src(%arg14 : memref<128x16xf32, #tpu.memory_space<vmem>>) dst(%dma_wait3A_53 : memref<128x16xf32, #tpu.memory_space<hbm>>)
        tpu.yield
      }) : () -> ()
      %add3A_36 = arith.constant 256 : i32
      %add3A_37 = arith.addi %mul3A_0, %add3A_36 : i32
      "tpu.region"() ({
        %run_scoped3A = tpu.sem_alloc : memref<!tpu.dma_semaphore, #tpu.memory_space<semaphore_mem>>
        %dma_start3A = arith.constant 0 : i32
        %dma_start3A_48 = tpu.memref_slice %arg15[%add3A_37, %dma_start3A] : memref<10240x16xf32, #tpu.memory_space<vmem_shared>> -> memref<128x16xf32, #tpu.memory_space<vmem_shared>>
        %dma_start3A_49 = arith.constant 0 : i32
        %dma_start3A_50 = tpu.memref_slice %arg15[%add3A_37, %dma_start3A_49] : memref<10240x16xf32, #tpu.memory_space<vmem_shared>> -> memref<128x16xf32, #tpu.memory_space<vmem_shared>>
        tpu.enqueue_dma source(%dma_start3A_50 : memref<128x16xf32, #tpu.memory_space<vmem_shared>>) target(%arg14 : memref<128x16xf32, #tpu.memory_space<vmem>>) target_semaphore(%run_scoped3A : memref<!tpu.dma_semaphore, #tpu.memory_space<semaphore_mem>>)
        %dma_wait3A = arith.constant 0 : i32
        %dma_wait3A_51 = tpu.memref_slice %arg15[%add3A_37, %dma_wait3A] : memref<10240x16xf32, #tpu.memory_space<vmem_shared>> -> memref<128x16xf32, #tpu.memory_space<vmem_shared>>
        %dma_wait3A_52 = arith.constant 0 : i32
        %dma_wait3A_53 = tpu.memref_slice %arg15[%add3A_37, %dma_wait3A_52] : memref<10240x16xf32, #tpu.memory_space<vmem_shared>> -> memref<128x16xf32, #tpu.memory_space<vmem_shared>>
        tpu.wait_dma2 semaphore(%run_scoped3A : memref<!tpu.dma_semaphore, #tpu.memory_space<semaphore_mem>>) src(%dma_wait3A_53 : memref<128x16xf32, #tpu.memory_space<vmem_shared>>) dst(%arg14 : memref<128x16xf32, #tpu.memory_space<vmem>>)
        tpu.yield
      }) : () -> ()
      %add3A_38 = arith.constant 256 : i32
      %add3A_39 = arith.addi %mul3A_0, %add3A_38 : i32
      "tpu.region"() ({
        %run_scoped3A = tpu.sem_alloc : memref<!tpu.dma_semaphore, #tpu.memory_space<semaphore_mem>>
        %dma_start3A = arith.constant 0 : i32
        %dma_start3A_48 = tpu.memref_slice %arg9[%add3A_39, %dma_start3A] : memref<10240x16xf32, #tpu.memory_space<hbm>> -> memref<128x16xf32, #tpu.memory_space<hbm>>
        %dma_start3A_49 = arith.constant 0 : i32
        %dma_start3A_50 = tpu.memref_slice %arg9[%add3A_39, %dma_start3A_49] : memref<10240x16xf32, #tpu.memory_space<hbm>> -> memref<128x16xf32, #tpu.memory_space<hbm>>
        tpu.enqueue_dma source(%arg14 : memref<128x16xf32, #tpu.memory_space<vmem>>) target(%dma_start3A_50 : memref<128x16xf32, #tpu.memory_space<hbm>>) target_semaphore(%run_scoped3A : memref<!tpu.dma_semaphore, #tpu.memory_space<semaphore_mem>>)
        %dma_wait3A = arith.constant 0 : i32
        %dma_wait3A_51 = tpu.memref_slice %arg9[%add3A_39, %dma_wait3A] : memref<10240x16xf32, #tpu.memory_space<hbm>> -> memref<128x16xf32, #tpu.memory_space<hbm>>
        %dma_wait3A_52 = arith.constant 0 : i32
        %dma_wait3A_53 = tpu.memref_slice %arg9[%add3A_39, %dma_wait3A_52] : memref<10240x16xf32, #tpu.memory_space<hbm>> -> memref<128x16xf32, #tpu.memory_space<hbm>>
        tpu.wait_dma2 semaphore(%run_scoped3A : memref<!tpu.dma_semaphore, #tpu.memory_space<semaphore_mem>>) src(%arg14 : memref<128x16xf32, #tpu.memory_space<vmem>>) dst(%dma_wait3A_53 : memref<128x16xf32, #tpu.memory_space<hbm>>)
        tpu.yield
      }) : () -> ()
      %add3A_40 = arith.constant 384 : i32
      %add3A_41 = arith.addi %mul3A_0, %add3A_40 : i32
      "tpu.region"() ({
        %run_scoped3A = tpu.sem_alloc : memref<!tpu.dma_semaphore, #tpu.memory_space<semaphore_mem>>
        %dma_start3A = arith.constant 0 : i32
        %dma_start3A_48 = tpu.memref_slice %arg15[%add3A_41, %dma_start3A] : memref<10240x16xf32, #tpu.memory_space<vmem_shared>> -> memref<128x16xf32, #tpu.memory_space<vmem_shared>>
        %dma_start3A_49 = arith.constant 0 : i32
        %dma_start3A_50 = tpu.memref_slice %arg15[%add3A_41, %dma_start3A_49] : memref<10240x16xf32, #tpu.memory_space<vmem_shared>> -> memref<128x16xf32, #tpu.memory_space<vmem_shared>>
        tpu.enqueue_dma source(%dma_start3A_50 : memref<128x16xf32, #tpu.memory_space<vmem_shared>>) target(%arg14 : memref<128x16xf32, #tpu.memory_space<vmem>>) target_semaphore(%run_scoped3A : memref<!tpu.dma_semaphore, #tpu.memory_space<semaphore_mem>>)
        %dma_wait3A = arith.constant 0 : i32
        %dma_wait3A_51 = tpu.memref_slice %arg15[%add3A_41, %dma_wait3A] : memref<10240x16xf32, #tpu.memory_space<vmem_shared>> -> memref<128x16xf32, #tpu.memory_space<vmem_shared>>
        %dma_wait3A_52 = arith.constant 0 : i32
        %dma_wait3A_53 = tpu.memref_slice %arg15[%add3A_41, %dma_wait3A_52] : memref<10240x16xf32, #tpu.memory_space<vmem_shared>> -> memref<128x16xf32, #tpu.memory_space<vmem_shared>>
        tpu.wait_dma2 semaphore(%run_scoped3A : memref<!tpu.dma_semaphore, #tpu.memory_space<semaphore_mem>>) src(%dma_wait3A_53 : memref<128x16xf32, #tpu.memory_space<vmem_shared>>) dst(%arg14 : memref<128x16xf32, #tpu.memory_space<vmem>>)
        tpu.yield
      }) : () -> ()
      %add3A_42 = arith.constant 384 : i32
      %add3A_43 = arith.addi %mul3A_0, %add3A_42 : i32
      "tpu.region"() ({
        %run_scoped3A = tpu.sem_alloc : memref<!tpu.dma_semaphore, #tpu.memory_space<semaphore_mem>>
        %dma_start3A = arith.constant 0 : i32
        %dma_start3A_48 = tpu.memref_slice %arg9[%add3A_43, %dma_start3A] : memref<10240x16xf32, #tpu.memory_space<hbm>> -> memref<128x16xf32, #tpu.memory_space<hbm>>
        %dma_start3A_49 = arith.constant 0 : i32
        %dma_start3A_50 = tpu.memref_slice %arg9[%add3A_43, %dma_start3A_49] : memref<10240x16xf32, #tpu.memory_space<hbm>> -> memref<128x16xf32, #tpu.memory_space<hbm>>
        tpu.enqueue_dma source(%arg14 : memref<128x16xf32, #tpu.memory_space<vmem>>) target(%dma_start3A_50 : memref<128x16xf32, #tpu.memory_space<hbm>>) target_semaphore(%run_scoped3A : memref<!tpu.dma_semaphore, #tpu.memory_space<semaphore_mem>>)
        %dma_wait3A = arith.constant 0 : i32
        %dma_wait3A_51 = tpu.memref_slice %arg9[%add3A_43, %dma_wait3A] : memref<10240x16xf32, #tpu.memory_space<hbm>> -> memref<128x16xf32, #tpu.memory_space<hbm>>
        %dma_wait3A_52 = arith.constant 0 : i32
        %dma_wait3A_53 = tpu.memref_slice %arg9[%add3A_43, %dma_wait3A_52] : memref<10240x16xf32, #tpu.memory_space<hbm>> -> memref<128x16xf32, #tpu.memory_space<hbm>>
        tpu.wait_dma2 semaphore(%run_scoped3A : memref<!tpu.dma_semaphore, #tpu.memory_space<semaphore_mem>>) src(%arg14 : memref<128x16xf32, #tpu.memory_space<vmem>>) dst(%dma_wait3A_53 : memref<128x16xf32, #tpu.memory_space<hbm>>)
        tpu.yield
      }) : () -> ()
      %add3A_44 = arith.constant 512 : i32
      %add3A_45 = arith.addi %mul3A_0, %add3A_44 : i32
      "tpu.region"() ({
        %run_scoped3A = tpu.sem_alloc : memref<!tpu.dma_semaphore, #tpu.memory_space<semaphore_mem>>
        %dma_start3A = arith.constant 0 : i32
        %dma_start3A_48 = tpu.memref_slice %arg15[%add3A_45, %dma_start3A] : memref<10240x16xf32, #tpu.memory_space<vmem_shared>> -> memref<128x16xf32, #tpu.memory_space<vmem_shared>>
        %dma_start3A_49 = arith.constant 0 : i32
        %dma_start3A_50 = tpu.memref_slice %arg15[%add3A_45, %dma_start3A_49] : memref<10240x16xf32, #tpu.memory_space<vmem_shared>> -> memref<128x16xf32, #tpu.memory_space<vmem_shared>>
        tpu.enqueue_dma source(%dma_start3A_50 : memref<128x16xf32, #tpu.memory_space<vmem_shared>>) target(%arg14 : memref<128x16xf32, #tpu.memory_space<vmem>>) target_semaphore(%run_scoped3A : memref<!tpu.dma_semaphore, #tpu.memory_space<semaphore_mem>>)
        %dma_wait3A = arith.constant 0 : i32
        %dma_wait3A_51 = tpu.memref_slice %arg15[%add3A_45, %dma_wait3A] : memref<10240x16xf32, #tpu.memory_space<vmem_shared>> -> memref<128x16xf32, #tpu.memory_space<vmem_shared>>
        %dma_wait3A_52 = arith.constant 0 : i32
        %dma_wait3A_53 = tpu.memref_slice %arg15[%add3A_45, %dma_wait3A_52] : memref<10240x16xf32, #tpu.memory_space<vmem_shared>> -> memref<128x16xf32, #tpu.memory_space<vmem_shared>>
        tpu.wait_dma2 semaphore(%run_scoped3A : memref<!tpu.dma_semaphore, #tpu.memory_space<semaphore_mem>>) src(%dma_wait3A_53 : memref<128x16xf32, #tpu.memory_space<vmem_shared>>) dst(%arg14 : memref<128x16xf32, #tpu.memory_space<vmem>>)
        tpu.yield
      }) : () -> ()
      %add3A_46 = arith.constant 512 : i32
      %add3A_47 = arith.addi %mul3A_0, %add3A_46 : i32
      "tpu.region"() ({
        %run_scoped3A = tpu.sem_alloc : memref<!tpu.dma_semaphore, #tpu.memory_space<semaphore_mem>>
        %dma_start3A = arith.constant 0 : i32
        %dma_start3A_48 = tpu.memref_slice %arg9[%add3A_47, %dma_start3A] : memref<10240x16xf32, #tpu.memory_space<hbm>> -> memref<128x16xf32, #tpu.memory_space<hbm>>
        %dma_start3A_49 = arith.constant 0 : i32
        %dma_start3A_50 = tpu.memref_slice %arg9[%add3A_47, %dma_start3A_49] : memref<10240x16xf32, #tpu.memory_space<hbm>> -> memref<128x16xf32, #tpu.memory_space<hbm>>
        tpu.enqueue_dma source(%arg14 : memref<128x16xf32, #tpu.memory_space<vmem>>) target(%dma_start3A_50 : memref<128x16xf32, #tpu.memory_space<hbm>>) target_semaphore(%run_scoped3A : memref<!tpu.dma_semaphore, #tpu.memory_space<semaphore_mem>>)
        %dma_wait3A = arith.constant 0 : i32
        %dma_wait3A_51 = tpu.memref_slice %arg9[%add3A_47, %dma_wait3A] : memref<10240x16xf32, #tpu.memory_space<hbm>> -> memref<128x16xf32, #tpu.memory_space<hbm>>
        %dma_wait3A_52 = arith.constant 0 : i32
        %dma_wait3A_53 = tpu.memref_slice %arg9[%add3A_47, %dma_wait3A_52] : memref<10240x16xf32, #tpu.memory_space<hbm>> -> memref<128x16xf32, #tpu.memory_space<hbm>>
        tpu.wait_dma2 semaphore(%run_scoped3A : memref<!tpu.dma_semaphore, #tpu.memory_space<semaphore_mem>>) src(%arg14 : memref<128x16xf32, #tpu.memory_space<vmem>>) dst(%dma_wait3A_53 : memref<128x16xf32, #tpu.memory_space<hbm>>)
        tpu.yield
      }) : () -> ()
    } else {
    }
    %eq3A_23 = arith.constant 1 : i32
    %eq3A_24 = arith.cmpi eq, %arg0, %eq3A_23 : i32
    %convert_element_type3A_25 = arith.extui %eq3A_24 : i1 to i32
    %cond3A_26 = arith.constant 0 : i32
    %cond3A_27 = arith.cmpi ne, %convert_element_type3A_25, %cond3A_26 : i32
    scf.if %cond3A_27 {
      %add3A_28 = arith.constant 0 : i32
      %add3A_29 = arith.addi %mul3A_0, %add3A_28 : i32
      "tpu.region"() ({
        %run_scoped3A = tpu.sem_alloc : memref<!tpu.dma_semaphore, #tpu.memory_space<semaphore_mem>>
        %dma_start3A = arith.constant 0 : i32
        %dma_start3A_48 = tpu.memref_slice %arg15[%add3A_29, %dma_start3A] : memref<10240x16xf32, #tpu.memory_space<vmem_shared>> -> memref<128x16xf32, #tpu.memory_space<vmem_shared>>
        %dma_start3A_49 = arith.constant 0 : i32
        %dma_start3A_50 = tpu.memref_slice %arg15[%add3A_29, %dma_start3A_49] : memref<10240x16xf32, #tpu.memory_space<vmem_shared>> -> memref<128x16xf32, #tpu.memory_space<vmem_shared>>
        tpu.enqueue_dma source(%dma_start3A_50 : memref<128x16xf32, #tpu.memory_space<vmem_shared>>) target(%arg14 : memref<128x16xf32, #tpu.memory_space<vmem>>) target_semaphore(%run_scoped3A : memref<!tpu.dma_semaphore, #tpu.memory_space<semaphore_mem>>)
        %dma_wait3A = arith.constant 0 : i32
        %dma_wait3A_51 = tpu.memref_slice %arg15[%add3A_29, %dma_wait3A] : memref<10240x16xf32, #tpu.memory_space<vmem_shared>> -> memref<128x16xf32, #tpu.memory_space<vmem_shared>>
        %dma_wait3A_52 = arith.constant 0 : i32
        %dma_wait3A_53 = tpu.memref_slice %arg15[%add3A_29, %dma_wait3A_52] : memref<10240x16xf32, #tpu.memory_space<vmem_shared>> -> memref<128x16xf32, #tpu.memory_space<vmem_shared>>
        tpu.wait_dma2 semaphore(%run_scoped3A : memref<!tpu.dma_semaphore, #tpu.memory_space<semaphore_mem>>) src(%dma_wait3A_53 : memref<128x16xf32, #tpu.memory_space<vmem_shared>>) dst(%arg14 : memref<128x16xf32, #tpu.memory_space<vmem>>)
        tpu.yield
      }) : () -> ()
      %add3A_30 = arith.constant 0 : i32
      %add3A_31 = arith.addi %mul3A_0, %add3A_30 : i32
      "tpu.region"() ({
        %run_scoped3A = tpu.sem_alloc : memref<!tpu.dma_semaphore, #tpu.memory_space<semaphore_mem>>
        %dma_start3A = arith.constant 0 : i32
        %dma_start3A_48 = tpu.memref_slice %arg10[%add3A_31, %dma_start3A] : memref<10240x16xf32, #tpu.memory_space<hbm>> -> memref<128x16xf32, #tpu.memory_space<hbm>>
        %dma_start3A_49 = arith.constant 0 : i32
        %dma_start3A_50 = tpu.memref_slice %arg10[%add3A_31, %dma_start3A_49] : memref<10240x16xf32, #tpu.memory_space<hbm>> -> memref<128x16xf32, #tpu.memory_space<hbm>>
        tpu.enqueue_dma source(%arg14 : memref<128x16xf32, #tpu.memory_space<vmem>>) target(%dma_start3A_50 : memref<128x16xf32, #tpu.memory_space<hbm>>) target_semaphore(%run_scoped3A : memref<!tpu.dma_semaphore, #tpu.memory_space<semaphore_mem>>)
        %dma_wait3A = arith.constant 0 : i32
        %dma_wait3A_51 = tpu.memref_slice %arg10[%add3A_31, %dma_wait3A] : memref<10240x16xf32, #tpu.memory_space<hbm>> -> memref<128x16xf32, #tpu.memory_space<hbm>>
        %dma_wait3A_52 = arith.constant 0 : i32
        %dma_wait3A_53 = tpu.memref_slice %arg10[%add3A_31, %dma_wait3A_52] : memref<10240x16xf32, #tpu.memory_space<hbm>> -> memref<128x16xf32, #tpu.memory_space<hbm>>
        tpu.wait_dma2 semaphore(%run_scoped3A : memref<!tpu.dma_semaphore, #tpu.memory_space<semaphore_mem>>) src(%arg14 : memref<128x16xf32, #tpu.memory_space<vmem>>) dst(%dma_wait3A_53 : memref<128x16xf32, #tpu.memory_space<hbm>>)
        tpu.yield
      }) : () -> ()
      %add3A_32 = arith.constant 128 : i32
      %add3A_33 = arith.addi %mul3A_0, %add3A_32 : i32
      "tpu.region"() ({
        %run_scoped3A = tpu.sem_alloc : memref<!tpu.dma_semaphore, #tpu.memory_space<semaphore_mem>>
        %dma_start3A = arith.constant 0 : i32
        %dma_start3A_48 = tpu.memref_slice %arg15[%add3A_33, %dma_start3A] : memref<10240x16xf32, #tpu.memory_space<vmem_shared>> -> memref<128x16xf32, #tpu.memory_space<vmem_shared>>
        %dma_start3A_49 = arith.constant 0 : i32
        %dma_start3A_50 = tpu.memref_slice %arg15[%add3A_33, %dma_start3A_49] : memref<10240x16xf32, #tpu.memory_space<vmem_shared>> -> memref<128x16xf32, #tpu.memory_space<vmem_shared>>
        tpu.enqueue_dma source(%dma_start3A_50 : memref<128x16xf32, #tpu.memory_space<vmem_shared>>) target(%arg14 : memref<128x16xf32, #tpu.memory_space<vmem>>) target_semaphore(%run_scoped3A : memref<!tpu.dma_semaphore, #tpu.memory_space<semaphore_mem>>)
        %dma_wait3A = arith.constant 0 : i32
        %dma_wait3A_51 = tpu.memref_slice %arg15[%add3A_33, %dma_wait3A] : memref<10240x16xf32, #tpu.memory_space<vmem_shared>> -> memref<128x16xf32, #tpu.memory_space<vmem_shared>>
        %dma_wait3A_52 = arith.constant 0 : i32
        %dma_wait3A_53 = tpu.memref_slice %arg15[%add3A_33, %dma_wait3A_52] : memref<10240x16xf32, #tpu.memory_space<vmem_shared>> -> memref<128x16xf32, #tpu.memory_space<vmem_shared>>
        tpu.wait_dma2 semaphore(%run_scoped3A : memref<!tpu.dma_semaphore, #tpu.memory_space<semaphore_mem>>) src(%dma_wait3A_53 : memref<128x16xf32, #tpu.memory_space<vmem_shared>>) dst(%arg14 : memref<128x16xf32, #tpu.memory_space<vmem>>)
        tpu.yield
      }) : () -> ()
      %add3A_34 = arith.constant 128 : i32
      %add3A_35 = arith.addi %mul3A_0, %add3A_34 : i32
      "tpu.region"() ({
        %run_scoped3A = tpu.sem_alloc : memref<!tpu.dma_semaphore, #tpu.memory_space<semaphore_mem>>
        %dma_start3A = arith.constant 0 : i32
        %dma_start3A_48 = tpu.memref_slice %arg10[%add3A_35, %dma_start3A] : memref<10240x16xf32, #tpu.memory_space<hbm>> -> memref<128x16xf32, #tpu.memory_space<hbm>>
        %dma_start3A_49 = arith.constant 0 : i32
        %dma_start3A_50 = tpu.memref_slice %arg10[%add3A_35, %dma_start3A_49] : memref<10240x16xf32, #tpu.memory_space<hbm>> -> memref<128x16xf32, #tpu.memory_space<hbm>>
        tpu.enqueue_dma source(%arg14 : memref<128x16xf32, #tpu.memory_space<vmem>>) target(%dma_start3A_50 : memref<128x16xf32, #tpu.memory_space<hbm>>) target_semaphore(%run_scoped3A : memref<!tpu.dma_semaphore, #tpu.memory_space<semaphore_mem>>)
        %dma_wait3A = arith.constant 0 : i32
        %dma_wait3A_51 = tpu.memref_slice %arg10[%add3A_35, %dma_wait3A] : memref<10240x16xf32, #tpu.memory_space<hbm>> -> memref<128x16xf32, #tpu.memory_space<hbm>>
        %dma_wait3A_52 = arith.constant 0 : i32
        %dma_wait3A_53 = tpu.memref_slice %arg10[%add3A_35, %dma_wait3A_52] : memref<10240x16xf32, #tpu.memory_space<hbm>> -> memref<128x16xf32, #tpu.memory_space<hbm>>
        tpu.wait_dma2 semaphore(%run_scoped3A : memref<!tpu.dma_semaphore, #tpu.memory_space<semaphore_mem>>) src(%arg14 : memref<128x16xf32, #tpu.memory_space<vmem>>) dst(%dma_wait3A_53 : memref<128x16xf32, #tpu.memory_space<hbm>>)
        tpu.yield
      }) : () -> ()
      %add3A_36 = arith.constant 256 : i32
      %add3A_37 = arith.addi %mul3A_0, %add3A_36 : i32
      "tpu.region"() ({
        %run_scoped3A = tpu.sem_alloc : memref<!tpu.dma_semaphore, #tpu.memory_space<semaphore_mem>>
        %dma_start3A = arith.constant 0 : i32
        %dma_start3A_48 = tpu.memref_slice %arg15[%add3A_37, %dma_start3A] : memref<10240x16xf32, #tpu.memory_space<vmem_shared>> -> memref<128x16xf32, #tpu.memory_space<vmem_shared>>
        %dma_start3A_49 = arith.constant 0 : i32
        %dma_start3A_50 = tpu.memref_slice %arg15[%add3A_37, %dma_start3A_49] : memref<10240x16xf32, #tpu.memory_space<vmem_shared>> -> memref<128x16xf32, #tpu.memory_space<vmem_shared>>
        tpu.enqueue_dma source(%dma_start3A_50 : memref<128x16xf32, #tpu.memory_space<vmem_shared>>) target(%arg14 : memref<128x16xf32, #tpu.memory_space<vmem>>) target_semaphore(%run_scoped3A : memref<!tpu.dma_semaphore, #tpu.memory_space<semaphore_mem>>)
        %dma_wait3A = arith.constant 0 : i32
        %dma_wait3A_51 = tpu.memref_slice %arg15[%add3A_37, %dma_wait3A] : memref<10240x16xf32, #tpu.memory_space<vmem_shared>> -> memref<128x16xf32, #tpu.memory_space<vmem_shared>>
        %dma_wait3A_52 = arith.constant 0 : i32
        %dma_wait3A_53 = tpu.memref_slice %arg15[%add3A_37, %dma_wait3A_52] : memref<10240x16xf32, #tpu.memory_space<vmem_shared>> -> memref<128x16xf32, #tpu.memory_space<vmem_shared>>
        tpu.wait_dma2 semaphore(%run_scoped3A : memref<!tpu.dma_semaphore, #tpu.memory_space<semaphore_mem>>) src(%dma_wait3A_53 : memref<128x16xf32, #tpu.memory_space<vmem_shared>>) dst(%arg14 : memref<128x16xf32, #tpu.memory_space<vmem>>)
        tpu.yield
      }) : () -> ()
      %add3A_38 = arith.constant 256 : i32
      %add3A_39 = arith.addi %mul3A_0, %add3A_38 : i32
      "tpu.region"() ({
        %run_scoped3A = tpu.sem_alloc : memref<!tpu.dma_semaphore, #tpu.memory_space<semaphore_mem>>
        %dma_start3A = arith.constant 0 : i32
        %dma_start3A_48 = tpu.memref_slice %arg10[%add3A_39, %dma_start3A] : memref<10240x16xf32, #tpu.memory_space<hbm>> -> memref<128x16xf32, #tpu.memory_space<hbm>>
        %dma_start3A_49 = arith.constant 0 : i32
        %dma_start3A_50 = tpu.memref_slice %arg10[%add3A_39, %dma_start3A_49] : memref<10240x16xf32, #tpu.memory_space<hbm>> -> memref<128x16xf32, #tpu.memory_space<hbm>>
        tpu.enqueue_dma source(%arg14 : memref<128x16xf32, #tpu.memory_space<vmem>>) target(%dma_start3A_50 : memref<128x16xf32, #tpu.memory_space<hbm>>) target_semaphore(%run_scoped3A : memref<!tpu.dma_semaphore, #tpu.memory_space<semaphore_mem>>)
        %dma_wait3A = arith.constant 0 : i32
        %dma_wait3A_51 = tpu.memref_slice %arg10[%add3A_39, %dma_wait3A] : memref<10240x16xf32, #tpu.memory_space<hbm>> -> memref<128x16xf32, #tpu.memory_space<hbm>>
        %dma_wait3A_52 = arith.constant 0 : i32
        %dma_wait3A_53 = tpu.memref_slice %arg10[%add3A_39, %dma_wait3A_52] : memref<10240x16xf32, #tpu.memory_space<hbm>> -> memref<128x16xf32, #tpu.memory_space<hbm>>
        tpu.wait_dma2 semaphore(%run_scoped3A : memref<!tpu.dma_semaphore, #tpu.memory_space<semaphore_mem>>) src(%arg14 : memref<128x16xf32, #tpu.memory_space<vmem>>) dst(%dma_wait3A_53 : memref<128x16xf32, #tpu.memory_space<hbm>>)
        tpu.yield
      }) : () -> ()
      %add3A_40 = arith.constant 384 : i32
      %add3A_41 = arith.addi %mul3A_0, %add3A_40 : i32
      "tpu.region"() ({
        %run_scoped3A = tpu.sem_alloc : memref<!tpu.dma_semaphore, #tpu.memory_space<semaphore_mem>>
        %dma_start3A = arith.constant 0 : i32
        %dma_start3A_48 = tpu.memref_slice %arg15[%add3A_41, %dma_start3A] : memref<10240x16xf32, #tpu.memory_space<vmem_shared>> -> memref<128x16xf32, #tpu.memory_space<vmem_shared>>
        %dma_start3A_49 = arith.constant 0 : i32
        %dma_start3A_50 = tpu.memref_slice %arg15[%add3A_41, %dma_start3A_49] : memref<10240x16xf32, #tpu.memory_space<vmem_shared>> -> memref<128x16xf32, #tpu.memory_space<vmem_shared>>
        tpu.enqueue_dma source(%dma_start3A_50 : memref<128x16xf32, #tpu.memory_space<vmem_shared>>) target(%arg14 : memref<128x16xf32, #tpu.memory_space<vmem>>) target_semaphore(%run_scoped3A : memref<!tpu.dma_semaphore, #tpu.memory_space<semaphore_mem>>)
        %dma_wait3A = arith.constant 0 : i32
        %dma_wait3A_51 = tpu.memref_slice %arg15[%add3A_41, %dma_wait3A] : memref<10240x16xf32, #tpu.memory_space<vmem_shared>> -> memref<128x16xf32, #tpu.memory_space<vmem_shared>>
        %dma_wait3A_52 = arith.constant 0 : i32
        %dma_wait3A_53 = tpu.memref_slice %arg15[%add3A_41, %dma_wait3A_52] : memref<10240x16xf32, #tpu.memory_space<vmem_shared>> -> memref<128x16xf32, #tpu.memory_space<vmem_shared>>
        tpu.wait_dma2 semaphore(%run_scoped3A : memref<!tpu.dma_semaphore, #tpu.memory_space<semaphore_mem>>) src(%dma_wait3A_53 : memref<128x16xf32, #tpu.memory_space<vmem_shared>>) dst(%arg14 : memref<128x16xf32, #tpu.memory_space<vmem>>)
        tpu.yield
      }) : () -> ()
      %add3A_42 = arith.constant 384 : i32
      %add3A_43 = arith.addi %mul3A_0, %add3A_42 : i32
      "tpu.region"() ({
        %run_scoped3A = tpu.sem_alloc : memref<!tpu.dma_semaphore, #tpu.memory_space<semaphore_mem>>
        %dma_start3A = arith.constant 0 : i32
        %dma_start3A_48 = tpu.memref_slice %arg10[%add3A_43, %dma_start3A] : memref<10240x16xf32, #tpu.memory_space<hbm>> -> memref<128x16xf32, #tpu.memory_space<hbm>>
        %dma_start3A_49 = arith.constant 0 : i32
        %dma_start3A_50 = tpu.memref_slice %arg10[%add3A_43, %dma_start3A_49] : memref<10240x16xf32, #tpu.memory_space<hbm>> -> memref<128x16xf32, #tpu.memory_space<hbm>>
        tpu.enqueue_dma source(%arg14 : memref<128x16xf32, #tpu.memory_space<vmem>>) target(%dma_start3A_50 : memref<128x16xf32, #tpu.memory_space<hbm>>) target_semaphore(%run_scoped3A : memref<!tpu.dma_semaphore, #tpu.memory_space<semaphore_mem>>)
        %dma_wait3A = arith.constant 0 : i32
        %dma_wait3A_51 = tpu.memref_slice %arg10[%add3A_43, %dma_wait3A] : memref<10240x16xf32, #tpu.memory_space<hbm>> -> memref<128x16xf32, #tpu.memory_space<hbm>>
        %dma_wait3A_52 = arith.constant 0 : i32
        %dma_wait3A_53 = tpu.memref_slice %arg10[%add3A_43, %dma_wait3A_52] : memref<10240x16xf32, #tpu.memory_space<hbm>> -> memref<128x16xf32, #tpu.memory_space<hbm>>
        tpu.wait_dma2 semaphore(%run_scoped3A : memref<!tpu.dma_semaphore, #tpu.memory_space<semaphore_mem>>) src(%arg14 : memref<128x16xf32, #tpu.memory_space<vmem>>) dst(%dma_wait3A_53 : memref<128x16xf32, #tpu.memory_space<hbm>>)
        tpu.yield
      }) : () -> ()
      %add3A_44 = arith.constant 512 : i32
      %add3A_45 = arith.addi %mul3A_0, %add3A_44 : i32
      "tpu.region"() ({
        %run_scoped3A = tpu.sem_alloc : memref<!tpu.dma_semaphore, #tpu.memory_space<semaphore_mem>>
        %dma_start3A = arith.constant 0 : i32
        %dma_start3A_48 = tpu.memref_slice %arg15[%add3A_45, %dma_start3A] : memref<10240x16xf32, #tpu.memory_space<vmem_shared>> -> memref<128x16xf32, #tpu.memory_space<vmem_shared>>
        %dma_start3A_49 = arith.constant 0 : i32
        %dma_start3A_50 = tpu.memref_slice %arg15[%add3A_45, %dma_start3A_49] : memref<10240x16xf32, #tpu.memory_space<vmem_shared>> -> memref<128x16xf32, #tpu.memory_space<vmem_shared>>
        tpu.enqueue_dma source(%dma_start3A_50 : memref<128x16xf32, #tpu.memory_space<vmem_shared>>) target(%arg14 : memref<128x16xf32, #tpu.memory_space<vmem>>) target_semaphore(%run_scoped3A : memref<!tpu.dma_semaphore, #tpu.memory_space<semaphore_mem>>)
        %dma_wait3A = arith.constant 0 : i32
        %dma_wait3A_51 = tpu.memref_slice %arg15[%add3A_45, %dma_wait3A] : memref<10240x16xf32, #tpu.memory_space<vmem_shared>> -> memref<128x16xf32, #tpu.memory_space<vmem_shared>>
        %dma_wait3A_52 = arith.constant 0 : i32
        %dma_wait3A_53 = tpu.memref_slice %arg15[%add3A_45, %dma_wait3A_52] : memref<10240x16xf32, #tpu.memory_space<vmem_shared>> -> memref<128x16xf32, #tpu.memory_space<vmem_shared>>
        tpu.wait_dma2 semaphore(%run_scoped3A : memref<!tpu.dma_semaphore, #tpu.memory_space<semaphore_mem>>) src(%dma_wait3A_53 : memref<128x16xf32, #tpu.memory_space<vmem_shared>>) dst(%arg14 : memref<128x16xf32, #tpu.memory_space<vmem>>)
        tpu.yield
      }) : () -> ()
      %add3A_46 = arith.constant 512 : i32
      %add3A_47 = arith.addi %mul3A_0, %add3A_46 : i32
      "tpu.region"() ({
        %run_scoped3A = tpu.sem_alloc : memref<!tpu.dma_semaphore, #tpu.memory_space<semaphore_mem>>
        %dma_start3A = arith.constant 0 : i32
        %dma_start3A_48 = tpu.memref_slice %arg10[%add3A_47, %dma_start3A] : memref<10240x16xf32, #tpu.memory_space<hbm>> -> memref<128x16xf32, #tpu.memory_space<hbm>>
        %dma_start3A_49 = arith.constant 0 : i32
        %dma_start3A_50 = tpu.memref_slice %arg10[%add3A_47, %dma_start3A_49] : memref<10240x16xf32, #tpu.memory_space<hbm>> -> memref<128x16xf32, #tpu.memory_space<hbm>>
        tpu.enqueue_dma source(%arg14 : memref<128x16xf32, #tpu.memory_space<vmem>>) target(%dma_start3A_50 : memref<128x16xf32, #tpu.memory_space<hbm>>) target_semaphore(%run_scoped3A : memref<!tpu.dma_semaphore, #tpu.memory_space<semaphore_mem>>)
        %dma_wait3A = arith.constant 0 : i32
        %dma_wait3A_51 = tpu.memref_slice %arg10[%add3A_47, %dma_wait3A] : memref<10240x16xf32, #tpu.memory_space<hbm>> -> memref<128x16xf32, #tpu.memory_space<hbm>>
        %dma_wait3A_52 = arith.constant 0 : i32
        %dma_wait3A_53 = tpu.memref_slice %arg10[%add3A_47, %dma_wait3A_52] : memref<10240x16xf32, #tpu.memory_space<hbm>> -> memref<128x16xf32, #tpu.memory_space<hbm>>
        tpu.wait_dma2 semaphore(%run_scoped3A : memref<!tpu.dma_semaphore, #tpu.memory_space<semaphore_mem>>) src(%arg14 : memref<128x16xf32, #tpu.memory_space<vmem>>) dst(%dma_wait3A_53 : memref<128x16xf32, #tpu.memory_space<hbm>>)
        tpu.yield
      }) : () -> ()
    } else {
    }
    return
  }
}

#map = affine_map<(d0, d1) -> (0)>
module attributes {stable_mosaic.version = 14 : i64} {
  func.func @sc_score(%arg0: i32, %arg1: i32, %arg2: memref<10240xf32, #tpu.memory_space<hbm>>, %arg3: memref<10240xf32, #tpu.memory_space<hbm>>, %arg4: memref<10240xf32, #tpu.memory_space<hbm>>, %arg5: memref<10240xf32, #tpu.memory_space<hbm>>, %arg6: memref<161792xi32, #tpu.memory_space<hbm>>, %arg7: memref<161792xi32, #tpu.memory_space<hbm>>, %arg8: memref<161792xi32, #tpu.memory_space<hbm>>, %arg9: memref<161792xi32, #tpu.memory_space<hbm>>, %arg10: memref<161792xi32, #tpu.memory_space<hbm>>, %arg11: memref<161792xi32, #tpu.memory_space<hbm>>, %arg12: memref<161792xi32, #tpu.memory_space<hbm>>, %arg13: memref<161792xi32, #tpu.memory_space<hbm>>, %arg14: memref<161792xf32, #tpu.memory_space<hbm>>, %arg15: memref<161792xf32, #tpu.memory_space<hbm>>, %arg16: memref<161792xf32, #tpu.memory_space<hbm>>, %arg17: memref<161792xf32, #tpu.memory_space<hbm>>, %arg18: memref<10240xf32, #tpu.memory_space<vmem>>, %arg19: memref<10240xf32, #tpu.memory_space<vmem>>, %arg20: memref<10240xf32, #tpu.memory_space<vmem>>, %arg21: memref<10240xf32, #tpu.memory_space<vmem>>, %arg22: memref<5056xi32, #tpu.memory_space<vmem>>, %arg23: memref<5056xi32, #tpu.memory_space<vmem>>, %arg24: memref<5056xf32, #tpu.memory_space<vmem>>) attributes {dimension_semantics = [#tpu.dimension_semantics<core_parallel>, #tpu.dimension_semantics<subcore_parallel>], iteration_bounds = array<i64: 2, 16>, scalar_prefetch = 0 : i64, scratch_operands = 7 : i64, tpu.core_type = #tpu.core_type<sc_vector_subcore>, window_params = [{transform_indices = #map}, {transform_indices = #map}, {transform_indices = #map}, {transform_indices = #map}, {transform_indices = #map}, {transform_indices = #map}, {transform_indices = #map}, {transform_indices = #map}, {transform_indices = #map}, {transform_indices = #map}, {transform_indices = #map}, {transform_indices = #map}, {transform_indices = #map}, {transform_indices = #map}, {transform_indices = #map}, {transform_indices = #map}]} {
    %mul3A = arith.constant 2 : i32
    %mul3A_0 = arith.muli %arg1, %mul3A : i32
    %add3A = arith.addi %mul3A_0, %arg0 : i32
    %mul3A_1 = arith.constant 5056 : i32
    %mul3A_2 = arith.muli %add3A, %mul3A_1 : i32
    "tpu.region"() ({
      %run_scoped3A = tpu.sem_alloc : memref<!tpu.dma_semaphore, #tpu.memory_space<semaphore_mem>>
      tpu.enqueue_dma source(%arg2 : memref<10240xf32, #tpu.memory_space<hbm>>) target(%arg18 : memref<10240xf32, #tpu.memory_space<vmem>>) target_semaphore(%run_scoped3A : memref<!tpu.dma_semaphore, #tpu.memory_space<semaphore_mem>>)
      tpu.wait_dma2 semaphore(%run_scoped3A : memref<!tpu.dma_semaphore, #tpu.memory_space<semaphore_mem>>) src(%arg2 : memref<10240xf32, #tpu.memory_space<hbm>>) dst(%arg18 : memref<10240xf32, #tpu.memory_space<vmem>>)
      tpu.yield
    }) : () -> ()
    "tpu.region"() ({
      %run_scoped3A = tpu.sem_alloc : memref<!tpu.dma_semaphore, #tpu.memory_space<semaphore_mem>>
      tpu.enqueue_dma source(%arg3 : memref<10240xf32, #tpu.memory_space<hbm>>) target(%arg19 : memref<10240xf32, #tpu.memory_space<vmem>>) target_semaphore(%run_scoped3A : memref<!tpu.dma_semaphore, #tpu.memory_space<semaphore_mem>>)
      tpu.wait_dma2 semaphore(%run_scoped3A : memref<!tpu.dma_semaphore, #tpu.memory_space<semaphore_mem>>) src(%arg3 : memref<10240xf32, #tpu.memory_space<hbm>>) dst(%arg19 : memref<10240xf32, #tpu.memory_space<vmem>>)
      tpu.yield
    }) : () -> ()
    "tpu.region"() ({
      %run_scoped3A = tpu.sem_alloc : memref<!tpu.dma_semaphore, #tpu.memory_space<semaphore_mem>>
      tpu.enqueue_dma source(%arg4 : memref<10240xf32, #tpu.memory_space<hbm>>) target(%arg20 : memref<10240xf32, #tpu.memory_space<vmem>>) target_semaphore(%run_scoped3A : memref<!tpu.dma_semaphore, #tpu.memory_space<semaphore_mem>>)
      tpu.wait_dma2 semaphore(%run_scoped3A : memref<!tpu.dma_semaphore, #tpu.memory_space<semaphore_mem>>) src(%arg4 : memref<10240xf32, #tpu.memory_space<hbm>>) dst(%arg20 : memref<10240xf32, #tpu.memory_space<vmem>>)
      tpu.yield
    }) : () -> ()
    "tpu.region"() ({
      %run_scoped3A = tpu.sem_alloc : memref<!tpu.dma_semaphore, #tpu.memory_space<semaphore_mem>>
      tpu.enqueue_dma source(%arg5 : memref<10240xf32, #tpu.memory_space<hbm>>) target(%arg21 : memref<10240xf32, #tpu.memory_space<vmem>>) target_semaphore(%run_scoped3A : memref<!tpu.dma_semaphore, #tpu.memory_space<semaphore_mem>>)
      tpu.wait_dma2 semaphore(%run_scoped3A : memref<!tpu.dma_semaphore, #tpu.memory_space<semaphore_mem>>) src(%arg5 : memref<10240xf32, #tpu.memory_space<hbm>>) dst(%arg21 : memref<10240xf32, #tpu.memory_space<vmem>>)
      tpu.yield
    }) : () -> ()
    "tpu.region"() ({
      %run_scoped3A = tpu.sem_alloc : memref<!tpu.dma_semaphore, #tpu.memory_space<semaphore_mem>>
      %dma_start3A = tpu.memref_slice %arg6[%mul3A_2] : memref<161792xi32, #tpu.memory_space<hbm>> -> memref<5056xi32, #tpu.memory_space<hbm>>
      %dma_start3A_26 = tpu.memref_slice %arg6[%mul3A_2] : memref<161792xi32, #tpu.memory_space<hbm>> -> memref<5056xi32, #tpu.memory_space<hbm>>
      tpu.enqueue_dma source(%dma_start3A_26 : memref<5056xi32, #tpu.memory_space<hbm>>) target(%arg22 : memref<5056xi32, #tpu.memory_space<vmem>>) target_semaphore(%run_scoped3A : memref<!tpu.dma_semaphore, #tpu.memory_space<semaphore_mem>>)
      %dma_wait3A = tpu.memref_slice %arg6[%mul3A_2] : memref<161792xi32, #tpu.memory_space<hbm>> -> memref<5056xi32, #tpu.memory_space<hbm>>
      %dma_wait3A_27 = tpu.memref_slice %arg6[%mul3A_2] : memref<161792xi32, #tpu.memory_space<hbm>> -> memref<5056xi32, #tpu.memory_space<hbm>>
      tpu.wait_dma2 semaphore(%run_scoped3A : memref<!tpu.dma_semaphore, #tpu.memory_space<semaphore_mem>>) src(%dma_wait3A_27 : memref<5056xi32, #tpu.memory_space<hbm>>) dst(%arg22 : memref<5056xi32, #tpu.memory_space<vmem>>)
      tpu.yield
    }) : () -> ()
    "tpu.region"() ({
      %run_scoped3A = tpu.sem_alloc : memref<!tpu.dma_semaphore, #tpu.memory_space<semaphore_mem>>
      %dma_start3A = tpu.memref_slice %arg7[%mul3A_2] : memref<161792xi32, #tpu.memory_space<hbm>> -> memref<5056xi32, #tpu.memory_space<hbm>>
      %dma_start3A_26 = tpu.memref_slice %arg7[%mul3A_2] : memref<161792xi32, #tpu.memory_space<hbm>> -> memref<5056xi32, #tpu.memory_space<hbm>>
      tpu.enqueue_dma source(%dma_start3A_26 : memref<5056xi32, #tpu.memory_space<hbm>>) target(%arg23 : memref<5056xi32, #tpu.memory_space<vmem>>) target_semaphore(%run_scoped3A : memref<!tpu.dma_semaphore, #tpu.memory_space<semaphore_mem>>)
      %dma_wait3A = tpu.memref_slice %arg7[%mul3A_2] : memref<161792xi32, #tpu.memory_space<hbm>> -> memref<5056xi32, #tpu.memory_space<hbm>>
      %dma_wait3A_27 = tpu.memref_slice %arg7[%mul3A_2] : memref<161792xi32, #tpu.memory_space<hbm>> -> memref<5056xi32, #tpu.memory_space<hbm>>
      tpu.wait_dma2 semaphore(%run_scoped3A : memref<!tpu.dma_semaphore, #tpu.memory_space<semaphore_mem>>) src(%dma_wait3A_27 : memref<5056xi32, #tpu.memory_space<hbm>>) dst(%arg23 : memref<5056xi32, #tpu.memory_space<vmem>>)
      tpu.yield
    }) : () -> ()
    %scan3A = arith.constant 0 : i32
    %scan3A_3 = arith.constant 0 : i32
    %scan3A_4 = arith.constant 316 : i32
    %scan3A_5 = arith.addi %scan3A_3, %scan3A_4 : i32
    %scan3A_6 = arith.constant 1 : i32
    scf.for %scan3A_26 = %scan3A_3 to %scan3A_5 step %scan3A_6  : i32 {
      %mul3A_27 = arith.constant 16 : i32
      %mul3A_28 = arith.muli %scan3A_26, %mul3A_27 : i32
      %get3A = arith.index_cast %mul3A_28 : i32 to index
      %get3A_29 = tpu.vector_load %arg22[%get3A] {strides = array<i32>} : memref<5056xi32, #tpu.memory_space<vmem>>, vector<16xi32>,
      %mul3A_30 = arith.constant 16 : i32
      %mul3A_31 = arith.muli %scan3A_26, %mul3A_30 : i32
      %get3A_32 = arith.index_cast %mul3A_31 : i32 to index
      %get3A_33 = tpu.vector_load %arg23[%get3A_32] {strides = array<i32>} : memref<5056xi32, #tpu.memory_space<vmem>>, vector<16xi32>,
      %gather3A = tpu.vector_load_idx %arg18[%get3A_29] : memref<10240xf32, #tpu.memory_space<vmem>>[vector<16xi32>], vector<16xf32>,
      %gather3A_34 = tpu.vector_load_idx %arg21[%get3A_33] : memref<10240xf32, #tpu.memory_space<vmem>>[vector<16xi32>], vector<16xf32>,
      %add3A_35 = arith.addf %gather3A, %gather3A_34 : vector<16xf32>
      %mul3A_36 = arith.constant 16 : i32
      %mul3A_37 = arith.muli %scan3A_26, %mul3A_36 : i32
      %swap3A = arith.index_cast %mul3A_37 : i32 to index
      %swap3A_38 = tpu.vector_load %arg24[%swap3A] {strides = array<i32>} : memref<5056xf32, #tpu.memory_space<vmem>>, vector<16xf32>,
      tpu.vector_store %arg24[%swap3A], %add3A_35 {strides = array<i32>} : memref<5056xf32, #tpu.memory_space<vmem>>, vector<16xf32>,
    }
    %scan3A_7 = arith.constant 316 : i32
    "tpu.region"() ({
      %run_scoped3A = tpu.sem_alloc : memref<!tpu.dma_semaphore, #tpu.memory_space<semaphore_mem>>
      %dma_start3A = tpu.memref_slice %arg14[%mul3A_2] : memref<161792xf32, #tpu.memory_space<hbm>> -> memref<5056xf32, #tpu.memory_space<hbm>>
      %dma_start3A_26 = tpu.memref_slice %arg14[%mul3A_2] : memref<161792xf32, #tpu.memory_space<hbm>> -> memref<5056xf32, #tpu.memory_space<hbm>>
      tpu.enqueue_dma source(%arg24 : memref<5056xf32, #tpu.memory_space<vmem>>) target(%dma_start3A_26 : memref<5056xf32, #tpu.memory_space<hbm>>) target_semaphore(%run_scoped3A : memref<!tpu.dma_semaphore, #tpu.memory_space<semaphore_mem>>)
      %dma_wait3A = tpu.memref_slice %arg14[%mul3A_2] : memref<161792xf32, #tpu.memory_space<hbm>> -> memref<5056xf32, #tpu.memory_space<hbm>>
      %dma_wait3A_27 = tpu.memref_slice %arg14[%mul3A_2] : memref<161792xf32, #tpu.memory_space<hbm>> -> memref<5056xf32, #tpu.memory_space<hbm>>
      tpu.wait_dma2 semaphore(%run_scoped3A : memref<!tpu.dma_semaphore, #tpu.memory_space<semaphore_mem>>) src(%arg24 : memref<5056xf32, #tpu.memory_space<vmem>>) dst(%dma_wait3A_27 : memref<5056xf32, #tpu.memory_space<hbm>>)
      tpu.yield
    }) : () -> ()
    "tpu.region"() ({
      %run_scoped3A = tpu.sem_alloc : memref<!tpu.dma_semaphore, #tpu.memory_space<semaphore_mem>>
      %dma_start3A = tpu.memref_slice %arg8[%mul3A_2] : memref<161792xi32, #tpu.memory_space<hbm>> -> memref<5056xi32, #tpu.memory_space<hbm>>
      %dma_start3A_26 = tpu.memref_slice %arg8[%mul3A_2] : memref<161792xi32, #tpu.memory_space<hbm>> -> memref<5056xi32, #tpu.memory_space<hbm>>
      tpu.enqueue_dma source(%dma_start3A_26 : memref<5056xi32, #tpu.memory_space<hbm>>) target(%arg22 : memref<5056xi32, #tpu.memory_space<vmem>>) target_semaphore(%run_scoped3A : memref<!tpu.dma_semaphore, #tpu.memory_space<semaphore_mem>>)
      %dma_wait3A = tpu.memref_slice %arg8[%mul3A_2] : memref<161792xi32, #tpu.memory_space<hbm>> -> memref<5056xi32, #tpu.memory_space<hbm>>
      %dma_wait3A_27 = tpu.memref_slice %arg8[%mul3A_2] : memref<161792xi32, #tpu.memory_space<hbm>> -> memref<5056xi32, #tpu.memory_space<hbm>>
      tpu.wait_dma2 semaphore(%run_scoped3A : memref<!tpu.dma_semaphore, #tpu.memory_space<semaphore_mem>>) src(%dma_wait3A_27 : memref<5056xi32, #tpu.memory_space<hbm>>) dst(%arg22 : memref<5056xi32, #tpu.memory_space<vmem>>)
      tpu.yield
    }) : () -> ()
    "tpu.region"() ({
      %run_scoped3A = tpu.sem_alloc : memref<!tpu.dma_semaphore, #tpu.memory_space<semaphore_mem>>
      %dma_start3A = tpu.memref_slice %arg9[%mul3A_2] : memref<161792xi32, #tpu.memory_space<hbm>> -> memref<5056xi32, #tpu.memory_space<hbm>>
      %dma_start3A_26 = tpu.memref_slice %arg9[%mul3A_2] : memref<161792xi32, #tpu.memory_space<hbm>> -> memref<5056xi32, #tpu.memory_space<hbm>>
      tpu.enqueue_dma source(%dma_start3A_26 : memref<5056xi32, #tpu.memory_space<hbm>>) target(%arg23 : memref<5056xi32, #tpu.memory_space<vmem>>) target_semaphore(%run_scoped3A : memref<!tpu.dma_semaphore, #tpu.memory_space<semaphore_mem>>)
      %dma_wait3A = tpu.memref_slice %arg9[%mul3A_2] : memref<161792xi32, #tpu.memory_space<hbm>> -> memref<5056xi32, #tpu.memory_space<hbm>>
      %dma_wait3A_27 = tpu.memref_slice %arg9[%mul3A_2] : memref<161792xi32, #tpu.memory_space<hbm>> -> memref<5056xi32, #tpu.memory_space<hbm>>
      tpu.wait_dma2 semaphore(%run_scoped3A : memref<!tpu.dma_semaphore, #tpu.memory_space<semaphore_mem>>) src(%dma_wait3A_27 : memref<5056xi32, #tpu.memory_space<hbm>>) dst(%arg23 : memref<5056xi32, #tpu.memory_space<vmem>>)
      tpu.yield
    }) : () -> ()
    %scan3A_8 = arith.constant 0 : i32
    %scan3A_9 = arith.constant 0 : i32
    %scan3A_10 = arith.constant 316 : i32
    %scan3A_11 = arith.addi %scan3A_9, %scan3A_10 : i32
    %scan3A_12 = arith.constant 1 : i32
    scf.for %scan3A_26 = %scan3A_9 to %scan3A_11 step %scan3A_12  : i32 {
      %mul3A_27 = arith.constant 16 : i32
      %mul3A_28 = arith.muli %scan3A_26, %mul3A_27 : i32
      %get3A = arith.index_cast %mul3A_28 : i32 to index
      %get3A_29 = tpu.vector_load %arg22[%get3A] {strides = array<i32>} : memref<5056xi32, #tpu.memory_space<vmem>>, vector<16xi32>,
      %mul3A_30 = arith.constant 16 : i32
      %mul3A_31 = arith.muli %scan3A_26, %mul3A_30 : i32
      %get3A_32 = arith.index_cast %mul3A_31 : i32 to index
      %get3A_33 = tpu.vector_load %arg23[%get3A_32] {strides = array<i32>} : memref<5056xi32, #tpu.memory_space<vmem>>, vector<16xi32>,
      %gather3A = tpu.vector_load_idx %arg20[%get3A_29] : memref<10240xf32, #tpu.memory_space<vmem>>[vector<16xi32>], vector<16xf32>,
      %gather3A_34 = tpu.vector_load_idx %arg19[%get3A_33] : memref<10240xf32, #tpu.memory_space<vmem>>[vector<16xi32>], vector<16xf32>,
      %add3A_35 = arith.addf %gather3A, %gather3A_34 : vector<16xf32>
      %mul3A_36 = arith.constant 16 : i32
      %mul3A_37 = arith.muli %scan3A_26, %mul3A_36 : i32
      %swap3A = arith.index_cast %mul3A_37 : i32 to index
      %swap3A_38 = tpu.vector_load %arg24[%swap3A] {strides = array<i32>} : memref<5056xf32, #tpu.memory_space<vmem>>, vector<16xf32>,
      tpu.vector_store %arg24[%swap3A], %add3A_35 {strides = array<i32>} : memref<5056xf32, #tpu.memory_space<vmem>>, vector<16xf32>,
    }
    %scan3A_13 = arith.constant 316 : i32
    "tpu.region"() ({
      %run_scoped3A = tpu.sem_alloc : memref<!tpu.dma_semaphore, #tpu.memory_space<semaphore_mem>>
      %dma_start3A = tpu.memref_slice %arg15[%mul3A_2] : memref<161792xf32, #tpu.memory_space<hbm>> -> memref<5056xf32, #tpu.memory_space<hbm>>
      %dma_start3A_26 = tpu.memref_slice %arg15[%mul3A_2] : memref<161792xf32, #tpu.memory_space<hbm>> -> memref<5056xf32, #tpu.memory_space<hbm>>
      tpu.enqueue_dma source(%arg24 : memref<5056xf32, #tpu.memory_space<vmem>>) target(%dma_start3A_26 : memref<5056xf32, #tpu.memory_space<hbm>>) target_semaphore(%run_scoped3A : memref<!tpu.dma_semaphore, #tpu.memory_space<semaphore_mem>>)
      %dma_wait3A = tpu.memref_slice %arg15[%mul3A_2] : memref<161792xf32, #tpu.memory_space<hbm>> -> memref<5056xf32, #tpu.memory_space<hbm>>
      %dma_wait3A_27 = tpu.memref_slice %arg15[%mul3A_2] : memref<161792xf32, #tpu.memory_space<hbm>> -> memref<5056xf32, #tpu.memory_space<hbm>>
      tpu.wait_dma2 semaphore(%run_scoped3A : memref<!tpu.dma_semaphore, #tpu.memory_space<semaphore_mem>>) src(%arg24 : memref<5056xf32, #tpu.memory_space<vmem>>) dst(%dma_wait3A_27 : memref<5056xf32, #tpu.memory_space<hbm>>)
      tpu.yield
    }) : () -> ()
    "tpu.region"() ({
      %run_scoped3A = tpu.sem_alloc : memref<!tpu.dma_semaphore, #tpu.memory_space<semaphore_mem>>
      %dma_start3A = tpu.memref_slice %arg10[%mul3A_2] : memref<161792xi32, #tpu.memory_space<hbm>> -> memref<5056xi32, #tpu.memory_space<hbm>>
      %dma_start3A_26 = tpu.memref_slice %arg10[%mul3A_2] : memref<161792xi32, #tpu.memory_space<hbm>> -> memref<5056xi32, #tpu.memory_space<hbm>>
      tpu.enqueue_dma source(%dma_start3A_26 : memref<5056xi32, #tpu.memory_space<hbm>>) target(%arg22 : memref<5056xi32, #tpu.memory_space<vmem>>) target_semaphore(%run_scoped3A : memref<!tpu.dma_semaphore, #tpu.memory_space<semaphore_mem>>)
      %dma_wait3A = tpu.memref_slice %arg10[%mul3A_2] : memref<161792xi32, #tpu.memory_space<hbm>> -> memref<5056xi32, #tpu.memory_space<hbm>>
      %dma_wait3A_27 = tpu.memref_slice %arg10[%mul3A_2] : memref<161792xi32, #tpu.memory_space<hbm>> -> memref<5056xi32, #tpu.memory_space<hbm>>
      tpu.wait_dma2 semaphore(%run_scoped3A : memref<!tpu.dma_semaphore, #tpu.memory_space<semaphore_mem>>) src(%dma_wait3A_27 : memref<5056xi32, #tpu.memory_space<hbm>>) dst(%arg22 : memref<5056xi32, #tpu.memory_space<vmem>>)
      tpu.yield
    }) : () -> ()
    "tpu.region"() ({
      %run_scoped3A = tpu.sem_alloc : memref<!tpu.dma_semaphore, #tpu.memory_space<semaphore_mem>>
      %dma_start3A = tpu.memref_slice %arg11[%mul3A_2] : memref<161792xi32, #tpu.memory_space<hbm>> -> memref<5056xi32, #tpu.memory_space<hbm>>
      %dma_start3A_26 = tpu.memref_slice %arg11[%mul3A_2] : memref<161792xi32, #tpu.memory_space<hbm>> -> memref<5056xi32, #tpu.memory_space<hbm>>
      tpu.enqueue_dma source(%dma_start3A_26 : memref<5056xi32, #tpu.memory_space<hbm>>) target(%arg23 : memref<5056xi32, #tpu.memory_space<vmem>>) target_semaphore(%run_scoped3A : memref<!tpu.dma_semaphore, #tpu.memory_space<semaphore_mem>>)
      %dma_wait3A = tpu.memref_slice %arg11[%mul3A_2] : memref<161792xi32, #tpu.memory_space<hbm>> -> memref<5056xi32, #tpu.memory_space<hbm>>
      %dma_wait3A_27 = tpu.memref_slice %arg11[%mul3A_2] : memref<161792xi32, #tpu.memory_space<hbm>> -> memref<5056xi32, #tpu.memory_space<hbm>>
      tpu.wait_dma2 semaphore(%run_scoped3A : memref<!tpu.dma_semaphore, #tpu.memory_space<semaphore_mem>>) src(%dma_wait3A_27 : memref<5056xi32, #tpu.memory_space<hbm>>) dst(%arg23 : memref<5056xi32, #tpu.memory_space<vmem>>)
      tpu.yield
    }) : () -> ()
    %scan3A_14 = arith.constant 0 : i32
    %scan3A_15 = arith.constant 0 : i32
    %scan3A_16 = arith.constant 316 : i32
    %scan3A_17 = arith.addi %scan3A_15, %scan3A_16 : i32
    %scan3A_18 = arith.constant 1 : i32
    scf.for %scan3A_26 = %scan3A_15 to %scan3A_17 step %scan3A_18  : i32 {
      %mul3A_27 = arith.constant 16 : i32
      %mul3A_28 = arith.muli %scan3A_26, %mul3A_27 : i32
      %get3A = arith.index_cast %mul3A_28 : i32 to index
      %get3A_29 = tpu.vector_load %arg22[%get3A] {strides = array<i32>} : memref<5056xi32, #tpu.memory_space<vmem>>, vector<16xi32>,
      %mul3A_30 = arith.constant 16 : i32
      %mul3A_31 = arith.muli %scan3A_26, %mul3A_30 : i32
      %get3A_32 = arith.index_cast %mul3A_31 : i32 to index
      %get3A_33 = tpu.vector_load %arg23[%get3A_32] {strides = array<i32>} : memref<5056xi32, #tpu.memory_space<vmem>>, vector<16xi32>,
      %gather3A = tpu.vector_load_idx %arg18[%get3A_29] : memref<10240xf32, #tpu.memory_space<vmem>>[vector<16xi32>], vector<16xf32>,
      %gather3A_34 = tpu.vector_load_idx %arg21[%get3A_33] : memref<10240xf32, #tpu.memory_space<vmem>>[vector<16xi32>], vector<16xf32>,
      %add3A_35 = arith.addf %gather3A, %gather3A_34 : vector<16xf32>
      %mul3A_36 = arith.constant 16 : i32
      %mul3A_37 = arith.muli %scan3A_26, %mul3A_36 : i32
      %swap3A = arith.index_cast %mul3A_37 : i32 to index
      %swap3A_38 = tpu.vector_load %arg24[%swap3A] {strides = array<i32>} : memref<5056xf32, #tpu.memory_space<vmem>>, vector<16xf32>,
      tpu.vector_store %arg24[%swap3A], %add3A_35 {strides = array<i32>} : memref<5056xf32, #tpu.memory_space<vmem>>, vector<16xf32>,
    }
    %scan3A_19 = arith.constant 316 : i32
    "tpu.region"() ({
      %run_scoped3A = tpu.sem_alloc : memref<!tpu.dma_semaphore, #tpu.memory_space<semaphore_mem>>
      %dma_start3A = tpu.memref_slice %arg16[%mul3A_2] : memref<161792xf32, #tpu.memory_space<hbm>> -> memref<5056xf32, #tpu.memory_space<hbm>>
      %dma_start3A_26 = tpu.memref_slice %arg16[%mul3A_2] : memref<161792xf32, #tpu.memory_space<hbm>> -> memref<5056xf32, #tpu.memory_space<hbm>>
      tpu.enqueue_dma source(%arg24 : memref<5056xf32, #tpu.memory_space<vmem>>) target(%dma_start3A_26 : memref<5056xf32, #tpu.memory_space<hbm>>) target_semaphore(%run_scoped3A : memref<!tpu.dma_semaphore, #tpu.memory_space<semaphore_mem>>)
      %dma_wait3A = tpu.memref_slice %arg16[%mul3A_2] : memref<161792xf32, #tpu.memory_space<hbm>> -> memref<5056xf32, #tpu.memory_space<hbm>>
      %dma_wait3A_27 = tpu.memref_slice %arg16[%mul3A_2] : memref<161792xf32, #tpu.memory_space<hbm>> -> memref<5056xf32, #tpu.memory_space<hbm>>
      tpu.wait_dma2 semaphore(%run_scoped3A : memref<!tpu.dma_semaphore, #tpu.memory_space<semaphore_mem>>) src(%arg24 : memref<5056xf32, #tpu.memory_space<vmem>>) dst(%dma_wait3A_27 : memref<5056xf32, #tpu.memory_space<hbm>>)
      tpu.yield
    }) : () -> ()
    "tpu.region"() ({
      %run_scoped3A = tpu.sem_alloc : memref<!tpu.dma_semaphore, #tpu.memory_space<semaphore_mem>>
      %dma_start3A = tpu.memref_slice %arg12[%mul3A_2] : memref<161792xi32, #tpu.memory_space<hbm>> -> memref<5056xi32, #tpu.memory_space<hbm>>
      %dma_start3A_26 = tpu.memref_slice %arg12[%mul3A_2] : memref<161792xi32, #tpu.memory_space<hbm>> -> memref<5056xi32, #tpu.memory_space<hbm>>
      tpu.enqueue_dma source(%dma_start3A_26 : memref<5056xi32, #tpu.memory_space<hbm>>) target(%arg22 : memref<5056xi32, #tpu.memory_space<vmem>>) target_semaphore(%run_scoped3A : memref<!tpu.dma_semaphore, #tpu.memory_space<semaphore_mem>>)
      %dma_wait3A = tpu.memref_slice %arg12[%mul3A_2] : memref<161792xi32, #tpu.memory_space<hbm>> -> memref<5056xi32, #tpu.memory_space<hbm>>
      %dma_wait3A_27 = tpu.memref_slice %arg12[%mul3A_2] : memref<161792xi32, #tpu.memory_space<hbm>> -> memref<5056xi32, #tpu.memory_space<hbm>>
      tpu.wait_dma2 semaphore(%run_scoped3A : memref<!tpu.dma_semaphore, #tpu.memory_space<semaphore_mem>>) src(%dma_wait3A_27 : memref<5056xi32, #tpu.memory_space<hbm>>) dst(%arg22 : memref<5056xi32, #tpu.memory_space<vmem>>)
      tpu.yield
    }) : () -> ()
    "tpu.region"() ({
      %run_scoped3A = tpu.sem_alloc : memref<!tpu.dma_semaphore, #tpu.memory_space<semaphore_mem>>
      %dma_start3A = tpu.memref_slice %arg13[%mul3A_2] : memref<161792xi32, #tpu.memory_space<hbm>> -> memref<5056xi32, #tpu.memory_space<hbm>>
      %dma_start3A_26 = tpu.memref_slice %arg13[%mul3A_2] : memref<161792xi32, #tpu.memory_space<hbm>> -> memref<5056xi32, #tpu.memory_space<hbm>>
      tpu.enqueue_dma source(%dma_start3A_26 : memref<5056xi32, #tpu.memory_space<hbm>>) target(%arg23 : memref<5056xi32, #tpu.memory_space<vmem>>) target_semaphore(%run_scoped3A : memref<!tpu.dma_semaphore, #tpu.memory_space<semaphore_mem>>)
      %dma_wait3A = tpu.memref_slice %arg13[%mul3A_2] : memref<161792xi32, #tpu.memory_space<hbm>> -> memref<5056xi32, #tpu.memory_space<hbm>>
      %dma_wait3A_27 = tpu.memref_slice %arg13[%mul3A_2] : memref<161792xi32, #tpu.memory_space<hbm>> -> memref<5056xi32, #tpu.memory_space<hbm>>
      tpu.wait_dma2 semaphore(%run_scoped3A : memref<!tpu.dma_semaphore, #tpu.memory_space<semaphore_mem>>) src(%dma_wait3A_27 : memref<5056xi32, #tpu.memory_space<hbm>>) dst(%arg23 : memref<5056xi32, #tpu.memory_space<vmem>>)
      tpu.yield
    }) : () -> ()
    %scan3A_20 = arith.constant 0 : i32
    %scan3A_21 = arith.constant 0 : i32
    %scan3A_22 = arith.constant 316 : i32
    %scan3A_23 = arith.addi %scan3A_21, %scan3A_22 : i32
    %scan3A_24 = arith.constant 1 : i32
    scf.for %scan3A_26 = %scan3A_21 to %scan3A_23 step %scan3A_24  : i32 {
      %mul3A_27 = arith.constant 16 : i32
      %mul3A_28 = arith.muli %scan3A_26, %mul3A_27 : i32
      %get3A = arith.index_cast %mul3A_28 : i32 to index
      %get3A_29 = tpu.vector_load %arg22[%get3A] {strides = array<i32>} : memref<5056xi32, #tpu.memory_space<vmem>>, vector<16xi32>,
      %mul3A_30 = arith.constant 16 : i32
      %mul3A_31 = arith.muli %scan3A_26, %mul3A_30 : i32
      %get3A_32 = arith.index_cast %mul3A_31 : i32 to index
      %get3A_33 = tpu.vector_load %arg23[%get3A_32] {strides = array<i32>} : memref<5056xi32, #tpu.memory_space<vmem>>, vector<16xi32>,
      %gather3A = tpu.vector_load_idx %arg20[%get3A_29] : memref<10240xf32, #tpu.memory_space<vmem>>[vector<16xi32>], vector<16xf32>,
      %gather3A_34 = tpu.vector_load_idx %arg19[%get3A_33] : memref<10240xf32, #tpu.memory_space<vmem>>[vector<16xi32>], vector<16xf32>,
      %add3A_35 = arith.addf %gather3A, %gather3A_34 : vector<16xf32>
      %mul3A_36 = arith.constant 16 : i32
      %mul3A_37 = arith.muli %scan3A_26, %mul3A_36 : i32
      %swap3A = arith.index_cast %mul3A_37 : i32 to index
      %swap3A_38 = tpu.vector_load %arg24[%swap3A] {strides = array<i32>} : memref<5056xf32, #tpu.memory_space<vmem>>, vector<16xf32>,
      tpu.vector_store %arg24[%swap3A], %add3A_35 {strides = array<i32>} : memref<5056xf32, #tpu.memory_space<vmem>>, vector<16xf32>,
    }
    %scan3A_25 = arith.constant 316 : i32
    "tpu.region"() ({
      %run_scoped3A = tpu.sem_alloc : memref<!tpu.dma_semaphore, #tpu.memory_space<semaphore_mem>>
      %dma_start3A = tpu.memref_slice %arg17[%mul3A_2] : memref<161792xf32, #tpu.memory_space<hbm>> -> memref<5056xf32, #tpu.memory_space<hbm>>
      %dma_start3A_26 = tpu.memref_slice %arg17[%mul3A_2] : memref<161792xf32, #tpu.memory_space<hbm>> -> memref<5056xf32, #tpu.memory_space<hbm>>
      tpu.enqueue_dma source(%arg24 : memref<5056xf32, #tpu.memory_space<vmem>>) target(%dma_start3A_26 : memref<5056xf32, #tpu.memory_space<hbm>>) target_semaphore(%run_scoped3A : memref<!tpu.dma_semaphore, #tpu.memory_space<semaphore_mem>>)
      %dma_wait3A = tpu.memref_slice %arg17[%mul3A_2] : memref<161792xf32, #tpu.memory_space<hbm>> -> memref<5056xf32, #tpu.memory_space<hbm>>
      %dma_wait3A_27 = tpu.memref_slice %arg17[%mul3A_2] : memref<161792xf32, #tpu.memory_space<hbm>> -> memref<5056xf32, #tpu.memory_space<hbm>>
      tpu.wait_dma2 semaphore(%run_scoped3A : memref<!tpu.dma_semaphore, #tpu.memory_space<semaphore_mem>>) src(%arg24 : memref<5056xf32, #tpu.memory_space<vmem>>) dst(%dma_wait3A_27 : memref<5056xf32, #tpu.memory_space<hbm>>)
      tpu.yield
    }) : () -> ()
    return
  }
}

module attributes {stable_mosaic.version = 14 : i64} {
  func.func @body(%arg0: i32, %arg1: memref<2560x128xf32, #tpu.memory_space<vmem>>, %arg2: memref<2560x128xf32, #tpu.memory_space<vmem>>, %arg3: memref<2560x16xf32, #tpu.memory_space<vmem>>, %arg4: memref<256x256xf32, #tpu.memory_space<vmem>>, %arg5: memref<1x256xf32, #tpu.memory_space<vmem>>, %arg6: memref<256x128xf32, #tpu.memory_space<vmem>>, %arg7: memref<128x2xf32, #tpu.memory_space<vmem>>, %arg8: memref<2560x16xf32, #tpu.memory_space<vmem>>) attributes {dimension_semantics = [#tpu.dimension_semantics<arbitrary>], iteration_bounds = array<i64: 4>, scalar_prefetch = 0 : i64, scratch_operands = 0 : i64, tpu.core_type = #tpu.core_type<tc>, window_params = [{transform_indices = @transform_0, window_bounds = array<i64: 2560, 128>}, {transform_indices = @transform_1, window_bounds = array<i64: 2560, 128>}, {transform_indices = @transform_2, window_bounds = array<i64: 2560, 16>}, {pipeline_mode = #tpu.pipeline_mode<synchronous>, transform_indices = @transform_3, window_bounds = array<i64: 256, 256>}, {pipeline_mode = #tpu.pipeline_mode<synchronous>, transform_indices = @transform_4, window_bounds = array<i64: 1, 256>}, {pipeline_mode = #tpu.pipeline_mode<synchronous>, transform_indices = @transform_5, window_bounds = array<i64: 256, 128>}, {pipeline_mode = #tpu.pipeline_mode<synchronous>, transform_indices = @transform_6, window_bounds = array<i64: 128, 2>}, {transform_indices = @transform_7, window_bounds = array<i64: 2560, 16>}]} {
    %get3A = arith.constant 0 : index
    %get3A_0 = arith.constant 0 : index
    %get3A_1 = vector.load %arg3[%get3A, %get3A_0] : memref<2560x16xf32, #tpu.memory_space<vmem>>, vector<2560x1xf32>
    %max3A = arith.constant 1.000000e+00 : f32
    %max3A_2 = vector.broadcast %max3A : f32 to vector<2560x1xf32>
    %max3A_3 = arith.maximumf %get3A_1, %max3A_2 : vector<2560x1xf32>
    %get3A_4 = arith.constant 0 : index
    %get3A_5 = arith.constant 0 : index
    %get3A_6 = vector.load %arg1[%get3A_4, %get3A_5] : memref<2560x128xf32, #tpu.memory_space<vmem>>, vector<2560x128xf32>
    %div3A = vector.broadcast %max3A_3 : vector<2560x1xf32> to vector<2560x128xf32>
    %div3A_7 = arith.divf %get3A_6, %div3A : vector<2560x128xf32>
    %get3A_8 = arith.constant 0 : index
    %get3A_9 = arith.constant 0 : index
    %get3A_10 = vector.load %arg2[%get3A_8, %get3A_9] : memref<2560x128xf32, #tpu.memory_space<vmem>>, vector<2560x128xf32>
    %div3A_11 = vector.broadcast %max3A_3 : vector<2560x1xf32> to vector<2560x128xf32>
    %div3A_12 = arith.divf %get3A_10, %div3A_11 : vector<2560x128xf32>
    %get3A_13 = arith.constant 0 : index
    %get3A_14 = arith.constant 0 : index
    %get3A_15 = vector.load %arg4[%get3A_13, %get3A_14] : memref<256x256xf32, #tpu.memory_space<vmem>>, vector<128x256xf32>
    %dot_general3A = arith.constant dense<0.000000e+00> : vector<2560x256xf32>
    %dot_general3A_16 = tpu.matmul %div3A_7, %get3A_15, %dot_general3A {dimension_numbers = #tpu.dot_dimension_numbers<[1], [0], [0], [1], [0, 0, 1, 1], [], []>, precision = #tpu.contract_precision<fp32>, transpose_lhs_hint = false} : vector<2560x128xf32>, vector<128x256xf32>, vector<2560x256xf32> -> vector<2560x256xf32>
    %get3A_17 = arith.constant 128 : index
    %get3A_18 = arith.constant 0 : index
    %get3A_19 = vector.load %arg4[%get3A_17, %get3A_18] : memref<256x256xf32, #tpu.memory_space<vmem>>, vector<128x256xf32>
    %dot_general3A_20 = arith.constant dense<0.000000e+00> : vector<2560x256xf32>
    %dot_general3A_21 = tpu.matmul %div3A_12, %get3A_19, %dot_general3A_20 {dimension_numbers = #tpu.dot_dimension_numbers<[1], [0], [0], [1], [0, 0, 1, 1], [], []>, precision = #tpu.contract_precision<fp32>, transpose_lhs_hint = false} : vector<2560x128xf32>, vector<128x256xf32>, vector<2560x256xf32> -> vector<2560x256xf32>
    %add3A = arith.addf %dot_general3A_16, %dot_general3A_21 : vector<2560x256xf32>
    %get3A_22 = arith.constant 0 : index
    %get3A_23 = arith.constant 0 : index
    %get3A_24 = vector.load %arg5[%get3A_22, %get3A_23] : memref<1x256xf32, #tpu.memory_space<vmem>>, vector<1x256xf32>
    %add3A_25 = vector.broadcast %get3A_24 : vector<1x256xf32> to vector<2560x256xf32>
    %add3A_26 = arith.addf %add3A, %add3A_25 : vector<2560x256xf32>
    %max3A_27 = arith.constant 0.000000e+00 : f32
    %max3A_28 = vector.broadcast %max3A_27 : f32 to vector<2560x256xf32>
    %max3A_29 = arith.maximumf %add3A_26, %max3A_28 : vector<2560x256xf32>
    %get3A_30 = arith.constant 0 : index
    %get3A_31 = arith.constant 0 : index
    %get3A_32 = vector.load %arg6[%get3A_30, %get3A_31] : memref<256x128xf32, #tpu.memory_space<vmem>>, vector<256x128xf32>
    %get3A_33 = arith.constant 0 : index
    %get3A_34 = arith.constant 0 : index
    %get3A_35 = vector.load %arg7[%get3A_33, %get3A_34] : memref<128x2xf32, #tpu.memory_space<vmem>>, vector<128x2xf32>
    %dot_general3A_36 = arith.constant dense<0.000000e+00> : vector<256x2xf32>
    %dot_general3A_37 = tpu.matmul %get3A_32, %get3A_35, %dot_general3A_36 {dimension_numbers = #tpu.dot_dimension_numbers<[1], [0], [0], [1], [0, 0, 1, 1], [], []>, precision = #tpu.contract_precision<fp32>, transpose_lhs_hint = false} : vector<256x128xf32>, vector<128x2xf32>, vector<256x2xf32> -> vector<256x2xf32>
    %dot_general3A_38 = arith.constant dense<0.000000e+00> : vector<2560x2xf32>
    %dot_general3A_39 = tpu.matmul %max3A_29, %dot_general3A_37, %dot_general3A_38 {dimension_numbers = #tpu.dot_dimension_numbers<[1], [0], [0], [1], [0, 0, 1, 1], [], []>, precision = #tpu.contract_precision<fp32>, transpose_lhs_hint = false} : vector<2560x256xf32>, vector<256x2xf32>, vector<2560x2xf32> -> vector<2560x2xf32>
    %swap3A = arith.constant 0 : index
    %swap3A_40 = arith.constant 0 : index
    %swap3A_41 = vector.load %arg8[%swap3A, %swap3A_40] : memref<2560x16xf32, #tpu.memory_space<vmem>>, vector<2560x2xf32>
    tpu.vector_store %arg8[%swap3A, %swap3A_40], %dot_general3A_39 {strides = array<i32>} : memref<2560x16xf32, #tpu.memory_space<vmem>>, vector<2560x2xf32>,
    %broadcast_in_dim3A = arith.constant 1.000000e+00 : f32
    %broadcast_in_dim3A_42 = vector.broadcast %broadcast_in_dim3A : f32 to vector<2560x1xf32>
    %swap3A_43 = arith.constant 0 : index
    %swap3A_44 = arith.constant 2 : index
    %swap3A_45 = vector.load %arg8[%swap3A_43, %swap3A_44] : memref<2560x16xf32, #tpu.memory_space<vmem>>, vector<2560x1xf32>
    tpu.vector_store %arg8[%swap3A_43, %swap3A_44], %broadcast_in_dim3A_42 {strides = array<i32>} : memref<2560x16xf32, #tpu.memory_space<vmem>>, vector<2560x1xf32>,
    %broadcast_in_dim3A_46 = arith.constant 0.000000e+00 : f32
    %broadcast_in_dim3A_47 = vector.broadcast %broadcast_in_dim3A_46 : f32 to vector<2560x13xf32>
    %swap3A_48 = arith.constant 0 : index
    %swap3A_49 = arith.constant 3 : index
    %swap3A_50 = vector.load %arg8[%swap3A_48, %swap3A_49] : memref<2560x16xf32, #tpu.memory_space<vmem>>, vector<2560x13xf32>
    tpu.vector_store %arg8[%swap3A_48, %swap3A_49], %broadcast_in_dim3A_47 {strides = array<i32>} : memref<2560x16xf32, #tpu.memory_space<vmem>>, vector<2560x13xf32>,
    return
  }
  func.func @transform_0(%arg0: i32) -> (i32, i32) {
    %c0_i32 = arith.constant 0 : i32
    %c0_i32_0 = arith.constant 0 : i32
    return %arg0, %c0_i32 : i32, i32
  }
  func.func @transform_1(%arg0: i32) -> (i32, i32) {
    %c0_i32 = arith.constant 0 : i32
    %c0_i32_0 = arith.constant 0 : i32
    return %arg0, %c0_i32 : i32, i32
  }
  func.func @transform_2(%arg0: i32) -> (i32, i32) {
    %c0_i32 = arith.constant 0 : i32
    %c0_i32_0 = arith.constant 0 : i32
    return %arg0, %c0_i32 : i32, i32
  }
  func.func @transform_3(%arg0: i32) -> (i32, i32) {
    %c0_i32 = arith.constant 0 : i32
    %c0_i32_0 = arith.constant 0 : i32
    %c0_i32_1 = arith.constant 0 : i32
    return %c0_i32, %c0_i32_0 : i32, i32
  }
  func.func @transform_4(%arg0: i32) -> (i32, i32) {
    %c0_i32 = arith.constant 0 : i32
    %c0_i32_0 = arith.constant 0 : i32
    %c0_i32_1 = arith.constant 0 : i32
    return %c0_i32, %c0_i32_0 : i32, i32
  }
  func.func @transform_5(%arg0: i32) -> (i32, i32) {
    %c0_i32 = arith.constant 0 : i32
    %c0_i32_0 = arith.constant 0 : i32
    %c0_i32_1 = arith.constant 0 : i32
    return %c0_i32, %c0_i32_0 : i32, i32
  }
  func.func @transform_6(%arg0: i32) -> (i32, i32) {
    %c0_i32 = arith.constant 0 : i32
    %c0_i32_0 = arith.constant 0 : i32
    %c0_i32_1 = arith.constant 0 : i32
    return %c0_i32, %c0_i32_0 : i32, i32
  }
  func.func @transform_7(%arg0: i32) -> (i32, i32) {
    %c0_i32 = arith.constant 0 : i32
    %c0_i32_0 = arith.constant 0 : i32
    return %arg0, %c0_i32 : i32, i32
  }
}

module attributes {stable_mosaic.version = 14 : i64} {
  func.func @body(%arg0: i32, %arg1: memref<2560x16xf32, #tpu.memory_space<vmem>>, %arg2: memref<2560x16xf32, #tpu.memory_space<vmem>>, %arg3: memref<1x128xf32, #tpu.memory_space<vmem>>, %arg4: memref<128x2xf32, #tpu.memory_space<vmem>>, %arg5: memref<1x1xf32, #tpu.memory_space<vmem>>, %arg6: memref<2560x2xf32, #tpu.memory_space<vmem>>, %arg7: memref<2560x2xf32, #tpu.memory_space<vmem>>) attributes {dimension_semantics = [#tpu.dimension_semantics<arbitrary>], iteration_bounds = array<i64: 4>, scalar_prefetch = 0 : i64, scratch_operands = 0 : i64, tpu.core_type = #tpu.core_type<tc>, window_params = [{transform_indices = @transform_0, window_bounds = array<i64: 2560, 16>}, {transform_indices = @transform_1, window_bounds = array<i64: 2560, 16>}, {pipeline_mode = #tpu.pipeline_mode<synchronous>, transform_indices = @transform_2, window_bounds = array<i64: 1, 128>}, {pipeline_mode = #tpu.pipeline_mode<synchronous>, transform_indices = @transform_3, window_bounds = array<i64: 128, 2>}, {pipeline_mode = #tpu.pipeline_mode<synchronous>, transform_indices = @transform_4, window_bounds = array<i64: 1, 1>}, {transform_indices = @transform_5, window_bounds = array<i64: 2560, 2>}, {transform_indices = @transform_6, window_bounds = array<i64: 2560, 2>}]} {
    %get3A = arith.constant 0 : index
    %get3A_0 = arith.constant 0 : index
    %get3A_1 = vector.load %arg3[%get3A, %get3A_0] : memref<1x128xf32, #tpu.memory_space<vmem>>, vector<1x128xf32>
    %get3A_2 = arith.constant 0 : index
    %get3A_3 = arith.constant 0 : index
    %get3A_4 = vector.load %arg4[%get3A_2, %get3A_3] : memref<128x2xf32, #tpu.memory_space<vmem>>, vector<128x2xf32>
    %dot_general3A = arith.constant dense<0.000000e+00> : vector<1x2xf32>
    %dot_general3A_5 = tpu.matmul %get3A_1, %get3A_4, %dot_general3A {dimension_numbers = #tpu.dot_dimension_numbers<[1], [0], [0], [1], [0, 0, 1, 1], [], []>, precision = #tpu.contract_precision<fp32>, transpose_lhs_hint = false} : vector<1x128xf32>, vector<128x2xf32>, vector<1x2xf32> -> vector<1x2xf32>
    %get3A_6 = arith.constant 0 : index
    %get3A_7 = arith.constant 0 : index
    %get3A_8 = vector.load %arg1[%get3A_6, %get3A_7] : memref<2560x16xf32, #tpu.memory_space<vmem>>, vector<2560x1xf32>
    %get3A_9 = arith.constant 0 : index
    %get3A_10 = arith.constant 1 : index
    %get3A_11 = vector.load %arg1[%get3A_9, %get3A_10] : memref<2560x16xf32, #tpu.memory_space<vmem>>, vector<2560x1xf32>
    %get3A_12 = arith.constant 0 : index
    %get3A_13 = arith.constant 2 : index
    %get3A_14 = vector.load %arg1[%get3A_12, %get3A_13] : memref<2560x16xf32, #tpu.memory_space<vmem>>, vector<2560x1xf32>
    %max3A = arith.constant 1.000000e+00 : f32
    %max3A_15 = vector.broadcast %max3A : f32 to vector<2560x1xf32>
    %max3A_16 = arith.maximumf %get3A_14, %max3A_15 : vector<2560x1xf32>
    %div3A = arith.divf %get3A_8, %max3A_16 : vector<2560x1xf32>
    %slice3A = vector.extract_strided_slice %dot_general3A_5 {offsets = [0, 0], sizes = [1, 1], strides = [1, 1]} : vector<1x2xf32> to vector<1x1xf32>
    %add3A = vector.broadcast %slice3A : vector<1x1xf32> to vector<2560x1xf32>
    %add3A_17 = arith.addf %div3A, %add3A : vector<2560x1xf32>
    %get3A_18 = arith.constant 0 : index
    %get3A_19 = arith.constant 0 : index
    %get3A_20 = vector.load %arg5[%get3A_18, %get3A_19] : memref<1x1xf32, #tpu.memory_space<vmem>>, vector<1x1xf32>
    %add3A_21 = vector.broadcast %get3A_20 : vector<1x1xf32> to vector<2560x1xf32>
    %add3A_22 = arith.addf %add3A_17, %add3A_21 : vector<2560x1xf32>
    %swap3A = arith.constant 0 : index
    %swap3A_23 = arith.constant 0 : index
    %swap3A_24 = vector.load %arg6[%swap3A, %swap3A_23] : memref<2560x2xf32, #tpu.memory_space<vmem>>, vector<2560x1xf32>
    tpu.vector_store %arg6[%swap3A, %swap3A_23], %add3A_22 {strides = array<i32>} : memref<2560x2xf32, #tpu.memory_space<vmem>>, vector<2560x1xf32>,
    %div3A_25 = arith.divf %get3A_11, %max3A_16 : vector<2560x1xf32>
    %slice3A_26 = vector.extract_strided_slice %dot_general3A_5 {offsets = [0, 1], sizes = [1, 1], strides = [1, 1]} : vector<1x2xf32> to vector<1x1xf32>
    %add3A_27 = vector.broadcast %slice3A_26 : vector<1x1xf32> to vector<2560x1xf32>
    %add3A_28 = arith.addf %div3A_25, %add3A_27 : vector<2560x1xf32>
    %swap3A_29 = arith.constant 0 : index
    %swap3A_30 = arith.constant 1 : index
    %swap3A_31 = vector.load %arg6[%swap3A_29, %swap3A_30] : memref<2560x2xf32, #tpu.memory_space<vmem>>, vector<2560x1xf32>
    tpu.vector_store %arg6[%swap3A_29, %swap3A_30], %add3A_28 {strides = array<i32>} : memref<2560x2xf32, #tpu.memory_space<vmem>>, vector<2560x1xf32>,
    %get3A_32 = arith.constant 0 : index
    %get3A_33 = arith.constant 0 : index
    %get3A_34 = vector.load %arg2[%get3A_32, %get3A_33] : memref<2560x16xf32, #tpu.memory_space<vmem>>, vector<2560x1xf32>
    %get3A_35 = arith.constant 0 : index
    %get3A_36 = arith.constant 1 : index
    %get3A_37 = vector.load %arg2[%get3A_35, %get3A_36] : memref<2560x16xf32, #tpu.memory_space<vmem>>, vector<2560x1xf32>
    %get3A_38 = arith.constant 0 : index
    %get3A_39 = arith.constant 2 : index
    %get3A_40 = vector.load %arg2[%get3A_38, %get3A_39] : memref<2560x16xf32, #tpu.memory_space<vmem>>, vector<2560x1xf32>
    %max3A_41 = arith.constant 1.000000e+00 : f32
    %max3A_42 = vector.broadcast %max3A_41 : f32 to vector<2560x1xf32>
    %max3A_43 = arith.maximumf %get3A_40, %max3A_42 : vector<2560x1xf32>
    %div3A_44 = arith.divf %get3A_34, %max3A_43 : vector<2560x1xf32>
    %slice3A_45 = vector.extract_strided_slice %dot_general3A_5 {offsets = [0, 0], sizes = [1, 1], strides = [1, 1]} : vector<1x2xf32> to vector<1x1xf32>
    %add3A_46 = vector.broadcast %slice3A_45 : vector<1x1xf32> to vector<2560x1xf32>
    %add3A_47 = arith.addf %div3A_44, %add3A_46 : vector<2560x1xf32>
    %get3A_48 = arith.constant 0 : index
    %get3A_49 = arith.constant 0 : index
    %get3A_50 = vector.load %arg5[%get3A_48, %get3A_49] : memref<1x1xf32, #tpu.memory_space<vmem>>, vector<1x1xf32>
    %add3A_51 = vector.broadcast %get3A_50 : vector<1x1xf32> to vector<2560x1xf32>
    %add3A_52 = arith.addf %add3A_47, %add3A_51 : vector<2560x1xf32>
    %swap3A_53 = arith.constant 0 : index
    %swap3A_54 = arith.constant 0 : index
    %swap3A_55 = vector.load %arg7[%swap3A_53, %swap3A_54] : memref<2560x2xf32, #tpu.memory_space<vmem>>, vector<2560x1xf32>
    tpu.vector_store %arg7[%swap3A_53, %swap3A_54], %add3A_52 {strides = array<i32>} : memref<2560x2xf32, #tpu.memory_space<vmem>>, vector<2560x1xf32>,
    %div3A_56 = arith.divf %get3A_37, %max3A_43 : vector<2560x1xf32>
    %slice3A_57 = vector.extract_strided_slice %dot_general3A_5 {offsets = [0, 1], sizes = [1, 1], strides = [1, 1]} : vector<1x2xf32> to vector<1x1xf32>
    %add3A_58 = vector.broadcast %slice3A_57 : vector<1x1xf32> to vector<2560x1xf32>
    %add3A_59 = arith.addf %div3A_56, %add3A_58 : vector<2560x1xf32>
    %swap3A_60 = arith.constant 0 : index
    %swap3A_61 = arith.constant 1 : index
    %swap3A_62 = vector.load %arg7[%swap3A_60, %swap3A_61] : memref<2560x2xf32, #tpu.memory_space<vmem>>, vector<2560x1xf32>
    tpu.vector_store %arg7[%swap3A_60, %swap3A_61], %add3A_59 {strides = array<i32>} : memref<2560x2xf32, #tpu.memory_space<vmem>>, vector<2560x1xf32>,
    return
  }
  func.func @transform_0(%arg0: i32) -> (i32, i32) {
    %c0_i32 = arith.constant 0 : i32
    %c0_i32_0 = arith.constant 0 : i32
    return %arg0, %c0_i32 : i32, i32
  }
  func.func @transform_1(%arg0: i32) -> (i32, i32) {
    %c0_i32 = arith.constant 0 : i32
    %c0_i32_0 = arith.constant 0 : i32
    return %arg0, %c0_i32 : i32, i32
  }
  func.func @transform_2(%arg0: i32) -> (i32, i32) {
    %c0_i32 = arith.constant 0 : i32
    %c0_i32_0 = arith.constant 0 : i32
    %c0_i32_1 = arith.constant 0 : i32
    return %c0_i32, %c0_i32_0 : i32, i32
  }
  func.func @transform_3(%arg0: i32) -> (i32, i32) {
    %c0_i32 = arith.constant 0 : i32
    %c0_i32_0 = arith.constant 0 : i32
    %c0_i32_1 = arith.constant 0 : i32
    return %c0_i32, %c0_i32_0 : i32, i32
  }
  func.func @transform_4(%arg0: i32) -> (i32, i32) {
    %c0_i32 = arith.constant 0 : i32
    %c0_i32_0 = arith.constant 0 : i32
    %c0_i32_1 = arith.constant 0 : i32
    return %c0_i32, %c0_i32_0 : i32, i32
  }
  func.func @transform_5(%arg0: i32) -> (i32, i32) {
    %c0_i32 = arith.constant 0 : i32
    %c0_i32_0 = arith.constant 0 : i32
    return %arg0, %c0_i32 : i32, i32
  }
  func.func @transform_6(%arg0: i32) -> (i32, i32) {
    %c0_i32 = arith.constant 0 : i32
    %c0_i32_0 = arith.constant 0 : i32
    return %arg0, %c0_i32 : i32, i32
  }
}

</mosaic_0001>

<sc_bundles>
// kernel: kernel.11.cloned.1.call-start
scs
__scs_entry_jumppad:
0x0: {  	(pc) =	sbr.rel $0x88, $3  }
0x1: {  	(tag) =	ssettag $0x0;
	lr =	simm.s32 $0x1  }
0x2: {  	[smem:$0x3F8F] =	sst lr;
	_ =	strace $0xD0000000  }
0x3: {  	_ = 	snop  }
0x4: {  	_ = 	snop  }
0x5: {  	_ = 	snop  }
0x6: {  	_ = 	snop  }
0x7: {  	_ = 	snop  }
__scs_overlays_trampoline_lowered:
0x8: {  	[smem:$0x3F9E] =	sst s0  }
0x9: {  	[smem:$0x3F9F] =	sst s1  }
0xa: {  	[smem:$0x3FA0] =	sst s2  }
0xb: {  	[smem:$0x3FA1] =	sst s3  }
0xc: {  	[smem:$0x3FA2] =	sst s4  }
0xd: {  	[smem:$0x3FA3] =	sst s5  }
0xe: {  	[smem:$0x3FA4] =	sst s6  }
0xf: {  	[smem:$0x3FA5] =	sst s7  }
0x10: {  	[smem:$0x3FA6] =	sst s8  }
0x11: {  	[smem:$0x3FA7] =	sst s9;
	s0 =	simm.s32 @!p0 $0x0  }
0x12: {  	s1 =	sld [smem:$0x3F8D];
	s0 =	simm.s32 @p0 $0x1  }
0x13: {  	[smem:$0x3FA8] =	sst s0;
	s0 =	simm.s32 @!p1 $0x0  }
0x14: {  	s2 =	sld [smem:$0x3F8C];
	s0 =	simm.s32 @p1 $0x1  }
0x15: {  	[smem:$0x3FA9] =	sst s0;
	s0 =	simm.s32 @!p2 $0x0  }
0x16: {  	s3 =	sld [smem:$0x3FDB];
	s0 =	simm.s32 @p2 $0x1  }
0x17: {  	s4 =	simm.s32 $0x1BF5;
	[smem:$0x3FAB] =	sst s0  }
0x18: {  	s0 =	sld [smem:$0x3F8E];
	_ =	swait.ge [sflag:s4], $0x0  }
0x19: {  	s7 =	sld [smem:$0x3F8F]  }
0x1a: {  	s8 =	sadd.s32 $0xFFFFE003, lr  }
0x1b: {  	s9 =	sadd.s32 $0xFFFFFEF7, lr;
	s5 =	simm.s32 $0xFFFFFFFF;
	p2 =	slt.u32 s8, $0xFFFFF086  }
0x1c: {  	p1 =	slt.u32 s9, $0xF7A;
	s5 =	simm.s32 @!p2 $0x0  }
0x1d: {  	s5 =	simm.s32 @p1 $0x1;
	p0 =	seq.s32 s7, s2  }
0x1e: {  	s7 =	smul.u32 @!p0 $0xF7A, s2;
	p2 =	seq.s32 @!p0 s5, $0x0  }
0x1f: {  	s9 =	smul.u32 $0xF7A, s1;
	s8 =	simm.s32 @!p0 $0x1BF5;
	p2 =	por !p2, p0  }
0x20: {  	[sflag:s8] =	ssyncset.s32 @!p0 $0xFFFFF086;
	s6 =	sadd.s32 @!p0 s3, s7;
	s7 =	simm.s32 @!p0 $0x108  }
0x21: {  	s3 =	sadd.s32 s3, s9;
	s6 =	sadd.s32 @!p0 $0x88, s6;
	s7 =	simm.s32 @p2 $0x1082  }
0x22: {  	[simem:s7], [sflag:s8] =	dma.local @!p0 [hbm:s6], $0xF7A  }
0x23: {  	s9 =	sor.u32 $0xD0000000, s2;
	s6 =	simm.s32 $0x108;
	_ =	swait.ge @!p0 [sflag:s8], $0x0  }
0x24: {  	s3 =	sadd.s32 $0x88, s3;
	s6 =	simm.s32 @!p1 $0x1082;
	[sflag:s4] =	ssyncset.s32 $0xFFFFF086  }
0x25: {  	[simem:s6], [sflag:s4] =	dma.local [hbm:s3], $0xF7A  }
0x26: {  	[smem:$0x3F8F] =	sst s1;
	(tag) =	ssettag s2;
	_ =	strace s9  }
0x27: {  	s1 =	sld [smem:$0x3F9F]  }
0x28: {  	s2 =	sld [smem:$0x3FA0]  }
0x29: {  	s4 =	sld [smem:$0x3FA2]  }
0x2a: {  	p0 =	seq.s32 s5, $0x0;
	s5 =	sld [smem:$0x3FA3]  }
0x2b: {  	s6 =	sld [smem:$0x3FA4]  }
0x2c: {  	s7 =	sld [smem:$0x3FA5]  }
0x2d: {  	s3 =	simm.s32 $0x108;
	s8 =	sld [smem:$0x3FA6]  }
0x2e: {  	s3 =	simm.s32 @!p0 $0x1082;
	s9 =	sld [smem:$0x3FA7]  }
0x2f: {  	lr =	sadd.s32 s0, s3;
	s0 =	sld [smem:$0x3F9E]  }
0x30: {  	s3 =	sld [smem:$0x3FA1]  }
0x31: {  	[smem:$0x3FAA] =	sst s10  }
0x32: {  	s10 =	sld [smem:$0x3FA8];
	_ =	sdelay $0x3  }
0x33: {  	p0 =	seq.s32 s10, $0x1;
	s10 =	sld [smem:$0x3FAA];
	_ =	sdelay $0x3  }
0x34: {  	[smem:$0x3FAA] =	sst s10  }
0x35: {  	s10 =	sld [smem:$0x3FA9];
	_ =	sdelay $0x3  }
0x36: {  	p1 =	seq.s32 s10, $0x1;
	s10 =	sld [smem:$0x3FAA];
	_ =	sdelay $0x3  }
0x37: {  	[smem:$0x3FAA] =	sst s10  }
0x38: {  	s10 =	sld [smem:$0x3FAB]  }
0x39: {  	_ = 	snop;
	(pc) =	sbr.ind lr, $3  }
0x3a: {  	_ = 	snop  }
0x3b: {  	_ = 	snop  }
0x3c: {  	p2 =	seq.s32 s10, $0x1;
	s10 =	sld [smem:$0x3FAA]  }
0x3d: {  	_ =	shalt  }
0x3e: {  	_ =	shalt  }
0x3f: {  	_ =	shalt  }
0x40: {  	_ =	shalt  }
0x41: {  	_ =	shalt  }
0x42: {  	_ =	shalt  }
0x43: {  	_ =	shalt  }
0x44: {  	_ =	shalt  }
0x45: {  	_ =	shalt  }
0x46: {  	_ =	shalt  }
0x47: {  	_ =	shalt  }
0x48: {  	_ =	shalt  }
0x49: {  	_ =	shalt  }
0x4a: {  	_ =	shalt  }
0x4b: {  	_ =	shalt  }
0x4c: {  	_ =	shalt  }
0x4d: {  	_ =	shalt  }
0x4e: {  	_ =	shalt  }
0x4f: {  	_ =	shalt  }
0x50: {  	_ =	shalt  }
0x51: {  	_ =	shalt  }
0x52: {  	_ =	shalt  }
0x53: {  	_ =	shalt  }
0x54: {  	_ =	shalt  }
0x55: {  	_ =	shalt  }
0x56: {  	_ =	shalt  }
0x57: {  	_ =	shalt  }
0x58: {  	_ =	shalt  }
0x59: {  	_ =	shalt  }
0x5a: {  	_ =	shalt  }
0x5b: {  	_ =	shalt  }
0x5c: {  	_ =	shalt  }
0x5d: {  	_ =	shalt  }
0x5e: {  	_ =	shalt  }
0x5f: {  	_ =	shalt  }
0x60: {  	_ =	shalt  }
0x61: {  	_ =	shalt  }
0x62: {  	_ =	shalt  }
0x63: {  	_ =	shalt  }
0x64: {  	_ =	shalt  }
0x65: {  	_ =	shalt  }
0x66: {  	_ =	shalt  }
0x67: {  	_ =	shalt  }
0x68: {  	_ =	shalt  }
0x69: {  	_ =	shalt  }
0x6a: {  	_ =	shalt  }
0x6b: {  	_ =	shalt  }
0x6c: {  	_ =	shalt  }
0x6d: {  	_ =	shalt  }
0x6e: {  	_ =	shalt  }
0x6f: {  	_ =	shalt  }
0x70: {  	_ =	shalt  }
0x71: {  	_ =	shalt  }
0x72: {  	_ =	shalt  }
0x73: {  	_ =	shalt  }
0x74: {  	_ =	shalt  }
0x75: {  	_ =	shalt  }
0x76: {  	_ =	shalt  }
0x77: {  	_ =	shalt  }
0x78: {  	_ =	shalt  }
0x79: {  	_ =	shalt  }
0x7a: {  	_ =	shalt  }
0x7b: {  	_ =	shalt  }
0x7c: {  	_ =	shalt  }
0x7d: {  	_ =	shalt  }
0x7e: {  	_ =	shalt  }
0x7f: {  	_ =	shalt  }
0x80: {  	_ =	shalt  }
0x81: {  	_ =	shalt  }
0x82: {  	_ =	shalt  }
0x83: {  	_ =	shalt  }
0x84: {  	_ =	shalt  }
0x85: {  	_ =	shalt  }
0x86: {  	_ =	shalt  }
0x87: {  	_ =	shalt  }
.Lfunc_end0:
.L_simem_size_0:
called_computation.1_lowered:
.L_overlay_start_0:
0x88: {  	s2 =	sld [smem:$0x3FD9]  }
0x89: {  	s3 =	sld [smem:$0x3FFE];
	_ =	sdelay $0x1  }
0x8a: {  	s1 =	srdreg.scid  }
0x8b: {  	s0 =	sand.u32 $0x1, s1  }
0x8c: {  	s14 =	sshll.u32 s0, $0xA;
	s2 =	sadd.s32 s3, s2  }
0x8d: {  	s2 =	sadd.s32 s2, s14  }
0x8e: {  	[smem:$0x3FB6] =	sst s2  }
0x8f: {  	_ = 	snop  }
0x90: {  	s2 =	sld [smem:$0x3FD0];
	_ =	sdelay $0x2  }
0x91: {  	s15 =	simm.s32 $0xA;
	s4 =	simm.s32 $0x10  }
0x92: {  	[smem:s4], [sflag:s15] =	dma.local [hbm:s2], $0x1  }
0x93: {  	_ =	swait.eq [sflag:s15], $0x1  }
0x94: {  	[sflag:s15] =	ssyncset.done $0x0  }
0x95: {  	s16 =	sld [smem:$0x10];
	[sflag:s15] =	ssyncadd.s32 $0xFFFFFFFF  }
0x96: {  	s17 =	sld [smem:$0x11];
	(tm) =	ssettm $0x1  }
0x97: {  	s18 =	sld [smem:$0x3FFB];
	_ =	sdelay $0x3  }
0x98: {  	_ =	strace s18  }
0x99: {  	s4 =	sld [smem:$0x3FFC];
	_ =	sdelay $0x3  }
0x9a: {  	_ =	strace s4  }
0x9b: {  	s4 =	sld [smem:$0x3FFD];
	_ =	sdelay $0x3  }
0x9c: {  	_ =	strace s4  }
0x9d: {  	_ =	strace $0x8FFFFFFF  }
0x9e: {  	s19 =	sld [smem:$0x3FDB];
	_ =	sdelay $0x1  }
0x9f: {  	s5 =	simm.s32 $_scs_section_size  }
0xa0: {  	s6 =	simm.s32 $_size__tile_overlayer_lowered;
	s7 =	simm.s32 $_tile_overlayer_lowered  }
0xa1: {  	s22 =	simm.s32 $0x1BFF;
	s21 =	sshll.u32 s7, $0x1;
	s4 =	sadd.s32 s5, s19  }
0xa2: {  	s8 =	simm.s32 $0x0;
	s20 =	sshll.u32 s6, $0x1;
	s6 =	sadd.s32 s21, s4  }
0xa3: {  	[timem:s8], [sflag:s22] =	dma.local [hbm:s6], s20  }
0xa4: {  	_ =	swait.ge [sflag:s22], s20  }
0xa5: {  	s5 =	ssub.s32 $0x0, s20;
	[sflag:s22] =	ssyncset.done $0x0  }
0xa6: {  	[sflag:s22] =	ssyncadd.s32 s5;
	_ =	sdelay $0x1  }
0xa7: {  	s23 =	simm.s32 $0x1B8B  }
0xa8: {  	_ =	swait.ge [sflag:s23], $0x1  }
0xa9: {  	[sflag:s23] =	ssyncset.done $0x0  }
0xaa: {  	s25 =	simm.s32 $0x1B8E;
	s24 =	sld [smem:$0x3FFE];
	[sflag:s23] =	ssyncadd.s32 $0xFFFFFFFF  }
0xab: {  	s26 =	simm.s32 $execute0_lowered;
	[smem:$0x3FD2] =	sst s25  }
0xac: {  	s6 =	sshll.u32 s26, $0x1;
	_ =	strace $0x80000049;
	[dreg:$0x1] =	wrdreg $0xFFFFFFFF  }
0xad: {  	s28 =	simm.s32 $_size_execute0_lowered;
	s4 =	sadd.s32 s4, s6;
	[dreg:$0x0] =	wrdreg $0x0  }
0xae: {  	s6 =	sshll.u32 s28, $0x1;
	[dreg:$0x2] =	wrdreg s4  }
0xaf: {  	[dreg:$0x3] =	wrdreg s6  }
0xb0: {  	[dreg:$0x4] =	wrdreg $0xC0  }
0xb1: {  	_ =	task [dreg:s8], $0x5FFFF  }
0xb2: {  	[dreg:$0x1] =	wrdreg $0xFFFFFFFF  }
0xb3: {  	[dreg:$0x0] =	wrdreg $0x60  }
0xb4: {  	[dreg:$0x2] =	wrdreg s17  }
0xb5: {  	[dreg:$0x3] =	wrdreg s16  }
0xb6: {  	[dreg:$0x4] =	wrdreg s24  }
0xb7: {  	[dreg:$0x5] =	wrdreg $0x11000  }
0xb8: {  	[dreg:$0x6] =	wrdreg $0x9  }
0xb9: {  	_ =	task.clear_ibuf [dreg:s8], $0x7FFFF;
	_ =	strace $0x90000049  }
0xba: {  	s29 =	simm.s32 $0x9;
	_ =	strace $0x8000004B  }
0xbb: {  	_ =	swait.ge [sflag:s29], $0x1  }
0xbc: {  	[sflag:s29] =	ssyncadd.s32 $0xFFFFFFFF  }
0xbd: {  	_ =	strace $0x9000004B  }
0xbe: {  	_ =	sfence  }
0xbf: {  	s30 =	sld [smem:$0x0];
	_ =	sdelay $0x2  }
0xc0: {  	s31 =	sshll.u32 s1, $0xD;
	s1 =	sshrl.u32 s1, $0x2  }
0xc1: {  	s3 =	sand.u32 $0x4000, s31;
	s1 =	sadd.s32 s1, s30  }
0xc2: {  	s0 =	sor.u32 s3, s0;
	s1 =	sshll.u32 s1, $0x11  }
0xc3: {  	s0 =	sor.u32 s1, s0  }
0xc4: {  	s0 =	sadd.s32 $0x8F2B, s0  }
0xc5: {  	[sflag:s0] =	ssyncadd.remote.s32 $0x1  }
0xc6: {  	_ =	sfence.sel $0xFFFF  }
0xc7: {  	[dreg:$0x0] =	wrdreg $0xFFFFFFFF;
	(pc) =	sbr.abs _section_cstart, $3  }
0xc8: {  	[dreg:$0x1] =	wrdreg $0xFFFFFFFF  }
0xc9: {  	_ =	task.clear_ibuf [dreg:s8], $0x2FFFF;
	_ =	strace $0x9FFFFFFF  }
0xca: {  	(tm) =	ssettm $0x7FFFFFFF  }
0xcb: {  	_ =	shalt  }
tec
execute0_lowered:
.L_overlay_start_1:
0x0: {  	(tag) =	ssettag $0x1  }
0x1: {  	s2 =	rddreg [dreg:$0x0]  }
0x2: {  	s3 =	rddreg [dreg:$0x1]  }
0x3: {  	s0 =	rddreg [dreg:$0x2]  }
0x4: {  	s4 =	rddreg [dreg:$0x3];
	s1 =	stileid.u32;
	s5 =	simm.s32 $0x0  }
0x5: {  	s7 =	srdreg.scid;
	s25 =	simm.s32 $0x2;
	s28 =	simm.s32 $0x100  }
0x6: {  	s29 =	simm.s32 $0x1;
	s30 =	simm.s32 $0x0;
	s6 =	smul.u32 $0x4F0, s1  }
0x7: {  	[smem:$0x7FF] =	sst s5;
	s24 =	sand.u32 $0x1, s7;
	s14 =	smul.u32 $0x2800, s1  }
0x8: {  	s26 =	sadd.s32 $0xAF200, s0;
	_ =	strace $0x8000004A;
	s9 =	ssub.s32 $0x2, s24  }
0x9: {  	[dreg:$0x5] =	wrdreg s26;
	p0 =	sne.s32 s24, $0x0;
	s24 =	simm.s32 $0x900  }
0xa: {  	s26 =	simm.s32 $0x80;
	s23 =	sadd.s32 s6, s0;
	s6 =	sadd.s32 $0xAF000, s0  }
0xb: {  	s0 =	sadd.s32 $0xB4200, s0;
	s31 =	sshrl.u32 s9, $0x1;
	s15 =	sadd.s32 $0x800, s14  }
0xc: {  	s16 =	sadd.s32 $0x1000, s14;
	s17 =	sadd.s32 $0x1800, s14;
	s18 =	sadd.s32 $0x2000, s14  }
0xd: {  	[dreg:$0x6] =	wrdreg s0;
	s0 =	ssub.s32 s9, s31;
	s9 =	sadd.s32 s14, s4  }
.Ltmp0:
0xe: {  	s10 =	sadd.s32 s15, s4;
	s11 =	sadd.s32 s16, s4;
	(pc) =	sbr.rel .LBB2_1-.Ltmp0, $4  }
0xf: {  	s12 =	sadd.s32 s17, s4;
	s13 =	sadd.s32 s18, s4;
	s14 =	sshrl.u32 s14, $0x3  }
0x10: {  	s15 =	sshrl.u32 s15, $0x3;
	s16 =	sshrl.u32 s16, $0x3;
	s17 =	sshrl.u32 s17, $0x3  }
0x11: {  	s18 =	sshrl.u32 s18, $0x3;
	s20 =	sadd.s32 $0x154C00, s23;
	s21 =	sadd.s32 $0x159C00, s23  }
0x12: {  	s22 =	sadd.s32 $0x15EC00, s23;
	s23 =	sadd.s32 $0x163C00, s23;
	s19 =	smax.u32 s0, $0x1  }
.LBB2_7:
0x13: {  	s0 =	sadd.s32 s31, s21;
	[sflag:s25] =	ssyncadd.s32 $0xFFFFF800  }
0x14: {  	[tilespmem:s5], [sflag:$0x2] =	stream.linear.gather [hbm4b:s0+s5], $0x80, $0x38;
	[tilespmem:$0x3900] =	vst v63  }
0x15: {  	_ =	swait.ge [sflag:s25], $0x80  }
0x16: {  	[sflag:s25] =	ssyncset.done $0x0  }
0x17: {  	s8 =	sadd.s32 s31, s20;
	[sflag:s25] =	ssyncadd.s32 $0xFFFFFF80  }
0x18: {  	[tilespmem:s26], [sflag:$0x2] =	stream.linear.gather [hbm4b:s8+s5], $0x80, $0x38;
	[tilespmem:$0x3900] =	vst v63  }
0x19: {  	_ =	swait.ge [sflag:s25], $0x80  }
0x1a: {  	[sflag:s25] =	ssyncset.done $0x0  }
0x1b: {  	[sflag:s25] =	ssyncadd.s32 $0xFFFFFF80  }
0x1c: {  	[tilespmem:s28], [sflag:$0x1] =	stream.indirect.gather [hbm4b:s3+s26], $0x10, s5, s26, $0xb8;
	[tilespmem:$0x3900] =	vst v63  }
0x1d: {  	_ =	swait.ge [sflag:s29], $0x800  }
0x1e: {  	[sflag:s29] =	ssyncset.done $0x0  }
0x1f: {  	[sflag:s29] =	ssyncadd.s32 $0xFFFFF800  }
0x20: {  	[spmem:s4] =	stream.indirect.scatter.add.f32 [tilespmem:s28], [sflag:$0x2], $0x10, s26, s26, $0xb8;
	[tilespmem:$0x3900] =	vst v63  }
0x21: {  	_ =	swait.ge [sflag:s25], $0x800  }
0x22: {  	[sflag:s25] =	ssyncset.done $0x0  }
0x23: {  	s31 =	rddreg [dreg:$0x6];
	[sflag:s25] =	ssyncadd.s32 $0xFFFFF800  }
.LBB2_8:
0x24: {  	[bflag:$0x0] =	sbarrier.arrive $0xFFFF  }
0x25: {  	[tilespmem:s24], [sflag:$0x2] =	stream.linear.gather [spmem:s9], $0x800, $0x38;
	[tilespmem:$0x3900] =	vst v63  }
0x26: {  	_ =	swait.ge [sflag:s25], $0x800  }
0x27: {  	[sflag:s25] =	ssyncset.done $0x0  }
0x28: {  	s0 =	sadd.s32 s31, s14;
	[sflag:s25] =	ssyncadd.s32 $0xFFFFF800  }
0x29: {  	[hbm4b:s0+s5] =	stream.linear.scatter [tilespmem:s24], [sflag:$0x2], $0x800, $0x38;
	[tilespmem:$0x3900] =	vst v63  }
0x2a: {  	_ =	swait.ge [sflag:s25], $0x800  }
0x2b: {  	[sflag:s25] =	ssyncset.done $0x0  }
0x2c: {  	[sflag:s25] =	ssyncadd.s32 $0xFFFFF800  }
0x2d: {  	[tilespmem:s24], [sflag:$0x2] =	stream.linear.gather [spmem:s10], $0x800, $0x38;
	[tilespmem:$0x3900] =	vst v63  }
0x2e: {  	_ =	swait.ge [sflag:s25], $0x800  }
0x2f: {  	[sflag:s25] =	ssyncset.done $0x0  }
0x30: {  	s1 =	sadd.s32 s31, s15;
	[sflag:s25] =	ssyncadd.s32 $0xFFFFF800  }
0x31: {  	[hbm4b:s1+s5] =	stream.linear.scatter [tilespmem:s24], [sflag:$0x2], $0x800, $0x38;
	[tilespmem:$0x3900] =	vst v63  }
0x32: {  	_ =	swait.ge [sflag:s25], $0x800  }
0x33: {  	[sflag:s25] =	ssyncset.done $0x0  }
0x34: {  	[sflag:s25] =	ssyncadd.s32 $0xFFFFF800  }
0x35: {  	[tilespmem:s24], [sflag:$0x2] =	stream.linear.gather [spmem:s11], $0x800, $0x38;
	[tilespmem:$0x3900] =	vst v63  }
0x36: {  	_ =	swait.ge [sflag:s25], $0x800  }
0x37: {  	[sflag:s25] =	ssyncset.done $0x0  }
0x38: {  	s7 =	sadd.s32 s31, s16;
	[sflag:s25] =	ssyncadd.s32 $0xFFFFF800  }
0x39: {  	[hbm4b:s7+s5] =	stream.linear.scatter [tilespmem:s24], [sflag:$0x2], $0x800, $0x38;
	[tilespmem:$0x3900] =	vst v63  }
0x3a: {  	_ =	swait.ge [sflag:s25], $0x800  }
0x3b: {  	[sflag:s25] =	ssyncset.done $0x0  }
0x3c: {  	[sflag:s25] =	ssyncadd.s32 $0xFFFFF800  }
0x3d: {  	[tilespmem:s24], [sflag:$0x2] =	stream.linear.gather [spmem:s12], $0x800, $0x38;
	[tilespmem:$0x3900] =	vst v63  }
0x3e: {  	_ =	swait.ge [sflag:s25], $0x800  }
0x3f: {  	[sflag:s25] =	ssyncset.done $0x0  }
0x40: {  	s8 =	sadd.s32 s31, s17;
	[sflag:s25] =	ssyncadd.s32 $0xFFFFF800  }
0x41: {  	[hbm4b:s8+s5] =	stream.linear.scatter [tilespmem:s24], [sflag:$0x2], $0x800, $0x38;
	[tilespmem:$0x3900] =	vst v63  }
0x42: {  	_ =	swait.ge [sflag:s25], $0x800  }
0x43: {  	[sflag:s25] =	ssyncset.done $0x0  }
0x44: {  	[sflag:s25] =	ssyncadd.s32 $0xFFFFF800  }
0x45: {  	[tilespmem:s24], [sflag:$0x2] =	stream.linear.gather [spmem:s13], $0x800, $0x38;
	[tilespmem:$0x3900] =	vst v63  }
0x46: {  	s30 =	sadd.s32 $0x1, s30;
	_ =	swait.ge [sflag:s25], $0x800  }
0x47: {  	p1 =	sne.s32 s30, s19;
	[sflag:s25] =	ssyncset.done $0x0  }
.Ltmp1:
0x48: {  	s31 =	sadd.s32 s31, s18;
	[sflag:s25] =	ssyncadd.s32 $0xFFFFF800;
	(pc) =	sbr.rel @!p1 .LBB2_9-.Ltmp1, $4  }
0x49: {  	[hbm4b:s31+s5] =	stream.linear.scatter [tilespmem:s24], [sflag:$0x2], $0x800, $0x38;
	[tilespmem:$0x3900] =	vst v63  }
0x4a: {  	_ =	swait.ge [sflag:s25], $0x800  }
0x4b: {  	[sflag:s25] =	ssyncset.done $0x0  }
0x4c: {  	[sflag:s25] =	ssyncadd.s32 $0xFFFFF800  }
.LBB2_1:
0x4d: {  	[tilespmem:s24], [sflag:$0x2] =	stream.linear.gather [hbm4b:s6+s5], $0x800, $0x38;
	[tilespmem:$0x3900] =	vst v63  }
0x4e: {  	_ =	swait.ge [sflag:s25], $0x800  }
0x4f: {  	[sflag:s25] =	ssyncset.done $0x0  }
0x50: {  	[sflag:s25] =	ssyncadd.s32 $0xFFFFF800  }
0x51: {  	[spmem:s9] =	stream.linear.scatter [tilespmem:s24], [sflag:$0x2], $0x800, $0x38;
	[tilespmem:$0x3900] =	vst v63  }
0x52: {  	_ =	swait.ge [sflag:s25], $0x800  }
0x53: {  	[sflag:s25] =	ssyncset.done $0x0  }
0x54: {  	[sflag:s25] =	ssyncadd.s32 $0xFFFFF800  }
0x55: {  	[spmem:s10] =	stream.linear.scatter [tilespmem:s24], [sflag:$0x2], $0x800, $0x38;
	[tilespmem:$0x3900] =	vst v63  }
0x56: {  	_ =	swait.ge [sflag:s25], $0x800  }
0x57: {  	[sflag:s25] =	ssyncset.done $0x0  }
0x58: {  	[sflag:s25] =	ssyncadd.s32 $0xFFFFF800  }
0x59: {  	[spmem:s11] =	stream.linear.scatter [tilespmem:s24], [sflag:$0x2], $0x800, $0x38;
	[tilespmem:$0x3900] =	vst v63  }
0x5a: {  	_ =	swait.ge [sflag:s25], $0x800  }
0x5b: {  	[sflag:s25] =	ssyncset.done $0x0  }
0x5c: {  	[sflag:s25] =	ssyncadd.s32 $0xFFFFF800  }
0x5d: {  	[spmem:s12] =	stream.linear.scatter [tilespmem:s24], [sflag:$0x2], $0x800, $0x38;
	[tilespmem:$0x3900] =	vst v63  }
0x5e: {  	_ =	swait.ge [sflag:s25], $0x800  }
0x5f: {  	[sflag:s25] =	ssyncset.done $0x0  }
0x60: {  	[sflag:s25] =	ssyncadd.s32 $0xFFFFF800  }
0x61: {  	[spmem:s13] =	stream.linear.scatter [tilespmem:s24], [sflag:$0x2], $0x800, $0x38;
	[tilespmem:$0x3900] =	vst v63  }
.Ltmp2:
0x62: {  	_ =	swait.ge [sflag:s25], $0x800;
	(pc) =	sbr.rel @p0 .LBB2_5-.Ltmp2, $3  }
0x63: {  	[sflag:s25] =	ssyncset.done $0x0  }
0x64: {  	[sflag:s25] =	ssyncadd.s32 $0xFFFFF800  }
0x65: {  	[bflag:$0x0] =	sbarrier.arrive $0xFFFF;
	_ =	sdelay $0x1  }
0x66: {  	s0 =	sadd.s32 $0x0, s23  }
0x67: {  	[tilespmem:s5], [sflag:$0x2] =	stream.linear.gather [hbm4b:s0+s5], $0x80, $0x38;
	[tilespmem:$0x3900] =	vst v63  }
0x68: {  	_ =	swait.ge [sflag:s25], $0x80  }
0x69: {  	[sflag:s25] =	ssyncset.done $0x0  }
0x6a: {  	s8 =	sadd.s32 $0x0, s22;
	[sflag:s25] =	ssyncadd.s32 $0xFFFFFF80  }
0x6b: {  	[tilespmem:s26], [sflag:$0x2] =	stream.linear.gather [hbm4b:s8+s5], $0x80, $0x38;
	[tilespmem:$0x3900] =	vst v63  }
0x6c: {  	_ =	swait.ge [sflag:s25], $0x80  }
0x6d: {  	[sflag:s25] =	ssyncset.done $0x0  }
0x6e: {  	[sflag:s25] =	ssyncadd.s32 $0xFFFFFF80  }
0x6f: {  	[tilespmem:s28], [sflag:$0x1] =	stream.indirect.gather [hbm4b:s2+s26], $0x10, s5, s26, $0xb8;
	[tilespmem:$0x3900] =	vst v63  }
0x70: {  	_ =	swait.ge [sflag:s29], $0x800  }
0x71: {  	[sflag:s29] =	ssyncset.done $0x0  }
0x72: {  	[sflag:s29] =	ssyncadd.s32 $0xFFFFF800  }
0x73: {  	[spmem:s4] =	stream.indirect.scatter.add.f32 [tilespmem:s28], [sflag:$0x2], $0x10, s26, s26, $0xb8;
	[tilespmem:$0x3900] =	vst v63  }
0x74: {  	_ =	swait.ge [sflag:s25], $0x800  }
0x75: {  	s31 =	simm.s32 $0x10;
	s0 =	simm.s32 $0x20;
	[sflag:s25] =	ssyncset.done $0x0  }
.LBB2_3:
0x76: {  	s1 =	sadd.s32 s31, s23  }
0x77: {  	[sflag:s25] =	ssyncadd.s32 $0xFFFFF800;
	s7 =	smov.u32 s0;
	s8 =	sadd.s32 $0x10, s0  }
0x78: {  	[tilespmem:s5], [sflag:$0x2] =	stream.linear.gather [hbm4b:s1+s5], $0x80, $0x38;
	[tilespmem:$0x3900] =	vst v63  }
0x79: {  	p1 =	seq.s32 s0, $0x4E0;
	_ =	swait.ge [sflag:s25], $0x80  }
0x7a: {  	[sflag:s25] =	ssyncset.done $0x0  }
0x7b: {  	s0 =	sadd.s32 s31, s22;
	s31 =	smov.u32 s7;
	[sflag:s25] =	ssyncadd.s32 $0xFFFFFF80  }
0x7c: {  	[tilespmem:s26], [sflag:$0x2] =	stream.linear.gather [hbm4b:s0+s5], $0x80, $0x38;
	[tilespmem:$0x3900] =	vst v63  }
0x7d: {  	_ =	swait.ge [sflag:s25], $0x80  }
0x7e: {  	[sflag:s25] =	ssyncset.done $0x0  }
0x7f: {  	[sflag:s25] =	ssyncadd.s32 $0xFFFFFF80  }
0x80: {  	[tilespmem:s28], [sflag:$0x1] =	stream.indirect.gather [hbm4b:s2+s26], $0x10, s5, s26, $0xb8;
	[tilespmem:$0x3900] =	vst v63  }
0x81: {  	_ =	swait.ge [sflag:s29], $0x800  }
.Ltmp3:
0x82: {  	[sflag:s29] =	ssyncset.done $0x0;
	(pc) =	sbr.rel @!p1 .LBB2_3-.Ltmp3, $4  }
0x83: {  	[sflag:s29] =	ssyncadd.s32 $0xFFFFF800  }
0x84: {  	[spmem:s4] =	stream.indirect.scatter.add.f32 [tilespmem:s28], [sflag:$0x2], $0x10, s26, s26, $0xb8;
	[tilespmem:$0x3900] =	vst v63  }
0x85: {  	_ =	swait.ge [sflag:s25], $0x800  }
0x86: {  	s0 =	smov.u32 s8;
	[sflag:s25] =	ssyncset.done $0x0  }
0x87: {  	s0 =	sadd.s32 s31, s23;
	[sflag:s25] =	ssyncadd.s32 $0xFFFFF800  }
0x88: {  	[tilespmem:s5], [sflag:$0x2] =	stream.linear.gather [hbm4b:s0+s5], $0x80, $0x38;
	[tilespmem:$0x3900] =	vst v63  }
0x89: {  	_ =	swait.ge [sflag:s25], $0x80  }
0x8a: {  	[sflag:s25] =	ssyncset.done $0x0  }
0x8b: {  	s8 =	sadd.s32 s31, s22;
	[sflag:s25] =	ssyncadd.s32 $0xFFFFFF80  }
0x8c: {  	[tilespmem:s26], [sflag:$0x2] =	stream.linear.gather [hbm4b:s8+s5], $0x80, $0x38;
	[tilespmem:$0x3900] =	vst v63  }
0x8d: {  	_ =	swait.ge [sflag:s25], $0x80  }
0x8e: {  	[sflag:s25] =	ssyncset.done $0x0  }
0x8f: {  	[sflag:s25] =	ssyncadd.s32 $0xFFFFFF80  }
0x90: {  	[tilespmem:s28], [sflag:$0x1] =	stream.indirect.gather [hbm4b:s2+s26], $0x10, s5, s26, $0xb8;
	[tilespmem:$0x3900] =	vst v63  }
0x91: {  	_ =	swait.ge [sflag:s29], $0x800  }
0x92: {  	[sflag:s29] =	ssyncset.done $0x0  }
.Ltmp4:
0x93: {  	[sflag:s29] =	ssyncadd.s32 $0xFFFFF800;
	(pc) =	sbr.rel .LBB2_8-.Ltmp4, $4  }
0x94: {  	[spmem:s4] =	stream.indirect.scatter.add.f32 [tilespmem:s28], [sflag:$0x2], $0x10, s26, s26, $0xb8;
	[tilespmem:$0x3900] =	vst v63  }
0x95: {  	_ =	swait.ge [sflag:s25], $0x800  }
0x96: {  	[sflag:s25] =	ssyncset.done $0x0  }
0x97: {  	s31 =	rddreg [dreg:$0x5];
	[sflag:s25] =	ssyncadd.s32 $0xFFFFF800  }
.LBB2_5:
0x98: {  	s0 =	sadd.s32 $0x0, s21  }
0x99: {  	[tilespmem:s5], [sflag:$0x2] =	stream.linear.gather [hbm4b:s0+s5], $0x80, $0x38;
	[tilespmem:$0x3900] =	vst v63  }
0x9a: {  	_ =	swait.ge [sflag:s25], $0x80  }
0x9b: {  	[sflag:s25] =	ssyncset.done $0x0  }
0x9c: {  	s8 =	sadd.s32 $0x0, s20;
	[sflag:s25] =	ssyncadd.s32 $0xFFFFFF80  }
0x9d: {  	[tilespmem:s26], [sflag:$0x2] =	stream.linear.gather [hbm4b:s8+s5], $0x80, $0x38;
	[tilespmem:$0x3900] =	vst v63  }
0x9e: {  	_ =	swait.ge [sflag:s25], $0x80  }
0x9f: {  	[sflag:s25] =	ssyncset.done $0x0  }
0xa0: {  	[sflag:s25] =	ssyncadd.s32 $0xFFFFFF80  }
0xa1: {  	[tilespmem:s28], [sflag:$0x1] =	stream.indirect.gather [hbm4b:s3+s26], $0x10, s5, s26, $0xb8;
	[tilespmem:$0x3900] =	vst v63  }
0xa2: {  	_ =	swait.ge [sflag:s29], $0x800  }
0xa3: {  	[sflag:s29] =	ssyncset.done $0x0  }
0xa4: {  	[sflag:s29] =	ssyncadd.s32 $0xFFFFF800  }
0xa5: {  	[spmem:s4] =	stream.indirect.scatter.add.f32 [tilespmem:s28], [sflag:$0x2], $0x10, s26, s26, $0xb8;
	[tilespmem:$0x3900] =	vst v63  }
0xa6: {  	_ =	swait.ge [sflag:s25], $0x800  }
0xa7: {  	s31 =	simm.s32 $0x10;
	s0 =	simm.s32 $0x20;
	[sflag:s25] =	ssyncset.done $0x0  }
.LBB2_6:
0xa8: {  	s1 =	sadd.s32 s31, s21  }
0xa9: {  	[sflag:s25] =	ssyncadd.s32 $0xFFFFF800;
	s7 =	smov.u32 s0;
	s8 =	sadd.s32 $0x10, s0  }
0xaa: {  	[tilespmem:s5], [sflag:$0x2] =	stream.linear.gather [hbm4b:s1+s5], $0x80, $0x38;
	[tilespmem:$0x3900] =	vst v63  }
0xab: {  	p1 =	sne.s32 s0, $0x4E0;
	_ =	swait.ge [sflag:s25], $0x80  }
0xac: {  	[sflag:s25] =	ssyncset.done $0x0  }
0xad: {  	s0 =	sadd.s32 s31, s20;
	s31 =	smov.u32 s7;
	[sflag:s25] =	ssyncadd.s32 $0xFFFFFF80  }
0xae: {  	[tilespmem:s26], [sflag:$0x2] =	stream.linear.gather [hbm4b:s0+s5], $0x80, $0x38;
	[tilespmem:$0x3900] =	vst v63  }
0xaf: {  	_ =	swait.ge [sflag:s25], $0x80  }
0xb0: {  	[sflag:s25] =	ssyncset.done $0x0  }
0xb1: {  	[sflag:s25] =	ssyncadd.s32 $0xFFFFFF80  }
0xb2: {  	[tilespmem:s28], [sflag:$0x1] =	stream.indirect.gather [hbm4b:s3+s26], $0x10, s5, s26, $0xb8;
	[tilespmem:$0x3900] =	vst v63  }
0xb3: {  	_ =	swait.ge [sflag:s29], $0x800  }
.Ltmp5:
0xb4: {  	[sflag:s29] =	ssyncset.done $0x0;
	(pc) =	sbr.rel @p1 .LBB2_6-.Ltmp5, $4  }
0xb5: {  	[sflag:s29] =	ssyncadd.s32 $0xFFFFF800  }
0xb6: {  	[spmem:s4] =	stream.indirect.scatter.add.f32 [tilespmem:s28], [sflag:$0x2], $0x10, s26, s26, $0xb8;
	[tilespmem:$0x3900] =	vst v63  }
0xb7: {  	_ =	swait.ge [sflag:s25], $0x800  }
0xb8: {  	s0 =	smov.u32 s8;
	[sflag:s25] =	ssyncset.done $0x0  }
.Ltmp6:
0xb9: {  	_ = 	snop;
	(pc) =	sbr.rel .LBB2_7-.Ltmp6, $1  }
0xba: {  	_ =	sdelay $0x3  }
.LBB2_9:
0xbb: {  	_ =	sfence.sel $0x180000  }
0xbc: {  	[bflag:$0x0] =	sbarrier.arrive $0xFFFF  }
0xbd: {  	_ =	strace $0x9000004A  }
0xbe: {  	s0 =	stileid.u32;
	[bflag:$0x2] =	sbarrier.arrive $0xFFFF  }
0xbf: {  	p0 =	sne.s32 s0, $0x0;
	s0 =	rddreg [dreg:$0x4]  }
0xc0: {  	s0 =	sadd.s32 @!p0 $0x100000, s0  }
0xc1: {  	[sflag:s0] =	ssyncadd.tile.s32 @!p0 $0x1;
	_ =	shalt  }
.Lfunc_end2:
_tile_overlayer_lowered:
.L_overlay_start_2:
0xc2: {  	(tag) =	ssettag $0x2  }
0xc3: {  	s0 =	rddreg [dreg:$0x0];
	s2 =	stileid.u32  }
0xc4: {  	s1 =	rddreg [dreg:$0x1];
	p0 =	sne.s32 s2, $0x0  }
0xc5: {  	s3 =	rddreg [dreg:$0x2];
	[bflag:$0x3] =	sbarrier.arrive $0xFFFF;
	s2 =	simm.s32 @!p0 $0x1C02  }
0xc6: {  	[timem:s3], [sflag:s2] =	dma.local @!p0 [hbm:s0], s1  }
0xc7: {  	s0 =	simm.s32 @!p0 $0x2  }
0xc8: {  	_ =	swait.ge @!p0 [sflag:s0], s1  }
0xc9: {  	s1 =	ssub.s32 @!p0 $0x0, s1;
	[sflag:s0] =	ssyncset.done @!p0 $0x0  }
0xca: {  	[sflag:s0] =	ssyncadd.s32 @!p0 s1  }
0xcb: {  	[bflag:$0x3] =	sbarrier.arrive $0xFFFF  }
0xcc: {  	_ =	shalt  }

// kernel: kernel.14.cloned.1.call-start
scs
__scs_entry_jumppad:
0x0: {  	(pc) =	sbr.rel $0x88, $3  }
0x1: {  	(tag) =	ssettag $0x0;
	lr =	simm.s32 $0x1  }
0x2: {  	[smem:$0x3F8F] =	sst lr;
	_ =	strace $0xD0000000  }
0x3: {  	_ = 	snop  }
0x4: {  	_ = 	snop  }
0x5: {  	_ = 	snop  }
0x6: {  	_ = 	snop  }
0x7: {  	_ = 	snop  }
__scs_overlays_trampoline_lowered:
0x8: {  	[smem:$0x3F9E] =	sst s0  }
0x9: {  	[smem:$0x3F9F] =	sst s1  }
0xa: {  	[smem:$0x3FA0] =	sst s2  }
0xb: {  	[smem:$0x3FA1] =	sst s3  }
0xc: {  	[smem:$0x3FA2] =	sst s4  }
0xd: {  	[smem:$0x3FA3] =	sst s5  }
0xe: {  	[smem:$0x3FA4] =	sst s6  }
0xf: {  	[smem:$0x3FA5] =	sst s7  }
0x10: {  	[smem:$0x3FA6] =	sst s8  }
0x11: {  	[smem:$0x3FA7] =	sst s9;
	s0 =	simm.s32 @!p0 $0x0  }
0x12: {  	s1 =	sld [smem:$0x3F8D];
	s0 =	simm.s32 @p0 $0x1  }
0x13: {  	[smem:$0x3FA8] =	sst s0;
	s0 =	simm.s32 @!p1 $0x0  }
0x14: {  	s2 =	sld [smem:$0x3F8C];
	s0 =	simm.s32 @p1 $0x1  }
0x15: {  	[smem:$0x3FA9] =	sst s0;
	s0 =	simm.s32 @!p2 $0x0  }
0x16: {  	s3 =	sld [smem:$0x3FDB];
	s0 =	simm.s32 @p2 $0x1  }
0x17: {  	s4 =	simm.s32 $0x1BF5;
	[smem:$0x3FAB] =	sst s0  }
0x18: {  	s0 =	sld [smem:$0x3F8E];
	_ =	swait.ge [sflag:s4], $0x0  }
0x19: {  	s7 =	sld [smem:$0x3F8F]  }
0x1a: {  	s8 =	sadd.s32 $0xFFFFE003, lr  }
0x1b: {  	s9 =	sadd.s32 $0xFFFFFEF7, lr;
	s5 =	simm.s32 $0xFFFFFFFF;
	p2 =	slt.u32 s8, $0xFFFFF086  }
0x1c: {  	p1 =	slt.u32 s9, $0xF7A;
	s5 =	simm.s32 @!p2 $0x0  }
0x1d: {  	s5 =	simm.s32 @p1 $0x1;
	p0 =	seq.s32 s7, s2  }
0x1e: {  	s7 =	smul.u32 @!p0 $0xF7A, s2;
	p2 =	seq.s32 @!p0 s5, $0x0  }
0x1f: {  	s9 =	smul.u32 $0xF7A, s1;
	s8 =	simm.s32 @!p0 $0x1BF5;
	p2 =	por !p2, p0  }
0x20: {  	[sflag:s8] =	ssyncset.s32 @!p0 $0xFFFFF086;
	s6 =	sadd.s32 @!p0 s3, s7;
	s7 =	simm.s32 @!p0 $0x108  }
0x21: {  	s3 =	sadd.s32 s3, s9;
	s6 =	sadd.s32 @!p0 $0x88, s6;
	s7 =	simm.s32 @p2 $0x1082  }
0x22: {  	[simem:s7], [sflag:s8] =	dma.local @!p0 [hbm:s6], $0xF7A  }
0x23: {  	s9 =	sor.u32 $0xD0000000, s2;
	s6 =	simm.s32 $0x108;
	_ =	swait.ge @!p0 [sflag:s8], $0x0  }
0x24: {  	s3 =	sadd.s32 $0x88, s3;
	s6 =	simm.s32 @!p1 $0x1082;
	[sflag:s4] =	ssyncset.s32 $0xFFFFF086  }
0x25: {  	[simem:s6], [sflag:s4] =	dma.local [hbm:s3], $0xF7A  }
0x26: {  	[smem:$0x3F8F] =	sst s1;
	(tag) =	ssettag s2;
	_ =	strace s9  }
0x27: {  	s1 =	sld [smem:$0x3F9F]  }
0x28: {  	s2 =	sld [smem:$0x3FA0]  }
0x29: {  	s4 =	sld [smem:$0x3FA2]  }
0x2a: {  	p0 =	seq.s32 s5, $0x0;
	s5 =	sld [smem:$0x3FA3]  }
0x2b: {  	s6 =	sld [smem:$0x3FA4]  }
0x2c: {  	s7 =	sld [smem:$0x3FA5]  }
0x2d: {  	s3 =	simm.s32 $0x108;
	s8 =	sld [smem:$0x3FA6]  }
0x2e: {  	s3 =	simm.s32 @!p0 $0x1082;
	s9 =	sld [smem:$0x3FA7]  }
0x2f: {  	lr =	sadd.s32 s0, s3;
	s0 =	sld [smem:$0x3F9E]  }
0x30: {  	s3 =	sld [smem:$0x3FA1]  }
0x31: {  	[smem:$0x3FAA] =	sst s10  }
0x32: {  	s10 =	sld [smem:$0x3FA8];
	_ =	sdelay $0x3  }
0x33: {  	p0 =	seq.s32 s10, $0x1;
	s10 =	sld [smem:$0x3FAA];
	_ =	sdelay $0x3  }
0x34: {  	[smem:$0x3FAA] =	sst s10  }
0x35: {  	s10 =	sld [smem:$0x3FA9];
	_ =	sdelay $0x3  }
0x36: {  	p1 =	seq.s32 s10, $0x1;
	s10 =	sld [smem:$0x3FAA];
	_ =	sdelay $0x3  }
0x37: {  	[smem:$0x3FAA] =	sst s10  }
0x38: {  	s10 =	sld [smem:$0x3FAB]  }
0x39: {  	_ = 	snop;
	(pc) =	sbr.ind lr, $3  }
0x3a: {  	_ = 	snop  }
0x3b: {  	_ = 	snop  }
0x3c: {  	p2 =	seq.s32 s10, $0x1;
	s10 =	sld [smem:$0x3FAA]  }
0x3d: {  	_ =	shalt  }
0x3e: {  	_ =	shalt  }
0x3f: {  	_ =	shalt  }
0x40: {  	_ =	shalt  }
0x41: {  	_ =	shalt  }
0x42: {  	_ =	shalt  }
0x43: {  	_ =	shalt  }
0x44: {  	_ =	shalt  }
0x45: {  	_ =	shalt  }
0x46: {  	_ =	shalt  }
0x47: {  	_ =	shalt  }
0x48: {  	_ =	shalt  }
0x49: {  	_ =	shalt  }
0x4a: {  	_ =	shalt  }
0x4b: {  	_ =	shalt  }
0x4c: {  	_ =	shalt  }
0x4d: {  	_ =	shalt  }
0x4e: {  	_ =	shalt  }
0x4f: {  	_ =	shalt  }
0x50: {  	_ =	shalt  }
0x51: {  	_ =	shalt  }
0x52: {  	_ =	shalt  }
0x53: {  	_ =	shalt  }
0x54: {  	_ =	shalt  }
0x55: {  	_ =	shalt  }
0x56: {  	_ =	shalt  }
0x57: {  	_ =	shalt  }
0x58: {  	_ =	shalt  }
0x59: {  	_ =	shalt  }
0x5a: {  	_ =	shalt  }
0x5b: {  	_ =	shalt  }
0x5c: {  	_ =	shalt  }
0x5d: {  	_ =	shalt  }
0x5e: {  	_ =	shalt  }
0x5f: {  	_ =	shalt  }
0x60: {  	_ =	shalt  }
0x61: {  	_ =	shalt  }
0x62: {  	_ =	shalt  }
0x63: {  	_ =	shalt  }
0x64: {  	_ =	shalt  }
0x65: {  	_ =	shalt  }
0x66: {  	_ =	shalt  }
0x67: {  	_ =	shalt  }
0x68: {  	_ =	shalt  }
0x69: {  	_ =	shalt  }
0x6a: {  	_ =	shalt  }
0x6b: {  	_ =	shalt  }
0x6c: {  	_ =	shalt  }
0x6d: {  	_ =	shalt  }
0x6e: {  	_ =	shalt  }
0x6f: {  	_ =	shalt  }
0x70: {  	_ =	shalt  }
0x71: {  	_ =	shalt  }
0x72: {  	_ =	shalt  }
0x73: {  	_ =	shalt  }
0x74: {  	_ =	shalt  }
0x75: {  	_ =	shalt  }
0x76: {  	_ =	shalt  }
0x77: {  	_ =	shalt  }
0x78: {  	_ =	shalt  }
0x79: {  	_ =	shalt  }
0x7a: {  	_ =	shalt  }
0x7b: {  	_ =	shalt  }
0x7c: {  	_ =	shalt  }
0x7d: {  	_ =	shalt  }
0x7e: {  	_ =	shalt  }
0x7f: {  	_ =	shalt  }
0x80: {  	_ =	shalt  }
0x81: {  	_ =	shalt  }
0x82: {  	_ =	shalt  }
0x83: {  	_ =	shalt  }
0x84: {  	_ =	shalt  }
0x85: {  	_ =	shalt  }
0x86: {  	_ =	shalt  }
0x87: {  	_ =	shalt  }
.Lfunc_end0:
.L_simem_size_0:
called_computation.2_lowered:
.L_overlay_start_0:
0x88: {  	s2 =	sld [smem:$0x3FD9]  }
0x89: {  	s3 =	sld [smem:$0x3FFE];
	_ =	sdelay $0x1  }
0x8a: {  	s1 =	srdreg.scid  }
0x8b: {  	s0 =	sand.u32 $0x1, s1  }
0x8c: {  	s14 =	sshll.u32 s0, $0xA;
	s2 =	sadd.s32 s3, s2  }
0x8d: {  	s2 =	sadd.s32 s2, s14  }
0x8e: {  	[smem:$0x3FB6] =	sst s2  }
0x8f: {  	_ = 	snop  }
0x90: {  	s2 =	sld [smem:$0x3FD0];
	_ =	sdelay $0x2  }
0x91: {  	s15 =	simm.s32 $0xA;
	s4 =	simm.s32 $0x10  }
0x92: {  	[smem:s4], [sflag:s15] =	dma.local [hbm:s2], $0x1  }
0x93: {  	_ =	swait.eq [sflag:s15], $0x1  }
0x94: {  	[sflag:s15] =	ssyncset.done $0x0  }
0x95: {  	s16 =	sld [smem:$0x10];
	[sflag:s15] =	ssyncadd.s32 $0xFFFFFFFF  }
0x96: {  	s17 =	sld [smem:$0x11];
	(tm) =	ssettm $0x1  }
0x97: {  	s18 =	sld [smem:$0x3FFB];
	_ =	sdelay $0x3  }
0x98: {  	_ =	strace s18  }
0x99: {  	s4 =	sld [smem:$0x3FFC];
	_ =	sdelay $0x3  }
0x9a: {  	_ =	strace s4  }
0x9b: {  	s4 =	sld [smem:$0x3FFD];
	_ =	sdelay $0x3  }
0x9c: {  	_ =	strace s4  }
0x9d: {  	_ =	strace $0x8FFFFFFF  }
0x9e: {  	s19 =	sld [smem:$0x3FDB];
	_ =	sdelay $0x1  }
0x9f: {  	s5 =	simm.s32 $_scs_section_size  }
0xa0: {  	s6 =	simm.s32 $_size__tile_overlayer_lowered;
	s7 =	simm.s32 $_tile_overlayer_lowered  }
0xa1: {  	s22 =	simm.s32 $0x1BFF;
	s21 =	sshll.u32 s7, $0x1;
	s4 =	sadd.s32 s5, s19  }
0xa2: {  	s8 =	simm.s32 $0x0;
	s20 =	sshll.u32 s6, $0x1;
	s6 =	sadd.s32 s21, s4  }
0xa3: {  	[timem:s8], [sflag:s22] =	dma.local [hbm:s6], s20  }
0xa4: {  	_ =	swait.ge [sflag:s22], s20  }
0xa5: {  	s5 =	ssub.s32 $0x0, s20;
	[sflag:s22] =	ssyncset.done $0x0  }
0xa6: {  	[sflag:s22] =	ssyncadd.s32 s5;
	_ =	sdelay $0x1  }
0xa7: {  	s23 =	simm.s32 $0x1B8B  }
0xa8: {  	_ =	swait.ge [sflag:s23], $0x1  }
0xa9: {  	[sflag:s23] =	ssyncset.done $0x0  }
0xaa: {  	s25 =	simm.s32 $0x1B8E;
	s24 =	sld [smem:$0x3FFE];
	[sflag:s23] =	ssyncadd.s32 $0xFFFFFFFF  }
0xab: {  	s26 =	simm.s32 $execute0_lowered;
	[smem:$0x3FD2] =	sst s25  }
0xac: {  	s6 =	sshll.u32 s26, $0x1;
	_ =	strace $0x8000004C;
	[dreg:$0x1] =	wrdreg $0xFFFFFFFF  }
0xad: {  	s28 =	simm.s32 $_size_execute0_lowered;
	s4 =	sadd.s32 s4, s6;
	[dreg:$0x0] =	wrdreg $0x0  }
0xae: {  	s6 =	sshll.u32 s28, $0x1;
	[dreg:$0x2] =	wrdreg s4  }
0xaf: {  	[dreg:$0x3] =	wrdreg s6  }
0xb0: {  	[dreg:$0x4] =	wrdreg $0xC0  }
0xb1: {  	_ =	task [dreg:s8], $0x5FFFF  }
0xb2: {  	[dreg:$0x1] =	wrdreg $0xFFFFFFFF  }
0xb3: {  	[dreg:$0x0] =	wrdreg $0x60  }
0xb4: {  	[dreg:$0x2] =	wrdreg s24  }
0xb5: {  	[dreg:$0x3] =	wrdreg s17  }
0xb6: {  	[dreg:$0x4] =	wrdreg s16  }
0xb7: {  	[dreg:$0x5] =	wrdreg $0x9  }
0xb8: {  	_ =	task.clear_ibuf [dreg:s8], $0x6FFFF;
	_ =	strace $0x9000004C  }
0xb9: {  	s29 =	simm.s32 $0x9;
	_ =	strace $0x8000004E  }
0xba: {  	_ =	swait.ge [sflag:s29], $0x1  }
0xbb: {  	[sflag:s29] =	ssyncadd.s32 $0xFFFFFFFF  }
0xbc: {  	_ =	strace $0x9000004E  }
0xbd: {  	_ =	sfence  }
0xbe: {  	s30 =	sld [smem:$0x0];
	_ =	sdelay $0x2  }
0xbf: {  	s31 =	sshll.u32 s1, $0xD;
	s1 =	sshrl.u32 s1, $0x2  }
0xc0: {  	s3 =	sand.u32 $0x4000, s31;
	s1 =	sadd.s32 s1, s30  }
0xc1: {  	s0 =	sor.u32 s3, s0;
	s1 =	sshll.u32 s1, $0x11  }
0xc2: {  	s0 =	sor.u32 s1, s0  }
0xc3: {  	s0 =	sadd.s32 $0x8F2B, s0  }
0xc4: {  	[sflag:s0] =	ssyncadd.remote.s32 $0x1  }
0xc5: {  	_ =	sfence.sel $0xFFFF  }
0xc6: {  	[dreg:$0x0] =	wrdreg $0xFFFFFFFF;
	(pc) =	sbr.abs _section_cstart, $3  }
0xc7: {  	[dreg:$0x1] =	wrdreg $0xFFFFFFFF  }
0xc8: {  	_ =	task.clear_ibuf [dreg:s8], $0x2FFFF;
	_ =	strace $0x9FFFFFFF  }
0xc9: {  	(tm) =	ssettm $0x7FFFFFFF  }
tec
execute0_lowered:
.L_overlay_start_1:
0x0: {  	(tag) =	ssettag $0x1  }
0x1: {  	s1 =	rddreg [dreg:$0x0]  }
0x2: {  	s9 =	rddreg [dreg:$0x1]  }
0x3: {  	s12 =	rddreg [dreg:$0x2]  }
0x4: {  	s0 =	rddreg [dreg:$0x3];
	s4 =	srdreg.scid  }
0x5: {  	s2 =	stileid.u32;
	s3 =	simm.s32 $0x0;
	s20 =	simm.s32 $0x1  }
0x6: {  	s21 =	simm.s32 $0x2800;
	s22 =	simm.s32 $0x5000;
	s23 =	simm.s32 $0x7800  }
0x7: {  	s24 =	simm.s32 $0xA000;
	s25 =	simm.s32 $0xB3C0;
	s26 =	simm.s32 $0xC780  }
0x8: {  	s28 =	simm.s32 $0x0;
	s4 =	sand.u32 $0x1, s4;
	s5 =	sshll.u32 s2, $0x1  }
0x9: {  	[smem:$0x7FF] =	sst s3;
	s6 =	sadd.s32 $0x600, s1;
	s5 =	sor.u32 s4, s5  }
0xa: {  	_ =	strace $0x8000004D;
	s7 =	ssub.s32 $0x2, s4;
	s13 =	smul.u32 $0x278, s5  }
0xb: {  	s4 =	sadd.s32 $0xC00, s1;
	s5 =	sadd.s32 $0x1200, s1;
	s8 =	sshrl.u32 s7, $0x1  }
0xc: {  	s19 =	ssub.s32 s7, s8;
	s18 =	sadd.s32 s13, s1;
	s9 =	sadd.s32 s9, s13  }
0xd: {  	s12 =	sadd.s32 s12, s13;
	s19 =	smax.u32 s19, $0x1;
	s7 =	sadd.s32 $0xBE400, s18  }
0xe: {  	s8 =	sadd.s32 $0xB9400, s18;
	s10 =	sadd.s32 $0xDC400, s18;
	s11 =	sadd.s32 $0xD7400, s18  }
0xf: {  	s13 =	sadd.s32 $0xD2400, s18;
	s14 =	sadd.s32 $0xCD400, s18;
	s15 =	sadd.s32 $0x1800, s18  }
0x10: {  	s16 =	sadd.s32 $0xC8400, s18;
	s17 =	sadd.s32 $0xC3400, s18;
	s18 =	sadd.s32 $0x6800, s18  }
.LBB2_1:
0x11: {  	[tilespmem:s3], [sflag:$0x1] =	stream.linear.gather [hbm4b:s4+s3], $0x2800, $0x38;
	[tilespmem:$0xDB40] =	vst v63  }
0x12: {  	_ =	swait.ge [sflag:s20], $0x2800  }
0x13: {  	[sflag:s20] =	ssyncset.done $0x0  }
0x14: {  	[sflag:s20] =	ssyncadd.s32 $0xFFFFD800  }
0x15: {  	[tilespmem:s21], [sflag:$0x1] =	stream.linear.gather [hbm4b:s5+s3], $0x2800, $0x38;
	[tilespmem:$0xDB40] =	vst v63  }
0x16: {  	_ =	swait.ge [sflag:s20], $0x2800  }
0x17: {  	[sflag:s20] =	ssyncset.done $0x0  }
0x18: {  	[sflag:s20] =	ssyncadd.s32 $0xFFFFD800  }
0x19: {  	[tilespmem:s22], [sflag:$0x1] =	stream.linear.gather [hbm4b:s6+s3], $0x2800, $0x38;
	[tilespmem:$0xDB40] =	vst v63  }
0x1a: {  	_ =	swait.ge [sflag:s20], $0x2800  }
0x1b: {  	[sflag:s20] =	ssyncset.done $0x0  }
0x1c: {  	[sflag:s20] =	ssyncadd.s32 $0xFFFFD800  }
0x1d: {  	[tilespmem:s23], [sflag:$0x1] =	stream.linear.gather [hbm4b:s1+s3], $0x2800, $0x38;
	[tilespmem:$0xDB40] =	vst v63  }
0x1e: {  	_ =	swait.ge [sflag:s20], $0x2800  }
0x1f: {  	[sflag:s20] =	ssyncset.done $0x0  }
0x20: {  	[sflag:s20] =	ssyncadd.s32 $0xFFFFD800  }
0x21: {  	[tilespmem:s24], [sflag:$0x1] =	stream.linear.gather [hbm4b:s7+s3], $0x13C0, $0x38;
	[tilespmem:$0xDB40] =	vst v63  }
0x22: {  	_ =	swait.ge [sflag:s20], $0x13C0  }
0x23: {  	[sflag:s20] =	ssyncset.done $0x0  }
0x24: {  	[sflag:s20] =	ssyncadd.s32 $0xFFFFEC40  }
0x25: {  	[tilespmem:s25], [sflag:$0x1] =	stream.linear.gather [hbm4b:s8+s3], $0x13C0, $0x38;
	[tilespmem:$0xDB40] =	vst v63  }
0x26: {  	_ =	swait.ge [sflag:s20], $0x13C0  }
0x27: {  	[sflag:s20] =	ssyncset.done $0x0  }
0x28: {  	s29 =	simm.s32 $0x0;
	[sflag:s20] =	ssyncadd.s32 $0xFFFFEC40  }
0x29: {  	v0 =	vld [tilespmem:s29+$0xB3C0]  }
0x2a: {  	v1 =	vld [tilespmem:s29+$0xA000];
	_ =	sdelay $0x6  }
0x2b: {  	v0 =	vld.idx.msk [tilespmem:v0+s23+$0x0], $0xffff  }
0x2c: {  	s30 =	simm.s32 $0x10;
	v2 =	vld.idx.msk [tilespmem:v1+s3+$0x0], $0xffff  }
0x2d: {  	s31 =	simm.s32 $0x80;
	v1 =	vld [tilespmem:s30+$0xB3C0]  }
.LBB2_2:
0x2e: {  	p0 =	sne.s32 s31, $0x4EC0;
	v3 =	vld [tilespmem:s30+$0xA000];
	_ =	sdelay $0x3  }
0x2f: {  	v0 =	vadd.f32 v0, v2  }
.Ltmp0:
0x30: {  	(pc) =	sbr.rel @p0 .LBB2_2-.Ltmp0, $4  }
0x31: {  	[tilespmem:s29+$0xC780] =	vst v0;
	s29 =	smov.u32 s30  }
0x32: {  	v0 =	vld.idx.msk [tilespmem:v1+s23+$0x0], $0xffff  }
0x33: {  	s30 =	sshra.s32 s31, $0x2;
	v2 =	vld.idx.msk [tilespmem:v3+s3+$0x0], $0xffff  }
0x34: {  	s31 =	sadd.s32 $0x40, s31;
	v1 =	vld [tilespmem:s30+$0xB3C0]  }
0x35: {  	_ = 	snop  }
0x36: {  	v3 =	vld [tilespmem:s30+$0xA000];
	_ =	sdelay $0x3  }
0x37: {  	v0 =	vadd.f32 v0, v2;
	_ =	sdelay $0x1  }
0x38: {  	[tilespmem:s29+$0xC780] =	vst v0  }
0x39: {  	v0 =	vld.idx.msk [tilespmem:v1+s23+$0x0], $0xffff  }
0x3a: {  	v1 =	vld.idx.msk [tilespmem:v3+s3+$0x0], $0xffff;
	_ =	sdelay $0x4  }
0x3b: {  	v0 =	vadd.f32 v0, v1;
	_ =	sdelay $0x1  }
0x3c: {  	s29 =	simm.s32 $0x0;
	[tilespmem:s30+$0xC780] =	vst v0  }
0x3d: {  	[hbm4b:s9+s29] =	stream.linear.scatter [tilespmem:s26], [sflag:$0x1], $0x13C0, $0x38;
	[tilespmem:$0xDB40] =	vst v63  }
0x3e: {  	_ =	swait.ge [sflag:s20], $0x13C0  }
0x3f: {  	[sflag:s20] =	ssyncset.done $0x0  }
0x40: {  	[sflag:s20] =	ssyncadd.s32 $0xFFFFEC40  }
0x41: {  	[tilespmem:s24], [sflag:$0x1] =	stream.linear.gather [hbm4b:s10+s29], $0x13C0, $0x38;
	[tilespmem:$0xDB40] =	vst v63  }
0x42: {  	_ =	swait.ge [sflag:s20], $0x13C0  }
0x43: {  	[sflag:s20] =	ssyncset.done $0x0  }
0x44: {  	[sflag:s20] =	ssyncadd.s32 $0xFFFFEC40  }
0x45: {  	[tilespmem:s25], [sflag:$0x1] =	stream.linear.gather [hbm4b:s11+s29], $0x13C0, $0x38;
	[tilespmem:$0xDB40] =	vst v63  }
0x46: {  	_ =	swait.ge [sflag:s20], $0x13C0  }
0x47: {  	[sflag:s20] =	ssyncset.done $0x0  }
0x48: {  	s29 =	simm.s32 $0x0;
	[sflag:s20] =	ssyncadd.s32 $0xFFFFEC40  }
0x49: {  	v0 =	vld [tilespmem:s29+$0xB3C0]  }
0x4a: {  	v1 =	vld [tilespmem:s29+$0xA000];
	_ =	sdelay $0x6  }
0x4b: {  	v0 =	vld.idx.msk [tilespmem:v0+s21+$0x0], $0xffff  }
0x4c: {  	s30 =	simm.s32 $0x10;
	v2 =	vld.idx.msk [tilespmem:v1+s22+$0x0], $0xffff  }
0x4d: {  	s31 =	simm.s32 $0x80;
	v1 =	vld [tilespmem:s30+$0xB3C0]  }
.LBB2_4:
0x4e: {  	p0 =	sne.s32 s31, $0x4EC0;
	v3 =	vld [tilespmem:s30+$0xA000];
	_ =	sdelay $0x3  }
0x4f: {  	v0 =	vadd.f32 v0, v2  }
.Ltmp1:
0x50: {  	(pc) =	sbr.rel @p0 .LBB2_4-.Ltmp1, $4  }
0x51: {  	[tilespmem:s29+$0xC780] =	vst v0;
	s29 =	smov.u32 s30  }
0x52: {  	v0 =	vld.idx.msk [tilespmem:v1+s21+$0x0], $0xffff  }
0x53: {  	s30 =	sshra.s32 s31, $0x2;
	v2 =	vld.idx.msk [tilespmem:v3+s22+$0x0], $0xffff  }
0x54: {  	s31 =	sadd.s32 $0x40, s31;
	v1 =	vld [tilespmem:s30+$0xB3C0]  }
0x55: {  	_ = 	snop  }
0x56: {  	v3 =	vld [tilespmem:s30+$0xA000];
	_ =	sdelay $0x3  }
0x57: {  	v0 =	vadd.f32 v0, v2;
	_ =	sdelay $0x1  }
0x58: {  	[tilespmem:s29+$0xC780] =	vst v0  }
0x59: {  	v0 =	vld.idx.msk [tilespmem:v1+s21+$0x0], $0xffff  }
0x5a: {  	v1 =	vld.idx.msk [tilespmem:v3+s22+$0x0], $0xffff;
	_ =	sdelay $0x4  }
0x5b: {  	v0 =	vadd.f32 v0, v1;
	_ =	sdelay $0x1  }
0x5c: {  	s29 =	simm.s32 $0x0;
	[tilespmem:s30+$0xC780] =	vst v0  }
0x5d: {  	[hbm4b:s12+s29] =	stream.linear.scatter [tilespmem:s26], [sflag:$0x1], $0x13C0, $0x38;
	[tilespmem:$0xDB40] =	vst v63  }
0x5e: {  	_ =	swait.ge [sflag:s20], $0x13C0  }
0x5f: {  	[sflag:s20] =	ssyncset.done $0x0  }
0x60: {  	[sflag:s20] =	ssyncadd.s32 $0xFFFFEC40  }
0x61: {  	[tilespmem:s24], [sflag:$0x1] =	stream.linear.gather [hbm4b:s13+s29], $0x13C0, $0x38;
	[tilespmem:$0xDB40] =	vst v63  }
0x62: {  	_ =	swait.ge [sflag:s20], $0x13C0  }
0x63: {  	[sflag:s20] =	ssyncset.done $0x0  }
0x64: {  	[sflag:s20] =	ssyncadd.s32 $0xFFFFEC40  }
0x65: {  	[tilespmem:s25], [sflag:$0x1] =	stream.linear.gather [hbm4b:s14+s29], $0x13C0, $0x38;
	[tilespmem:$0xDB40] =	vst v63  }
0x66: {  	_ =	swait.ge [sflag:s20], $0x13C0  }
0x67: {  	[sflag:s20] =	ssyncset.done $0x0  }
0x68: {  	s29 =	simm.s32 $0x0;
	[sflag:s20] =	ssyncadd.s32 $0xFFFFEC40  }
0x69: {  	v0 =	vld [tilespmem:s29+$0xB3C0]  }
0x6a: {  	v1 =	vld [tilespmem:s29+$0xA000];
	_ =	sdelay $0x6  }
0x6b: {  	v0 =	vld.idx.msk [tilespmem:v0+s23+$0x0], $0xffff  }
0x6c: {  	s30 =	simm.s32 $0x10;
	v2 =	vld.idx.msk [tilespmem:v1+s3+$0x0], $0xffff  }
0x6d: {  	s31 =	simm.s32 $0x80;
	v1 =	vld [tilespmem:s30+$0xB3C0]  }
.LBB2_6:
0x6e: {  	p0 =	sne.s32 s31, $0x4EC0;
	v3 =	vld [tilespmem:s30+$0xA000];
	_ =	sdelay $0x3  }
0x6f: {  	v0 =	vadd.f32 v0, v2  }
.Ltmp2:
0x70: {  	(pc) =	sbr.rel @p0 .LBB2_6-.Ltmp2, $4  }
0x71: {  	[tilespmem:s29+$0xC780] =	vst v0;
	s29 =	smov.u32 s30  }
0x72: {  	v0 =	vld.idx.msk [tilespmem:v1+s23+$0x0], $0xffff  }
0x73: {  	s30 =	sshra.s32 s31, $0x2;
	v2 =	vld.idx.msk [tilespmem:v3+s3+$0x0], $0xffff  }
0x74: {  	s31 =	sadd.s32 $0x40, s31;
	v1 =	vld [tilespmem:s30+$0xB3C0]  }
0x75: {  	_ = 	snop  }
0x76: {  	v3 =	vld [tilespmem:s30+$0xA000];
	_ =	sdelay $0x3  }
0x77: {  	v0 =	vadd.f32 v0, v2;
	_ =	sdelay $0x1  }
0x78: {  	[tilespmem:s29+$0xC780] =	vst v0  }
0x79: {  	v0 =	vld.idx.msk [tilespmem:v1+s23+$0x0], $0xffff  }
0x7a: {  	v1 =	vld.idx.msk [tilespmem:v3+s3+$0x0], $0xffff;
	_ =	sdelay $0x4  }
0x7b: {  	v0 =	vadd.f32 v0, v1;
	_ =	sdelay $0x1  }
0x7c: {  	s29 =	simm.s32 $0x0;
	[tilespmem:s30+$0xC780] =	vst v0  }
0x7d: {  	[hbm4b:s15+s29] =	stream.linear.scatter [tilespmem:s26], [sflag:$0x1], $0x13C0, $0x38;
	[tilespmem:$0xDB40] =	vst v63  }
0x7e: {  	_ =	swait.ge [sflag:s20], $0x13C0  }
0x7f: {  	[sflag:s20] =	ssyncset.done $0x0  }
0x80: {  	[sflag:s20] =	ssyncadd.s32 $0xFFFFEC40  }
0x81: {  	[tilespmem:s24], [sflag:$0x1] =	stream.linear.gather [hbm4b:s16+s29], $0x13C0, $0x38;
	[tilespmem:$0xDB40] =	vst v63  }
0x82: {  	_ =	swait.ge [sflag:s20], $0x13C0  }
0x83: {  	[sflag:s20] =	ssyncset.done $0x0  }
0x84: {  	[sflag:s20] =	ssyncadd.s32 $0xFFFFEC40  }
0x85: {  	[tilespmem:s25], [sflag:$0x1] =	stream.linear.gather [hbm4b:s17+s29], $0x13C0, $0x38;
	[tilespmem:$0xDB40] =	vst v63  }
0x86: {  	_ =	swait.ge [sflag:s20], $0x13C0  }
0x87: {  	[sflag:s20] =	ssyncset.done $0x0  }
0x88: {  	s29 =	simm.s32 $0x0;
	[sflag:s20] =	ssyncadd.s32 $0xFFFFEC40  }
0x89: {  	v0 =	vld [tilespmem:s29+$0xB3C0]  }
0x8a: {  	v1 =	vld [tilespmem:s29+$0xA000];
	_ =	sdelay $0x6  }
0x8b: {  	v0 =	vld.idx.msk [tilespmem:v0+s21+$0x0], $0xffff  }
0x8c: {  	s30 =	simm.s32 $0x10;
	v2 =	vld.idx.msk [tilespmem:v1+s22+$0x0], $0xffff  }
0x8d: {  	s31 =	simm.s32 $0x80;
	v1 =	vld [tilespmem:s30+$0xB3C0]  }
.LBB2_8:
0x8e: {  	p0 =	sne.s32 s31, $0x4EC0;
	v3 =	vld [tilespmem:s30+$0xA000];
	_ =	sdelay $0x3  }
0x8f: {  	v0 =	vadd.f32 v0, v2  }
.Ltmp3:
0x90: {  	(pc) =	sbr.rel @p0 .LBB2_8-.Ltmp3, $4  }
0x91: {  	[tilespmem:s29+$0xC780] =	vst v0;
	s29 =	smov.u32 s30  }
0x92: {  	v0 =	vld.idx.msk [tilespmem:v1+s21+$0x0], $0xffff  }
0x93: {  	s30 =	sshra.s32 s31, $0x2;
	v2 =	vld.idx.msk [tilespmem:v3+s22+$0x0], $0xffff  }
0x94: {  	s31 =	sadd.s32 $0x40, s31;
	v1 =	vld [tilespmem:s30+$0xB3C0]  }
0x95: {  	_ = 	snop  }
0x96: {  	v3 =	vld [tilespmem:s30+$0xA000];
	_ =	sdelay $0x3  }
0x97: {  	v0 =	vadd.f32 v0, v2;
	_ =	sdelay $0x1  }
0x98: {  	[tilespmem:s29+$0xC780] =	vst v0  }
0x99: {  	v0 =	vld.idx.msk [tilespmem:v1+s21+$0x0], $0xffff  }
0x9a: {  	v63 =	vld.idx.msk [tilespmem:v3+s22+$0x0], $0xffff;
	_ =	sdelay $0x4  }
0x9b: {  	s28 =	sadd.s32 $0x1, s28;
	v0 =	vadd.f32 v0, v63  }
0x9c: {  	p0 =	sne.s32 s28, s19  }
.Ltmp4:
0x9d: {  	[tilespmem:s30+$0xC780] =	vst v0;
	(pc) =	sbr.rel @p0 .LBB2_1-.Ltmp4, $4  }
0x9e: {  	[hbm4b:s18+s3] =	stream.linear.scatter [tilespmem:s26], [sflag:$0x1], $0x13C0, $0x38;
	[tilespmem:$0xDB40] =	vst v63  }
0x9f: {  	_ =	swait.ge [sflag:s20], $0x13C0  }
0xa0: {  	[sflag:s20] =	ssyncset.done $0x0  }
0xa1: {  	[sflag:s20] =	ssyncadd.s32 $0xFFFFEC40  }
0xa2: {  	_ =	sfence.sel $0x180000  }
0xa3: {  	[bflag:$0x0] =	sbarrier.arrive $0xFFFF  }
0xa4: {  	p0 =	sne.s32 s2, $0x0;
	_ =	strace $0x9000004D  }
0xa5: {  	s0 =	sadd.s32 @!p0 $0x100000, s0;
	[bflag:$0x2] =	sbarrier.arrive $0xFFFF  }
0xa6: {  	[sflag:s0] =	ssyncadd.tile.s32 @!p0 $0x1;
	_ =	shalt  }
.Lfunc_end2:
_tile_overlayer_lowered:
.L_overlay_start_2:
0xa7: {  	(tag) =	ssettag $0x2  }
0xa8: {  	s0 =	rddreg [dreg:$0x0];
	s2 =	stileid.u32  }
0xa9: {  	s1 =	rddreg [dreg:$0x1];
	p0 =	sne.s32 s2, $0x0  }
0xaa: {  	s3 =	rddreg [dreg:$0x2];
	[bflag:$0x3] =	sbarrier.arrive $0xFFFF;
	s2 =	simm.s32 @!p0 $0x1C01  }
0xab: {  	[timem:s3], [sflag:s2] =	dma.local @!p0 [hbm:s0], s1  }
0xac: {  	s0 =	simm.s32 @!p0 $0x1  }
0xad: {  	_ =	swait.ge @!p0 [sflag:s0], s1  }
0xae: {  	s1 =	ssub.s32 @!p0 $0x0, s1;
	[sflag:s0] =	ssyncset.done @!p0 $0x0  }
0xaf: {  	[sflag:s0] =	ssyncadd.s32 @!p0 s1  }
0xb0: {  	[bflag:$0x3] =	sbarrier.arrive $0xFFFF  }
0xb1: {  	_ =	shalt  }

// kernel: kernel.8.cloned.1.call-start
scs
__scs_entry_jumppad:
0x0: {  	(pc) =	sbr.rel $0x88, $3  }
0x1: {  	(tag) =	ssettag $0x0;
	lr =	simm.s32 $0x1  }
0x2: {  	[smem:$0x3F8F] =	sst lr;
	_ =	strace $0xD0000000  }
0x3: {  	_ = 	snop  }
0x4: {  	_ = 	snop  }
0x5: {  	_ = 	snop  }
0x6: {  	_ = 	snop  }
0x7: {  	_ = 	snop  }
__scs_overlays_trampoline_lowered:
0x8: {  	[smem:$0x3F9E] =	sst s0  }
0x9: {  	[smem:$0x3F9F] =	sst s1  }
0xa: {  	[smem:$0x3FA0] =	sst s2  }
0xb: {  	[smem:$0x3FA1] =	sst s3  }
0xc: {  	[smem:$0x3FA2] =	sst s4  }
0xd: {  	[smem:$0x3FA3] =	sst s5  }
0xe: {  	[smem:$0x3FA4] =	sst s6  }
0xf: {  	[smem:$0x3FA5] =	sst s7  }
0x10: {  	[smem:$0x3FA6] =	sst s8  }
0x11: {  	[smem:$0x3FA7] =	sst s9;
	s0 =	simm.s32 @!p0 $0x0  }
0x12: {  	s1 =	sld [smem:$0x3F8D];
	s0 =	simm.s32 @p0 $0x1  }
0x13: {  	[smem:$0x3FA8] =	sst s0;
	s0 =	simm.s32 @!p1 $0x0  }
0x14: {  	s2 =	sld [smem:$0x3F8C];
	s0 =	simm.s32 @p1 $0x1  }
0x15: {  	[smem:$0x3FA9] =	sst s0;
	s0 =	simm.s32 @!p2 $0x0  }
0x16: {  	s3 =	sld [smem:$0x3FDB];
	s0 =	simm.s32 @p2 $0x1  }
0x17: {  	s4 =	simm.s32 $0x1BF5;
	[smem:$0x3FAB] =	sst s0  }
0x18: {  	s0 =	sld [smem:$0x3F8E];
	_ =	swait.ge [sflag:s4], $0x0  }
0x19: {  	s7 =	sld [smem:$0x3F8F]  }
0x1a: {  	s8 =	sadd.s32 $0xFFFFE003, lr  }
0x1b: {  	s9 =	sadd.s32 $0xFFFFFEF7, lr;
	s5 =	simm.s32 $0xFFFFFFFF;
	p2 =	slt.u32 s8, $0xFFFFF086  }
0x1c: {  	p1 =	slt.u32 s9, $0xF7A;
	s5 =	simm.s32 @!p2 $0x0  }
0x1d: {  	s5 =	simm.s32 @p1 $0x1;
	p0 =	seq.s32 s7, s2  }
0x1e: {  	s7 =	smul.u32 @!p0 $0xF7A, s2;
	p2 =	seq.s32 @!p0 s5, $0x0  }
0x1f: {  	s9 =	smul.u32 $0xF7A, s1;
	s8 =	simm.s32 @!p0 $0x1BF5;
	p2 =	por !p2, p0  }
0x20: {  	[sflag:s8] =	ssyncset.s32 @!p0 $0xFFFFF086;
	s6 =	sadd.s32 @!p0 s3, s7;
	s7 =	simm.s32 @!p0 $0x108  }
0x21: {  	s3 =	sadd.s32 s3, s9;
	s6 =	sadd.s32 @!p0 $0x88, s6;
	s7 =	simm.s32 @p2 $0x1082  }
0x22: {  	[simem:s7], [sflag:s8] =	dma.local @!p0 [hbm:s6], $0xF7A  }
0x23: {  	s9 =	sor.u32 $0xD0000000, s2;
	s6 =	simm.s32 $0x108;
	_ =	swait.ge @!p0 [sflag:s8], $0x0  }
0x24: {  	s3 =	sadd.s32 $0x88, s3;
	s6 =	simm.s32 @!p1 $0x1082;
	[sflag:s4] =	ssyncset.s32 $0xFFFFF086  }
0x25: {  	[simem:s6], [sflag:s4] =	dma.local [hbm:s3], $0xF7A  }
0x26: {  	[smem:$0x3F8F] =	sst s1;
	(tag) =	ssettag s2;
	_ =	strace s9  }
0x27: {  	s1 =	sld [smem:$0x3F9F]  }
0x28: {  	s2 =	sld [smem:$0x3FA0]  }
0x29: {  	s4 =	sld [smem:$0x3FA2]  }
0x2a: {  	p0 =	seq.s32 s5, $0x0;
	s5 =	sld [smem:$0x3FA3]  }
0x2b: {  	s6 =	sld [smem:$0x3FA4]  }
0x2c: {  	s7 =	sld [smem:$0x3FA5]  }
0x2d: {  	s3 =	simm.s32 $0x108;
	s8 =	sld [smem:$0x3FA6]  }
0x2e: {  	s3 =	simm.s32 @!p0 $0x1082;
	s9 =	sld [smem:$0x3FA7]  }
0x2f: {  	lr =	sadd.s32 s0, s3;
	s0 =	sld [smem:$0x3F9E]  }
0x30: {  	s3 =	sld [smem:$0x3FA1]  }
0x31: {  	[smem:$0x3FAA] =	sst s10  }
0x32: {  	s10 =	sld [smem:$0x3FA8];
	_ =	sdelay $0x3  }
0x33: {  	p0 =	seq.s32 s10, $0x1;
	s10 =	sld [smem:$0x3FAA];
	_ =	sdelay $0x3  }
0x34: {  	[smem:$0x3FAA] =	sst s10  }
0x35: {  	s10 =	sld [smem:$0x3FA9];
	_ =	sdelay $0x3  }
0x36: {  	p1 =	seq.s32 s10, $0x1;
	s10 =	sld [smem:$0x3FAA];
	_ =	sdelay $0x3  }
0x37: {  	[smem:$0x3FAA] =	sst s10  }
0x38: {  	s10 =	sld [smem:$0x3FAB]  }
0x39: {  	_ = 	snop;
	(pc) =	sbr.ind lr, $3  }
0x3a: {  	_ = 	snop  }
0x3b: {  	_ = 	snop  }
0x3c: {  	p2 =	seq.s32 s10, $0x1;
	s10 =	sld [smem:$0x3FAA]  }
0x3d: {  	_ =	shalt  }
0x3e: {  	_ =	shalt  }
0x3f: {  	_ =	shalt  }
0x40: {  	_ =	shalt  }
0x41: {  	_ =	shalt  }
0x42: {  	_ =	shalt  }
0x43: {  	_ =	shalt  }
0x44: {  	_ =	shalt  }
0x45: {  	_ =	shalt  }
0x46: {  	_ =	shalt  }
0x47: {  	_ =	shalt  }
0x48: {  	_ =	shalt  }
0x49: {  	_ =	shalt  }
0x4a: {  	_ =	shalt  }
0x4b: {  	_ =	shalt  }
0x4c: {  	_ =	shalt  }
0x4d: {  	_ =	shalt  }
0x4e: {  	_ =	shalt  }
0x4f: {  	_ =	shalt  }
0x50: {  	_ =	shalt  }
0x51: {  	_ =	shalt  }
0x52: {  	_ =	shalt  }
0x53: {  	_ =	shalt  }
0x54: {  	_ =	shalt  }
0x55: {  	_ =	shalt  }
0x56: {  	_ =	shalt  }
0x57: {  	_ =	shalt  }
0x58: {  	_ =	shalt  }
0x59: {  	_ =	shalt  }
0x5a: {  	_ =	shalt  }
0x5b: {  	_ =	shalt  }
0x5c: {  	_ =	shalt  }
0x5d: {  	_ =	shalt  }
0x5e: {  	_ =	shalt  }
0x5f: {  	_ =	shalt  }
0x60: {  	_ =	shalt  }
0x61: {  	_ =	shalt  }
0x62: {  	_ =	shalt  }
0x63: {  	_ =	shalt  }
0x64: {  	_ =	shalt  }
0x65: {  	_ =	shalt  }
0x66: {  	_ =	shalt  }
0x67: {  	_ =	shalt  }
0x68: {  	_ =	shalt  }
0x69: {  	_ =	shalt  }
0x6a: {  	_ =	shalt  }
0x6b: {  	_ =	shalt  }
0x6c: {  	_ =	shalt  }
0x6d: {  	_ =	shalt  }
0x6e: {  	_ =	shalt  }
0x6f: {  	_ =	shalt  }
0x70: {  	_ =	shalt  }
0x71: {  	_ =	shalt  }
0x72: {  	_ =	shalt  }
0x73: {  	_ =	shalt  }
0x74: {  	_ =	shalt  }
0x75: {  	_ =	shalt  }
0x76: {  	_ =	shalt  }
0x77: {  	_ =	shalt  }
0x78: {  	_ =	shalt  }
0x79: {  	_ =	shalt  }
0x7a: {  	_ =	shalt  }
0x7b: {  	_ =	shalt  }
0x7c: {  	_ =	shalt  }
0x7d: {  	_ =	shalt  }
0x7e: {  	_ =	shalt  }
0x7f: {  	_ =	shalt  }
0x80: {  	_ =	shalt  }
0x81: {  	_ =	shalt  }
0x82: {  	_ =	shalt  }
0x83: {  	_ =	shalt  }
0x84: {  	_ =	shalt  }
0x85: {  	_ =	shalt  }
0x86: {  	_ =	shalt  }
0x87: {  	_ =	shalt  }
.Lfunc_end0:
.L_simem_size_0:
called_computation_lowered:
.L_overlay_start_0:
0x88: {  	s2 =	sld [smem:$0x3FD9]  }
0x89: {  	s3 =	sld [smem:$0x3FFE];
	_ =	sdelay $0x1  }
0x8a: {  	s1 =	srdreg.scid  }
0x8b: {  	s0 =	sand.u32 $0x1, s1  }
0x8c: {  	s14 =	sshll.u32 s0, $0xA;
	s2 =	sadd.s32 s3, s2  }
0x8d: {  	s2 =	sadd.s32 s2, s14  }
0x8e: {  	[smem:$0x3FB6] =	sst s2  }
0x8f: {  	_ = 	snop  }
0x90: {  	s2 =	sld [smem:$0x3FD0];
	_ =	sdelay $0x2  }
0x91: {  	s15 =	simm.s32 $0xA;
	s4 =	simm.s32 $0x10  }
0x92: {  	[smem:s4], [sflag:s15] =	dma.local [hbm:s2], $0x1  }
0x93: {  	_ =	swait.eq [sflag:s15], $0x1  }
0x94: {  	[sflag:s15] =	ssyncset.done $0x0  }
0x95: {  	s16 =	sld [smem:$0x10];
	[sflag:s15] =	ssyncadd.s32 $0xFFFFFFFF  }
0x96: {  	s17 =	sld [smem:$0x11];
	(tm) =	ssettm $0x1  }
0x97: {  	s18 =	sld [smem:$0x3FFB];
	_ =	sdelay $0x3  }
0x98: {  	_ =	strace s18  }
0x99: {  	s4 =	sld [smem:$0x3FFC];
	_ =	sdelay $0x3  }
0x9a: {  	_ =	strace s4  }
0x9b: {  	s4 =	sld [smem:$0x3FFD];
	_ =	sdelay $0x3  }
0x9c: {  	_ =	strace s4  }
0x9d: {  	_ =	strace $0x8FFFFFFF  }
0x9e: {  	s19 =	sld [smem:$0x3FDB];
	_ =	sdelay $0x1  }
0x9f: {  	s5 =	simm.s32 $_scs_section_size  }
0xa0: {  	s6 =	simm.s32 $_size__tile_overlayer_lowered;
	s7 =	simm.s32 $_tile_overlayer_lowered  }
0xa1: {  	s22 =	simm.s32 $0x1BFF;
	s21 =	sshll.u32 s7, $0x1;
	s4 =	sadd.s32 s5, s19  }
0xa2: {  	s8 =	simm.s32 $0x0;
	s20 =	sshll.u32 s6, $0x1;
	s6 =	sadd.s32 s21, s4  }
0xa3: {  	[timem:s8], [sflag:s22] =	dma.local [hbm:s6], s20  }
0xa4: {  	_ =	swait.ge [sflag:s22], s20  }
0xa5: {  	s5 =	ssub.s32 $0x0, s20;
	[sflag:s22] =	ssyncset.done $0x0  }
0xa6: {  	[sflag:s22] =	ssyncadd.s32 s5;
	_ =	sdelay $0x1  }
0xa7: {  	s23 =	simm.s32 $0x1B8B  }
0xa8: {  	_ =	swait.ge [sflag:s23], $0x1  }
0xa9: {  	[sflag:s23] =	ssyncset.done $0x0  }
0xaa: {  	s25 =	simm.s32 $0x1B8E;
	s24 =	sld [smem:$0x3FFE];
	[sflag:s23] =	ssyncadd.s32 $0xFFFFFFFF  }
0xab: {  	s26 =	simm.s32 $execute0_lowered;
	[smem:$0x3FD2] =	sst s25  }
0xac: {  	s6 =	sshll.u32 s26, $0x1;
	_ =	strace $0x80000046;
	[dreg:$0x1] =	wrdreg $0xFFFFFFFF  }
0xad: {  	s28 =	simm.s32 $_size_execute0_lowered;
	s4 =	sadd.s32 s4, s6;
	[dreg:$0x0] =	wrdreg $0x0  }
0xae: {  	s6 =	sshll.u32 s28, $0x1;
	[dreg:$0x2] =	wrdreg s4  }
0xaf: {  	[dreg:$0x3] =	wrdreg s6  }
0xb0: {  	[dreg:$0x4] =	wrdreg $0xC0  }
0xb1: {  	_ =	task [dreg:s8], $0x5FFFF  }
0xb2: {  	[dreg:$0x1] =	wrdreg $0xFFFFFFFF  }
0xb3: {  	[dreg:$0x0] =	wrdreg $0x60  }
0xb4: {  	[dreg:$0x2] =	wrdreg s24  }
0xb5: {  	[dreg:$0x3] =	wrdreg s16  }
0xb6: {  	[dreg:$0x4] =	wrdreg s17  }
0xb7: {  	[dreg:$0x5] =	wrdreg $0x49000  }
0xb8: {  	[dreg:$0x6] =	wrdreg $0x189000  }
0xb9: {  	[dreg:$0x7] =	wrdreg $0x9  }
0xba: {  	_ =	task.clear_ibuf [dreg:s8], $0x8FFFF;
	_ =	strace $0x90000046  }
0xbb: {  	s29 =	simm.s32 $0x9;
	_ =	strace $0x80000048  }
0xbc: {  	_ =	swait.ge [sflag:s29], $0x1  }
0xbd: {  	[sflag:s29] =	ssyncadd.s32 $0xFFFFFFFF  }
0xbe: {  	_ =	strace $0x90000048  }
0xbf: {  	_ =	sfence  }
0xc0: {  	s30 =	sld [smem:$0x0];
	_ =	sdelay $0x2  }
0xc1: {  	s31 =	sshll.u32 s1, $0xD;
	s1 =	sshrl.u32 s1, $0x2  }
0xc2: {  	s3 =	sand.u32 $0x4000, s31;
	s1 =	sadd.s32 s1, s30  }
0xc3: {  	s0 =	sor.u32 s3, s0;
	s1 =	sshll.u32 s1, $0x11  }
0xc4: {  	s0 =	sor.u32 s1, s0  }
0xc5: {  	s0 =	sadd.s32 $0x8F2B, s0  }
0xc6: {  	[sflag:s0] =	ssyncadd.remote.s32 $0x1  }
0xc7: {  	_ =	sfence.sel $0xFFFF  }
0xc8: {  	[dreg:$0x0] =	wrdreg $0xFFFFFFFF;
	(pc) =	sbr.abs _section_cstart, $3  }
0xc9: {  	[dreg:$0x1] =	wrdreg $0xFFFFFFFF  }
0xca: {  	_ =	task.clear_ibuf [dreg:s8], $0x2FFFF;
	_ =	strace $0x9FFFFFFF  }
0xcb: {  	(tm) =	ssettm $0x7FFFFFFF  }
tec
execute0_lowered:
.L_overlay_start_1:
0x0: {  	(tag) =	ssettag $0x1  }
0x1: {  	s1 =	rddreg [dreg:$0x0]  }
0x2: {  	s6 =	rddreg [dreg:$0x1]  }
0x3: {  	s7 =	rddreg [dreg:$0x2]  }
0x4: {  	s3 =	rddreg [dreg:$0x3]  }
0x5: {  	s4 =	rddreg [dreg:$0x4];
	s21 =	stileid.u32  }
0x6: {  	s0 =	srdreg.scid;
	s8 =	smul.u32 $0x4F0, s21  }
0x7: {  	s5 =	simm.s32 $0x0;
	s9 =	sand.u32 $0x1, s0;
	s10 =	smul.u32 $0x280, s21  }
0x8: {  	[smem:$0x7FF] =	sst s5;
	s0 =	smul.u32 $0x2800, s21;
	s12 =	sadd.s32 $0xFFC00, s1  }
0x9: {  	s2 =	ssub.s32 $0x2, s9;
	_ =	strace $0x80000047;
	p0 =	sne.s32 s9, $0x0  }
0xa: {  	s11 =	sshrl.u32 s2, $0x1;
	s13 =	sadd.s32 $0x100, s10;
	s14 =	sadd.s32 $0x180, s10  }
0xb: {  	s15 =	sshrl.u32 s0, $0x3;
	s0 =	sadd.s32 s0, s4;
	s2 =	ssub.s32 s2, s11  }
0xc: {  	s11 =	sadd.s32 $0x80, s10;
	s10 =	sadd.s32 $0x200, s10;
	s16 =	sadd.s32 s7, s15  }
0xd: {  	s26 =	sshll.u32 s13, $0x1;
	s18 =	sshll.u32 s14, $0x1;
	[smem:$0x7FA] =	sst s0  }
0xe: {  	s20 =	sadd.s32 s12, s15;
	s9 =	sshll.u32 s13, $0x4;
	[dreg:$0x6] =	wrdreg s16  }
0xf: {  	s25 =	sshll.u32 s11, $0x1;
	s19 =	sadd.s32 s7, s26;
	s28 =	sadd.s32 s7, s18  }
0x10: {  	s29 =	sshll.u32 s10, $0x1;
	[dreg:$0xb] =	wrdreg s20;
	s23 =	sadd.s32 s12, s26  }
0x11: {  	s24 =	sadd.s32 s12, s18;
	s16 =	sadd.s32 s8, s6;
	[dreg:$0x8] =	wrdreg s19  }
0x12: {  	s26 =	sshll.u32 s11, $0x7;
	s20 =	sshll.u32 s10, $0x7;
	[dreg:$0x9] =	wrdreg s28  }
0x13: {  	s10 =	sshll.u32 s10, $0x4;
	s17 =	sadd.s32 s7, s25;
	[dreg:$0xd] =	wrdreg s23  }
0x14: {  	s7 =	sadd.s32 s7, s29;
	s22 =	sadd.s32 s12, s25;
	[dreg:$0xe] =	wrdreg s24  }
0x15: {  	s25 =	sadd.s32 s12, s29;
	s28 =	sshll.u32 s13, $0x7;
	[dreg:$0x7] =	wrdreg s17  }
0x16: {  	s29 =	smul.u32 $0xA000, s21;
	s12 =	sshll.u32 s14, $0x7;
	[dreg:$0xa] =	wrdreg s7  }
0x17: {  	s21 =	smul.u32 $0x14000, s21;
	s23 =	sadd.s32 $0xD7C00, s1;
	[dreg:$0xc] =	wrdreg s22  }
0x18: {  	[dreg:$0xf] =	wrdreg s25;
	s7 =	sadd.s32 s8, s1;
	s17 =	sadd.s32 s26, s3  }
0x19: {  	s18 =	sadd.s32 s28, s3;
	s19 =	sadd.s32 s12, s3;
	s26 =	sadd.s32 s23, s9  }
0x1a: {  	s8 =	sshll.u32 s11, $0x4;
	s12 =	sadd.s32 s23, s10;
	[dreg:$0x13] =	wrdreg s26  }
0x1b: {  	s11 =	sshll.u32 s14, $0x4;
	s25 =	sadd.s32 s23, s8;
	[dreg:$0x15] =	wrdreg s12  }
0x1c: {  	s15 =	sshrl.u32 s29, $0x2;
	s28 =	sadd.s32 s23, s11;
	[dreg:$0x12] =	wrdreg s25  }
0x1d: {  	s13 =	sadd.s32 $0xAFC00, s1;
	s6 =	sadd.s32 s15, s4;
	[dreg:$0x14] =	wrdreg s28  }
0x1e: {  	s12 =	sadd.s32 $0x12CC00, s1;
	s15 =	sadd.s32 s13, s8;
	[dreg:$0x10] =	wrdreg s6  }
0x1f: {  	s26 =	sadd.s32 s12, s8;
	[dreg:$0x17] =	wrdreg s15  }
0x20: {  	s22 =	sadd.s32 s21, s3;
	s28 =	sadd.s32 s12, s9;
	[dreg:$0x1c] =	wrdreg s26  }
0x21: {  	s6 =	sshrl.u32 s21, $0x3;
	s21 =	sadd.s32 s13, s9;
	[dreg:$0x1d] =	wrdreg s28  }
0x22: {  	s28 =	sadd.s32 $0xAF000, s1;
	[dreg:$0x18] =	wrdreg s21  }
0x23: {  	s24 =	sadd.s32 s23, s6;
	[smem:$0x7FC] =	sst s28  }
0x24: {  	s20 =	sadd.s32 s20, s3;
	s29 =	sadd.s32 s13, s6;
	[dreg:$0x11] =	wrdreg s24  }
0x25: {  	s30 =	sadd.s32 $0xAA000, s7;
	s23 =	sadd.s32 s13, s11;
	[dreg:$0x16] =	wrdreg s29  }
0x26: {  	s31 =	sadd.s32 $0xA0000, s7;
	s13 =	sadd.s32 s13, s10;
	[dreg:$0x19] =	wrdreg s23  }
0x27: {  	s0 =	sadd.s32 $0xA5000, s7;
	s25 =	sadd.s32 s12, s6;
	[dreg:$0x1a] =	wrdreg s13  }
0x28: {  	s7 =	sadd.s32 $0x28000, s1;
	[dreg:$0x1b] =	wrdreg s25;
	s29 =	sadd.s32 s12, s11  }
0x29: {  	s26 =	sadd.s32 s10, s4;
	s12 =	sadd.s32 s12, s10;
	[dreg:$0x1e] =	wrdreg s29  }
0x2a: {  	s24 =	sadd.s32 $0x104C00, s1;
	s25 =	smax.u32 s2, $0x1;
	[dreg:$0x1f] =	wrdreg s12  }
0x2b: {  	s23 =	sadd.s32 s11, s4;
	s6 =	sadd.s32 s24, s6;
	[smem:$0x7FB] =	sst s25  }
0x2c: {  	s2 =	sadd.s32 $0x78000, s1;
	s12 =	sadd.s32 s8, s4;
	[smem:$0x7F4] =	sst s6  }
0x2d: {  	s13 =	simm.s32 $0x2;
	s14 =	sadd.s32 s24, s8;
	[smem:$0x7F5] =	sst s12  }
0x2e: {  	s15 =	sadd.s32 s24, s9;
	s21 =	sadd.s32 s24, s11;
	[smem:$0x7F6] =	sst s14  }
.Ltmp0:
0x2f: {  	s24 =	sadd.s32 s24, s10;
	[smem:$0x7F7] =	sst s15;
	(pc) =	sbr.rel .LBB2_1-.Ltmp0, $4  }
0x30: {  	s8 =	sadd.s32 $0xAF200, s1;
	s29 =	sadd.s32 $0xAFA00, s1;
	[smem:$0x7F8] =	sst s21  }
0x31: {  	s11 =	simm.s32 $0x100;
	s25 =	simm.s32 $0x1;
	[smem:$0x7F9] =	sst s24  }
0x32: {  	s14 =	sadd.s32 s9, s4;
	s6 =	sadd.s32 $0x50000, s1;
	[smem:$0x7FD] =	sst s29  }
0x33: {  	s15 =	simm.s32 $0x4100;
	s24 =	simm.s32 $0x80;
	s21 =	simm.s32 $0x0  }
.LBB2_14:
0x34: {  	s9 =	sadd.s32 s28, s0;
	[sflag:s13] =	ssyncadd.s32 $0xFFFFC000  }
0x35: {  	[tilespmem:s5], [sflag:$0x2] =	stream.linear.gather [hbm4b:s9+s5], $0x80, $0x38;
	[tilespmem:$0x1B100] =	vst v63  }
0x36: {  	_ =	swait.ge [sflag:s13], $0x80  }
0x37: {  	[sflag:s13] =	ssyncset.done $0x0  }
0x38: {  	s28 =	sadd.s32 s28, s31;
	[sflag:s13] =	ssyncadd.s32 $0xFFFFFF80  }
0x39: {  	[tilespmem:s24], [sflag:$0x2] =	stream.linear.gather [hbm4b:s28+s5], $0x80, $0x38;
	[tilespmem:$0x1B100] =	vst v63  }
0x3a: {  	_ =	swait.ge [sflag:s13], $0x80  }
0x3b: {  	[sflag:s13] =	ssyncset.done $0x0  }
0x3c: {  	[sflag:s13] =	ssyncadd.s32 $0xFFFFFF80  }
0x3d: {  	[tilespmem:s11], [sflag:$0x1] =	stream.indirect.gather [hbm4b:s1+s24], $0x80, s5, s24, $0xb8;
	[tilespmem:$0x1B100] =	vst v63  }
0x3e: {  	_ =	swait.ge [sflag:s25], $0x4000  }
0x3f: {  	[sflag:s25] =	ssyncset.done $0x0  }
0x40: {  	[sflag:s25] =	ssyncadd.s32 $0xFFFFC000  }
0x41: {  	[spmem:s3] =	stream.indirect.scatter.add.f32 [tilespmem:s11], [sflag:$0x2], $0x80, s24, s24, $0xb8;
	[tilespmem:$0x1B100] =	vst v63  }
0x42: {  	_ =	swait.ge [sflag:s13], $0x4000  }
0x43: {  	[sflag:s13] =	ssyncset.done $0x0  }
0x44: {  	[sflag:s13] =	ssyncadd.s32 $0xFFFFC000  }
0x45: {  	[bflag:$0x0] =	sbarrier.arrive $0xFFFF  }
0x46: {  	[tilespmem:s11], [sflag:$0x2] =	stream.linear.gather [spmem:s22], $0x4000, $0x38;
	[tilespmem:$0x1B100] =	vst v63  }
0x47: {  	_ =	swait.ge [sflag:s13], $0x4000  }
0x48: {  	[sflag:s13] =	ssyncset.done $0x0  }
0x49: {  	s29 =	rddreg [dreg:$0x1b];
	[sflag:s13] =	ssyncadd.s32 $0xFFFFC000  }
0x4a: {  	[hbm4b:s29+s5] =	stream.linear.scatter [tilespmem:s11], [sflag:$0x2], $0x4000, $0x38;
	[tilespmem:$0x1B100] =	vst v63  }
0x4b: {  	_ =	swait.ge [sflag:s13], $0x4000  }
0x4c: {  	[sflag:s13] =	ssyncset.done $0x0  }
0x4d: {  	[sflag:s13] =	ssyncadd.s32 $0xFFFFC000  }
0x4e: {  	[tilespmem:s11], [sflag:$0x2] =	stream.linear.gather [spmem:s17], $0x4000, $0x38;
	[tilespmem:$0x1B100] =	vst v63  }
0x4f: {  	_ =	swait.ge [sflag:s13], $0x4000  }
0x50: {  	[sflag:s13] =	ssyncset.done $0x0  }
0x51: {  	s10 =	rddreg [dreg:$0x1c];
	[sflag:s13] =	ssyncadd.s32 $0xFFFFC000  }
0x52: {  	[hbm4b:s10+s5] =	stream.linear.scatter [tilespmem:s11], [sflag:$0x2], $0x4000, $0x38;
	[tilespmem:$0x1B100] =	vst v63  }
0x53: {  	_ =	swait.ge [sflag:s13], $0x4000  }
0x54: {  	[sflag:s13] =	ssyncset.done $0x0  }
0x55: {  	[sflag:s13] =	ssyncadd.s32 $0xFFFFC000  }
0x56: {  	[tilespmem:s11], [sflag:$0x2] =	stream.linear.gather [spmem:s18], $0x4000, $0x38;
	[tilespmem:$0x1B100] =	vst v63  }
0x57: {  	_ =	swait.ge [sflag:s13], $0x4000  }
0x58: {  	[sflag:s13] =	ssyncset.done $0x0  }
0x59: {  	s12 =	rddreg [dreg:$0x1d];
	[sflag:s13] =	ssyncadd.s32 $0xFFFFC000  }
0x5a: {  	[hbm4b:s12+s5] =	stream.linear.scatter [tilespmem:s11], [sflag:$0x2], $0x4000, $0x38;
	[tilespmem:$0x1B100] =	vst v63  }
0x5b: {  	_ =	swait.ge [sflag:s13], $0x4000  }
0x5c: {  	[sflag:s13] =	ssyncset.done $0x0  }
0x5d: {  	[sflag:s13] =	ssyncadd.s32 $0xFFFFC000  }
0x5e: {  	[tilespmem:s11], [sflag:$0x2] =	stream.linear.gather [spmem:s19], $0x4000, $0x38;
	[tilespmem:$0x1B100] =	vst v63  }
0x5f: {  	_ =	swait.ge [sflag:s13], $0x4000  }
0x60: {  	[sflag:s13] =	ssyncset.done $0x0  }
0x61: {  	s28 =	rddreg [dreg:$0x1e];
	[sflag:s13] =	ssyncadd.s32 $0xFFFFC000  }
0x62: {  	[hbm4b:s28+s5] =	stream.linear.scatter [tilespmem:s11], [sflag:$0x2], $0x4000, $0x38;
	[tilespmem:$0x1B100] =	vst v63  }
0x63: {  	_ =	swait.ge [sflag:s13], $0x4000  }
0x64: {  	[sflag:s13] =	ssyncset.done $0x0  }
0x65: {  	[sflag:s13] =	ssyncadd.s32 $0xFFFFC000  }
0x66: {  	[tilespmem:s11], [sflag:$0x2] =	stream.linear.gather [spmem:s20], $0x4000, $0x38;
	[tilespmem:$0x1B100] =	vst v63  }
0x67: {  	_ =	swait.ge [sflag:s13], $0x4000  }
0x68: {  	[sflag:s13] =	ssyncset.done $0x0  }
0x69: {  	s29 =	rddreg [dreg:$0x1f];
	[sflag:s13] =	ssyncadd.s32 $0xFFFFC000  }
0x6a: {  	[hbm4b:s29+s5] =	stream.linear.scatter [tilespmem:s11], [sflag:$0x2], $0x4000, $0x38;
	[tilespmem:$0x1B100] =	vst v63  }
0x6b: {  	_ =	swait.ge [sflag:s13], $0x4000  }
0x6c: {  	[sflag:s13] =	ssyncset.done $0x0  }
0x6d: {  	[sflag:s13] =	ssyncadd.s32 $0xFFFFC000  }
.LBB2_15:
0x6e: {  	s9 =	sld [smem:$0x7FB];
	_ =	sdelay $0x1  }
0x6f: {  	s21 =	sadd.s32 $0x1, s21  }
0x70: {  	p1 =	sne.s32 s21, s9  }
.Ltmp1:
0x71: {  	_ = 	snop;
	(pc) =	sbr.rel @!p1 .LBB2_16-.Ltmp1, $1  }
0x72: {  	_ =	sdelay $0x3  }
.LBB2_1:
0x73: {  	[tilespmem:s11], [sflag:$0x2] =	stream.linear.gather [hbm4b:s8+s5], $0x4000, $0x38;
	[tilespmem:$0x1B100] =	vst v63  }
0x74: {  	_ =	swait.ge [sflag:s13], $0x4000  }
0x75: {  	[sflag:s13] =	ssyncset.done $0x0  }
0x76: {  	[sflag:s13] =	ssyncadd.s32 $0xFFFFC000  }
0x77: {  	[spmem:s22] =	stream.linear.scatter [tilespmem:s11], [sflag:$0x2], $0x4000, $0x38;
	[tilespmem:$0x1B100] =	vst v63  }
0x78: {  	_ =	swait.ge [sflag:s13], $0x4000  }
0x79: {  	[sflag:s13] =	ssyncset.done $0x0  }
0x7a: {  	[sflag:s13] =	ssyncadd.s32 $0xFFFFC000  }
0x7b: {  	[spmem:s17] =	stream.linear.scatter [tilespmem:s11], [sflag:$0x2], $0x4000, $0x38;
	[tilespmem:$0x1B100] =	vst v63  }
0x7c: {  	_ =	swait.ge [sflag:s13], $0x4000  }
0x7d: {  	[sflag:s13] =	ssyncset.done $0x0  }
0x7e: {  	[sflag:s13] =	ssyncadd.s32 $0xFFFFC000  }
0x7f: {  	[spmem:s18] =	stream.linear.scatter [tilespmem:s11], [sflag:$0x2], $0x4000, $0x38;
	[tilespmem:$0x1B100] =	vst v63  }
0x80: {  	_ =	swait.ge [sflag:s13], $0x4000  }
0x81: {  	[sflag:s13] =	ssyncset.done $0x0  }
0x82: {  	[sflag:s13] =	ssyncadd.s32 $0xFFFFC000  }
0x83: {  	[spmem:s19] =	stream.linear.scatter [tilespmem:s11], [sflag:$0x2], $0x4000, $0x38;
	[tilespmem:$0x1B100] =	vst v63  }
0x84: {  	_ =	swait.ge [sflag:s13], $0x4000  }
0x85: {  	[sflag:s13] =	ssyncset.done $0x0  }
.Ltmp2:
0x86: {  	[sflag:s13] =	ssyncadd.s32 $0xFFFFC000;
	(pc) =	sbr.rel @p0 .LBB2_5-.Ltmp2, $4  }
0x87: {  	[spmem:s20] =	stream.linear.scatter [tilespmem:s11], [sflag:$0x2], $0x4000, $0x38;
	[tilespmem:$0x1B100] =	vst v63  }
0x88: {  	_ =	swait.ge [sflag:s13], $0x4000  }
0x89: {  	[sflag:s13] =	ssyncset.done $0x0  }
0x8a: {  	[sflag:s13] =	ssyncadd.s32 $0xFFFFC000  }
0x8b: {  	s9 =	sld [smem:$0x7FC];
	_ =	sdelay $0x1  }
0x8c: {  	s28 =	simm.s32 $0x0  }
0x8d: {  	[tilespmem:s15], [sflag:$0x2] =	stream.linear.gather [hbm4b:s9+s28], $0x800, $0x38;
	[tilespmem:$0x1B100] =	vst v63  }
0x8e: {  	_ =	swait.ge [sflag:s13], $0x800  }
0x8f: {  	[sflag:s13] =	ssyncset.done $0x0  }
0x90: {  	s12 =	rddreg [dreg:$0x10];
	[sflag:s13] =	ssyncadd.s32 $0xFFFFF800  }
0x91: {  	[spmem:s12] =	stream.linear.scatter [tilespmem:s15], [sflag:$0x2], $0x800, $0x38;
	[tilespmem:$0x1B100] =	vst v63  }
0x92: {  	_ =	swait.ge [sflag:s13], $0x800  }
0x93: {  	s10 =	sld [smem:$0x7F5]  }
0x94: {  	[sflag:s13] =	ssyncset.done $0x0  }
0x95: {  	[sflag:s13] =	ssyncadd.s32 $0xFFFFF800  }
0x96: {  	[spmem:s10] =	stream.linear.scatter [tilespmem:s15], [sflag:$0x2], $0x800, $0x38;
	[tilespmem:$0x1B100] =	vst v63  }
0x97: {  	_ =	swait.ge [sflag:s13], $0x800  }
0x98: {  	[sflag:s13] =	ssyncset.done $0x0  }
0x99: {  	[sflag:s13] =	ssyncadd.s32 $0xFFFFF800  }
0x9a: {  	[spmem:s14] =	stream.linear.scatter [tilespmem:s15], [sflag:$0x2], $0x800, $0x38;
	[tilespmem:$0x1B100] =	vst v63  }
0x9b: {  	_ =	swait.ge [sflag:s13], $0x800  }
0x9c: {  	[sflag:s13] =	ssyncset.done $0x0  }
0x9d: {  	[sflag:s13] =	ssyncadd.s32 $0xFFFFF800  }
0x9e: {  	[spmem:s23] =	stream.linear.scatter [tilespmem:s15], [sflag:$0x2], $0x800, $0x38;
	[tilespmem:$0x1B100] =	vst v63  }
0x9f: {  	_ =	swait.ge [sflag:s13], $0x800  }
0xa0: {  	[sflag:s13] =	ssyncset.done $0x0  }
0xa1: {  	[sflag:s13] =	ssyncadd.s32 $0xFFFFF800  }
0xa2: {  	[spmem:s26] =	stream.linear.scatter [tilespmem:s15], [sflag:$0x2], $0x800, $0x38;
	[tilespmem:$0x1B100] =	vst v63  }
0xa3: {  	_ =	swait.ge [sflag:s13], $0x800  }
0xa4: {  	s12 =	sld [smem:$0x7FD]  }
0xa5: {  	[sflag:s13] =	ssyncset.done $0x0  }
0xa6: {  	[sflag:s13] =	ssyncadd.s32 $0xFFFFF800  }
0xa7: {  	[tilespmem:s15], [sflag:$0x2] =	stream.linear.gather [hbm4b:s12+s28], $0x800, $0x38;
	[tilespmem:$0x1B100] =	vst v63  }
0xa8: {  	_ =	swait.ge [sflag:s13], $0x800  }
0xa9: {  	[sflag:s13] =	ssyncset.done $0x0  }
0xaa: {  	[sflag:s13] =	ssyncadd.s32 $0xFFFFF800  }
0xab: {  	s28 =	sadd.s32 $0x0, s16;
	[bflag:$0x0] =	sbarrier.arrive $0xFFFF  }
0xac: {  	[tilespmem:s5], [sflag:$0x2] =	stream.linear.gather [hbm4b:s28+s5], $0x80, $0x38;
	[tilespmem:$0x1B100] =	vst v63  }
0xad: {  	_ =	swait.ge [sflag:s13], $0x80  }
0xae: {  	[sflag:s13] =	ssyncset.done $0x0  }
0xaf: {  	s28 =	sadd.s32 $0x0, s30;
	[sflag:s13] =	ssyncadd.s32 $0xFFFFFF80  }
0xb0: {  	[tilespmem:s24], [sflag:$0x2] =	stream.linear.gather [hbm4b:s28+s5], $0x80, $0x38;
	[tilespmem:$0x1B100] =	vst v63  }
0xb1: {  	_ =	swait.ge [sflag:s13], $0x80  }
0xb2: {  	[sflag:s13] =	ssyncset.done $0x0  }
0xb3: {  	[sflag:s13] =	ssyncadd.s32 $0xFFFFFF80  }
0xb4: {  	[tilespmem:s11], [sflag:$0x1] =	stream.indirect.gather [hbm4b:s2+s24], $0x80, s5, s24, $0xb8;
	[tilespmem:$0x1B100] =	vst v63  }
0xb5: {  	_ =	swait.ge [sflag:s25], $0x4000  }
0xb6: {  	[sflag:s25] =	ssyncset.done $0x0  }
0xb7: {  	[sflag:s25] =	ssyncadd.s32 $0xFFFFC000  }
0xb8: {  	[spmem:s3] =	stream.indirect.scatter.add.f32 [tilespmem:s11], [sflag:$0x2], $0x80, s24, s24, $0xb8;
	[tilespmem:$0x1B100] =	vst v63  }
0xb9: {  	_ =	swait.ge [sflag:s13], $0x4000  }
0xba: {  	[sflag:s13] =	ssyncset.done $0x0  }
0xbb: {  	[sflag:s13] =	ssyncadd.s32 $0xFFFFC000  }
0xbc: {  	[spmem:s4] =	stream.indirect.scatter.add.f32 [tilespmem:s15], [sflag:$0x2], $0x10, s24, s24, $0xb8;
	[tilespmem:$0x1B100] =	vst v63  }
0xbd: {  	_ =	swait.ge [sflag:s13], $0x800  }
0xbe: {  	s29 =	simm.s32 $0x20;
	s28 =	simm.s32 $0x10;
	[sflag:s13] =	ssyncset.done $0x0  }
.LBB2_3:
0xbf: {  	s9 =	sadd.s32 s28, s16  }
0xc0: {  	[sflag:s13] =	ssyncadd.s32 $0xFFFFF800;
	s10 =	smov.u32 s29;
	s12 =	sadd.s32 $0x10, s29  }
0xc1: {  	[tilespmem:s5], [sflag:$0x2] =	stream.linear.gather [hbm4b:s9+s5], $0x80, $0x38;
	[tilespmem:$0x1B100] =	vst v63  }
0xc2: {  	p1 =	seq.s32 s29, $0x4E0;
	_ =	swait.ge [sflag:s13], $0x80  }
0xc3: {  	[sflag:s13] =	ssyncset.done $0x0  }
0xc4: {  	s9 =	sadd.s32 s28, s30;
	s28 =	smov.u32 s10;
	[sflag:s13] =	ssyncadd.s32 $0xFFFFFF80  }
0xc5: {  	[tilespmem:s24], [sflag:$0x2] =	stream.linear.gather [hbm4b:s9+s5], $0x80, $0x38;
	[tilespmem:$0x1B100] =	vst v63  }
0xc6: {  	_ =	swait.ge [sflag:s13], $0x80  }
0xc7: {  	[sflag:s13] =	ssyncset.done $0x0  }
0xc8: {  	[sflag:s13] =	ssyncadd.s32 $0xFFFFFF80  }
0xc9: {  	[tilespmem:s11], [sflag:$0x1] =	stream.indirect.gather [hbm4b:s2+s24], $0x80, s5, s24, $0xb8;
	[tilespmem:$0x1B100] =	vst v63  }
0xca: {  	_ =	swait.ge [sflag:s25], $0x4000  }
0xcb: {  	[sflag:s25] =	ssyncset.done $0x0  }
0xcc: {  	[sflag:s25] =	ssyncadd.s32 $0xFFFFC000  }
0xcd: {  	[spmem:s3] =	stream.indirect.scatter.add.f32 [tilespmem:s11], [sflag:$0x2], $0x80, s24, s24, $0xb8;
	[tilespmem:$0x1B100] =	vst v63  }
0xce: {  	_ =	swait.ge [sflag:s13], $0x4000  }
.Ltmp3:
0xcf: {  	[sflag:s13] =	ssyncset.done $0x0;
	(pc) =	sbr.rel @!p1 .LBB2_3-.Ltmp3, $4  }
0xd0: {  	[sflag:s13] =	ssyncadd.s32 $0xFFFFC000  }
0xd1: {  	[spmem:s4] =	stream.indirect.scatter.add.f32 [tilespmem:s15], [sflag:$0x2], $0x10, s24, s24, $0xb8;
	[tilespmem:$0x1B100] =	vst v63  }
0xd2: {  	_ =	swait.ge [sflag:s13], $0x800  }
0xd3: {  	s29 =	smov.u32 s12;
	[sflag:s13] =	ssyncset.done $0x0  }
0xd4: {  	s9 =	sadd.s32 s28, s16;
	[sflag:s13] =	ssyncadd.s32 $0xFFFFF800  }
0xd5: {  	[tilespmem:s5], [sflag:$0x2] =	stream.linear.gather [hbm4b:s9+s5], $0x80, $0x38;
	[tilespmem:$0x1B100] =	vst v63  }
0xd6: {  	_ =	swait.ge [sflag:s13], $0x80  }
0xd7: {  	[sflag:s13] =	ssyncset.done $0x0  }
0xd8: {  	s29 =	sadd.s32 s28, s30;
	[sflag:s13] =	ssyncadd.s32 $0xFFFFFF80  }
0xd9: {  	[tilespmem:s24], [sflag:$0x2] =	stream.linear.gather [hbm4b:s29+s5], $0x80, $0x38;
	[tilespmem:$0x1B100] =	vst v63  }
0xda: {  	_ =	swait.ge [sflag:s13], $0x80  }
0xdb: {  	[sflag:s13] =	ssyncset.done $0x0  }
0xdc: {  	[sflag:s13] =	ssyncadd.s32 $0xFFFFFF80  }
0xdd: {  	[tilespmem:s11], [sflag:$0x1] =	stream.indirect.gather [hbm4b:s2+s24], $0x80, s5, s24, $0xb8;
	[tilespmem:$0x1B100] =	vst v63  }
0xde: {  	_ =	swait.ge [sflag:s25], $0x4000  }
0xdf: {  	[sflag:s25] =	ssyncset.done $0x0  }
0xe0: {  	[sflag:s25] =	ssyncadd.s32 $0xFFFFC000  }
0xe1: {  	[spmem:s3] =	stream.indirect.scatter.add.f32 [tilespmem:s11], [sflag:$0x2], $0x80, s24, s24, $0xb8;
	[tilespmem:$0x1B100] =	vst v63  }
0xe2: {  	_ =	swait.ge [sflag:s13], $0x4000  }
0xe3: {  	[sflag:s13] =	ssyncset.done $0x0  }
0xe4: {  	[sflag:s13] =	ssyncadd.s32 $0xFFFFC000  }
0xe5: {  	[spmem:s4] =	stream.indirect.scatter.add.f32 [tilespmem:s15], [sflag:$0x2], $0x10, s24, s24, $0xb8;
	[tilespmem:$0x1B100] =	vst v63  }
0xe6: {  	_ =	swait.ge [sflag:s13], $0x800  }
0xe7: {  	[sflag:s13] =	ssyncset.done $0x0  }
0xe8: {  	[sflag:s13] =	ssyncadd.s32 $0xFFFFF800  }
0xe9: {  	[bflag:$0x0] =	sbarrier.arrive $0xFFFF  }
0xea: {  	[tilespmem:s11], [sflag:$0x2] =	stream.linear.gather [spmem:s22], $0x4000, $0x38;
	[tilespmem:$0x1B100] =	vst v63  }
0xeb: {  	_ =	swait.ge [sflag:s13], $0x4000  }
0xec: {  	[sflag:s13] =	ssyncset.done $0x0  }
0xed: {  	s10 =	rddreg [dreg:$0x16];
	[sflag:s13] =	ssyncadd.s32 $0xFFFFC000  }
0xee: {  	[hbm4b:s10+s5] =	stream.linear.scatter [tilespmem:s11], [sflag:$0x2], $0x4000, $0x38;
	[tilespmem:$0x1B100] =	vst v63  }
0xef: {  	_ =	swait.ge [sflag:s13], $0x4000  }
0xf0: {  	[sflag:s13] =	ssyncset.done $0x0  }
0xf1: {  	[sflag:s13] =	ssyncadd.s32 $0xFFFFC000  }
0xf2: {  	[tilespmem:s11], [sflag:$0x2] =	stream.linear.gather [spmem:s17], $0x4000, $0x38;
	[tilespmem:$0x1B100] =	vst v63  }
0xf3: {  	_ =	swait.ge [sflag:s13], $0x4000  }
0xf4: {  	[sflag:s13] =	ssyncset.done $0x0  }
0xf5: {  	s12 =	rddreg [dreg:$0x17];
	[sflag:s13] =	ssyncadd.s32 $0xFFFFC000  }
0xf6: {  	[hbm4b:s12+s5] =	stream.linear.scatter [tilespmem:s11], [sflag:$0x2], $0x4000, $0x38;
	[tilespmem:$0x1B100] =	vst v63  }
0xf7: {  	_ =	swait.ge [sflag:s13], $0x4000  }
0xf8: {  	[sflag:s13] =	ssyncset.done $0x0  }
0xf9: {  	[sflag:s13] =	ssyncadd.s32 $0xFFFFC000  }
0xfa: {  	[tilespmem:s11], [sflag:$0x2] =	stream.linear.gather [spmem:s18], $0x4000, $0x38;
	[tilespmem:$0x1B100] =	vst v63  }
0xfb: {  	_ =	swait.ge [sflag:s13], $0x4000  }
0xfc: {  	[sflag:s13] =	ssyncset.done $0x0  }
0xfd: {  	s28 =	rddreg [dreg:$0x18];
	[sflag:s13] =	ssyncadd.s32 $0xFFFFC000  }
0xfe: {  	[hbm4b:s28+s5] =	stream.linear.scatter [tilespmem:s11], [sflag:$0x2], $0x4000, $0x38;
	[tilespmem:$0x1B100] =	vst v63  }
0xff: {  	_ =	swait.ge [sflag:s13], $0x4000  }
0x100: {  	[sflag:s13] =	ssyncset.done $0x0  }
0x101: {  	[sflag:s13] =	ssyncadd.s32 $0xFFFFC000  }
0x102: {  	[tilespmem:s11], [sflag:$0x2] =	stream.linear.gather [spmem:s19], $0x4000, $0x38;
	[tilespmem:$0x1B100] =	vst v63  }
0x103: {  	_ =	swait.ge [sflag:s13], $0x4000  }
0x104: {  	[sflag:s13] =	ssyncset.done $0x0  }
0x105: {  	s29 =	rddreg [dreg:$0x19];
	[sflag:s13] =	ssyncadd.s32 $0xFFFFC000  }
0x106: {  	[hbm4b:s29+s5] =	stream.linear.scatter [tilespmem:s11], [sflag:$0x2], $0x4000, $0x38;
	[tilespmem:$0x1B100] =	vst v63  }
0x107: {  	_ =	swait.ge [sflag:s13], $0x4000  }
0x108: {  	[sflag:s13] =	ssyncset.done $0x0  }
0x109: {  	[sflag:s13] =	ssyncadd.s32 $0xFFFFC000  }
0x10a: {  	[tilespmem:s11], [sflag:$0x2] =	stream.linear.gather [spmem:s20], $0x4000, $0x38;
	[tilespmem:$0x1B100] =	vst v63  }
0x10b: {  	_ =	swait.ge [sflag:s13], $0x4000  }
0x10c: {  	[sflag:s13] =	ssyncset.done $0x0  }
0x10d: {  	s10 =	rddreg [dreg:$0x1a];
	[sflag:s13] =	ssyncadd.s32 $0xFFFFC000  }
0x10e: {  	[hbm4b:s10+s5] =	stream.linear.scatter [tilespmem:s11], [sflag:$0x2], $0x4000, $0x38;
	[tilespmem:$0x1B100] =	vst v63  }
0x10f: {  	_ =	swait.ge [sflag:s13], $0x4000  }
0x110: {  	s12 =	sld [smem:$0x7FA]  }
0x111: {  	[sflag:s13] =	ssyncset.done $0x0  }
0x112: {  	[sflag:s13] =	ssyncadd.s32 $0xFFFFC000  }
0x113: {  	[tilespmem:s15], [sflag:$0x2] =	stream.linear.gather [spmem:s12], $0x800, $0x38;
	[tilespmem:$0x1B100] =	vst v63  }
0x114: {  	_ =	swait.ge [sflag:s13], $0x800  }
0x115: {  	[sflag:s13] =	ssyncset.done $0x0  }
0x116: {  	s28 =	rddreg [dreg:$0x6];
	[sflag:s13] =	ssyncadd.s32 $0xFFFFF800  }
0x117: {  	[hbm4b:s28+s5] =	stream.linear.scatter [tilespmem:s15], [sflag:$0x2], $0x800, $0x38;
	[tilespmem:$0x1B100] =	vst v63  }
0x118: {  	_ =	swait.ge [sflag:s13], $0x800  }
0x119: {  	s29 =	sld [smem:$0x7F5]  }
0x11a: {  	[sflag:s13] =	ssyncset.done $0x0  }
0x11b: {  	[sflag:s13] =	ssyncadd.s32 $0xFFFFF800  }
0x11c: {  	[tilespmem:s15], [sflag:$0x2] =	stream.linear.gather [spmem:s29], $0x800, $0x38;
	[tilespmem:$0x1B100] =	vst v63  }
0x11d: {  	_ =	swait.ge [sflag:s13], $0x800  }
0x11e: {  	[sflag:s13] =	ssyncset.done $0x0  }
0x11f: {  	s10 =	rddreg [dreg:$0x7];
	[sflag:s13] =	ssyncadd.s32 $0xFFFFF800  }
0x120: {  	[hbm4b:s10+s5] =	stream.linear.scatter [tilespmem:s15], [sflag:$0x2], $0x800, $0x38;
	[tilespmem:$0x1B100] =	vst v63  }
0x121: {  	_ =	swait.ge [sflag:s13], $0x800  }
0x122: {  	[sflag:s13] =	ssyncset.done $0x0  }
0x123: {  	[sflag:s13] =	ssyncadd.s32 $0xFFFFF800  }
0x124: {  	[tilespmem:s15], [sflag:$0x2] =	stream.linear.gather [spmem:s14], $0x800, $0x38;
	[tilespmem:$0x1B100] =	vst v63  }
0x125: {  	_ =	swait.ge [sflag:s13], $0x800  }
0x126: {  	[sflag:s13] =	ssyncset.done $0x0  }
0x127: {  	s12 =	rddreg [dreg:$0x8];
	[sflag:s13] =	ssyncadd.s32 $0xFFFFF800  }
0x128: {  	[hbm4b:s12+s5] =	stream.linear.scatter [tilespmem:s15], [sflag:$0x2], $0x800, $0x38;
	[tilespmem:$0x1B100] =	vst v63  }
0x129: {  	_ =	swait.ge [sflag:s13], $0x800  }
0x12a: {  	[sflag:s13] =	ssyncset.done $0x0  }
0x12b: {  	[sflag:s13] =	ssyncadd.s32 $0xFFFFF800  }
0x12c: {  	[tilespmem:s15], [sflag:$0x2] =	stream.linear.gather [spmem:s23], $0x800, $0x38;
	[tilespmem:$0x1B100] =	vst v63  }
0x12d: {  	_ =	swait.ge [sflag:s13], $0x800  }
0x12e: {  	[sflag:s13] =	ssyncset.done $0x0  }
0x12f: {  	s28 =	rddreg [dreg:$0x9];
	[sflag:s13] =	ssyncadd.s32 $0xFFFFF800  }
0x130: {  	[hbm4b:s28+s5] =	stream.linear.scatter [tilespmem:s15], [sflag:$0x2], $0x800, $0x38;
	[tilespmem:$0x1B100] =	vst v63  }
0x131: {  	_ =	swait.ge [sflag:s13], $0x800  }
0x132: {  	[sflag:s13] =	ssyncset.done $0x0  }
0x133: {  	[sflag:s13] =	ssyncadd.s32 $0xFFFFF800  }
0x134: {  	[tilespmem:s15], [sflag:$0x2] =	stream.linear.gather [spmem:s26], $0x800, $0x38;
	[tilespmem:$0x1B100] =	vst v63  }
0x135: {  	_ =	swait.ge [sflag:s13], $0x800  }
0x136: {  	[sflag:s13] =	ssyncset.done $0x0  }
.Ltmp4:
0x137: {  	s29 =	rddreg [dreg:$0xa];
	[sflag:s13] =	ssyncadd.s32 $0xFFFFF800;
	(pc) =	sbr.rel .LBB2_8-.Ltmp4, $4  }
0x138: {  	[hbm4b:s29+s5] =	stream.linear.scatter [tilespmem:s15], [sflag:$0x2], $0x800, $0x38;
	[tilespmem:$0x1B100] =	vst v63  }
0x139: {  	_ =	swait.ge [sflag:s13], $0x800  }
0x13a: {  	[sflag:s13] =	ssyncset.done $0x0  }
0x13b: {  	[sflag:s13] =	ssyncadd.s32 $0xFFFFF800  }
.LBB2_5:
0x13c: {  	[bflag:$0x0] =	sbarrier.arrive $0xFFFF;
	s9 =	sadd.s32 $0x0, s16  }
0x13d: {  	[tilespmem:s5], [sflag:$0x2] =	stream.linear.gather [hbm4b:s9+s5], $0x80, $0x38;
	[tilespmem:$0x1B100] =	vst v63  }
0x13e: {  	_ =	swait.ge [sflag:s13], $0x80  }
0x13f: {  	[sflag:s13] =	ssyncset.done $0x0  }
0x140: {  	s12 =	sadd.s32 $0x0, s30;
	[sflag:s13] =	ssyncadd.s32 $0xFFFFFF80  }
0x141: {  	[tilespmem:s24], [sflag:$0x2] =	stream.linear.gather [hbm4b:s12+s5], $0x80, $0x38;
	[tilespmem:$0x1B100] =	vst v63  }
0x142: {  	_ =	swait.ge [sflag:s13], $0x80  }
0x143: {  	[sflag:s13] =	ssyncset.done $0x0  }
0x144: {  	[sflag:s13] =	ssyncadd.s32 $0xFFFFFF80  }
0x145: {  	[tilespmem:s11], [sflag:$0x1] =	stream.indirect.gather [hbm4b:s6+s24], $0x80, s5, s24, $0xb8;
	[tilespmem:$0x1B100] =	vst v63  }
0x146: {  	_ =	swait.ge [sflag:s25], $0x4000  }
0x147: {  	[sflag:s25] =	ssyncset.done $0x0  }
0x148: {  	[sflag:s25] =	ssyncadd.s32 $0xFFFFC000  }
0x149: {  	[spmem:s3] =	stream.indirect.scatter.add.f32 [tilespmem:s11], [sflag:$0x2], $0x80, s24, s24, $0xb8;
	[tilespmem:$0x1B100] =	vst v63  }
0x14a: {  	_ =	swait.ge [sflag:s13], $0x4000  }
0x14b: {  	s28 =	simm.s32 $0x10;
	s29 =	simm.s32 $0x20;
	[sflag:s13] =	ssyncset.done $0x0  }
.LBB2_6:
0x14c: {  	s9 =	sadd.s32 s28, s16  }
0x14d: {  	[sflag:s13] =	ssyncadd.s32 $0xFFFFC000;
	s10 =	smov.u32 s29;
	s12 =	sadd.s32 $0x10, s29  }
0x14e: {  	[tilespmem:s5], [sflag:$0x2] =	stream.linear.gather [hbm4b:s9+s5], $0x80, $0x38;
	[tilespmem:$0x1B100] =	vst v63  }
0x14f: {  	p1 =	sne.s32 s29, $0x4E0;
	_ =	swait.ge [sflag:s13], $0x80  }
0x150: {  	[sflag:s13] =	ssyncset.done $0x0  }
0x151: {  	s9 =	sadd.s32 s28, s30;
	s28 =	smov.u32 s10;
	[sflag:s13] =	ssyncadd.s32 $0xFFFFFF80  }
0x152: {  	[tilespmem:s24], [sflag:$0x2] =	stream.linear.gather [hbm4b:s9+s5], $0x80, $0x38;
	[tilespmem:$0x1B100] =	vst v63  }
0x153: {  	_ =	swait.ge [sflag:s13], $0x80  }
0x154: {  	[sflag:s13] =	ssyncset.done $0x0  }
0x155: {  	[sflag:s13] =	ssyncadd.s32 $0xFFFFFF80  }
0x156: {  	[tilespmem:s11], [sflag:$0x1] =	stream.indirect.gather [hbm4b:s6+s24], $0x80, s5, s24, $0xb8;
	[tilespmem:$0x1B100] =	vst v63  }
0x157: {  	_ =	swait.ge [sflag:s25], $0x4000  }
.Ltmp5:
0x158: {  	[sflag:s25] =	ssyncset.done $0x0;
	(pc) =	sbr.rel @p1 .LBB2_6-.Ltmp5, $4  }
0x159: {  	[sflag:s25] =	ssyncadd.s32 $0xFFFFC000  }
0x15a: {  	[spmem:s3] =	stream.indirect.scatter.add.f32 [tilespmem:s11], [sflag:$0x2], $0x80, s24, s24, $0xb8;
	[tilespmem:$0x1B100] =	vst v63  }
0x15b: {  	_ =	swait.ge [sflag:s13], $0x4000  }
0x15c: {  	s29 =	smov.u32 s12;
	[sflag:s13] =	ssyncset.done $0x0  }
0x15d: {  	s9 =	sadd.s32 s28, s16;
	[sflag:s13] =	ssyncadd.s32 $0xFFFFC000  }
0x15e: {  	[tilespmem:s5], [sflag:$0x2] =	stream.linear.gather [hbm4b:s9+s5], $0x80, $0x38;
	[tilespmem:$0x1B100] =	vst v63  }
0x15f: {  	_ =	swait.ge [sflag:s13], $0x80  }
0x160: {  	[sflag:s13] =	ssyncset.done $0x0  }
0x161: {  	s28 =	sadd.s32 s28, s30;
	[sflag:s13] =	ssyncadd.s32 $0xFFFFFF80  }
0x162: {  	[tilespmem:s24], [sflag:$0x2] =	stream.linear.gather [hbm4b:s28+s5], $0x80, $0x38;
	[tilespmem:$0x1B100] =	vst v63  }
0x163: {  	_ =	swait.ge [sflag:s13], $0x80  }
0x164: {  	[sflag:s13] =	ssyncset.done $0x0  }
0x165: {  	[sflag:s13] =	ssyncadd.s32 $0xFFFFFF80  }
0x166: {  	[tilespmem:s11], [sflag:$0x1] =	stream.indirect.gather [hbm4b:s6+s24], $0x80, s5, s24, $0xb8;
	[tilespmem:$0x1B100] =	vst v63  }
0x167: {  	_ =	swait.ge [sflag:s25], $0x4000  }
0x168: {  	[sflag:s25] =	ssyncset.done $0x0  }
0x169: {  	[sflag:s25] =	ssyncadd.s32 $0xFFFFC000  }
0x16a: {  	[spmem:s3] =	stream.indirect.scatter.add.f32 [tilespmem:s11], [sflag:$0x2], $0x80, s24, s24, $0xb8;
	[tilespmem:$0x1B100] =	vst v63  }
0x16b: {  	_ =	swait.ge [sflag:s13], $0x4000  }
0x16c: {  	[sflag:s13] =	ssyncset.done $0x0  }
0x16d: {  	[sflag:s13] =	ssyncadd.s32 $0xFFFFC000  }
0x16e: {  	[bflag:$0x0] =	sbarrier.arrive $0xFFFF  }
0x16f: {  	[tilespmem:s11], [sflag:$0x2] =	stream.linear.gather [spmem:s22], $0x4000, $0x38;
	[tilespmem:$0x1B100] =	vst v63  }
0x170: {  	_ =	swait.ge [sflag:s13], $0x4000  }
0x171: {  	[sflag:s13] =	ssyncset.done $0x0  }
0x172: {  	s29 =	rddreg [dreg:$0x11];
	[sflag:s13] =	ssyncadd.s32 $0xFFFFC000  }
0x173: {  	[hbm4b:s29+s5] =	stream.linear.scatter [tilespmem:s11], [sflag:$0x2], $0x4000, $0x38;
	[tilespmem:$0x1B100] =	vst v63  }
0x174: {  	_ =	swait.ge [sflag:s13], $0x4000  }
0x175: {  	[sflag:s13] =	ssyncset.done $0x0  }
0x176: {  	[sflag:s13] =	ssyncadd.s32 $0xFFFFC000  }
0x177: {  	[tilespmem:s11], [sflag:$0x2] =	stream.linear.gather [spmem:s17], $0x4000, $0x38;
	[tilespmem:$0x1B100] =	vst v63  }
0x178: {  	_ =	swait.ge [sflag:s13], $0x4000  }
0x179: {  	[sflag:s13] =	ssyncset.done $0x0  }
0x17a: {  	s10 =	rddreg [dreg:$0x12];
	[sflag:s13] =	ssyncadd.s32 $0xFFFFC000  }
0x17b: {  	[hbm4b:s10+s5] =	stream.linear.scatter [tilespmem:s11], [sflag:$0x2], $0x4000, $0x38;
	[tilespmem:$0x1B100] =	vst v63  }
0x17c: {  	_ =	swait.ge [sflag:s13], $0x4000  }
0x17d: {  	[sflag:s13] =	ssyncset.done $0x0  }
0x17e: {  	[sflag:s13] =	ssyncadd.s32 $0xFFFFC000  }
0x17f: {  	[tilespmem:s11], [sflag:$0x2] =	stream.linear.gather [spmem:s18], $0x4000, $0x38;
	[tilespmem:$0x1B100] =	vst v63  }
0x180: {  	_ =	swait.ge [sflag:s13], $0x4000  }
0x181: {  	[sflag:s13] =	ssyncset.done $0x0  }
0x182: {  	s12 =	rddreg [dreg:$0x13];
	[sflag:s13] =	ssyncadd.s32 $0xFFFFC000  }
0x183: {  	[hbm4b:s12+s5] =	stream.linear.scatter [tilespmem:s11], [sflag:$0x2], $0x4000, $0x38;
	[tilespmem:$0x1B100] =	vst v63  }
0x184: {  	_ =	swait.ge [sflag:s13], $0x4000  }
0x185: {  	[sflag:s13] =	ssyncset.done $0x0  }
0x186: {  	[sflag:s13] =	ssyncadd.s32 $0xFFFFC000  }
0x187: {  	[tilespmem:s11], [sflag:$0x2] =	stream.linear.gather [spmem:s19], $0x4000, $0x38;
	[tilespmem:$0x1B100] =	vst v63  }
0x188: {  	_ =	swait.ge [sflag:s13], $0x4000  }
0x189: {  	[sflag:s13] =	ssyncset.done $0x0  }
0x18a: {  	s28 =	rddreg [dreg:$0x14];
	[sflag:s13] =	ssyncadd.s32 $0xFFFFC000  }
0x18b: {  	[hbm4b:s28+s5] =	stream.linear.scatter [tilespmem:s11], [sflag:$0x2], $0x4000, $0x38;
	[tilespmem:$0x1B100] =	vst v63  }
0x18c: {  	_ =	swait.ge [sflag:s13], $0x4000  }
0x18d: {  	[sflag:s13] =	ssyncset.done $0x0  }
0x18e: {  	[sflag:s13] =	ssyncadd.s32 $0xFFFFC000  }
0x18f: {  	[tilespmem:s11], [sflag:$0x2] =	stream.linear.gather [spmem:s20], $0x4000, $0x38;
	[tilespmem:$0x1B100] =	vst v63  }
0x190: {  	_ =	swait.ge [sflag:s13], $0x4000  }
0x191: {  	[sflag:s13] =	ssyncset.done $0x0  }
0x192: {  	s29 =	rddreg [dreg:$0x15];
	[sflag:s13] =	ssyncadd.s32 $0xFFFFC000  }
0x193: {  	[hbm4b:s29+s5] =	stream.linear.scatter [tilespmem:s11], [sflag:$0x2], $0x4000, $0x38;
	[tilespmem:$0x1B100] =	vst v63  }
0x194: {  	_ =	swait.ge [sflag:s13], $0x4000  }
0x195: {  	[sflag:s13] =	ssyncset.done $0x0  }
0x196: {  	[sflag:s13] =	ssyncadd.s32 $0xFFFFC000  }
.LBB2_8:
0x197: {  	[tilespmem:s11], [sflag:$0x2] =	stream.linear.gather [hbm4b:s8+s5], $0x4000, $0x38;
	[tilespmem:$0x1B100] =	vst v63  }
0x198: {  	_ =	swait.ge [sflag:s13], $0x4000  }
0x199: {  	[sflag:s13] =	ssyncset.done $0x0  }
0x19a: {  	[sflag:s13] =	ssyncadd.s32 $0xFFFFC000  }
0x19b: {  	[spmem:s22] =	stream.linear.scatter [tilespmem:s11], [sflag:$0x2], $0x4000, $0x38;
	[tilespmem:$0x1B100] =	vst v63  }
0x19c: {  	_ =	swait.ge [sflag:s13], $0x4000  }
0x19d: {  	[sflag:s13] =	ssyncset.done $0x0  }
0x19e: {  	[sflag:s13] =	ssyncadd.s32 $0xFFFFC000  }
0x19f: {  	[spmem:s17] =	stream.linear.scatter [tilespmem:s11], [sflag:$0x2], $0x4000, $0x38;
	[tilespmem:$0x1B100] =	vst v63  }
0x1a0: {  	_ =	swait.ge [sflag:s13], $0x4000  }
0x1a1: {  	[sflag:s13] =	ssyncset.done $0x0  }
0x1a2: {  	[sflag:s13] =	ssyncadd.s32 $0xFFFFC000  }
0x1a3: {  	[spmem:s18] =	stream.linear.scatter [tilespmem:s11], [sflag:$0x2], $0x4000, $0x38;
	[tilespmem:$0x1B100] =	vst v63  }
0x1a4: {  	_ =	swait.ge [sflag:s13], $0x4000  }
0x1a5: {  	[sflag:s13] =	ssyncset.done $0x0  }
0x1a6: {  	[sflag:s13] =	ssyncadd.s32 $0xFFFFC000  }
0x1a7: {  	[spmem:s19] =	stream.linear.scatter [tilespmem:s11], [sflag:$0x2], $0x4000, $0x38;
	[tilespmem:$0x1B100] =	vst v63  }
0x1a8: {  	_ =	swait.ge [sflag:s13], $0x4000  }
0x1a9: {  	[sflag:s13] =	ssyncset.done $0x0  }
.Ltmp6:
0x1aa: {  	[sflag:s13] =	ssyncadd.s32 $0xFFFFC000;
	(pc) =	sbr.rel @p0 .LBB2_12-.Ltmp6, $4  }
0x1ab: {  	[spmem:s20] =	stream.linear.scatter [tilespmem:s11], [sflag:$0x2], $0x4000, $0x38;
	[tilespmem:$0x1B100] =	vst v63  }
0x1ac: {  	_ =	swait.ge [sflag:s13], $0x4000  }
0x1ad: {  	[sflag:s13] =	ssyncset.done $0x0  }
0x1ae: {  	[sflag:s13] =	ssyncadd.s32 $0xFFFFC000  }
0x1af: {  	s10 =	sld [smem:$0x7FC];
	_ =	sdelay $0x1  }
0x1b0: {  	s9 =	simm.s32 $0x0  }
0x1b1: {  	[tilespmem:s15], [sflag:$0x2] =	stream.linear.gather [hbm4b:s10+s9], $0x800, $0x38;
	[tilespmem:$0x1B100] =	vst v63  }
0x1b2: {  	_ =	swait.ge [sflag:s13], $0x800  }
0x1b3: {  	[sflag:s13] =	ssyncset.done $0x0  }
0x1b4: {  	s12 =	rddreg [dreg:$0x10];
	[sflag:s13] =	ssyncadd.s32 $0xFFFFF800  }
0x1b5: {  	[spmem:s12] =	stream.linear.scatter [tilespmem:s15], [sflag:$0x2], $0x800, $0x38;
	[tilespmem:$0x1B100] =	vst v63  }
0x1b6: {  	_ =	swait.ge [sflag:s13], $0x800  }
0x1b7: {  	s12 =	sld [smem:$0x7F5]  }
0x1b8: {  	[sflag:s13] =	ssyncset.done $0x0  }
0x1b9: {  	[sflag:s13] =	ssyncadd.s32 $0xFFFFF800  }
0x1ba: {  	[spmem:s12] =	stream.linear.scatter [tilespmem:s15], [sflag:$0x2], $0x800, $0x38;
	[tilespmem:$0x1B100] =	vst v63  }
0x1bb: {  	_ =	swait.ge [sflag:s13], $0x800  }
0x1bc: {  	[sflag:s13] =	ssyncset.done $0x0  }
0x1bd: {  	[sflag:s13] =	ssyncadd.s32 $0xFFFFF800  }
0x1be: {  	[spmem:s14] =	stream.linear.scatter [tilespmem:s15], [sflag:$0x2], $0x800, $0x38;
	[tilespmem:$0x1B100] =	vst v63  }
0x1bf: {  	_ =	swait.ge [sflag:s13], $0x800  }
0x1c0: {  	[sflag:s13] =	ssyncset.done $0x0  }
0x1c1: {  	[sflag:s13] =	ssyncadd.s32 $0xFFFFF800  }
0x1c2: {  	[spmem:s23] =	stream.linear.scatter [tilespmem:s15], [sflag:$0x2], $0x800, $0x38;
	[tilespmem:$0x1B100] =	vst v63  }
0x1c3: {  	_ =	swait.ge [sflag:s13], $0x800  }
0x1c4: {  	[sflag:s13] =	ssyncset.done $0x0  }
0x1c5: {  	[sflag:s13] =	ssyncadd.s32 $0xFFFFF800  }
0x1c6: {  	[spmem:s26] =	stream.linear.scatter [tilespmem:s15], [sflag:$0x2], $0x800, $0x38;
	[tilespmem:$0x1B100] =	vst v63  }
0x1c7: {  	_ =	swait.ge [sflag:s13], $0x800  }
0x1c8: {  	s12 =	sld [smem:$0x7FD]  }
0x1c9: {  	[sflag:s13] =	ssyncset.done $0x0  }
0x1ca: {  	[sflag:s13] =	ssyncadd.s32 $0xFFFFF800  }
0x1cb: {  	[tilespmem:s15], [sflag:$0x2] =	stream.linear.gather [hbm4b:s12+s9], $0x800, $0x38;
	[tilespmem:$0x1B100] =	vst v63  }
0x1cc: {  	_ =	swait.ge [sflag:s13], $0x800  }
0x1cd: {  	[sflag:s13] =	ssyncset.done $0x0  }
0x1ce: {  	[sflag:s13] =	ssyncadd.s32 $0xFFFFF800  }
0x1cf: {  	s10 =	sadd.s32 $0x0, s0;
	[bflag:$0x0] =	sbarrier.arrive $0xFFFF  }
0x1d0: {  	[tilespmem:s5], [sflag:$0x2] =	stream.linear.gather [hbm4b:s10+s5], $0x80, $0x38;
	[tilespmem:$0x1B100] =	vst v63  }
0x1d1: {  	_ =	swait.ge [sflag:s13], $0x80  }
0x1d2: {  	[sflag:s13] =	ssyncset.done $0x0  }
0x1d3: {  	s12 =	sadd.s32 $0x0, s31;
	[sflag:s13] =	ssyncadd.s32 $0xFFFFFF80  }
0x1d4: {  	[tilespmem:s24], [sflag:$0x2] =	stream.linear.gather [hbm4b:s12+s5], $0x80, $0x38;
	[tilespmem:$0x1B100] =	vst v63  }
0x1d5: {  	_ =	swait.ge [sflag:s13], $0x80  }
0x1d6: {  	[sflag:s13] =	ssyncset.done $0x0  }
0x1d7: {  	[sflag:s13] =	ssyncadd.s32 $0xFFFFFF80  }
0x1d8: {  	[tilespmem:s11], [sflag:$0x1] =	stream.indirect.gather [hbm4b:s7+s24], $0x80, s5, s24, $0xb8;
	[tilespmem:$0x1B100] =	vst v63  }
0x1d9: {  	_ =	swait.ge [sflag:s25], $0x4000  }
0x1da: {  	[sflag:s25] =	ssyncset.done $0x0  }
0x1db: {  	[sflag:s25] =	ssyncadd.s32 $0xFFFFC000  }
0x1dc: {  	[spmem:s3] =	stream.indirect.scatter.add.f32 [tilespmem:s11], [sflag:$0x2], $0x80, s24, s24, $0xb8;
	[tilespmem:$0x1B100] =	vst v63  }
0x1dd: {  	_ =	swait.ge [sflag:s13], $0x4000  }
0x1de: {  	[sflag:s13] =	ssyncset.done $0x0  }
0x1df: {  	[sflag:s13] =	ssyncadd.s32 $0xFFFFC000  }
0x1e0: {  	[spmem:s4] =	stream.indirect.scatter.add.f32 [tilespmem:s15], [sflag:$0x2], $0x10, s24, s24, $0xb8;
	[tilespmem:$0x1B100] =	vst v63  }
0x1e1: {  	_ =	swait.ge [sflag:s13], $0x800  }
0x1e2: {  	s28 =	simm.s32 $0x10;
	s29 =	simm.s32 $0x20;
	[sflag:s13] =	ssyncset.done $0x0  }
.LBB2_10:
0x1e3: {  	s9 =	sadd.s32 s28, s0  }
0x1e4: {  	[sflag:s13] =	ssyncadd.s32 $0xFFFFF800;
	s10 =	smov.u32 s29;
	s12 =	sadd.s32 $0x10, s29  }
0x1e5: {  	[tilespmem:s5], [sflag:$0x2] =	stream.linear.gather [hbm4b:s9+s5], $0x80, $0x38;
	[tilespmem:$0x1B100] =	vst v63  }
0x1e6: {  	p1 =	seq.s32 s29, $0x4E0;
	_ =	swait.ge [sflag:s13], $0x80  }
0x1e7: {  	[sflag:s13] =	ssyncset.done $0x0  }
0x1e8: {  	s9 =	sadd.s32 s28, s31;
	s28 =	smov.u32 s10;
	[sflag:s13] =	ssyncadd.s32 $0xFFFFFF80  }
0x1e9: {  	[tilespmem:s24], [sflag:$0x2] =	stream.linear.gather [hbm4b:s9+s5], $0x80, $0x38;
	[tilespmem:$0x1B100] =	vst v63  }
0x1ea: {  	_ =	swait.ge [sflag:s13], $0x80  }
0x1eb: {  	[sflag:s13] =	ssyncset.done $0x0  }
0x1ec: {  	[sflag:s13] =	ssyncadd.s32 $0xFFFFFF80  }
0x1ed: {  	[tilespmem:s11], [sflag:$0x1] =	stream.indirect.gather [hbm4b:s7+s24], $0x80, s5, s24, $0xb8;
	[tilespmem:$0x1B100] =	vst v63  }
0x1ee: {  	_ =	swait.ge [sflag:s25], $0x4000  }
0x1ef: {  	[sflag:s25] =	ssyncset.done $0x0  }
0x1f0: {  	[sflag:s25] =	ssyncadd.s32 $0xFFFFC000  }
0x1f1: {  	[spmem:s3] =	stream.indirect.scatter.add.f32 [tilespmem:s11], [sflag:$0x2], $0x80, s24, s24, $0xb8;
	[tilespmem:$0x1B100] =	vst v63  }
0x1f2: {  	_ =	swait.ge [sflag:s13], $0x4000  }
.Ltmp7:
0x1f3: {  	[sflag:s13] =	ssyncset.done $0x0;
	(pc) =	sbr.rel @!p1 .LBB2_10-.Ltmp7, $4  }
0x1f4: {  	[sflag:s13] =	ssyncadd.s32 $0xFFFFC000  }
0x1f5: {  	[spmem:s4] =	stream.indirect.scatter.add.f32 [tilespmem:s15], [sflag:$0x2], $0x10, s24, s24, $0xb8;
	[tilespmem:$0x1B100] =	vst v63  }
0x1f6: {  	_ =	swait.ge [sflag:s13], $0x800  }
0x1f7: {  	s29 =	smov.u32 s12;
	[sflag:s13] =	ssyncset.done $0x0  }
0x1f8: {  	s9 =	sadd.s32 s28, s0;
	[sflag:s13] =	ssyncadd.s32 $0xFFFFF800  }
0x1f9: {  	[tilespmem:s5], [sflag:$0x2] =	stream.linear.gather [hbm4b:s9+s5], $0x80, $0x38;
	[tilespmem:$0x1B100] =	vst v63  }
0x1fa: {  	_ =	swait.ge [sflag:s13], $0x80  }
0x1fb: {  	[sflag:s13] =	ssyncset.done $0x0  }
0x1fc: {  	s29 =	sadd.s32 s28, s31;
	[sflag:s13] =	ssyncadd.s32 $0xFFFFFF80  }
0x1fd: {  	[tilespmem:s24], [sflag:$0x2] =	stream.linear.gather [hbm4b:s29+s5], $0x80, $0x38;
	[tilespmem:$0x1B100] =	vst v63  }
0x1fe: {  	_ =	swait.ge [sflag:s13], $0x80  }
0x1ff: {  	[sflag:s13] =	ssyncset.done $0x0  }
0x200: {  	[sflag:s13] =	ssyncadd.s32 $0xFFFFFF80  }
0x201: {  	[tilespmem:s11], [sflag:$0x1] =	stream.indirect.gather [hbm4b:s7+s24], $0x80, s5, s24, $0xb8;
	[tilespmem:$0x1B100] =	vst v63  }
0x202: {  	_ =	swait.ge [sflag:s25], $0x4000  }
0x203: {  	[sflag:s25] =	ssyncset.done $0x0  }
0x204: {  	[sflag:s25] =	ssyncadd.s32 $0xFFFFC000  }
0x205: {  	[spmem:s3] =	stream.indirect.scatter.add.f32 [tilespmem:s11], [sflag:$0x2], $0x80, s24, s24, $0xb8;
	[tilespmem:$0x1B100] =	vst v63  }
0x206: {  	_ =	swait.ge [sflag:s13], $0x4000  }
0x207: {  	[sflag:s13] =	ssyncset.done $0x0  }
0x208: {  	[sflag:s13] =	ssyncadd.s32 $0xFFFFC000  }
0x209: {  	[spmem:s4] =	stream.indirect.scatter.add.f32 [tilespmem:s15], [sflag:$0x2], $0x10, s24, s24, $0xb8;
	[tilespmem:$0x1B100] =	vst v63  }
0x20a: {  	_ =	swait.ge [sflag:s13], $0x800  }
0x20b: {  	[sflag:s13] =	ssyncset.done $0x0  }
0x20c: {  	[sflag:s13] =	ssyncadd.s32 $0xFFFFF800  }
0x20d: {  	[bflag:$0x0] =	sbarrier.arrive $0xFFFF  }
0x20e: {  	[tilespmem:s11], [sflag:$0x2] =	stream.linear.gather [spmem:s22], $0x4000, $0x38;
	[tilespmem:$0x1B100] =	vst v63  }
0x20f: {  	_ =	swait.ge [sflag:s13], $0x4000  }
0x210: {  	s10 =	sld [smem:$0x7F4]  }
0x211: {  	[sflag:s13] =	ssyncset.done $0x0  }
0x212: {  	[sflag:s13] =	ssyncadd.s32 $0xFFFFC000  }
0x213: {  	[hbm4b:s10+s5] =	stream.linear.scatter [tilespmem:s11], [sflag:$0x2], $0x4000, $0x38;
	[tilespmem:$0x1B100] =	vst v63  }
0x214: {  	_ =	swait.ge [sflag:s13], $0x4000  }
0x215: {  	[sflag:s13] =	ssyncset.done $0x0  }
0x216: {  	[sflag:s13] =	ssyncadd.s32 $0xFFFFC000  }
0x217: {  	[tilespmem:s11], [sflag:$0x2] =	stream.linear.gather [spmem:s17], $0x4000, $0x38;
	[tilespmem:$0x1B100] =	vst v63  }
0x218: {  	_ =	swait.ge [sflag:s13], $0x4000  }
0x219: {  	s12 =	sld [smem:$0x7F6]  }
0x21a: {  	[sflag:s13] =	ssyncset.done $0x0  }
0x21b: {  	[sflag:s13] =	ssyncadd.s32 $0xFFFFC000  }
0x21c: {  	[hbm4b:s12+s5] =	stream.linear.scatter [tilespmem:s11], [sflag:$0x2], $0x4000, $0x38;
	[tilespmem:$0x1B100] =	vst v63  }
0x21d: {  	_ =	swait.ge [sflag:s13], $0x4000  }
0x21e: {  	[sflag:s13] =	ssyncset.done $0x0  }
0x21f: {  	[sflag:s13] =	ssyncadd.s32 $0xFFFFC000  }
0x220: {  	[tilespmem:s11], [sflag:$0x2] =	stream.linear.gather [spmem:s18], $0x4000, $0x38;
	[tilespmem:$0x1B100] =	vst v63  }
0x221: {  	_ =	swait.ge [sflag:s13], $0x4000  }
0x222: {  	s28 =	sld [smem:$0x7F7]  }
0x223: {  	[sflag:s13] =	ssyncset.done $0x0  }
0x224: {  	[sflag:s13] =	ssyncadd.s32 $0xFFFFC000  }
0x225: {  	[hbm4b:s28+s5] =	stream.linear.scatter [tilespmem:s11], [sflag:$0x2], $0x4000, $0x38;
	[tilespmem:$0x1B100] =	vst v63  }
0x226: {  	_ =	swait.ge [sflag:s13], $0x4000  }
0x227: {  	[sflag:s13] =	ssyncset.done $0x0  }
0x228: {  	[sflag:s13] =	ssyncadd.s32 $0xFFFFC000  }
0x229: {  	[tilespmem:s11], [sflag:$0x2] =	stream.linear.gather [spmem:s19], $0x4000, $0x38;
	[tilespmem:$0x1B100] =	vst v63  }
0x22a: {  	_ =	swait.ge [sflag:s13], $0x4000  }
0x22b: {  	s29 =	sld [smem:$0x7F8]  }
0x22c: {  	[sflag:s13] =	ssyncset.done $0x0  }
0x22d: {  	[sflag:s13] =	ssyncadd.s32 $0xFFFFC000  }
0x22e: {  	[hbm4b:s29+s5] =	stream.linear.scatter [tilespmem:s11], [sflag:$0x2], $0x4000, $0x38;
	[tilespmem:$0x1B100] =	vst v63  }
0x22f: {  	_ =	swait.ge [sflag:s13], $0x4000  }
0x230: {  	[sflag:s13] =	ssyncset.done $0x0  }
0x231: {  	[sflag:s13] =	ssyncadd.s32 $0xFFFFC000  }
0x232: {  	[tilespmem:s11], [sflag:$0x2] =	stream.linear.gather [spmem:s20], $0x4000, $0x38;
	[tilespmem:$0x1B100] =	vst v63  }
0x233: {  	_ =	swait.ge [sflag:s13], $0x4000  }
0x234: {  	s10 =	sld [smem:$0x7F9]  }
0x235: {  	[sflag:s13] =	ssyncset.done $0x0  }
0x236: {  	[sflag:s13] =	ssyncadd.s32 $0xFFFFC000  }
0x237: {  	[hbm4b:s10+s5] =	stream.linear.scatter [tilespmem:s11], [sflag:$0x2], $0x4000, $0x38;
	[tilespmem:$0x1B100] =	vst v63  }
0x238: {  	_ =	swait.ge [sflag:s13], $0x4000  }
0x239: {  	s12 =	sld [smem:$0x7FA]  }
0x23a: {  	[sflag:s13] =	ssyncset.done $0x0  }
0x23b: {  	[sflag:s13] =	ssyncadd.s32 $0xFFFFC000  }
0x23c: {  	[tilespmem:s15], [sflag:$0x2] =	stream.linear.gather [spmem:s12], $0x800, $0x38;
	[tilespmem:$0x1B100] =	vst v63  }
0x23d: {  	_ =	swait.ge [sflag:s13], $0x800  }
0x23e: {  	[sflag:s13] =	ssyncset.done $0x0  }
0x23f: {  	s28 =	rddreg [dreg:$0xb];
	[sflag:s13] =	ssyncadd.s32 $0xFFFFF800  }
0x240: {  	[hbm4b:s28+s5] =	stream.linear.scatter [tilespmem:s15], [sflag:$0x2], $0x800, $0x38;
	[tilespmem:$0x1B100] =	vst v63  }
0x241: {  	_ =	swait.ge [sflag:s13], $0x800  }
0x242: {  	s29 =	sld [smem:$0x7F5]  }
0x243: {  	[sflag:s13] =	ssyncset.done $0x0  }
0x244: {  	[sflag:s13] =	ssyncadd.s32 $0xFFFFF800  }
0x245: {  	[tilespmem:s15], [sflag:$0x2] =	stream.linear.gather [spmem:s29], $0x800, $0x38;
	[tilespmem:$0x1B100] =	vst v63  }
0x246: {  	_ =	swait.ge [sflag:s13], $0x800  }
0x247: {  	[sflag:s13] =	ssyncset.done $0x0  }
0x248: {  	s10 =	rddreg [dreg:$0xc];
	[sflag:s13] =	ssyncadd.s32 $0xFFFFF800  }
0x249: {  	[hbm4b:s10+s5] =	stream.linear.scatter [tilespmem:s15], [sflag:$0x2], $0x800, $0x38;
	[tilespmem:$0x1B100] =	vst v63  }
0x24a: {  	_ =	swait.ge [sflag:s13], $0x800  }
0x24b: {  	[sflag:s13] =	ssyncset.done $0x0  }
0x24c: {  	[sflag:s13] =	ssyncadd.s32 $0xFFFFF800  }
0x24d: {  	[tilespmem:s15], [sflag:$0x2] =	stream.linear.gather [spmem:s14], $0x800, $0x38;
	[tilespmem:$0x1B100] =	vst v63  }
0x24e: {  	_ =	swait.ge [sflag:s13], $0x800  }
0x24f: {  	[sflag:s13] =	ssyncset.done $0x0  }
0x250: {  	s12 =	rddreg [dreg:$0xd];
	[sflag:s13] =	ssyncadd.s32 $0xFFFFF800  }
0x251: {  	[hbm4b:s12+s5] =	stream.linear.scatter [tilespmem:s15], [sflag:$0x2], $0x800, $0x38;
	[tilespmem:$0x1B100] =	vst v63  }
0x252: {  	_ =	swait.ge [sflag:s13], $0x800  }
0x253: {  	[sflag:s13] =	ssyncset.done $0x0  }
0x254: {  	[sflag:s13] =	ssyncadd.s32 $0xFFFFF800  }
0x255: {  	[tilespmem:s15], [sflag:$0x2] =	stream.linear.gather [spmem:s23], $0x800, $0x38;
	[tilespmem:$0x1B100] =	vst v63  }
0x256: {  	_ =	swait.ge [sflag:s13], $0x800  }
0x257: {  	[sflag:s13] =	ssyncset.done $0x0  }
0x258: {  	s28 =	rddreg [dreg:$0xe];
	[sflag:s13] =	ssyncadd.s32 $0xFFFFF800  }
0x259: {  	[hbm4b:s28+s5] =	stream.linear.scatter [tilespmem:s15], [sflag:$0x2], $0x800, $0x38;
	[tilespmem:$0x1B100] =	vst v63  }
0x25a: {  	_ =	swait.ge [sflag:s13], $0x800  }
0x25b: {  	[sflag:s13] =	ssyncset.done $0x0  }
0x25c: {  	[sflag:s13] =	ssyncadd.s32 $0xFFFFF800  }
0x25d: {  	[tilespmem:s15], [sflag:$0x2] =	stream.linear.gather [spmem:s26], $0x800, $0x38;
	[tilespmem:$0x1B100] =	vst v63  }
0x25e: {  	_ =	swait.ge [sflag:s13], $0x800  }
0x25f: {  	[sflag:s13] =	ssyncset.done $0x0  }
.Ltmp8:
0x260: {  	s29 =	rddreg [dreg:$0xf];
	[sflag:s13] =	ssyncadd.s32 $0xFFFFF800;
	(pc) =	sbr.rel .LBB2_15-.Ltmp8, $4  }
0x261: {  	[hbm4b:s29+s5] =	stream.linear.scatter [tilespmem:s15], [sflag:$0x2], $0x800, $0x38;
	[tilespmem:$0x1B100] =	vst v63  }
0x262: {  	_ =	swait.ge [sflag:s13], $0x800  }
0x263: {  	[sflag:s13] =	ssyncset.done $0x0  }
0x264: {  	[sflag:s13] =	ssyncadd.s32 $0xFFFFF800  }
.LBB2_12:
0x265: {  	[bflag:$0x0] =	sbarrier.arrive $0xFFFF;
	s9 =	sadd.s32 $0x0, s0  }
0x266: {  	[tilespmem:s5], [sflag:$0x2] =	stream.linear.gather [hbm4b:s9+s5], $0x80, $0x38;
	[tilespmem:$0x1B100] =	vst v63  }
0x267: {  	_ =	swait.ge [sflag:s13], $0x80  }
0x268: {  	[sflag:s13] =	ssyncset.done $0x0  }
0x269: {  	s12 =	sadd.s32 $0x0, s31;
	[sflag:s13] =	ssyncadd.s32 $0xFFFFFF80  }
0x26a: {  	[tilespmem:s24], [sflag:$0x2] =	stream.linear.gather [hbm4b:s12+s5], $0x80, $0x38;
	[tilespmem:$0x1B100] =	vst v63  }
0x26b: {  	_ =	swait.ge [sflag:s13], $0x80  }
0x26c: {  	[sflag:s13] =	ssyncset.done $0x0  }
0x26d: {  	[sflag:s13] =	ssyncadd.s32 $0xFFFFFF80  }
0x26e: {  	[tilespmem:s11], [sflag:$0x1] =	stream.indirect.gather [hbm4b:s1+s24], $0x80, s5, s24, $0xb8;
	[tilespmem:$0x1B100] =	vst v63  }
0x26f: {  	_ =	swait.ge [sflag:s25], $0x4000  }
0x270: {  	[sflag:s25] =	ssyncset.done $0x0  }
0x271: {  	[sflag:s25] =	ssyncadd.s32 $0xFFFFC000  }
0x272: {  	[spmem:s3] =	stream.indirect.scatter.add.f32 [tilespmem:s11], [sflag:$0x2], $0x80, s24, s24, $0xb8;
	[tilespmem:$0x1B100] =	vst v63  }
0x273: {  	_ =	swait.ge [sflag:s13], $0x4000  }
0x274: {  	s28 =	simm.s32 $0x10;
	s29 =	simm.s32 $0x20;
	[sflag:s13] =	ssyncset.done $0x0  }
.LBB2_13:
0x275: {  	s9 =	sadd.s32 s28, s0  }
0x276: {  	[sflag:s13] =	ssyncadd.s32 $0xFFFFC000;
	s10 =	smov.u32 s29;
	s12 =	sadd.s32 $0x10, s29  }
0x277: {  	[tilespmem:s5], [sflag:$0x2] =	stream.linear.gather [hbm4b:s9+s5], $0x80, $0x38;
	[tilespmem:$0x1B100] =	vst v63  }
0x278: {  	p1 =	sne.s32 s29, $0x4E0;
	_ =	swait.ge [sflag:s13], $0x80  }
0x279: {  	[sflag:s13] =	ssyncset.done $0x0  }
0x27a: {  	s9 =	sadd.s32 s28, s31;
	s28 =	smov.u32 s10;
	[sflag:s13] =	ssyncadd.s32 $0xFFFFFF80  }
0x27b: {  	[tilespmem:s24], [sflag:$0x2] =	stream.linear.gather [hbm4b:s9+s5], $0x80, $0x38;
	[tilespmem:$0x1B100] =	vst v63  }
0x27c: {  	_ =	swait.ge [sflag:s13], $0x80  }
0x27d: {  	[sflag:s13] =	ssyncset.done $0x0  }
0x27e: {  	[sflag:s13] =	ssyncadd.s32 $0xFFFFFF80  }
0x27f: {  	[tilespmem:s11], [sflag:$0x1] =	stream.indirect.gather [hbm4b:s1+s24], $0x80, s5, s24, $0xb8;
	[tilespmem:$0x1B100] =	vst v63  }
0x280: {  	_ =	swait.ge [sflag:s25], $0x4000  }
.Ltmp9:
0x281: {  	[sflag:s25] =	ssyncset.done $0x0;
	(pc) =	sbr.rel @p1 .LBB2_13-.Ltmp9, $4  }
0x282: {  	[sflag:s25] =	ssyncadd.s32 $0xFFFFC000  }
0x283: {  	[spmem:s3] =	stream.indirect.scatter.add.f32 [tilespmem:s11], [sflag:$0x2], $0x80, s24, s24, $0xb8;
	[tilespmem:$0x1B100] =	vst v63  }
0x284: {  	_ =	swait.ge [sflag:s13], $0x4000  }
0x285: {  	s29 =	smov.u32 s12;
	[sflag:s13] =	ssyncset.done $0x0  }
.Ltmp10:
0x286: {  	_ = 	snop;
	(pc) =	sbr.rel .LBB2_14-.Ltmp10, $1  }
0x287: {  	_ =	sdelay $0x3  }
.LBB2_16:
0x288: {  	_ =	sfence.sel $0x180000  }
0x289: {  	[bflag:$0x0] =	sbarrier.arrive $0xFFFF  }
0x28a: {  	_ =	strace $0x90000047  }
0x28b: {  	s0 =	stileid.u32;
	[bflag:$0x2] =	sbarrier.arrive $0xFFFF  }
0x28c: {  	p0 =	sne.s32 s0, $0x0;
	s0 =	rddreg [dreg:$0x5]  }
0x28d: {  	s0 =	sadd.s32 @!p0 $0x100000, s0  }
0x28e: {  	[sflag:s0] =	ssyncadd.tile.s32 @!p0 $0x1;
	_ =	shalt  }
.Lfunc_end2:
_tile_overlayer_lowered:
.L_overlay_start_2:
0x28f: {  	(tag) =	ssettag $0x2  }
0x290: {  	s0 =	rddreg [dreg:$0x0];
	s2 =	stileid.u32  }
0x291: {  	s1 =	rddreg [dreg:$0x1];
	p0 =	sne.s32 s2, $0x0  }
0x292: {  	s3 =	rddreg [dreg:$0x2];
	[bflag:$0x3] =	sbarrier.arrive $0xFFFF;
	s2 =	simm.s32 @!p0 $0x1C02  }
0x293: {  	[timem:s3], [sflag:s2] =	dma.local @!p0 [hbm:s0], s1  }
0x294: {  	s0 =	simm.s32 @!p0 $0x2  }
0x295: {  	_ =	swait.ge @!p0 [sflag:s0], s1  }
0x296: {  	s1 =	ssub.s32 @!p0 $0x0, s1;
	[sflag:s0] =	ssyncset.done @!p0 $0x0  }
0x297: {  	[sflag:s0] =	ssyncadd.s32 @!p0 s1  }
0x298: {  	[bflag:$0x3] =	sbarrier.arrive $0xFFFF  }
0x299: {  	_ =	shalt  }

</sc_bundles>
